<compile_context>
chip_gen: v7x
topology: tpu7x:2x2x1
jax: 0.10.2.dev20260603
libtpu: 0.0.44.dev20260713+nightly
codegen_flags: <defaults>
</compile_context>

<pallas_src>
import functools

import jax
import jax.numpy as jnp
from jax import lax
from jax.experimental import pallas as pl
from jax.experimental.pallas import tpu as pltpu
from jax.experimental.pallas import tpu_sc as plsc

_B, _N, _E, _MC = 8, 1024, 128, 16
_BN = _B * _N
_C1, _C2, _LBL = 240, 120, 104
_NW = 32
_NGRP = 8
_NCB = 4
_CB = _E // _NCB
_NODES_W = _BN // _NGRP
_L = 16


def _sc_body(table_hbm, ch_hbm, xr_hbm, xs_hbm, table_v, ch_v, xr_v, xs_v):
    wid = lax.axis_index("s") * 2 + lax.axis_index("c")
    ng = wid // _NCB
    cb = wid % _NCB
    pltpu.sync_copy(table_hbm.at[:, pl.ds(cb * _CB, _CB)], table_v)
    pltpu.sync_copy(ch_hbm.at[:, pl.ds(ng * _NODES_W, _NODES_W)], ch_v)

    def group(g, carry):
        base = g * _L
        one = jnp.full((_L,), 1.0, jnp.float32)
        zero = jnp.zeros((_L,), jnp.float32)
        izero = jnp.zeros((_L,), jnp.int32)
        cvs = [ch_v[j, pl.ds(base, _L)] for j in range(_MC)]
        ns = zero
        for j in range(_MC):
            ns = ns + jnp.where(cvs[j] != izero, one, zero)
        recv = one / (ns - one)
        m1v = jnp.where(ns == one, one, zero)
        for n in range(_L):
            node = base + n
            rec = recv[n]
            m1 = m1v[n]
            ch = cvs[_MC - 1][n]
            run0 = table_v[ch, pl.ds(0, _L)]
            run1 = table_v[ch, pl.ds(_L, _L)]
            xj0 = run0
            xj1 = run1
            for j in range(_MC - 2, 0, -1):
                ch = cvs[j][n]
                run0 = run0 + table_v[ch, pl.ds(0, _L)]
                run1 = run1 + table_v[ch, pl.ds(_L, _L)]
                xj0 = xj0 + run0
                xj1 = xj1 + run1
            ch = cvs[0][n]
            r00 = table_v[ch, pl.ds(0, _L)]
            r01 = table_v[ch, pl.ds(_L, _L)]
            run0 = run0 + r00
            run1 = run1 + r01
            cond = jnp.broadcast_to(m1, (_L,)) > 0.5
            xr0 = jnp.where(cond, 0.5 * r00, rec * xj0)
            xr1 = jnp.where(cond, 0.5 * r01, rec * xj1)
            xs_v[node, pl.ds(0, _L)] = run0
            xs_v[node, pl.ds(_L, _L)] = run1
            xr_v[node, pl.ds(0, _L)] = xr0
            xr_v[node, pl.ds(_L, _L)] = xr1
        return carry

    lax.fori_loop(0, _NODES_W // _L, group, 0)
    pltpu.sync_copy(xr_v, xr_hbm.at[pl.ds(ng * _NODES_W, _NODES_W), pl.ds(cb * _CB, _CB)])
    pltpu.sync_copy(xs_v, xs_hbm.at[pl.ds(ng * _NODES_W, _NODES_W), pl.ds(cb * _CB, _CB)])


@jax.jit
def _sc_gather(table, ch_t):
    mesh = plsc.VectorSubcoreMesh(core_axis_name="c", subcore_axis_name="s")
    f = pl.kernel(
        _sc_body,
        out_type=[jax.ShapeDtypeStruct((_BN, _E), jnp.float32),
                  jax.ShapeDtypeStruct((_BN, _E), jnp.float32)],
        mesh=mesh,
        scratch_types=[
            pltpu.VMEM((_N, _CB), jnp.float32),
            pltpu.VMEM((_MC, _NODES_W), jnp.int32),
            pltpu.VMEM((_NODES_W, _CB), jnp.float32),
            pltpu.VMEM((_NODES_W, _CB), jnp.float32),
        ],
        compiler_params=pltpu.CompilerParams(use_tc_tiling_on_sc=False,
                                             needs_layout_passes=False),
    )
    return f(table, ch_t)


def _tc_body(nodes_ref, xr_ref, xs_ref, a0_ref, a1_ref, a2_ref, b1_ref,
             w2_ref, b2_ref, g_ref, bfc_ref, out_ref):
    x = jnp.dot(nodes_ref[...], a0_ref[...], preferred_element_type=jnp.float32)
    x = x + jnp.dot(xr_ref[...], a1_ref[...], preferred_element_type=jnp.float32)
    x = x + jnp.dot(xs_ref[...], a2_ref[...], preferred_element_type=jnp.float32)
    h1 = jnp.tanh(x + b1_ref[...])
    h2 = jnp.tanh(jnp.dot(h1, w2_ref[...], preferred_element_type=jnp.float32)
                  + b2_ref[...])
    m8 = jnp.max(h2.reshape(8, _N // 8, _C2), axis=1)
    m4 = jnp.max(m8.reshape(4, 2, _C2), axis=1)
    m2 = jnp.max(m4.reshape(2, 2, _C2), axis=1)
    m1 = jnp.max(m2, axis=0, keepdims=True)
    p = jnp.concatenate([m1, m2, m4, m8], axis=0)
    o = jnp.sum(p[:, :, None] * g_ref[...], axis=(0, 1)) + bfc_ref[0]
    out_ref[pl.ds(pl.program_id(0), 1), :] = o[None, :]


@functools.partial(jax.jit, static_argnames=())
def _tc_dense(nodes_f, xr_t, xs_t, a0, a1, a2, b1, w2t, b2, g, bfc):
    full = lambda shape: pl.BlockSpec(shape, lambda b: (0,) * len(shape))
    return pl.pallas_call(
        _tc_body,
        grid=(_B,),
        in_specs=[
            pl.BlockSpec((_N, _E), lambda b: (b, 0)),
            pl.BlockSpec((_N, _E), lambda b: (b, 0)),
            pl.BlockSpec((_N, _E), lambda b: (b, 0)),
            full((_E, _C1)), full((_E, _C1)), full((_E, _C1)),
            full((1, _C1)), full((_C1, _C2)), full((1, _C2)),
            full((15, _C2, _LBL)), full((1, _LBL)),
        ],
        out_specs=pl.BlockSpec((_B, _LBL), lambda b: (0, 0)),
        out_shape=jax.ShapeDtypeStruct((_B, _LBL), jnp.float32),
    )(nodes_f, xr_t, xs_t, a0, a1, a2, b1, w2t, b2, g, bfc)


def kernel(nodes, children, W1, b1, W2, b2, Wfc, bfc):
    table = jnp.concatenate(
        [jnp.zeros((1, _E), nodes.dtype), nodes[0, 1:, :]], axis=0)
    ch_t = children.reshape(_BN, _MC).T
    xr_t, xs_t = _sc_gather(table, ch_t)

    a0 = W1[:, 0::3].T
    a1 = (W1[:, 1::3] - W1[:, 2::3]).T
    a2 = W1[:, 2::3].T
    g1 = Wfc[:, 0:120].reshape(_LBL, _C2, 1).transpose(2, 1, 0)
    g2 = Wfc[:, 120:360].reshape(_LBL, _C2, 2).transpose(2, 1, 0)
    g3 = Wfc[:, 360:840].reshape(_LBL, _C2, 4).transpose(2, 1, 0)
    g4 = Wfc[:, 840:1800].reshape(_LBL, _C2, 8).transpose(2, 1, 0)
    g = jnp.concatenate([g1, g2, g3, g4], axis=0)
    return _tc_dense(nodes.reshape(_BN, _E), xr_t, xs_t, a0, a1, a2,
                     b1[None, :], W2.T, b2[None, :], g, bfc[None, :])

# --- scband reference (transcript-rebuilt; emitter-appended) ---
"""Pipeline reference for scband-tbspp-69114613729375 (READ-ONLY COPY).

The authoritative reference and input builder live on the scoring server;
editing this copy changes nothing except your own understanding.
"""

import jax, jax.numpy as jnp
import numpy as np

EMBEDDING_DIM = 128
OUTPUT_SIZE1 = 240
OUTPUT_SIZE2 = 120
B, N, MC = 8, 1024, 16
LABEL_SIZE = 104


def _lin_params(key, out_f, in_f):
    kw, kb = jax.random.split(key)
    bound = 1.0 / np.sqrt(in_f)
    W = jax.random.uniform(kw, (out_f, in_f), minval=-bound, maxval=bound, dtype=jnp.float32)
    b = jax.random.uniform(kb, (out_f,), minval=-bound, maxval=bound, dtype=jnp.float32)
    return W, b


def setup_inputs(seed: int = 0):
    key = jax.random.key(seed)
    ks = jax.random.split(key, 5)
    nodes = jax.random.normal(ks[0], (B, N, EMBEDDING_DIM), dtype=jnp.float32)
    children = jax.random.randint(ks[1], (B, N, MC), 0, N, dtype=jnp.int32)
    W1, b1 = _lin_params(ks[2], OUTPUT_SIZE1, 3 * EMBEDDING_DIM)
    W2, b2 = _lin_params(ks[3], OUTPUT_SIZE2, OUTPUT_SIZE1)
    Wfc, bfc = _lin_params(ks[4], LABEL_SIZE, 15 * OUTPUT_SIZE2)
    return {"nodes": nodes, "children": children, "W1": W1, "b1": b1, "W2": W2, "b2": b2, "Wfc": Wfc, "bfc": bfc}


def _forward(nodes, children, W1, b1, W2, b2, Wfc, bfc):
    Bb, Nn, E = nodes.shape
    mc = children.shape[2]
    # tree_tensor (faithful: the original indexes vector_lookup[0] for every batch)
    zero_vecs = jnp.zeros((Bb, 1, E), dtype=nodes.dtype)
    vector_lookup = jnp.concatenate([zero_vecs, nodes[:, 1:, :]], axis=1)
    children_tensor = jnp.take(vector_lookup[0], children, axis=0)  # [B, N, MC, E]
    tree = jnp.concatenate([nodes[:, :, None, :], children_tensor], axis=2)  # [B, N, MC+1, E]
    # coef_top
    c_t = jnp.broadcast_to(
        jnp.concatenate([jnp.ones((Nn, 1), jnp.float32), jnp.zeros((Nn, mc), jnp.float32)], axis=1)[None],
        (Bb, Nn, mc + 1))
    # coef_right
    childrenf = children.astype(jnp.float32)
    num_sib = jnp.broadcast_to(jnp.sum(children != 0, axis=2).astype(jnp.float32)[:, :, None], (Bb, Nn, mc + 1))
    mask = jnp.concatenate([jnp.zeros((Bb, Nn, 1), jnp.float32), jnp.minimum(childrenf, 1.0)], axis=2)
    child_idx = jnp.broadcast_to(jnp.arange(-1, mc, dtype=jnp.float32)[None, None, :], (Bb, Nn, mc + 1)) * mask
    singles = jnp.concatenate([
        jnp.zeros((Bb, Nn, 1), jnp.float32),
        jnp.full((Bb, Nn, 1), 0.5, jnp.float32),
        jnp.zeros((Bb, Nn, mc - 1), jnp.float32)], axis=2)
    c_r = jnp.where(num_sib == 1.0, singles, (1.0 - c_t) * (child_idx / (num_sib - 1.0)))
    # coef_left
    c_l = (1.0 - c_t) * (1.0 - c_r) * mask
    coef = jnp.stack([c_t, c_r, c_l], axis=3)  # [B, N, MC+1, 3]
    res = jnp.matmul(
        jnp.transpose(tree.reshape(Bb * Nn, mc + 1, E), (0, 2, 1)),
        coef.reshape(Bb * Nn, mc + 1, 3))  # [B*N, E, 3]
    x = res.reshape(Bb, Nn, 3 * E)
    x = jnp.tanh(x @ W1.T + b1)
    x = jnp.tanh(x @ W2.T + b2)
    # pyramid_pooling (kernel == stride, so non-overlapping reshaped max)
    conv = jnp.transpose(x, (0, 2, 1))  # [B, C, N]
    C = conv.shape[1]
    p1 = jnp.max(conv, axis=2).reshape(Bb, -1)
    p2 = jnp.max(conv.reshape(Bb, C, 2, Nn // 2), axis=3).reshape(Bb, -1)
    p3 = jnp.max(conv.reshape(Bb, C, 4, Nn // 4), axis=3).reshape(Bb, -1)
    p4 = jnp.max(conv.reshape(Bb, C, 8, Nn // 8), axis=3).reshape(Bb, -1)
    feat = jnp.concatenate([p1, p2, p3, p4], axis=1)  # [B, 15*C]
    return feat @ Wfc.T + bfc


def reference(nodes, children, W1, b1, W2, b2, Wfc, bfc):
    return _forward(nodes, children, W1, b1, W2, b2, Wfc, bfc)

if __name__ == "__main__":
    import jax
    _d = setup_inputs()
    print(jax.jit(kernel)(*tuple(_d.values())))

</pallas_src>

<mosaic_0001>
#map = affine_map<(d0, d1) -> (0, 0)>
module attributes {stable_mosaic.version = 14 : i64} {
  func.func @_sc_body(%arg0: i32, %arg1: i32, %arg2: memref<1024x128xf32, #tpu.memory_space<hbm>>, %arg3: memref<16x8192xi32, #tpu.memory_space<hbm>>, %arg4: memref<8192x128xf32, #tpu.memory_space<hbm>>, %arg5: memref<8192x128xf32, #tpu.memory_space<hbm>>, %arg6: memref<1024x32xf32, #tpu.memory_space<vmem>>, %arg7: memref<16x1024xi32, #tpu.memory_space<vmem>>, %arg8: memref<1024x32xf32, #tpu.memory_space<vmem>>, %arg9: memref<1024x32xf32, #tpu.memory_space<vmem>>) attributes {dimension_semantics = [#tpu.dimension_semantics<core_parallel>, #tpu.dimension_semantics<subcore_parallel>], iteration_bounds = array<i64: 2, 16>, scalar_prefetch = 0 : i64, scratch_operands = 4 : i64, tpu.core_type = #tpu.core_type<sc_vector_subcore>, window_params = [{transform_indices = #map}, {transform_indices = #map}, {transform_indices = #map}, {transform_indices = #map}]} {
    %mul3A = arith.constant 2 : i32
    %mul3A_0 = arith.muli %arg1, %mul3A : i32
    %add3A = arith.addi %mul3A_0, %arg0 : i32
    %jit3A = arith.constant 4 : i32
    %div3A = arith.divsi %add3A, %jit3A : i32
    %sign3A = arith.constant 0 : i32
    %sign3A_1 = arith.cmpi sgt, %add3A, %sign3A : i32
    %sign3A_2 = arith.extui %sign3A_1 : i1 to i32
    %sign3A_3 = arith.constant 0 : i32
    %sign3A_4 = arith.cmpi slt, %add3A, %sign3A_3 : i32
    %sign3A_5 = arith.extui %sign3A_4 : i1 to i32
    %sign3A_6 = arith.subi %sign3A_2, %sign3A_5 : i32
    %sign3A_7 = arith.constant 0 : i32
    %sign3A_8 = arith.cmpi sgt, %jit3A, %sign3A_7 : i32
    %sign3A_9 = arith.extui %sign3A_8 : i1 to i32
    %sign3A_10 = arith.constant 0 : i32
    %sign3A_11 = arith.cmpi slt, %jit3A, %sign3A_10 : i32
    %sign3A_12 = arith.extui %sign3A_11 : i1 to i32
    %sign3A_13 = arith.subi %sign3A_9, %sign3A_12 : i32
    %ne3A = arith.cmpi ne, %sign3A_6, %sign3A_13 : i32
    %rem3A = arith.remsi %add3A, %jit3A : i32
    %ne3A_14 = arith.constant 0 : i32
    %ne3A_15 = arith.cmpi ne, %rem3A, %ne3A_14 : i32
    %and3A = arith.andi %ne3A, %ne3A_15 : i1
    %sub3A = arith.constant 1 : i32
    %sub3A_16 = arith.subi %div3A, %sub3A : i32
    %select_n3A = arith.select %and3A, %sub3A_16, %div3A : i32
    %jit3A_17 = arith.constant 4 : i32
    %eq3A = arith.constant 0 : i32
    %eq3A_18 = arith.cmpi eq, %jit3A_17, %eq3A : i32
    %jit3A_19 = arith.constant 1 : i32
    %select_n3A_20 = arith.select %eq3A_18, %jit3A_19, %jit3A_17 : i32
    %rem3A_21 = arith.remsi %add3A, %select_n3A_20 : i32
    %ne3A_22 = arith.constant 0 : i32
    %ne3A_23 = arith.cmpi ne, %rem3A_21, %ne3A_22 : i32
    %lt3A = arith.constant 0 : i32
    %lt3A_24 = arith.cmpi slt, %rem3A_21, %lt3A : i32
    %lt3A_25 = arith.constant 0 : i32
    %lt3A_26 = arith.cmpi slt, %select_n3A_20, %lt3A_25 : i32
    %ne3A_27 = arith.xori %lt3A_24, %lt3A_26 : i1
    %and3A_28 = arith.andi %ne3A_27, %ne3A_23 : i1
    %add3A_29 = arith.addi %rem3A_21, %select_n3A_20 : i32
    %select_n3A_30 = arith.select %and3A_28, %add3A_29, %rem3A_21 : i32
    %mul3A_31 = arith.constant 32 : i32
    %mul3A_32 = arith.muli %select_n3A_30, %mul3A_31 : i32
    "tpu.region"() ({
      %run_scoped3A = tpu.sem_alloc : memref<!tpu.dma_semaphore, #tpu.memory_space<semaphore_mem>>
      %dma_start3A = arith.constant 0 : i32
      %dma_start3A_48 = tpu.memref_slice %arg2[%dma_start3A, %mul3A_32] : memref<1024x128xf32, #tpu.memory_space<hbm>> -> memref<1024x32xf32, #tpu.memory_space<hbm>>
      %dma_start3A_49 = arith.constant 0 : i32
      %dma_start3A_50 = tpu.memref_slice %arg2[%dma_start3A_49, %mul3A_32] : memref<1024x128xf32, #tpu.memory_space<hbm>> -> memref<1024x32xf32, #tpu.memory_space<hbm>>
      tpu.enqueue_dma source(%dma_start3A_50 : memref<1024x32xf32, #tpu.memory_space<hbm>>) target(%arg6 : memref<1024x32xf32, #tpu.memory_space<vmem>>) target_semaphore(%run_scoped3A : memref<!tpu.dma_semaphore, #tpu.memory_space<semaphore_mem>>)
      %dma_wait3A = arith.constant 0 : i32
      %dma_wait3A_51 = tpu.memref_slice %arg2[%dma_wait3A, %mul3A_32] : memref<1024x128xf32, #tpu.memory_space<hbm>> -> memref<1024x32xf32, #tpu.memory_space<hbm>>
      %dma_wait3A_52 = arith.constant 0 : i32
      %dma_wait3A_53 = tpu.memref_slice %arg2[%dma_wait3A_52, %mul3A_32] : memref<1024x128xf32, #tpu.memory_space<hbm>> -> memref<1024x32xf32, #tpu.memory_space<hbm>>
      tpu.wait_dma2 semaphore(%run_scoped3A : memref<!tpu.dma_semaphore, #tpu.memory_space<semaphore_mem>>) src(%dma_wait3A_53 : memref<1024x32xf32, #tpu.memory_space<hbm>>) dst(%arg6 : memref<1024x32xf32, #tpu.memory_space<vmem>>)
      tpu.yield
    }) : () -> ()
    %mul3A_33 = arith.constant 1024 : i32
    %mul3A_34 = arith.muli %select_n3A, %mul3A_33 : i32
    "tpu.region"() ({
      %run_scoped3A = tpu.sem_alloc : memref<!tpu.dma_semaphore, #tpu.memory_space<semaphore_mem>>
      %dma_start3A = arith.constant 0 : i32
      %dma_start3A_48 = tpu.memref_slice %arg3[%dma_start3A, %mul3A_34] : memref<16x8192xi32, #tpu.memory_space<hbm>> -> memref<16x1024xi32, #tpu.memory_space<hbm>>
      %dma_start3A_49 = arith.constant 0 : i32
      %dma_start3A_50 = tpu.memref_slice %arg3[%dma_start3A_49, %mul3A_34] : memref<16x8192xi32, #tpu.memory_space<hbm>> -> memref<16x1024xi32, #tpu.memory_space<hbm>>
      tpu.enqueue_dma source(%dma_start3A_50 : memref<16x1024xi32, #tpu.memory_space<hbm>>) target(%arg7 : memref<16x1024xi32, #tpu.memory_space<vmem>>) target_semaphore(%run_scoped3A : memref<!tpu.dma_semaphore, #tpu.memory_space<semaphore_mem>>)
      %dma_wait3A = arith.constant 0 : i32
      %dma_wait3A_51 = tpu.memref_slice %arg3[%dma_wait3A, %mul3A_34] : memref<16x8192xi32, #tpu.memory_space<hbm>> -> memref<16x1024xi32, #tpu.memory_space<hbm>>
      %dma_wait3A_52 = arith.constant 0 : i32
      %dma_wait3A_53 = tpu.memref_slice %arg3[%dma_wait3A_52, %mul3A_34] : memref<16x8192xi32, #tpu.memory_space<hbm>> -> memref<16x1024xi32, #tpu.memory_space<hbm>>
      tpu.wait_dma2 semaphore(%run_scoped3A : memref<!tpu.dma_semaphore, #tpu.memory_space<semaphore_mem>>) src(%dma_wait3A_53 : memref<16x1024xi32, #tpu.memory_space<hbm>>) dst(%arg7 : memref<16x1024xi32, #tpu.memory_space<vmem>>)
      tpu.yield
    }) : () -> ()
    %scan3A = arith.constant 0 : i32
    %scan3A_35 = arith.constant 0 : i32
    %scan3A_36 = arith.constant 64 : i32
    %scan3A_37 = arith.addi %scan3A_35, %scan3A_36 : i32
    %scan3A_38 = arith.constant 1 : i32
    scf.for %scan3A_48 = %scan3A_35 to %scan3A_37 step %scan3A_38  : i32 {
      %mul3A_49 = arith.constant 16 : i32
      %mul3A_50 = arith.muli %scan3A_48, %mul3A_49 : i32
      %broadcast_in_dim3A = arith.constant 1.000000e+00 : f32
      %broadcast_in_dim3A_51 = vector.broadcast %broadcast_in_dim3A : f32 to vector<16xf32>
      %broadcast_in_dim3A_52 = arith.constant 0.000000e+00 : f32
      %broadcast_in_dim3A_53 = vector.broadcast %broadcast_in_dim3A_52 : f32 to vector<16xf32>
      %broadcast_in_dim3A_54 = arith.constant 0 : i32
      %broadcast_in_dim3A_55 = vector.broadcast %broadcast_in_dim3A_54 : i32 to vector<16xi32>
      %get3A = arith.constant 0 : i32
      %get3A_56 = arith.index_cast %get3A : i32 to index
      %get3A_57 = arith.index_cast %mul3A_50 : i32 to index
      %get3A_58 = tpu.vector_load %arg7[%get3A_56, %get3A_57] {strides = array<i32>} : memref<16x1024xi32, #tpu.memory_space<vmem>>, vector<16xi32>,
      %get3A_59 = arith.constant 1 : i32
      %get3A_60 = arith.index_cast %get3A_59 : i32 to index
      %get3A_61 = arith.index_cast %mul3A_50 : i32 to index
      %get3A_62 = tpu.vector_load %arg7[%get3A_60, %get3A_61] {strides = array<i32>} : memref<16x1024xi32, #tpu.memory_space<vmem>>, vector<16xi32>,
      %get3A_63 = arith.constant 2 : i32
      %get3A_64 = arith.index_cast %get3A_63 : i32 to index
      %get3A_65 = arith.index_cast %mul3A_50 : i32 to index
      %get3A_66 = tpu.vector_load %arg7[%get3A_64, %get3A_65] {strides = array<i32>} : memref<16x1024xi32, #tpu.memory_space<vmem>>, vector<16xi32>,
      %get3A_67 = arith.constant 3 : i32
      %get3A_68 = arith.index_cast %get3A_67 : i32 to index
      %get3A_69 = arith.index_cast %mul3A_50 : i32 to index
      %get3A_70 = tpu.vector_load %arg7[%get3A_68, %get3A_69] {strides = array<i32>} : memref<16x1024xi32, #tpu.memory_space<vmem>>, vector<16xi32>,
      %get3A_71 = arith.constant 4 : i32
      %get3A_72 = arith.index_cast %get3A_71 : i32 to index
      %get3A_73 = arith.index_cast %mul3A_50 : i32 to index
      %get3A_74 = tpu.vector_load %arg7[%get3A_72, %get3A_73] {strides = array<i32>} : memref<16x1024xi32, #tpu.memory_space<vmem>>, vector<16xi32>,
      %get3A_75 = arith.constant 5 : i32
      %get3A_76 = arith.index_cast %get3A_75 : i32 to index
      %get3A_77 = arith.index_cast %mul3A_50 : i32 to index
      %get3A_78 = tpu.vector_load %arg7[%get3A_76, %get3A_77] {strides = array<i32>} : memref<16x1024xi32, #tpu.memory_space<vmem>>, vector<16xi32>,
      %get3A_79 = arith.constant 6 : i32
      %get3A_80 = arith.index_cast %get3A_79 : i32 to index
      %get3A_81 = arith.index_cast %mul3A_50 : i32 to index
      %get3A_82 = tpu.vector_load %arg7[%get3A_80, %get3A_81] {strides = array<i32>} : memref<16x1024xi32, #tpu.memory_space<vmem>>, vector<16xi32>,
      %get3A_83 = arith.constant 7 : i32
      %get3A_84 = arith.index_cast %get3A_83 : i32 to index
      %get3A_85 = arith.index_cast %mul3A_50 : i32 to index
      %get3A_86 = tpu.vector_load %arg7[%get3A_84, %get3A_85] {strides = array<i32>} : memref<16x1024xi32, #tpu.memory_space<vmem>>, vector<16xi32>,
      %get3A_87 = arith.constant 8 : i32
      %get3A_88 = arith.index_cast %get3A_87 : i32 to index
      %get3A_89 = arith.index_cast %mul3A_50 : i32 to index
      %get3A_90 = tpu.vector_load %arg7[%get3A_88, %get3A_89] {strides = array<i32>} : memref<16x1024xi32, #tpu.memory_space<vmem>>, vector<16xi32>,
      %get3A_91 = arith.constant 9 : i32
      %get3A_92 = arith.index_cast %get3A_91 : i32 to index
      %get3A_93 = arith.index_cast %mul3A_50 : i32 to index
      %get3A_94 = tpu.vector_load %arg7[%get3A_92, %get3A_93] {strides = array<i32>} : memref<16x1024xi32, #tpu.memory_space<vmem>>, vector<16xi32>,
      %get3A_95 = arith.constant 10 : i32
      %get3A_96 = arith.index_cast %get3A_95 : i32 to index
      %get3A_97 = arith.index_cast %mul3A_50 : i32 to index
      %get3A_98 = tpu.vector_load %arg7[%get3A_96, %get3A_97] {strides = array<i32>} : memref<16x1024xi32, #tpu.memory_space<vmem>>, vector<16xi32>,
      %get3A_99 = arith.constant 11 : i32
      %get3A_100 = arith.index_cast %get3A_99 : i32 to index
      %get3A_101 = arith.index_cast %mul3A_50 : i32 to index
      %get3A_102 = tpu.vector_load %arg7[%get3A_100, %get3A_101] {strides = array<i32>} : memref<16x1024xi32, #tpu.memory_space<vmem>>, vector<16xi32>,
      %get3A_103 = arith.constant 12 : i32
      %get3A_104 = arith.index_cast %get3A_103 : i32 to index
      %get3A_105 = arith.index_cast %mul3A_50 : i32 to index
      %get3A_106 = tpu.vector_load %arg7[%get3A_104, %get3A_105] {strides = array<i32>} : memref<16x1024xi32, #tpu.memory_space<vmem>>, vector<16xi32>,
      %get3A_107 = arith.constant 13 : i32
      %get3A_108 = arith.index_cast %get3A_107 : i32 to index
      %get3A_109 = arith.index_cast %mul3A_50 : i32 to index
      %get3A_110 = tpu.vector_load %arg7[%get3A_108, %get3A_109] {strides = array<i32>} : memref<16x1024xi32, #tpu.memory_space<vmem>>, vector<16xi32>,
      %get3A_111 = arith.constant 14 : i32
      %get3A_112 = arith.index_cast %get3A_111 : i32 to index
      %get3A_113 = arith.index_cast %mul3A_50 : i32 to index
      %get3A_114 = tpu.vector_load %arg7[%get3A_112, %get3A_113] {strides = array<i32>} : memref<16x1024xi32, #tpu.memory_space<vmem>>, vector<16xi32>,
      %get3A_115 = arith.constant 15 : i32
      %get3A_116 = arith.index_cast %get3A_115 : i32 to index
      %get3A_117 = arith.index_cast %mul3A_50 : i32 to index
      %get3A_118 = tpu.vector_load %arg7[%get3A_116, %get3A_117] {strides = array<i32>} : memref<16x1024xi32, #tpu.memory_space<vmem>>, vector<16xi32>,
      %ne3A_119 = arith.cmpi ne, %get3A_58, %broadcast_in_dim3A_55 : vector<16xi32>
      %select_n3A_120 = arith.select %ne3A_119, %broadcast_in_dim3A_51, %broadcast_in_dim3A_53 : vector<16xi1>, vector<16xf32>
      %add3A_121 = arith.addf %broadcast_in_dim3A_53, %select_n3A_120 : vector<16xf32>
      %ne3A_122 = arith.cmpi ne, %get3A_62, %broadcast_in_dim3A_55 : vector<16xi32>
      %select_n3A_123 = arith.select %ne3A_122, %broadcast_in_dim3A_51, %broadcast_in_dim3A_53 : vector<16xi1>, vector<16xf32>
      %add3A_124 = arith.addf %add3A_121, %select_n3A_123 : vector<16xf32>
      %ne3A_125 = arith.cmpi ne, %get3A_66, %broadcast_in_dim3A_55 : vector<16xi32>
      %select_n3A_126 = arith.select %ne3A_125, %broadcast_in_dim3A_51, %broadcast_in_dim3A_53 : vector<16xi1>, vector<16xf32>
      %add3A_127 = arith.addf %add3A_124, %select_n3A_126 : vector<16xf32>
      %ne3A_128 = arith.cmpi ne, %get3A_70, %broadcast_in_dim3A_55 : vector<16xi32>
      %select_n3A_129 = arith.select %ne3A_128, %broadcast_in_dim3A_51, %broadcast_in_dim3A_53 : vector<16xi1>, vector<16xf32>
      %add3A_130 = arith.addf %add3A_127, %select_n3A_129 : vector<16xf32>
      %ne3A_131 = arith.cmpi ne, %get3A_74, %broadcast_in_dim3A_55 : vector<16xi32>
      %select_n3A_132 = arith.select %ne3A_131, %broadcast_in_dim3A_51, %broadcast_in_dim3A_53 : vector<16xi1>, vector<16xf32>
      %add3A_133 = arith.addf %add3A_130, %select_n3A_132 : vector<16xf32>
      %ne3A_134 = arith.cmpi ne, %get3A_78, %broadcast_in_dim3A_55 : vector<16xi32>
      %select_n3A_135 = arith.select %ne3A_134, %broadcast_in_dim3A_51, %broadcast_in_dim3A_53 : vector<16xi1>, vector<16xf32>
      %add3A_136 = arith.addf %add3A_133, %select_n3A_135 : vector<16xf32>
      %ne3A_137 = arith.cmpi ne, %get3A_82, %broadcast_in_dim3A_55 : vector<16xi32>
      %select_n3A_138 = arith.select %ne3A_137, %broadcast_in_dim3A_51, %broadcast_in_dim3A_53 : vector<16xi1>, vector<16xf32>
      %add3A_139 = arith.addf %add3A_136, %select_n3A_138 : vector<16xf32>
      %ne3A_140 = arith.cmpi ne, %get3A_86, %broadcast_in_dim3A_55 : vector<16xi32>
      %select_n3A_141 = arith.select %ne3A_140, %broadcast_in_dim3A_51, %broadcast_in_dim3A_53 : vector<16xi1>, vector<16xf32>
      %add3A_142 = arith.addf %add3A_139, %select_n3A_141 : vector<16xf32>
      %ne3A_143 = arith.cmpi ne, %get3A_90, %broadcast_in_dim3A_55 : vector<16xi32>
      %select_n3A_144 = arith.select %ne3A_143, %broadcast_in_dim3A_51, %broadcast_in_dim3A_53 : vector<16xi1>, vector<16xf32>
      %add3A_145 = arith.addf %add3A_142, %select_n3A_144 : vector<16xf32>
      %ne3A_146 = arith.cmpi ne, %get3A_94, %broadcast_in_dim3A_55 : vector<16xi32>
      %select_n3A_147 = arith.select %ne3A_146, %broadcast_in_dim3A_51, %broadcast_in_dim3A_53 : vector<16xi1>, vector<16xf32>
      %add3A_148 = arith.addf %add3A_145, %select_n3A_147 : vector<16xf32>
      %ne3A_149 = arith.cmpi ne, %get3A_98, %broadcast_in_dim3A_55 : vector<16xi32>
      %select_n3A_150 = arith.select %ne3A_149, %broadcast_in_dim3A_51, %broadcast_in_dim3A_53 : vector<16xi1>, vector<16xf32>
      %add3A_151 = arith.addf %add3A_148, %select_n3A_150 : vector<16xf32>
      %ne3A_152 = arith.cmpi ne, %get3A_102, %broadcast_in_dim3A_55 : vector<16xi32>
      %select_n3A_153 = arith.select %ne3A_152, %broadcast_in_dim3A_51, %broadcast_in_dim3A_53 : vector<16xi1>, vector<16xf32>
      %add3A_154 = arith.addf %add3A_151, %select_n3A_153 : vector<16xf32>
      %ne3A_155 = arith.cmpi ne, %get3A_106, %broadcast_in_dim3A_55 : vector<16xi32>
      %select_n3A_156 = arith.select %ne3A_155, %broadcast_in_dim3A_51, %broadcast_in_dim3A_53 : vector<16xi1>, vector<16xf32>
      %add3A_157 = arith.addf %add3A_154, %select_n3A_156 : vector<16xf32>
      %ne3A_158 = arith.cmpi ne, %get3A_110, %broadcast_in_dim3A_55 : vector<16xi32>
      %select_n3A_159 = arith.select %ne3A_158, %broadcast_in_dim3A_51, %broadcast_in_dim3A_53 : vector<16xi1>, vector<16xf32>
      %add3A_160 = arith.addf %add3A_157, %select_n3A_159 : vector<16xf32>
      %ne3A_161 = arith.cmpi ne, %get3A_114, %broadcast_in_dim3A_55 : vector<16xi32>
      %select_n3A_162 = arith.select %ne3A_161, %broadcast_in_dim3A_51, %broadcast_in_dim3A_53 : vector<16xi1>, vector<16xf32>
      %add3A_163 = arith.addf %add3A_160, %select_n3A_162 : vector<16xf32>
      %ne3A_164 = arith.cmpi ne, %get3A_118, %broadcast_in_dim3A_55 : vector<16xi32>
      %select_n3A_165 = arith.select %ne3A_164, %broadcast_in_dim3A_51, %broadcast_in_dim3A_53 : vector<16xi1>, vector<16xf32>
      %add3A_166 = arith.addf %add3A_163, %select_n3A_165 : vector<16xf32>
      %sub3A_167 = arith.subf %add3A_166, %broadcast_in_dim3A_51 : vector<16xf32>
      %div3A_168 = arith.divf %broadcast_in_dim3A_51, %sub3A_167 : vector<16xf32>
      %eq3A_169 = arith.cmpf oeq, %add3A_166, %broadcast_in_dim3A_51 : vector<16xf32>
      %select_n3A_170 = arith.select %eq3A_169, %broadcast_in_dim3A_51, %broadcast_in_dim3A_53 : vector<16xi1>, vector<16xf32>
      %add3A_171 = arith.constant 0 : i32
      %add3A_172 = arith.addi %mul3A_50, %add3A_171 : i32
      %slice3A = vector.extract_strided_slice %div3A_168 {offsets = [0], sizes = [1], strides = [1]} : vector<16xf32> to vector<1xf32>
      %squeeze3A = vector.extract %slice3A[0] : f32 from vector<1xf32>
      %slice3A_173 = vector.extract_strided_slice %select_n3A_170 {offsets = [0], sizes = [1], strides = [1]} : vector<16xf32> to vector<1xf32>
      %squeeze3A_174 = vector.extract %slice3A_173[0] : f32 from vector<1xf32>
      %slice3A_175 = vector.extract_strided_slice %get3A_118 {offsets = [0], sizes = [1], strides = [1]} : vector<16xi32> to vector<1xi32>
      %squeeze3A_176 = vector.extract %slice3A_175[0] : i32 from vector<1xi32>
      %get3A_177 = arith.index_cast %squeeze3A_176 : i32 to index
      %get3A_178 = arith.constant 0 : index
      %get3A_179 = tpu.vector_load %arg6[%get3A_177, %get3A_178] {strides = array<i32>} : memref<1024x32xf32, #tpu.memory_space<vmem>>, vector<16xf32>,
      %get3A_180 = arith.index_cast %squeeze3A_176 : i32 to index
      %get3A_181 = arith.constant 16 : index
      %get3A_182 = tpu.vector_load %arg6[%get3A_180, %get3A_181] {strides = array<i32>} : memref<1024x32xf32, #tpu.memory_space<vmem>>, vector<16xf32>,
      %slice3A_183 = vector.extract_strided_slice %get3A_114 {offsets = [0], sizes = [1], strides = [1]} : vector<16xi32> to vector<1xi32>
      %squeeze3A_184 = vector.extract %slice3A_183[0] : i32 from vector<1xi32>
      %get3A_185 = arith.index_cast %squeeze3A_184 : i32 to index
      %get3A_186 = arith.constant 0 : index
      %get3A_187 = tpu.vector_load %arg6[%get3A_185, %get3A_186] {strides = array<i32>} : memref<1024x32xf32, #tpu.memory_space<vmem>>, vector<16xf32>,
      %add3A_188 = arith.addf %get3A_179, %get3A_187 : vector<16xf32>
      %get3A_189 = arith.index_cast %squeeze3A_184 : i32 to index
      %get3A_190 = arith.constant 16 : index
      %get3A_191 = tpu.vector_load %arg6[%get3A_189, %get3A_190] {strides = array<i32>} : memref<1024x32xf32, #tpu.memory_space<vmem>>, vector<16xf32>,
      %add3A_192 = arith.addf %get3A_182, %get3A_191 : vector<16xf32>
      %add3A_193 = arith.addf %get3A_179, %add3A_188 : vector<16xf32>
      %add3A_194 = arith.addf %get3A_182, %add3A_192 : vector<16xf32>
      %slice3A_195 = vector.extract_strided_slice %get3A_110 {offsets = [0], sizes = [1], strides = [1]} : vector<16xi32> to vector<1xi32>
      %squeeze3A_196 = vector.extract %slice3A_195[0] : i32 from vector<1xi32>
      %get3A_197 = arith.index_cast %squeeze3A_196 : i32 to index
      %get3A_198 = arith.constant 0 : index
      %get3A_199 = tpu.vector_load %arg6[%get3A_197, %get3A_198] {strides = array<i32>} : memref<1024x32xf32, #tpu.memory_space<vmem>>, vector<16xf32>,
      %add3A_200 = arith.addf %add3A_188, %get3A_199 : vector<16xf32>
      %get3A_201 = arith.index_cast %squeeze3A_196 : i32 to index
      %get3A_202 = arith.constant 16 : index
      %get3A_203 = tpu.vector_load %arg6[%get3A_201, %get3A_202] {strides = array<i32>} : memref<1024x32xf32, #tpu.memory_space<vmem>>, vector<16xf32>,
      %add3A_204 = arith.addf %add3A_192, %get3A_203 : vector<16xf32>
      %add3A_205 = arith.addf %add3A_193, %add3A_200 : vector<16xf32>
      %add3A_206 = arith.addf %add3A_194, %add3A_204 : vector<16xf32>
      %slice3A_207 = vector.extract_strided_slice %get3A_106 {offsets = [0], sizes = [1], strides = [1]} : vector<16xi32> to vector<1xi32>
      %squeeze3A_208 = vector.extract %slice3A_207[0] : i32 from vector<1xi32>
      %get3A_209 = arith.index_cast %squeeze3A_208 : i32 to index
      %get3A_210 = arith.constant 0 : index
      %get3A_211 = tpu.vector_load %arg6[%get3A_209, %get3A_210] {strides = array<i32>} : memref<1024x32xf32, #tpu.memory_space<vmem>>, vector<16xf32>,
      %add3A_212 = arith.addf %add3A_200, %get3A_211 : vector<16xf32>
      %get3A_213 = arith.index_cast %squeeze3A_208 : i32 to index
      %get3A_214 = arith.constant 16 : index
      %get3A_215 = tpu.vector_load %arg6[%get3A_213, %get3A_214] {strides = array<i32>} : memref<1024x32xf32, #tpu.memory_space<vmem>>, vector<16xf32>,
      %add3A_216 = arith.addf %add3A_204, %get3A_215 : vector<16xf32>
      %add3A_217 = arith.addf %add3A_205, %add3A_212 : vector<16xf32>
      %add3A_218 = arith.addf %add3A_206, %add3A_216 : vector<16xf32>
      %slice3A_219 = vector.extract_strided_slice %get3A_102 {offsets = [0], sizes = [1], strides = [1]} : vector<16xi32> to vector<1xi32>
      %squeeze3A_220 = vector.extract %slice3A_219[0] : i32 from vector<1xi32>
      %get3A_221 = arith.index_cast %squeeze3A_220 : i32 to index
      %get3A_222 = arith.constant 0 : index
      %get3A_223 = tpu.vector_load %arg6[%get3A_221, %get3A_222] {strides = array<i32>} : memref<1024x32xf32, #tpu.memory_space<vmem>>, vector<16xf32>,
      %add3A_224 = arith.addf %add3A_212, %get3A_223 : vector<16xf32>
      %get3A_225 = arith.index_cast %squeeze3A_220 : i32 to index
      %get3A_226 = arith.constant 16 : index
      %get3A_227 = tpu.vector_load %arg6[%get3A_225, %get3A_226] {strides = array<i32>} : memref<1024x32xf32, #tpu.memory_space<vmem>>, vector<16xf32>,
      %add3A_228 = arith.addf %add3A_216, %get3A_227 : vector<16xf32>
      %add3A_229 = arith.addf %add3A_217, %add3A_224 : vector<16xf32>
      %add3A_230 = arith.addf %add3A_218, %add3A_228 : vector<16xf32>
      %slice3A_231 = vector.extract_strided_slice %get3A_98 {offsets = [0], sizes = [1], strides = [1]} : vector<16xi32> to vector<1xi32>
      %squeeze3A_232 = vector.extract %slice3A_231[0] : i32 from vector<1xi32>
      %get3A_233 = arith.index_cast %squeeze3A_232 : i32 to index
      %get3A_234 = arith.constant 0 : index
      %get3A_235 = tpu.vector_load %arg6[%get3A_233, %get3A_234] {strides = array<i32>} : memref<1024x32xf32, #tpu.memory_space<vmem>>, vector<16xf32>,
      %add3A_236 = arith.addf %add3A_224, %get3A_235 : vector<16xf32>
      %get3A_237 = arith.index_cast %squeeze3A_232 : i32 to index
      %get3A_238 = arith.constant 16 : index
      %get3A_239 = tpu.vector_load %arg6[%get3A_237, %get3A_238] {strides = array<i32>} : memref<1024x32xf32, #tpu.memory_space<vmem>>, vector<16xf32>,
      %add3A_240 = arith.addf %add3A_228, %get3A_239 : vector<16xf32>
      %add3A_241 = arith.addf %add3A_229, %add3A_236 : vector<16xf32>
      %add3A_242 = arith.addf %add3A_230, %add3A_240 : vector<16xf32>
      %slice3A_243 = vector.extract_strided_slice %get3A_94 {offsets = [0], sizes = [1], strides = [1]} : vector<16xi32> to vector<1xi32>
      %squeeze3A_244 = vector.extract %slice3A_243[0] : i32 from vector<1xi32>
      %get3A_245 = arith.index_cast %squeeze3A_244 : i32 to index
      %get3A_246 = arith.constant 0 : index
      %get3A_247 = tpu.vector_load %arg6[%get3A_245, %get3A_246] {strides = array<i32>} : memref<1024x32xf32, #tpu.memory_space<vmem>>, vector<16xf32>,
      %add3A_248 = arith.addf %add3A_236, %get3A_247 : vector<16xf32>
      %get3A_249 = arith.index_cast %squeeze3A_244 : i32 to index
      %get3A_250 = arith.constant 16 : index
      %get3A_251 = tpu.vector_load %arg6[%get3A_249, %get3A_250] {strides = array<i32>} : memref<1024x32xf32, #tpu.memory_space<vmem>>, vector<16xf32>,
      %add3A_252 = arith.addf %add3A_240, %get3A_251 : vector<16xf32>
      %add3A_253 = arith.addf %add3A_241, %add3A_248 : vector<16xf32>
      %add3A_254 = arith.addf %add3A_242, %add3A_252 : vector<16xf32>
      %slice3A_255 = vector.extract_strided_slice %get3A_90 {offsets = [0], sizes = [1], strides = [1]} : vector<16xi32> to vector<1xi32>
      %squeeze3A_256 = vector.extract %slice3A_255[0] : i32 from vector<1xi32>
      %get3A_257 = arith.index_cast %squeeze3A_256 : i32 to index
      %get3A_258 = arith.constant 0 : index
      %get3A_259 = tpu.vector_load %arg6[%get3A_257, %get3A_258] {strides = array<i32>} : memref<1024x32xf32, #tpu.memory_space<vmem>>, vector<16xf32>,
      %add3A_260 = arith.addf %add3A_248, %get3A_259 : vector<16xf32>
      %get3A_261 = arith.index_cast %squeeze3A_256 : i32 to index
      %get3A_262 = arith.constant 16 : index
      %get3A_263 = tpu.vector_load %arg6[%get3A_261, %get3A_262] {strides = array<i32>} : memref<1024x32xf32, #tpu.memory_space<vmem>>, vector<16xf32>,
      %add3A_264 = arith.addf %add3A_252, %get3A_263 : vector<16xf32>
      %add3A_265 = arith.addf %add3A_253, %add3A_260 : vector<16xf32>
      %add3A_266 = arith.addf %add3A_254, %add3A_264 : vector<16xf32>
      %slice3A_267 = vector.extract_strided_slice %get3A_86 {offsets = [0], sizes = [1], strides = [1]} : vector<16xi32> to vector<1xi32>
      %squeeze3A_268 = vector.extract %slice3A_267[0] : i32 from vector<1xi32>
      %get3A_269 = arith.index_cast %squeeze3A_268 : i32 to index
      %get3A_270 = arith.constant 0 : index
      %get3A_271 = tpu.vector_load %arg6[%get3A_269, %get3A_270] {strides = array<i32>} : memref<1024x32xf32, #tpu.memory_space<vmem>>, vector<16xf32>,
      %add3A_272 = arith.addf %add3A_260, %get3A_271 : vector<16xf32>
      %get3A_273 = arith.index_cast %squeeze3A_268 : i32 to index
      %get3A_274 = arith.constant 16 : index
      %get3A_275 = tpu.vector_load %arg6[%get3A_273, %get3A_274] {strides = array<i32>} : memref<1024x32xf32, #tpu.memory_space<vmem>>, vector<16xf32>,
      %add3A_276 = arith.addf %add3A_264, %get3A_275 : vector<16xf32>
      %add3A_277 = arith.addf %add3A_265, %add3A_272 : vector<16xf32>
      %add3A_278 = arith.addf %add3A_266, %add3A_276 : vector<16xf32>
      %slice3A_279 = vector.extract_strided_slice %get3A_82 {offsets = [0], sizes = [1], strides = [1]} : vector<16xi32> to vector<1xi32>
      %squeeze3A_280 = vector.extract %slice3A_279[0] : i32 from vector<1xi32>
      %get3A_281 = arith.index_cast %squeeze3A_280 : i32 to index
      %get3A_282 = arith.constant 0 : index
      %get3A_283 = tpu.vector_load %arg6[%get3A_281, %get3A_282] {strides = array<i32>} : memref<1024x32xf32, #tpu.memory_space<vmem>>, vector<16xf32>,
      %add3A_284 = arith.addf %add3A_272, %get3A_283 : vector<16xf32>
      %get3A_285 = arith.index_cast %squeeze3A_280 : i32 to index
      %get3A_286 = arith.constant 16 : index
      %get3A_287 = tpu.vector_load %arg6[%get3A_285, %get3A_286] {strides = array<i32>} : memref<1024x32xf32, #tpu.memory_space<vmem>>, vector<16xf32>,
      %add3A_288 = arith.addf %add3A_276, %get3A_287 : vector<16xf32>
      %add3A_289 = arith.addf %add3A_277, %add3A_284 : vector<16xf32>
      %add3A_290 = arith.addf %add3A_278, %add3A_288 : vector<16xf32>
      %slice3A_291 = vector.extract_strided_slice %get3A_78 {offsets = [0], sizes = [1], strides = [1]} : vector<16xi32> to vector<1xi32>
      %squeeze3A_292 = vector.extract %slice3A_291[0] : i32 from vector<1xi32>
      %get3A_293 = arith.index_cast %squeeze3A_292 : i32 to index
      %get3A_294 = arith.constant 0 : index
      %get3A_295 = tpu.vector_load %arg6[%get3A_293, %get3A_294] {strides = array<i32>} : memref<1024x32xf32, #tpu.memory_space<vmem>>, vector<16xf32>,
      %add3A_296 = arith.addf %add3A_284, %get3A_295 : vector<16xf32>
      %get3A_297 = arith.index_cast %squeeze3A_292 : i32 to index
      %get3A_298 = arith.constant 16 : index
      %get3A_299 = tpu.vector_load %arg6[%get3A_297, %get3A_298] {strides = array<i32>} : memref<1024x32xf32, #tpu.memory_space<vmem>>, vector<16xf32>,
      %add3A_300 = arith.addf %add3A_288, %get3A_299 : vector<16xf32>
      %add3A_301 = arith.addf %add3A_289, %add3A_296 : vector<16xf32>
      %add3A_302 = arith.addf %add3A_290, %add3A_300 : vector<16xf32>
      %slice3A_303 = vector.extract_strided_slice %get3A_74 {offsets = [0], sizes = [1], strides = [1]} : vector<16xi32> to vector<1xi32>
      %squeeze3A_304 = vector.extract %slice3A_303[0] : i32 from vector<1xi32>
      %get3A_305 = arith.index_cast %squeeze3A_304 : i32 to index
      %get3A_306 = arith.constant 0 : index
      %get3A_307 = tpu.vector_load %arg6[%get3A_305, %get3A_306] {strides = array<i32>} : memref<1024x32xf32, #tpu.memory_space<vmem>>, vector<16xf32>,
      %add3A_308 = arith.addf %add3A_296, %get3A_307 : vector<16xf32>
      %get3A_309 = arith.index_cast %squeeze3A_304 : i32 to index
      %get3A_310 = arith.constant 16 : index
      %get3A_311 = tpu.vector_load %arg6[%get3A_309, %get3A_310] {strides = array<i32>} : memref<1024x32xf32, #tpu.memory_space<vmem>>, vector<16xf32>,
      %add3A_312 = arith.addf %add3A_300, %get3A_311 : vector<16xf32>
      %add3A_313 = arith.addf %add3A_301, %add3A_308 : vector<16xf32>
      %add3A_314 = arith.addf %add3A_302, %add3A_312 : vector<16xf32>
      %slice3A_315 = vector.extract_strided_slice %get3A_70 {offsets = [0], sizes = [1], strides = [1]} : vector<16xi32> to vector<1xi32>
      %squeeze3A_316 = vector.extract %slice3A_315[0] : i32 from vector<1xi32>
      %get3A_317 = arith.index_cast %squeeze3A_316 : i32 to index
      %get3A_318 = arith.constant 0 : index
      %get3A_319 = tpu.vector_load %arg6[%get3A_317, %get3A_318] {strides = array<i32>} : memref<1024x32xf32, #tpu.memory_space<vmem>>, vector<16xf32>,
      %add3A_320 = arith.addf %add3A_308, %get3A_319 : vector<16xf32>
      %get3A_321 = arith.index_cast %squeeze3A_316 : i32 to index
      %get3A_322 = arith.constant 16 : index
      %get3A_323 = tpu.vector_load %arg6[%get3A_321, %get3A_322] {strides = array<i32>} : memref<1024x32xf32, #tpu.memory_space<vmem>>, vector<16xf32>,
      %add3A_324 = arith.addf %add3A_312, %get3A_323 : vector<16xf32>
      %add3A_325 = arith.addf %add3A_313, %add3A_320 : vector<16xf32>
      %add3A_326 = arith.addf %add3A_314, %add3A_324 : vector<16xf32>
      %slice3A_327 = vector.extract_strided_slice %get3A_66 {offsets = [0], sizes = [1], strides = [1]} : vector<16xi32> to vector<1xi32>
      %squeeze3A_328 = vector.extract %slice3A_327[0] : i32 from vector<1xi32>
      %get3A_329 = arith.index_cast %squeeze3A_328 : i32 to index
      %get3A_330 = arith.constant 0 : index
      %get3A_331 = tpu.vector_load %arg6[%get3A_329, %get3A_330] {strides = array<i32>} : memref<1024x32xf32, #tpu.memory_space<vmem>>, vector<16xf32>,
      %add3A_332 = arith.addf %add3A_320, %get3A_331 : vector<16xf32>
      %get3A_333 = arith.index_cast %squeeze3A_328 : i32 to index
      %get3A_334 = arith.constant 16 : index
      %get3A_335 = tpu.vector_load %arg6[%get3A_333, %get3A_334] {strides = array<i32>} : memref<1024x32xf32, #tpu.memory_space<vmem>>, vector<16xf32>,
      %add3A_336 = arith.addf %add3A_324, %get3A_335 : vector<16xf32>
      %add3A_337 = arith.addf %add3A_325, %add3A_332 : vector<16xf32>
      %add3A_338 = arith.addf %add3A_326, %add3A_336 : vector<16xf32>
      %slice3A_339 = vector.extract_strided_slice %get3A_62 {offsets = [0], sizes = [1], strides = [1]} : vector<16xi32> to vector<1xi32>
      %squeeze3A_340 = vector.extract %slice3A_339[0] : i32 from vector<1xi32>
      %get3A_341 = arith.index_cast %squeeze3A_340 : i32 to index
      %get3A_342 = arith.constant 0 : index
      %get3A_343 = tpu.vector_load %arg6[%get3A_341, %get3A_342] {strides = array<i32>} : memref<1024x32xf32, #tpu.memory_space<vmem>>, vector<16xf32>,
      %add3A_344 = arith.addf %add3A_332, %get3A_343 : vector<16xf32>
      %get3A_345 = arith.index_cast %squeeze3A_340 : i32 to index
      %get3A_346 = arith.constant 16 : index
      %get3A_347 = tpu.vector_load %arg6[%get3A_345, %get3A_346] {strides = array<i32>} : memref<1024x32xf32, #tpu.memory_space<vmem>>, vector<16xf32>,
      %add3A_348 = arith.addf %add3A_336, %get3A_347 : vector<16xf32>
      %add3A_349 = arith.addf %add3A_337, %add3A_344 : vector<16xf32>
      %add3A_350 = arith.addf %add3A_338, %add3A_348 : vector<16xf32>
      %slice3A_351 = vector.extract_strided_slice %get3A_58 {offsets = [0], sizes = [1], strides = [1]} : vector<16xi32> to vector<1xi32>
      %squeeze3A_352 = vector.extract %slice3A_351[0] : i32 from vector<1xi32>
      %get3A_353 = arith.index_cast %squeeze3A_352 : i32 to index
      %get3A_354 = arith.constant 0 : index
      %get3A_355 = tpu.vector_load %arg6[%get3A_353, %get3A_354] {strides = array<i32>} : memref<1024x32xf32, #tpu.memory_space<vmem>>, vector<16xf32>,
      %get3A_356 = arith.index_cast %squeeze3A_352 : i32 to index
      %get3A_357 = arith.constant 16 : index
      %get3A_358 = tpu.vector_load %arg6[%get3A_356, %get3A_357] {strides = array<i32>} : memref<1024x32xf32, #tpu.memory_space<vmem>>, vector<16xf32>,
      %add3A_359 = arith.addf %add3A_344, %get3A_355 : vector<16xf32>
      %add3A_360 = arith.addf %add3A_348, %get3A_358 : vector<16xf32>
      %broadcast_in_dim3A_361 = vector.broadcast %squeeze3A_174 : f32 to vector<16xf32>
      %gt3A = arith.constant 5.000000e-01 : f32
      %gt3A_362 = vector.broadcast %gt3A : f32 to vector<16xf32>
      %gt3A_363 = arith.cmpf ogt, %broadcast_in_dim3A_361, %gt3A_362 : vector<16xf32>
      %mul3A_364 = arith.constant 5.000000e-01 : f32
      %mul3A_365 = vector.broadcast %mul3A_364 : f32 to vector<16xf32>
      %mul3A_366 = arith.mulf %mul3A_365, %get3A_355 : vector<16xf32>
      %mul3A_367 = vector.broadcast %squeeze3A : f32 to vector<16xf32>
      %mul3A_368 = arith.mulf %mul3A_367, %add3A_349 : vector<16xf32>
      %select_n3A_369 = arith.select %gt3A_363, %mul3A_366, %mul3A_368 : vector<16xi1>, vector<16xf32>
      %mul3A_370 = arith.constant 5.000000e-01 : f32
      %mul3A_371 = vector.broadcast %mul3A_370 : f32 to vector<16xf32>
      %mul3A_372 = arith.mulf %mul3A_371, %get3A_358 : vector<16xf32>
      %mul3A_373 = vector.broadcast %squeeze3A : f32 to vector<16xf32>
      %mul3A_374 = arith.mulf %mul3A_373, %add3A_350 : vector<16xf32>
      %select_n3A_375 = arith.select %gt3A_363, %mul3A_372, %mul3A_374 : vector<16xi1>, vector<16xf32>
      %swap3A = arith.index_cast %add3A_172 : i32 to index
      %swap3A_376 = arith.constant 0 : index
      %swap3A_377 = tpu.vector_load %arg9[%swap3A, %swap3A_376] {strides = array<i32>} : memref<1024x32xf32, #tpu.memory_space<vmem>>, vector<16xf32>,
      tpu.vector_store %arg9[%swap3A, %swap3A_376], %add3A_359 {strides = array<i32>} : memref<1024x32xf32, #tpu.memory_space<vmem>>, vector<16xf32>,
      %swap3A_378 = arith.index_cast %add3A_172 : i32 to index
      %swap3A_379 = arith.constant 16 : index
      %swap3A_380 = tpu.vector_load %arg9[%swap3A_378, %swap3A_379] {strides = array<i32>} : memref<1024x32xf32, #tpu.memory_space<vmem>>, vector<16xf32>,
      tpu.vector_store %arg9[%swap3A_378, %swap3A_379], %add3A_360 {strides = array<i32>} : memref<1024x32xf32, #tpu.memory_space<vmem>>, vector<16xf32>,
      %swap3A_381 = arith.index_cast %add3A_172 : i32 to index
      %swap3A_382 = arith.constant 0 : index
      %swap3A_383 = tpu.vector_load %arg8[%swap3A_381, %swap3A_382] {strides = array<i32>} : memref<1024x32xf32, #tpu.memory_space<vmem>>, vector<16xf32>,
      tpu.vector_store %arg8[%swap3A_381, %swap3A_382], %select_n3A_369 {strides = array<i32>} : memref<1024x32xf32, #tpu.memory_space<vmem>>, vector<16xf32>,
      %swap3A_384 = arith.index_cast %add3A_172 : i32 to index
      %swap3A_385 = arith.constant 16 : index
      %swap3A_386 = tpu.vector_load %arg8[%swap3A_384, %swap3A_385] {strides = array<i32>} : memref<1024x32xf32, #tpu.memory_space<vmem>>, vector<16xf32>,
      tpu.vector_store %arg8[%swap3A_384, %swap3A_385], %select_n3A_375 {strides = array<i32>} : memref<1024x32xf32, #tpu.memory_space<vmem>>, vector<16xf32>,
      %add3A_387 = arith.constant 1 : i32
      %add3A_388 = arith.addi %mul3A_50, %add3A_387 : i32
      %slice3A_389 = vector.extract_strided_slice %div3A_168 {offsets = [1], sizes = [1], strides = [1]} : vector<16xf32> to vector<1xf32>
      %squeeze3A_390 = vector.extract %slice3A_389[0] : f32 from vector<1xf32>
      %slice3A_391 = vector.extract_strided_slice %select_n3A_170 {offsets = [1], sizes = [1], strides = [1]} : vector<16xf32> to vector<1xf32>
      %squeeze3A_392 = vector.extract %slice3A_391[0] : f32 from vector<1xf32>
      %slice3A_393 = vector.extract_strided_slice %get3A_118 {offsets = [1], sizes = [1], strides = [1]} : vector<16xi32> to vector<1xi32>
      %squeeze3A_394 = vector.extract %slice3A_393[0] : i32 from vector<1xi32>
      %get3A_395 = arith.index_cast %squeeze3A_394 : i32 to index
      %get3A_396 = arith.constant 0 : index
      %get3A_397 = tpu.vector_load %arg6[%get3A_395, %get3A_396] {strides = array<i32>} : memref<1024x32xf32, #tpu.memory_space<vmem>>, vector<16xf32>,
      %get3A_398 = arith.index_cast %squeeze3A_394 : i32 to index
      %get3A_399 = arith.constant 16 : index
      %get3A_400 = tpu.vector_load %arg6[%get3A_398, %get3A_399] {strides = array<i32>} : memref<1024x32xf32, #tpu.memory_space<vmem>>, vector<16xf32>,
      %slice3A_401 = vector.extract_strided_slice %get3A_114 {offsets = [1], sizes = [1], strides = [1]} : vector<16xi32> to vector<1xi32>
      %squeeze3A_402 = vector.extract %slice3A_401[0] : i32 from vector<1xi32>
      %get3A_403 = arith.index_cast %squeeze3A_402 : i32 to index
      %get3A_404 = arith.constant 0 : index
      %get3A_405 = tpu.vector_load %arg6[%get3A_403, %get3A_404] {strides = array<i32>} : memref<1024x32xf32, #tpu.memory_space<vmem>>, vector<16xf32>,
      %add3A_406 = arith.addf %get3A_397, %get3A_405 : vector<16xf32>
      %get3A_407 = arith.index_cast %squeeze3A_402 : i32 to index
      %get3A_408 = arith.constant 16 : index
      %get3A_409 = tpu.vector_load %arg6[%get3A_407, %get3A_408] {strides = array<i32>} : memref<1024x32xf32, #tpu.memory_space<vmem>>, vector<16xf32>,
      %add3A_410 = arith.addf %get3A_400, %get3A_409 : vector<16xf32>
      %add3A_411 = arith.addf %get3A_397, %add3A_406 : vector<16xf32>
      %add3A_412 = arith.addf %get3A_400, %add3A_410 : vector<16xf32>
      %slice3A_413 = vector.extract_strided_slice %get3A_110 {offsets = [1], sizes = [1], strides = [1]} : vector<16xi32> to vector<1xi32>
      %squeeze3A_414 = vector.extract %slice3A_413[0] : i32 from vector<1xi32>
      %get3A_415 = arith.index_cast %squeeze3A_414 : i32 to index
      %get3A_416 = arith.constant 0 : index
      %get3A_417 = tpu.vector_load %arg6[%get3A_415, %get3A_416] {strides = array<i32>} : memref<1024x32xf32, #tpu.memory_space<vmem>>, vector<16xf32>,
      %add3A_418 = arith.addf %add3A_406, %get3A_417 : vector<16xf32>
      %get3A_419 = arith.index_cast %squeeze3A_414 : i32 to index
      %get3A_420 = arith.constant 16 : index
      %get3A_421 = tpu.vector_load %arg6[%get3A_419, %get3A_420] {strides = array<i32>} : memref<1024x32xf32, #tpu.memory_space<vmem>>, vector<16xf32>,
      %add3A_422 = arith.addf %add3A_410, %get3A_421 : vector<16xf32>
      %add3A_423 = arith.addf %add3A_411, %add3A_418 : vector<16xf32>
      %add3A_424 = arith.addf %add3A_412, %add3A_422 : vector<16xf32>
      %slice3A_425 = vector.extract_strided_slice %get3A_106 {offsets = [1], sizes = [1], strides = [1]} : vector<16xi32> to vector<1xi32>
      %squeeze3A_426 = vector.extract %slice3A_425[0] : i32 from vector<1xi32>
      %get3A_427 = arith.index_cast %squeeze3A_426 : i32 to index
      %get3A_428 = arith.constant 0 : index
      %get3A_429 = tpu.vector_load %arg6[%get3A_427, %get3A_428] {strides = array<i32>} : memref<1024x32xf32, #tpu.memory_space<vmem>>, vector<16xf32>,
      %add3A_430 = arith.addf %add3A_418, %get3A_429 : vector<16xf32>
      %get3A_431 = arith.index_cast %squeeze3A_426 : i32 to index
      %get3A_432 = arith.constant 16 : index
      %get3A_433 = tpu.vector_load %arg6[%get3A_431, %get3A_432] {strides = array<i32>} : memref<1024x32xf32, #tpu.memory_space<vmem>>, vector<16xf32>,
      %add3A_434 = arith.addf %add3A_422, %get3A_433 : vector<16xf32>
      %add3A_435 = arith.addf %add3A_423, %add3A_430 : vector<16xf32>
      %add3A_436 = arith.addf %add3A_424, %add3A_434 : vector<16xf32>
      %slice3A_437 = vector.extract_strided_slice %get3A_102 {offsets = [1], sizes = [1], strides = [1]} : vector<16xi32> to vector<1xi32>
      %squeeze3A_438 = vector.extract %slice3A_437[0] : i32 from vector<1xi32>
      %get3A_439 = arith.index_cast %squeeze3A_438 : i32 to index
      %get3A_440 = arith.constant 0 : index
      %get3A_441 = tpu.vector_load %arg6[%get3A_439, %get3A_440] {strides = array<i32>} : memref<1024x32xf32, #tpu.memory_space<vmem>>, vector<16xf32>,
      %add3A_442 = arith.addf %add3A_430, %get3A_441 : vector<16xf32>
      %get3A_443 = arith.index_cast %squeeze3A_438 : i32 to index
      %get3A_444 = arith.constant 16 : index
      %get3A_445 = tpu.vector_load %arg6[%get3A_443, %get3A_444] {strides = array<i32>} : memref<1024x32xf32, #tpu.memory_space<vmem>>, vector<16xf32>,
      %add3A_446 = arith.addf %add3A_434, %get3A_445 : vector<16xf32>
      %add3A_447 = arith.addf %add3A_435, %add3A_442 : vector<16xf32>
      %add3A_448 = arith.addf %add3A_436, %add3A_446 : vector<16xf32>
      %slice3A_449 = vector.extract_strided_slice %get3A_98 {offsets = [1], sizes = [1], strides = [1]} : vector<16xi32> to vector<1xi32>
      %squeeze3A_450 = vector.extract %slice3A_449[0] : i32 from vector<1xi32>
      %get3A_451 = arith.index_cast %squeeze3A_450 : i32 to index
      %get3A_452 = arith.constant 0 : index
      %get3A_453 = tpu.vector_load %arg6[%get3A_451, %get3A_452] {strides = array<i32>} : memref<1024x32xf32, #tpu.memory_space<vmem>>, vector<16xf32>,
      %add3A_454 = arith.addf %add3A_442, %get3A_453 : vector<16xf32>
      %get3A_455 = arith.index_cast %squeeze3A_450 : i32 to index
      %get3A_456 = arith.constant 16 : index
      %get3A_457 = tpu.vector_load %arg6[%get3A_455, %get3A_456] {strides = array<i32>} : memref<1024x32xf32, #tpu.memory_space<vmem>>, vector<16xf32>,
      %add3A_458 = arith.addf %add3A_446, %get3A_457 : vector<16xf32>
      %add3A_459 = arith.addf %add3A_447, %add3A_454 : vector<16xf32>
      %add3A_460 = arith.addf %add3A_448, %add3A_458 : vector<16xf32>
      %slice3A_461 = vector.extract_strided_slice %get3A_94 {offsets = [1], sizes = [1], strides = [1]} : vector<16xi32> to vector<1xi32>
      %squeeze3A_462 = vector.extract %slice3A_461[0] : i32 from vector<1xi32>
      %get3A_463 = arith.index_cast %squeeze3A_462 : i32 to index
      %get3A_464 = arith.constant 0 : index
      %get3A_465 = tpu.vector_load %arg6[%get3A_463, %get3A_464] {strides = array<i32>} : memref<1024x32xf32, #tpu.memory_space<vmem>>, vector<16xf32>,
      %add3A_466 = arith.addf %add3A_454, %get3A_465 : vector<16xf32>
      %get3A_467 = arith.index_cast %squeeze3A_462 : i32 to index
      %get3A_468 = arith.constant 16 : index
      %get3A_469 = tpu.vector_load %arg6[%get3A_467, %get3A_468] {strides = array<i32>} : memref<1024x32xf32, #tpu.memory_space<vmem>>, vector<16xf32>,
      %add3A_470 = arith.addf %add3A_458, %get3A_469 : vector<16xf32>
      %add3A_471 = arith.addf %add3A_459, %add3A_466 : vector<16xf32>
      %add3A_472 = arith.addf %add3A_460, %add3A_470 : vector<16xf32>
      %slice3A_473 = vector.extract_strided_slice %get3A_90 {offsets = [1], sizes = [1], strides = [1]} : vector<16xi32> to vector<1xi32>
      %squeeze3A_474 = vector.extract %slice3A_473[0] : i32 from vector<1xi32>
      %get3A_475 = arith.index_cast %squeeze3A_474 : i32 to index
      %get3A_476 = arith.constant 0 : index
      %get3A_477 = tpu.vector_load %arg6[%get3A_475, %get3A_476] {strides = array<i32>} : memref<1024x32xf32, #tpu.memory_space<vmem>>, vector<16xf32>,
      %add3A_478 = arith.addf %add3A_466, %get3A_477 : vector<16xf32>
      %get3A_479 = arith.index_cast %squeeze3A_474 : i32 to index
      %get3A_480 = arith.constant 16 : index
      %get3A_481 = tpu.vector_load %arg6[%get3A_479, %get3A_480] {strides = array<i32>} : memref<1024x32xf32, #tpu.memory_space<vmem>>, vector<16xf32>,
      %add3A_482 = arith.addf %add3A_470, %get3A_481 : vector<16xf32>
      %add3A_483 = arith.addf %add3A_471, %add3A_478 : vector<16xf32>
      %add3A_484 = arith.addf %add3A_472, %add3A_482 : vector<16xf32>
      %slice3A_485 = vector.extract_strided_slice %get3A_86 {offsets = [1], sizes = [1], strides = [1]} : vector<16xi32> to vector<1xi32>
      %squeeze3A_486 = vector.extract %slice3A_485[0] : i32 from vector<1xi32>
      %get3A_487 = arith.index_cast %squeeze3A_486 : i32 to index
      %get3A_488 = arith.constant 0 : index
      %get3A_489 = tpu.vector_load %arg6[%get3A_487, %get3A_488] {strides = array<i32>} : memref<1024x32xf32, #tpu.memory_space<vmem>>, vector<16xf32>,
      %add3A_490 = arith.addf %add3A_478, %get3A_489 : vector<16xf32>
      %get3A_491 = arith.index_cast %squeeze3A_486 : i32 to index
      %get3A_492 = arith.constant 16 : index
      %get3A_493 = tpu.vector_load %arg6[%get3A_491, %get3A_492] {strides = array<i32>} : memref<1024x32xf32, #tpu.memory_space<vmem>>, vector<16xf32>,
      %add3A_494 = arith.addf %add3A_482, %get3A_493 : vector<16xf32>
      %add3A_495 = arith.addf %add3A_483, %add3A_490 : vector<16xf32>
      %add3A_496 = arith.addf %add3A_484, %add3A_494 : vector<16xf32>
      %slice3A_497 = vector.extract_strided_slice %get3A_82 {offsets = [1], sizes = [1], strides = [1]} : vector<16xi32> to vector<1xi32>
      %squeeze3A_498 = vector.extract %slice3A_497[0] : i32 from vector<1xi32>
      %get3A_499 = arith.index_cast %squeeze3A_498 : i32 to index
      %get3A_500 = arith.constant 0 : index
      %get3A_501 = tpu.vector_load %arg6[%get3A_499, %get3A_500] {strides = array<i32>} : memref<1024x32xf32, #tpu.memory_space<vmem>>, vector<16xf32>,
      %add3A_502 = arith.addf %add3A_490, %get3A_501 : vector<16xf32>
      %get3A_503 = arith.index_cast %squeeze3A_498 : i32 to index
      %get3A_504 = arith.constant 16 : index
      %get3A_505 = tpu.vector_load %arg6[%get3A_503, %get3A_504] {strides = array<i32>} : memref<1024x32xf32, #tpu.memory_space<vmem>>, vector<16xf32>,
      %add3A_506 = arith.addf %add3A_494, %get3A_505 : vector<16xf32>
      %add3A_507 = arith.addf %add3A_495, %add3A_502 : vector<16xf32>
      %add3A_508 = arith.addf %add3A_496, %add3A_506 : vector<16xf32>
      %slice3A_509 = vector.extract_strided_slice %get3A_78 {offsets = [1], sizes = [1], strides = [1]} : vector<16xi32> to vector<1xi32>
      %squeeze3A_510 = vector.extract %slice3A_509[0] : i32 from vector<1xi32>
      %get3A_511 = arith.index_cast %squeeze3A_510 : i32 to index
      %get3A_512 = arith.constant 0 : index
      %get3A_513 = tpu.vector_load %arg6[%get3A_511, %get3A_512] {strides = array<i32>} : memref<1024x32xf32, #tpu.memory_space<vmem>>, vector<16xf32>,
      %add3A_514 = arith.addf %add3A_502, %get3A_513 : vector<16xf32>
      %get3A_515 = arith.index_cast %squeeze3A_510 : i32 to index
      %get3A_516 = arith.constant 16 : index
      %get3A_517 = tpu.vector_load %arg6[%get3A_515, %get3A_516] {strides = array<i32>} : memref<1024x32xf32, #tpu.memory_space<vmem>>, vector<16xf32>,
      %add3A_518 = arith.addf %add3A_506, %get3A_517 : vector<16xf32>
      %add3A_519 = arith.addf %add3A_507, %add3A_514 : vector<16xf32>
      %add3A_520 = arith.addf %add3A_508, %add3A_518 : vector<16xf32>
      %slice3A_521 = vector.extract_strided_slice %get3A_74 {offsets = [1], sizes = [1], strides = [1]} : vector<16xi32> to vector<1xi32>
      %squeeze3A_522 = vector.extract %slice3A_521[0] : i32 from vector<1xi32>
      %get3A_523 = arith.index_cast %squeeze3A_522 : i32 to index
      %get3A_524 = arith.constant 0 : index
      %get3A_525 = tpu.vector_load %arg6[%get3A_523, %get3A_524] {strides = array<i32>} : memref<1024x32xf32, #tpu.memory_space<vmem>>, vector<16xf32>,
      %add3A_526 = arith.addf %add3A_514, %get3A_525 : vector<16xf32>
      %get3A_527 = arith.index_cast %squeeze3A_522 : i32 to index
      %get3A_528 = arith.constant 16 : index
      %get3A_529 = tpu.vector_load %arg6[%get3A_527, %get3A_528] {strides = array<i32>} : memref<1024x32xf32, #tpu.memory_space<vmem>>, vector<16xf32>,
      %add3A_530 = arith.addf %add3A_518, %get3A_529 : vector<16xf32>
      %add3A_531 = arith.addf %add3A_519, %add3A_526 : vector<16xf32>
      %add3A_532 = arith.addf %add3A_520, %add3A_530 : vector<16xf32>
      %slice3A_533 = vector.extract_strided_slice %get3A_70 {offsets = [1], sizes = [1], strides = [1]} : vector<16xi32> to vector<1xi32>
      %squeeze3A_534 = vector.extract %slice3A_533[0] : i32 from vector<1xi32>
      %get3A_535 = arith.index_cast %squeeze3A_534 : i32 to index
      %get3A_536 = arith.constant 0 : index
      %get3A_537 = tpu.vector_load %arg6[%get3A_535, %get3A_536] {strides = array<i32>} : memref<1024x32xf32, #tpu.memory_space<vmem>>, vector<16xf32>,
      %add3A_538 = arith.addf %add3A_526, %get3A_537 : vector<16xf32>
      %get3A_539 = arith.index_cast %squeeze3A_534 : i32 to index
      %get3A_540 = arith.constant 16 : index
      %get3A_541 = tpu.vector_load %arg6[%get3A_539, %get3A_540] {strides = array<i32>} : memref<1024x32xf32, #tpu.memory_space<vmem>>, vector<16xf32>,
      %add3A_542 = arith.addf %add3A_530, %get3A_541 : vector<16xf32>
      %add3A_543 = arith.addf %add3A_531, %add3A_538 : vector<16xf32>
      %add3A_544 = arith.addf %add3A_532, %add3A_542 : vector<16xf32>
      %slice3A_545 = vector.extract_strided_slice %get3A_66 {offsets = [1], sizes = [1], strides = [1]} : vector<16xi32> to vector<1xi32>
      %squeeze3A_546 = vector.extract %slice3A_545[0] : i32 from vector<1xi32>
      %get3A_547 = arith.index_cast %squeeze3A_546 : i32 to index
      %get3A_548 = arith.constant 0 : index
      %get3A_549 = tpu.vector_load %arg6[%get3A_547, %get3A_548] {strides = array<i32>} : memref<1024x32xf32, #tpu.memory_space<vmem>>, vector<16xf32>,
      %add3A_550 = arith.addf %add3A_538, %get3A_549 : vector<16xf32>
      %get3A_551 = arith.index_cast %squeeze3A_546 : i32 to index
      %get3A_552 = arith.constant 16 : index
      %get3A_553 = tpu.vector_load %arg6[%get3A_551, %get3A_552] {strides = array<i32>} : memref<1024x32xf32, #tpu.memory_space<vmem>>, vector<16xf32>,
      %add3A_554 = arith.addf %add3A_542, %get3A_553 : vector<16xf32>
      %add3A_555 = arith.addf %add3A_543, %add3A_550 : vector<16xf32>
      %add3A_556 = arith.addf %add3A_544, %add3A_554 : vector<16xf32>
      %slice3A_557 = vector.extract_strided_slice %get3A_62 {offsets = [1], sizes = [1], strides = [1]} : vector<16xi32> to vector<1xi32>
      %squeeze3A_558 = vector.extract %slice3A_557[0] : i32 from vector<1xi32>
      %get3A_559 = arith.index_cast %squeeze3A_558 : i32 to index
      %get3A_560 = arith.constant 0 : index
      %get3A_561 = tpu.vector_load %arg6[%get3A_559, %get3A_560] {strides = array<i32>} : memref<1024x32xf32, #tpu.memory_space<vmem>>, vector<16xf32>,
      %add3A_562 = arith.addf %add3A_550, %get3A_561 : vector<16xf32>
      %get3A_563 = arith.index_cast %squeeze3A_558 : i32 to index
      %get3A_564 = arith.constant 16 : index
      %get3A_565 = tpu.vector_load %arg6[%get3A_563, %get3A_564] {strides = array<i32>} : memref<1024x32xf32, #tpu.memory_space<vmem>>, vector<16xf32>,
      %add3A_566 = arith.addf %add3A_554, %get3A_565 : vector<16xf32>
      %add3A_567 = arith.addf %add3A_555, %add3A_562 : vector<16xf32>
      %add3A_568 = arith.addf %add3A_556, %add3A_566 : vector<16xf32>
      %slice3A_569 = vector.extract_strided_slice %get3A_58 {offsets = [1], sizes = [1], strides = [1]} : vector<16xi32> to vector<1xi32>
      %squeeze3A_570 = vector.extract %slice3A_569[0] : i32 from vector<1xi32>
      %get3A_571 = arith.index_cast %squeeze3A_570 : i32 to index
      %get3A_572 = arith.constant 0 : index
      %get3A_573 = tpu.vector_load %arg6[%get3A_571, %get3A_572] {strides = array<i32>} : memref<1024x32xf32, #tpu.memory_space<vmem>>, vector<16xf32>,
      %get3A_574 = arith.index_cast %squeeze3A_570 : i32 to index
      %get3A_575 = arith.constant 16 : index
      %get3A_576 = tpu.vector_load %arg6[%get3A_574, %get3A_575] {strides = array<i32>} : memref<1024x32xf32, #tpu.memory_space<vmem>>, vector<16xf32>,
      %add3A_577 = arith.addf %add3A_562, %get3A_573 : vector<16xf32>
      %add3A_578 = arith.addf %add3A_566, %get3A_576 : vector<16xf32>
      %broadcast_in_dim3A_579 = vector.broadcast %squeeze3A_392 : f32 to vector<16xf32>
      %gt3A_580 = arith.constant 5.000000e-01 : f32
      %gt3A_581 = vector.broadcast %gt3A_580 : f32 to vector<16xf32>
      %gt3A_582 = arith.cmpf ogt, %broadcast_in_dim3A_579, %gt3A_581 : vector<16xf32>
      %mul3A_583 = arith.constant 5.000000e-01 : f32
      %mul3A_584 = vector.broadcast %mul3A_583 : f32 to vector<16xf32>
      %mul3A_585 = arith.mulf %mul3A_584, %get3A_573 : vector<16xf32>
      %mul3A_586 = vector.broadcast %squeeze3A_390 : f32 to vector<16xf32>
      %mul3A_587 = arith.mulf %mul3A_586, %add3A_567 : vector<16xf32>
      %select_n3A_588 = arith.select %gt3A_582, %mul3A_585, %mul3A_587 : vector<16xi1>, vector<16xf32>
      %mul3A_589 = arith.constant 5.000000e-01 : f32
      %mul3A_590 = vector.broadcast %mul3A_589 : f32 to vector<16xf32>
      %mul3A_591 = arith.mulf %mul3A_590, %get3A_576 : vector<16xf32>
      %mul3A_592 = vector.broadcast %squeeze3A_390 : f32 to vector<16xf32>
      %mul3A_593 = arith.mulf %mul3A_592, %add3A_568 : vector<16xf32>
      %select_n3A_594 = arith.select %gt3A_582, %mul3A_591, %mul3A_593 : vector<16xi1>, vector<16xf32>
      %swap3A_595 = arith.index_cast %add3A_388 : i32 to index
      %swap3A_596 = arith.constant 0 : index
      %swap3A_597 = tpu.vector_load %arg9[%swap3A_595, %swap3A_596] {strides = array<i32>} : memref<1024x32xf32, #tpu.memory_space<vmem>>, vector<16xf32>,
      tpu.vector_store %arg9[%swap3A_595, %swap3A_596], %add3A_577 {strides = array<i32>} : memref<1024x32xf32, #tpu.memory_space<vmem>>, vector<16xf32>,
      %swap3A_598 = arith.index_cast %add3A_388 : i32 to index
      %swap3A_599 = arith.constant 16 : index
      %swap3A_600 = tpu.vector_load %arg9[%swap3A_598, %swap3A_599] {strides = array<i32>} : memref<1024x32xf32, #tpu.memory_space<vmem>>, vector<16xf32>,
      tpu.vector_store %arg9[%swap3A_598, %swap3A_599], %add3A_578 {strides = array<i32>} : memref<1024x32xf32, #tpu.memory_space<vmem>>, vector<16xf32>,
      %swap3A_601 = arith.index_cast %add3A_388 : i32 to index
      %swap3A_602 = arith.constant 0 : index
      %swap3A_603 = tpu.vector_load %arg8[%swap3A_601, %swap3A_602] {strides = array<i32>} : memref<1024x32xf32, #tpu.memory_space<vmem>>, vector<16xf32>,
      tpu.vector_store %arg8[%swap3A_601, %swap3A_602], %select_n3A_588 {strides = array<i32>} : memref<1024x32xf32, #tpu.memory_space<vmem>>, vector<16xf32>,
      %swap3A_604 = arith.index_cast %add3A_388 : i32 to index
      %swap3A_605 = arith.constant 16 : index
      %swap3A_606 = tpu.vector_load %arg8[%swap3A_604, %swap3A_605] {strides = array<i32>} : memref<1024x32xf32, #tpu.memory_space<vmem>>, vector<16xf32>,
      tpu.vector_store %arg8[%swap3A_604, %swap3A_605], %select_n3A_594 {strides = array<i32>} : memref<1024x32xf32, #tpu.memory_space<vmem>>, vector<16xf32>,
      %add3A_607 = arith.constant 2 : i32
      %add3A_608 = arith.addi %mul3A_50, %add3A_607 : i32
      %slice3A_609 = vector.extract_strided_slice %div3A_168 {offsets = [2], sizes = [1], strides = [1]} : vector<16xf32> to vector<1xf32>
      %squeeze3A_610 = vector.extract %slice3A_609[0] : f32 from vector<1xf32>
      %slice3A_611 = vector.extract_strided_slice %select_n3A_170 {offsets = [2], sizes = [1], strides = [1]} : vector<16xf32> to vector<1xf32>
      %squeeze3A_612 = vector.extract %slice3A_611[0] : f32 from vector<1xf32>
      %slice3A_613 = vector.extract_strided_slice %get3A_118 {offsets = [2], sizes = [1], strides = [1]} : vector<16xi32> to vector<1xi32>
      %squeeze3A_614 = vector.extract %slice3A_613[0] : i32 from vector<1xi32>
      %get3A_615 = arith.index_cast %squeeze3A_614 : i32 to index
      %get3A_616 = arith.constant 0 : index
      %get3A_617 = tpu.vector_load %arg6[%get3A_615, %get3A_616] {strides = array<i32>} : memref<1024x32xf32, #tpu.memory_space<vmem>>, vector<16xf32>,
      %get3A_618 = arith.index_cast %squeeze3A_614 : i32 to index
      %get3A_619 = arith.constant 16 : index
      %get3A_620 = tpu.vector_load %arg6[%get3A_618, %get3A_619] {strides = array<i32>} : memref<1024x32xf32, #tpu.memory_space<vmem>>, vector<16xf32>,
      %slice3A_621 = vector.extract_strided_slice %get3A_114 {offsets = [2], sizes = [1], strides = [1]} : vector<16xi32> to vector<1xi32>
      %squeeze3A_622 = vector.extract %slice3A_621[0] : i32 from vector<1xi32>
      %get3A_623 = arith.index_cast %squeeze3A_622 : i32 to index
      %get3A_624 = arith.constant 0 : index
      %get3A_625 = tpu.vector_load %arg6[%get3A_623, %get3A_624] {strides = array<i32>} : memref<1024x32xf32, #tpu.memory_space<vmem>>, vector<16xf32>,
      %add3A_626 = arith.addf %get3A_617, %get3A_625 : vector<16xf32>
      %get3A_627 = arith.index_cast %squeeze3A_622 : i32 to index
      %get3A_628 = arith.constant 16 : index
      %get3A_629 = tpu.vector_load %arg6[%get3A_627, %get3A_628] {strides = array<i32>} : memref<1024x32xf32, #tpu.memory_space<vmem>>, vector<16xf32>,
      %add3A_630 = arith.addf %get3A_620, %get3A_629 : vector<16xf32>
      %add3A_631 = arith.addf %get3A_617, %add3A_626 : vector<16xf32>
      %add3A_632 = arith.addf %get3A_620, %add3A_630 : vector<16xf32>
      %slice3A_633 = vector.extract_strided_slice %get3A_110 {offsets = [2], sizes = [1], strides = [1]} : vector<16xi32> to vector<1xi32>
      %squeeze3A_634 = vector.extract %slice3A_633[0] : i32 from vector<1xi32>
      %get3A_635 = arith.index_cast %squeeze3A_634 : i32 to index
      %get3A_636 = arith.constant 0 : index
      %get3A_637 = tpu.vector_load %arg6[%get3A_635, %get3A_636] {strides = array<i32>} : memref<1024x32xf32, #tpu.memory_space<vmem>>, vector<16xf32>,
      %add3A_638 = arith.addf %add3A_626, %get3A_637 : vector<16xf32>
      %get3A_639 = arith.index_cast %squeeze3A_634 : i32 to index
      %get3A_640 = arith.constant 16 : index
      %get3A_641 = tpu.vector_load %arg6[%get3A_639, %get3A_640] {strides = array<i32>} : memref<1024x32xf32, #tpu.memory_space<vmem>>, vector<16xf32>,
      %add3A_642 = arith.addf %add3A_630, %get3A_641 : vector<16xf32>
      %add3A_643 = arith.addf %add3A_631, %add3A_638 : vector<16xf32>
      %add3A_644 = arith.addf %add3A_632, %add3A_642 : vector<16xf32>
      %slice3A_645 = vector.extract_strided_slice %get3A_106 {offsets = [2], sizes = [1], strides = [1]} : vector<16xi32> to vector<1xi32>
      %squeeze3A_646 = vector.extract %slice3A_645[0] : i32 from vector<1xi32>
      %get3A_647 = arith.index_cast %squeeze3A_646 : i32 to index
      %get3A_648 = arith.constant 0 : index
      %get3A_649 = tpu.vector_load %arg6[%get3A_647, %get3A_648] {strides = array<i32>} : memref<1024x32xf32, #tpu.memory_space<vmem>>, vector<16xf32>,
      %add3A_650 = arith.addf %add3A_638, %get3A_649 : vector<16xf32>
      %get3A_651 = arith.index_cast %squeeze3A_646 : i32 to index
      %get3A_652 = arith.constant 16 : index
      %get3A_653 = tpu.vector_load %arg6[%get3A_651, %get3A_652] {strides = array<i32>} : memref<1024x32xf32, #tpu.memory_space<vmem>>, vector<16xf32>,
      %add3A_654 = arith.addf %add3A_642, %get3A_653 : vector<16xf32>
      %add3A_655 = arith.addf %add3A_643, %add3A_650 : vector<16xf32>
      %add3A_656 = arith.addf %add3A_644, %add3A_654 : vector<16xf32>
      %slice3A_657 = vector.extract_strided_slice %get3A_102 {offsets = [2], sizes = [1], strides = [1]} : vector<16xi32> to vector<1xi32>
      %squeeze3A_658 = vector.extract %slice3A_657[0] : i32 from vector<1xi32>
      %get3A_659 = arith.index_cast %squeeze3A_658 : i32 to index
      %get3A_660 = arith.constant 0 : index
      %get3A_661 = tpu.vector_load %arg6[%get3A_659, %get3A_660] {strides = array<i32>} : memref<1024x32xf32, #tpu.memory_space<vmem>>, vector<16xf32>,
      %add3A_662 = arith.addf %add3A_650, %get3A_661 : vector<16xf32>
      %get3A_663 = arith.index_cast %squeeze3A_658 : i32 to index
      %get3A_664 = arith.constant 16 : index
      %get3A_665 = tpu.vector_load %arg6[%get3A_663, %get3A_664] {strides = array<i32>} : memref<1024x32xf32, #tpu.memory_space<vmem>>, vector<16xf32>,
      %add3A_666 = arith.addf %add3A_654, %get3A_665 : vector<16xf32>
      %add3A_667 = arith.addf %add3A_655, %add3A_662 : vector<16xf32>
      %add3A_668 = arith.addf %add3A_656, %add3A_666 : vector<16xf32>
      %slice3A_669 = vector.extract_strided_slice %get3A_98 {offsets = [2], sizes = [1], strides = [1]} : vector<16xi32> to vector<1xi32>
      %squeeze3A_670 = vector.extract %slice3A_669[0] : i32 from vector<1xi32>
      %get3A_671 = arith.index_cast %squeeze3A_670 : i32 to index
      %get3A_672 = arith.constant 0 : index
      %get3A_673 = tpu.vector_load %arg6[%get3A_671, %get3A_672] {strides = array<i32>} : memref<1024x32xf32, #tpu.memory_space<vmem>>, vector<16xf32>,
      %add3A_674 = arith.addf %add3A_662, %get3A_673 : vector<16xf32>
      %get3A_675 = arith.index_cast %squeeze3A_670 : i32 to index
      %get3A_676 = arith.constant 16 : index
      %get3A_677 = tpu.vector_load %arg6[%get3A_675, %get3A_676] {strides = array<i32>} : memref<1024x32xf32, #tpu.memory_space<vmem>>, vector<16xf32>,
      %add3A_678 = arith.addf %add3A_666, %get3A_677 : vector<16xf32>
      %add3A_679 = arith.addf %add3A_667, %add3A_674 : vector<16xf32>
      %add3A_680 = arith.addf %add3A_668, %add3A_678 : vector<16xf32>
      %slice3A_681 = vector.extract_strided_slice %get3A_94 {offsets = [2], sizes = [1], strides = [1]} : vector<16xi32> to vector<1xi32>
      %squeeze3A_682 = vector.extract %slice3A_681[0] : i32 from vector<1xi32>
      %get3A_683 = arith.index_cast %squeeze3A_682 : i32 to index
      %get3A_684 = arith.constant 0 : index
      %get3A_685 = tpu.vector_load %arg6[%get3A_683, %get3A_684] {strides = array<i32>} : memref<1024x32xf32, #tpu.memory_space<vmem>>, vector<16xf32>,
      %add3A_686 = arith.addf %add3A_674, %get3A_685 : vector<16xf32>
      %get3A_687 = arith.index_cast %squeeze3A_682 : i32 to index
      %get3A_688 = arith.constant 16 : index
      %get3A_689 = tpu.vector_load %arg6[%get3A_687, %get3A_688] {strides = array<i32>} : memref<1024x32xf32, #tpu.memory_space<vmem>>, vector<16xf32>,
      %add3A_690 = arith.addf %add3A_678, %get3A_689 : vector<16xf32>
      %add3A_691 = arith.addf %add3A_679, %add3A_686 : vector<16xf32>
      %add3A_692 = arith.addf %add3A_680, %add3A_690 : vector<16xf32>
      %slice3A_693 = vector.extract_strided_slice %get3A_90 {offsets = [2], sizes = [1], strides = [1]} : vector<16xi32> to vector<1xi32>
      %squeeze3A_694 = vector.extract %slice3A_693[0] : i32 from vector<1xi32>
      %get3A_695 = arith.index_cast %squeeze3A_694 : i32 to index
      %get3A_696 = arith.constant 0 : index
      %get3A_697 = tpu.vector_load %arg6[%get3A_695, %get3A_696] {strides = array<i32>} : memref<1024x32xf32, #tpu.memory_space<vmem>>, vector<16xf32>,
      %add3A_698 = arith.addf %add3A_686, %get3A_697 : vector<16xf32>
      %get3A_699 = arith.index_cast %squeeze3A_694 : i32 to index
      %get3A_700 = arith.constant 16 : index
      %get3A_701 = tpu.vector_load %arg6[%get3A_699, %get3A_700] {strides = array<i32>} : memref<1024x32xf32, #tpu.memory_space<vmem>>, vector<16xf32>,
      %add3A_702 = arith.addf %add3A_690, %get3A_701 : vector<16xf32>
      %add3A_703 = arith.addf %add3A_691, %add3A_698 : vector<16xf32>
      %add3A_704 = arith.addf %add3A_692, %add3A_702 : vector<16xf32>
      %slice3A_705 = vector.extract_strided_slice %get3A_86 {offsets = [2], sizes = [1], strides = [1]} : vector<16xi32> to vector<1xi32>
      %squeeze3A_706 = vector.extract %slice3A_705[0] : i32 from vector<1xi32>
      %get3A_707 = arith.index_cast %squeeze3A_706 : i32 to index
      %get3A_708 = arith.constant 0 : index
      %get3A_709 = tpu.vector_load %arg6[%get3A_707, %get3A_708] {strides = array<i32>} : memref<1024x32xf32, #tpu.memory_space<vmem>>, vector<16xf32>,
      %add3A_710 = arith.addf %add3A_698, %get3A_709 : vector<16xf32>
      %get3A_711 = arith.index_cast %squeeze3A_706 : i32 to index
      %get3A_712 = arith.constant 16 : index
      %get3A_713 = tpu.vector_load %arg6[%get3A_711, %get3A_712] {strides = array<i32>} : memref<1024x32xf32, #tpu.memory_space<vmem>>, vector<16xf32>,
      %add3A_714 = arith.addf %add3A_702, %get3A_713 : vector<16xf32>
      %add3A_715 = arith.addf %add3A_703, %add3A_710 : vector<16xf32>
      %add3A_716 = arith.addf %add3A_704, %add3A_714 : vector<16xf32>
      %slice3A_717 = vector.extract_strided_slice %get3A_82 {offsets = [2], sizes = [1], strides = [1]} : vector<16xi32> to vector<1xi32>
      %squeeze3A_718 = vector.extract %slice3A_717[0] : i32 from vector<1xi32>
      %get3A_719 = arith.index_cast %squeeze3A_718 : i32 to index
      %get3A_720 = arith.constant 0 : index
      %get3A_721 = tpu.vector_load %arg6[%get3A_719, %get3A_720] {strides = array<i32>} : memref<1024x32xf32, #tpu.memory_space<vmem>>, vector<16xf32>,
      %add3A_722 = arith.addf %add3A_710, %get3A_721 : vector<16xf32>
      %get3A_723 = arith.index_cast %squeeze3A_718 : i32 to index
      %get3A_724 = arith.constant 16 : index
      %get3A_725 = tpu.vector_load %arg6[%get3A_723, %get3A_724] {strides = array<i32>} : memref<1024x32xf32, #tpu.memory_space<vmem>>, vector<16xf32>,
      %add3A_726 = arith.addf %add3A_714, %get3A_725 : vector<16xf32>
      %add3A_727 = arith.addf %add3A_715, %add3A_722 : vector<16xf32>
      %add3A_728 = arith.addf %add3A_716, %add3A_726 : vector<16xf32>
      %slice3A_729 = vector.extract_strided_slice %get3A_78 {offsets = [2], sizes = [1], strides = [1]} : vector<16xi32> to vector<1xi32>
      %squeeze3A_730 = vector.extract %slice3A_729[0] : i32 from vector<1xi32>
      %get3A_731 = arith.index_cast %squeeze3A_730 : i32 to index
      %get3A_732 = arith.constant 0 : index
      %get3A_733 = tpu.vector_load %arg6[%get3A_731, %get3A_732] {strides = array<i32>} : memref<1024x32xf32, #tpu.memory_space<vmem>>, vector<16xf32>,
      %add3A_734 = arith.addf %add3A_722, %get3A_733 : vector<16xf32>
      %get3A_735 = arith.index_cast %squeeze3A_730 : i32 to index
      %get3A_736 = arith.constant 16 : index
      %get3A_737 = tpu.vector_load %arg6[%get3A_735, %get3A_736] {strides = array<i32>} : memref<1024x32xf32, #tpu.memory_space<vmem>>, vector<16xf32>,
      %add3A_738 = arith.addf %add3A_726, %get3A_737 : vector<16xf32>
      %add3A_739 = arith.addf %add3A_727, %add3A_734 : vector<16xf32>
      %add3A_740 = arith.addf %add3A_728, %add3A_738 : vector<16xf32>
      %slice3A_741 = vector.extract_strided_slice %get3A_74 {offsets = [2], sizes = [1], strides = [1]} : vector<16xi32> to vector<1xi32>
      %squeeze3A_742 = vector.extract %slice3A_741[0] : i32 from vector<1xi32>
      %get3A_743 = arith.index_cast %squeeze3A_742 : i32 to index
      %get3A_744 = arith.constant 0 : index
      %get3A_745 = tpu.vector_load %arg6[%get3A_743, %get3A_744] {strides = array<i32>} : memref<1024x32xf32, #tpu.memory_space<vmem>>, vector<16xf32>,
      %add3A_746 = arith.addf %add3A_734, %get3A_745 : vector<16xf32>
      %get3A_747 = arith.index_cast %squeeze3A_742 : i32 to index
      %get3A_748 = arith.constant 16 : index
      %get3A_749 = tpu.vector_load %arg6[%get3A_747, %get3A_748] {strides = array<i32>} : memref<1024x32xf32, #tpu.memory_space<vmem>>, vector<16xf32>,
      %add3A_750 = arith.addf %add3A_738, %get3A_749 : vector<16xf32>
      %add3A_751 = arith.addf %add3A_739, %add3A_746 : vector<16xf32>
      %add3A_752 = arith.addf %add3A_740, %add3A_750 : vector<16xf32>
      %slice3A_753 = vector.extract_strided_slice %get3A_70 {offsets = [2], sizes = [1], strides = [1]} : vector<16xi32> to vector<1xi32>
      %squeeze3A_754 = vector.extract %slice3A_753[0] : i32 from vector<1xi32>
      %get3A_755 = arith.index_cast %squeeze3A_754 : i32 to index
      %get3A_756 = arith.constant 0 : index
      %get3A_757 = tpu.vector_load %arg6[%get3A_755, %get3A_756] {strides = array<i32>} : memref<1024x32xf32, #tpu.memory_space<vmem>>, vector<16xf32>,
      %add3A_758 = arith.addf %add3A_746, %get3A_757 : vector<16xf32>
      %get3A_759 = arith.index_cast %squeeze3A_754 : i32 to index
      %get3A_760 = arith.constant 16 : index
      %get3A_761 = tpu.vector_load %arg6[%get3A_759, %get3A_760] {strides = array<i32>} : memref<1024x32xf32, #tpu.memory_space<vmem>>, vector<16xf32>,
      %add3A_762 = arith.addf %add3A_750, %get3A_761 : vector<16xf32>
      %add3A_763 = arith.addf %add3A_751, %add3A_758 : vector<16xf32>
      %add3A_764 = arith.addf %add3A_752, %add3A_762 : vector<16xf32>
      %slice3A_765 = vector.extract_strided_slice %get3A_66 {offsets = [2], sizes = [1], strides = [1]} : vector<16xi32> to vector<1xi32>
      %squeeze3A_766 = vector.extract %slice3A_765[0] : i32 from vector<1xi32>
      %get3A_767 = arith.index_cast %squeeze3A_766 : i32 to index
      %get3A_768 = arith.constant 0 : index
      %get3A_769 = tpu.vector_load %arg6[%get3A_767, %get3A_768] {strides = array<i32>} : memref<1024x32xf32, #tpu.memory_space<vmem>>, vector<16xf32>,
      %add3A_770 = arith.addf %add3A_758, %get3A_769 : vector<16xf32>
      %get3A_771 = arith.index_cast %squeeze3A_766 : i32 to index
      %get3A_772 = arith.constant 16 : index
      %get3A_773 = tpu.vector_load %arg6[%get3A_771, %get3A_772] {strides = array<i32>} : memref<1024x32xf32, #tpu.memory_space<vmem>>, vector<16xf32>,
      %add3A_774 = arith.addf %add3A_762, %get3A_773 : vector<16xf32>
      %add3A_775 = arith.addf %add3A_763, %add3A_770 : vector<16xf32>
      %add3A_776 = arith.addf %add3A_764, %add3A_774 : vector<16xf32>
      %slice3A_777 = vector.extract_strided_slice %get3A_62 {offsets = [2], sizes = [1], strides = [1]} : vector<16xi32> to vector<1xi32>
      %squeeze3A_778 = vector.extract %slice3A_777[0] : i32 from vector<1xi32>
      %get3A_779 = arith.index_cast %squeeze3A_778 : i32 to index
      %get3A_780 = arith.constant 0 : index
      %get3A_781 = tpu.vector_load %arg6[%get3A_779, %get3A_780] {strides = array<i32>} : memref<1024x32xf32, #tpu.memory_space<vmem>>, vector<16xf32>,
      %add3A_782 = arith.addf %add3A_770, %get3A_781 : vector<16xf32>
      %get3A_783 = arith.index_cast %squeeze3A_778 : i32 to index
      %get3A_784 = arith.constant 16 : index
      %get3A_785 = tpu.vector_load %arg6[%get3A_783, %get3A_784] {strides = array<i32>} : memref<1024x32xf32, #tpu.memory_space<vmem>>, vector<16xf32>,
      %add3A_786 = arith.addf %add3A_774, %get3A_785 : vector<16xf32>
      %add3A_787 = arith.addf %add3A_775, %add3A_782 : vector<16xf32>
      %add3A_788 = arith.addf %add3A_776, %add3A_786 : vector<16xf32>
      %slice3A_789 = vector.extract_strided_slice %get3A_58 {offsets = [2], sizes = [1], strides = [1]} : vector<16xi32> to vector<1xi32>
      %squeeze3A_790 = vector.extract %slice3A_789[0] : i32 from vector<1xi32>
      %get3A_791 = arith.index_cast %squeeze3A_790 : i32 to index
      %get3A_792 = arith.constant 0 : index
      %get3A_793 = tpu.vector_load %arg6[%get3A_791, %get3A_792] {strides = array<i32>} : memref<1024x32xf32, #tpu.memory_space<vmem>>, vector<16xf32>,
      %get3A_794 = arith.index_cast %squeeze3A_790 : i32 to index
      %get3A_795 = arith.constant 16 : index
      %get3A_796 = tpu.vector_load %arg6[%get3A_794, %get3A_795] {strides = array<i32>} : memref<1024x32xf32, #tpu.memory_space<vmem>>, vector<16xf32>,
      %add3A_797 = arith.addf %add3A_782, %get3A_793 : vector<16xf32>
      %add3A_798 = arith.addf %add3A_786, %get3A_796 : vector<16xf32>
      %broadcast_in_dim3A_799 = vector.broadcast %squeeze3A_612 : f32 to vector<16xf32>
      %gt3A_800 = arith.constant 5.000000e-01 : f32
      %gt3A_801 = vector.broadcast %gt3A_800 : f32 to vector<16xf32>
      %gt3A_802 = arith.cmpf ogt, %broadcast_in_dim3A_799, %gt3A_801 : vector<16xf32>
      %mul3A_803 = arith.constant 5.000000e-01 : f32
      %mul3A_804 = vector.broadcast %mul3A_803 : f32 to vector<16xf32>
      %mul3A_805 = arith.mulf %mul3A_804, %get3A_793 : vector<16xf32>
      %mul3A_806 = vector.broadcast %squeeze3A_610 : f32 to vector<16xf32>
      %mul3A_807 = arith.mulf %mul3A_806, %add3A_787 : vector<16xf32>
      %select_n3A_808 = arith.select %gt3A_802, %mul3A_805, %mul3A_807 : vector<16xi1>, vector<16xf32>
      %mul3A_809 = arith.constant 5.000000e-01 : f32
      %mul3A_810 = vector.broadcast %mul3A_809 : f32 to vector<16xf32>
      %mul3A_811 = arith.mulf %mul3A_810, %get3A_796 : vector<16xf32>
      %mul3A_812 = vector.broadcast %squeeze3A_610 : f32 to vector<16xf32>
      %mul3A_813 = arith.mulf %mul3A_812, %add3A_788 : vector<16xf32>
      %select_n3A_814 = arith.select %gt3A_802, %mul3A_811, %mul3A_813 : vector<16xi1>, vector<16xf32>
      %swap3A_815 = arith.index_cast %add3A_608 : i32 to index
      %swap3A_816 = arith.constant 0 : index
      %swap3A_817 = tpu.vector_load %arg9[%swap3A_815, %swap3A_816] {strides = array<i32>} : memref<1024x32xf32, #tpu.memory_space<vmem>>, vector<16xf32>,
      tpu.vector_store %arg9[%swap3A_815, %swap3A_816], %add3A_797 {strides = array<i32>} : memref<1024x32xf32, #tpu.memory_space<vmem>>, vector<16xf32>,
      %swap3A_818 = arith.index_cast %add3A_608 : i32 to index
      %swap3A_819 = arith.constant 16 : index
      %swap3A_820 = tpu.vector_load %arg9[%swap3A_818, %swap3A_819] {strides = array<i32>} : memref<1024x32xf32, #tpu.memory_space<vmem>>, vector<16xf32>,
      tpu.vector_store %arg9[%swap3A_818, %swap3A_819], %add3A_798 {strides = array<i32>} : memref<1024x32xf32, #tpu.memory_space<vmem>>, vector<16xf32>,
      %swap3A_821 = arith.index_cast %add3A_608 : i32 to index
      %swap3A_822 = arith.constant 0 : index
      %swap3A_823 = tpu.vector_load %arg8[%swap3A_821, %swap3A_822] {strides = array<i32>} : memref<1024x32xf32, #tpu.memory_space<vmem>>, vector<16xf32>,
      tpu.vector_store %arg8[%swap3A_821, %swap3A_822], %select_n3A_808 {strides = array<i32>} : memref<1024x32xf32, #tpu.memory_space<vmem>>, vector<16xf32>,
      %swap3A_824 = arith.index_cast %add3A_608 : i32 to index
      %swap3A_825 = arith.constant 16 : index
      %swap3A_826 = tpu.vector_load %arg8[%swap3A_824, %swap3A_825] {strides = array<i32>} : memref<1024x32xf32, #tpu.memory_space<vmem>>, vector<16xf32>,
      tpu.vector_store %arg8[%swap3A_824, %swap3A_825], %select_n3A_814 {strides = array<i32>} : memref<1024x32xf32, #tpu.memory_space<vmem>>, vector<16xf32>,
      %add3A_827 = arith.constant 3 : i32
      %add3A_828 = arith.addi %mul3A_50, %add3A_827 : i32
      %slice3A_829 = vector.extract_strided_slice %div3A_168 {offsets = [3], sizes = [1], strides = [1]} : vector<16xf32> to vector<1xf32>
      %squeeze3A_830 = vector.extract %slice3A_829[0] : f32 from vector<1xf32>
      %slice3A_831 = vector.extract_strided_slice %select_n3A_170 {offsets = [3], sizes = [1], strides = [1]} : vector<16xf32> to vector<1xf32>
      %squeeze3A_832 = vector.extract %slice3A_831[0] : f32 from vector<1xf32>
      %slice3A_833 = vector.extract_strided_slice %get3A_118 {offsets = [3], sizes = [1], strides = [1]} : vector<16xi32> to vector<1xi32>
      %squeeze3A_834 = vector.extract %slice3A_833[0] : i32 from vector<1xi32>
      %get3A_835 = arith.index_cast %squeeze3A_834 : i32 to index
      %get3A_836 = arith.constant 0 : index
      %get3A_837 = tpu.vector_load %arg6[%get3A_835, %get3A_836] {strides = array<i32>} : memref<1024x32xf32, #tpu.memory_space<vmem>>, vector<16xf32>,
      %get3A_838 = arith.index_cast %squeeze3A_834 : i32 to index
      %get3A_839 = arith.constant 16 : index
      %get3A_840 = tpu.vector_load %arg6[%get3A_838, %get3A_839] {strides = array<i32>} : memref<1024x32xf32, #tpu.memory_space<vmem>>, vector<16xf32>,
      %slice3A_841 = vector.extract_strided_slice %get3A_114 {offsets = [3], sizes = [1], strides = [1]} : vector<16xi32> to vector<1xi32>
      %squeeze3A_842 = vector.extract %slice3A_841[0] : i32 from vector<1xi32>
      %get3A_843 = arith.index_cast %squeeze3A_842 : i32 to index
      %get3A_844 = arith.constant 0 : index
      %get3A_845 = tpu.vector_load %arg6[%get3A_843, %get3A_844] {strides = array<i32>} : memref<1024x32xf32, #tpu.memory_space<vmem>>, vector<16xf32>,
      %add3A_846 = arith.addf %get3A_837, %get3A_845 : vector<16xf32>
      %get3A_847 = arith.index_cast %squeeze3A_842 : i32 to index
      %get3A_848 = arith.constant 16 : index
      %get3A_849 = tpu.vector_load %arg6[%get3A_847, %get3A_848] {strides = array<i32>} : memref<1024x32xf32, #tpu.memory_space<vmem>>, vector<16xf32>,
      %add3A_850 = arith.addf %get3A_840, %get3A_849 : vector<16xf32>
      %add3A_851 = arith.addf %get3A_837, %add3A_846 : vector<16xf32>
      %add3A_852 = arith.addf %get3A_840, %add3A_850 : vector<16xf32>
      %slice3A_853 = vector.extract_strided_slice %get3A_110 {offsets = [3], sizes = [1], strides = [1]} : vector<16xi32> to vector<1xi32>
      %squeeze3A_854 = vector.extract %slice3A_853[0] : i32 from vector<1xi32>
      %get3A_855 = arith.index_cast %squeeze3A_854 : i32 to index
      %get3A_856 = arith.constant 0 : index
      %get3A_857 = tpu.vector_load %arg6[%get3A_855, %get3A_856] {strides = array<i32>} : memref<1024x32xf32, #tpu.memory_space<vmem>>, vector<16xf32>,
      %add3A_858 = arith.addf %add3A_846, %get3A_857 : vector<16xf32>
      %get3A_859 = arith.index_cast %squeeze3A_854 : i32 to index
      %get3A_860 = arith.constant 16 : index
      %get3A_861 = tpu.vector_load %arg6[%get3A_859, %get3A_860] {strides = array<i32>} : memref<1024x32xf32, #tpu.memory_space<vmem>>, vector<16xf32>,
      %add3A_862 = arith.addf %add3A_850, %get3A_861 : vector<16xf32>
      %add3A_863 = arith.addf %add3A_851, %add3A_858 : vector<16xf32>
      %add3A_864 = arith.addf %add3A_852, %add3A_862 : vector<16xf32>
      %slice3A_865 = vector.extract_strided_slice %get3A_106 {offsets = [3], sizes = [1], strides = [1]} : vector<16xi32> to vector<1xi32>
      %squeeze3A_866 = vector.extract %slice3A_865[0] : i32 from vector<1xi32>
      %get3A_867 = arith.index_cast %squeeze3A_866 : i32 to index
      %get3A_868 = arith.constant 0 : index
      %get3A_869 = tpu.vector_load %arg6[%get3A_867, %get3A_868] {strides = array<i32>} : memref<1024x32xf32, #tpu.memory_space<vmem>>, vector<16xf32>,
      %add3A_870 = arith.addf %add3A_858, %get3A_869 : vector<16xf32>
      %get3A_871 = arith.index_cast %squeeze3A_866 : i32 to index
      %get3A_872 = arith.constant 16 : index
      %get3A_873 = tpu.vector_load %arg6[%get3A_871, %get3A_872] {strides = array<i32>} : memref<1024x32xf32, #tpu.memory_space<vmem>>, vector<16xf32>,
      %add3A_874 = arith.addf %add3A_862, %get3A_873 : vector<16xf32>
      %add3A_875 = arith.addf %add3A_863, %add3A_870 : vector<16xf32>
      %add3A_876 = arith.addf %add3A_864, %add3A_874 : vector<16xf32>
      %slice3A_877 = vector.extract_strided_slice %get3A_102 {offsets = [3], sizes = [1], strides = [1]} : vector<16xi32> to vector<1xi32>
      %squeeze3A_878 = vector.extract %slice3A_877[0] : i32 from vector<1xi32>
      %get3A_879 = arith.index_cast %squeeze3A_878 : i32 to index
      %get3A_880 = arith.constant 0 : index
      %get3A_881 = tpu.vector_load %arg6[%get3A_879, %get3A_880] {strides = array<i32>} : memref<1024x32xf32, #tpu.memory_space<vmem>>, vector<16xf32>,
      %add3A_882 = arith.addf %add3A_870, %get3A_881 : vector<16xf32>
      %get3A_883 = arith.index_cast %squeeze3A_878 : i32 to index
      %get3A_884 = arith.constant 16 : index
      %get3A_885 = tpu.vector_load %arg6[%get3A_883, %get3A_884] {strides = array<i32>} : memref<1024x32xf32, #tpu.memory_space<vmem>>, vector<16xf32>,
      %add3A_886 = arith.addf %add3A_874, %get3A_885 : vector<16xf32>
      %add3A_887 = arith.addf %add3A_875, %add3A_882 : vector<16xf32>
      %add3A_888 = arith.addf %add3A_876, %add3A_886 : vector<16xf32>
      %slice3A_889 = vector.extract_strided_slice %get3A_98 {offsets = [3], sizes = [1], strides = [1]} : vector<16xi32> to vector<1xi32>
      %squeeze3A_890 = vector.extract %slice3A_889[0] : i32 from vector<1xi32>
      %get3A_891 = arith.index_cast %squeeze3A_890 : i32 to index
      %get3A_892 = arith.constant 0 : index
      %get3A_893 = tpu.vector_load %arg6[%get3A_891, %get3A_892] {strides = array<i32>} : memref<1024x32xf32, #tpu.memory_space<vmem>>, vector<16xf32>,
      %add3A_894 = arith.addf %add3A_882, %get3A_893 : vector<16xf32>
      %get3A_895 = arith.index_cast %squeeze3A_890 : i32 to index
      %get3A_896 = arith.constant 16 : index
      %get3A_897 = tpu.vector_load %arg6[%get3A_895, %get3A_896] {strides = array<i32>} : memref<1024x32xf32, #tpu.memory_space<vmem>>, vector<16xf32>,
      %add3A_898 = arith.addf %add3A_886, %get3A_897 : vector<16xf32>
      %add3A_899 = arith.addf %add3A_887, %add3A_894 : vector<16xf32>
      %add3A_900 = arith.addf %add3A_888, %add3A_898 : vector<16xf32>
      %slice3A_901 = vector.extract_strided_slice %get3A_94 {offsets = [3], sizes = [1], strides = [1]} : vector<16xi32> to vector<1xi32>
      %squeeze3A_902 = vector.extract %slice3A_901[0] : i32 from vector<1xi32>
      %get3A_903 = arith.index_cast %squeeze3A_902 : i32 to index
      %get3A_904 = arith.constant 0 : index
      %get3A_905 = tpu.vector_load %arg6[%get3A_903, %get3A_904] {strides = array<i32>} : memref<1024x32xf32, #tpu.memory_space<vmem>>, vector<16xf32>,
      %add3A_906 = arith.addf %add3A_894, %get3A_905 : vector<16xf32>
      %get3A_907 = arith.index_cast %squeeze3A_902 : i32 to index
      %get3A_908 = arith.constant 16 : index
      %get3A_909 = tpu.vector_load %arg6[%get3A_907, %get3A_908] {strides = array<i32>} : memref<1024x32xf32, #tpu.memory_space<vmem>>, vector<16xf32>,
      %add3A_910 = arith.addf %add3A_898, %get3A_909 : vector<16xf32>
      %add3A_911 = arith.addf %add3A_899, %add3A_906 : vector<16xf32>
      %add3A_912 = arith.addf %add3A_900, %add3A_910 : vector<16xf32>
      %slice3A_913 = vector.extract_strided_slice %get3A_90 {offsets = [3], sizes = [1], strides = [1]} : vector<16xi32> to vector<1xi32>
      %squeeze3A_914 = vector.extract %slice3A_913[0] : i32 from vector<1xi32>
      %get3A_915 = arith.index_cast %squeeze3A_914 : i32 to index
      %get3A_916 = arith.constant 0 : index
      %get3A_917 = tpu.vector_load %arg6[%get3A_915, %get3A_916] {strides = array<i32>} : memref<1024x32xf32, #tpu.memory_space<vmem>>, vector<16xf32>,
      %add3A_918 = arith.addf %add3A_906, %get3A_917 : vector<16xf32>
      %get3A_919 = arith.index_cast %squeeze3A_914 : i32 to index
      %get3A_920 = arith.constant 16 : index
      %get3A_921 = tpu.vector_load %arg6[%get3A_919, %get3A_920] {strides = array<i32>} : memref<1024x32xf32, #tpu.memory_space<vmem>>, vector<16xf32>,
      %add3A_922 = arith.addf %add3A_910, %get3A_921 : vector<16xf32>
      %add3A_923 = arith.addf %add3A_911, %add3A_918 : vector<16xf32>
      %add3A_924 = arith.addf %add3A_912, %add3A_922 : vector<16xf32>
      %slice3A_925 = vector.extract_strided_slice %get3A_86 {offsets = [3], sizes = [1], strides = [1]} : vector<16xi32> to vector<1xi32>
      %squeeze3A_926 = vector.extract %slice3A_925[0] : i32 from vector<1xi32>
      %get3A_927 = arith.index_cast %squeeze3A_926 : i32 to index
      %get3A_928 = arith.constant 0 : index
      %get3A_929 = tpu.vector_load %arg6[%get3A_927, %get3A_928] {strides = array<i32>} : memref<1024x32xf32, #tpu.memory_space<vmem>>, vector<16xf32>,
      %add3A_930 = arith.addf %add3A_918, %get3A_929 : vector<16xf32>
      %get3A_931 = arith.index_cast %squeeze3A_926 : i32 to index
      %get3A_932 = arith.constant 16 : index
      %get3A_933 = tpu.vector_load %arg6[%get3A_931, %get3A_932] {strides = array<i32>} : memref<1024x32xf32, #tpu.memory_space<vmem>>, vector<16xf32>,
      %add3A_934 = arith.addf %add3A_922, %get3A_933 : vector<16xf32>
      %add3A_935 = arith.addf %add3A_923, %add3A_930 : vector<16xf32>
      %add3A_936 = arith.addf %add3A_924, %add3A_934 : vector<16xf32>
      %slice3A_937 = vector.extract_strided_slice %get3A_82 {offsets = [3], sizes = [1], strides = [1]} : vector<16xi32> to vector<1xi32>
      %squeeze3A_938 = vector.extract %slice3A_937[0] : i32 from vector<1xi32>
      %get3A_939 = arith.index_cast %squeeze3A_938 : i32 to index
      %get3A_940 = arith.constant 0 : index
      %get3A_941 = tpu.vector_load %arg6[%get3A_939, %get3A_940] {strides = array<i32>} : memref<1024x32xf32, #tpu.memory_space<vmem>>, vector<16xf32>,
      %add3A_942 = arith.addf %add3A_930, %get3A_941 : vector<16xf32>
      %get3A_943 = arith.index_cast %squeeze3A_938 : i32 to index
      %get3A_944 = arith.constant 16 : index
      %get3A_945 = tpu.vector_load %arg6[%get3A_943, %get3A_944] {strides = array<i32>} : memref<1024x32xf32, #tpu.memory_space<vmem>>, vector<16xf32>,
      %add3A_946 = arith.addf %add3A_934, %get3A_945 : vector<16xf32>
      %add3A_947 = arith.addf %add3A_935, %add3A_942 : vector<16xf32>
      %add3A_948 = arith.addf %add3A_936, %add3A_946 : vector<16xf32>
      %slice3A_949 = vector.extract_strided_slice %get3A_78 {offsets = [3], sizes = [1], strides = [1]} : vector<16xi32> to vector<1xi32>
      %squeeze3A_950 = vector.extract %slice3A_949[0] : i32 from vector<1xi32>
      %get3A_951 = arith.index_cast %squeeze3A_950 : i32 to index
      %get3A_952 = arith.constant 0 : index
      %get3A_953 = tpu.vector_load %arg6[%get3A_951, %get3A_952] {strides = array<i32>} : memref<1024x32xf32, #tpu.memory_space<vmem>>, vector<16xf32>,
      %add3A_954 = arith.addf %add3A_942, %get3A_953 : vector<16xf32>
      %get3A_955 = arith.index_cast %squeeze3A_950 : i32 to index
      %get3A_956 = arith.constant 16 : index
      %get3A_957 = tpu.vector_load %arg6[%get3A_955, %get3A_956] {strides = array<i32>} : memref<1024x32xf32, #tpu.memory_space<vmem>>, vector<16xf32>,
      %add3A_958 = arith.addf %add3A_946, %get3A_957 : vector<16xf32>
      %add3A_959 = arith.addf %add3A_947, %add3A_954 : vector<16xf32>
      %add3A_960 = arith.addf %add3A_948, %add3A_958 : vector<16xf32>
      %slice3A_961 = vector.extract_strided_slice %get3A_74 {offsets = [3], sizes = [1], strides = [1]} : vector<16xi32> to vector<1xi32>
      %squeeze3A_962 = vector.extract %slice3A_961[0] : i32 from vector<1xi32>
      %get3A_963 = arith.index_cast %squeeze3A_962 : i32 to index
      %get3A_964 = arith.constant 0 : index
      %get3A_965 = tpu.vector_load %arg6[%get3A_963, %get3A_964] {strides = array<i32>} : memref<1024x32xf32, #tpu.memory_space<vmem>>, vector<16xf32>,
      %add3A_966 = arith.addf %add3A_954, %get3A_965 : vector<16xf32>
      %get3A_967 = arith.index_cast %squeeze3A_962 : i32 to index
      %get3A_968 = arith.constant 16 : index
      %get3A_969 = tpu.vector_load %arg6[%get3A_967, %get3A_968] {strides = array<i32>} : memref<1024x32xf32, #tpu.memory_space<vmem>>, vector<16xf32>,
      %add3A_970 = arith.addf %add3A_958, %get3A_969 : vector<16xf32>
      %add3A_971 = arith.addf %add3A_959, %add3A_966 : vector<16xf32>
      %add3A_972 = arith.addf %add3A_960, %add3A_970 : vector<16xf32>
      %slice3A_973 = vector.extract_strided_slice %get3A_70 {offsets = [3], sizes = [1], strides = [1]} : vector<16xi32> to vector<1xi32>
      %squeeze3A_974 = vector.extract %slice3A_973[0] : i32 from vector<1xi32>
      %get3A_975 = arith.index_cast %squeeze3A_974 : i32 to index
      %get3A_976 = arith.constant 0 : index
      %get3A_977 = tpu.vector_load %arg6[%get3A_975, %get3A_976] {strides = array<i32>} : memref<1024x32xf32, #tpu.memory_space<vmem>>, vector<16xf32>,
      %add3A_978 = arith.addf %add3A_966, %get3A_977 : vector<16xf32>
      %get3A_979 = arith.index_cast %squeeze3A_974 : i32 to index
      %get3A_980 = arith.constant 16 : index
      %get3A_981 = tpu.vector_load %arg6[%get3A_979, %get3A_980] {strides = array<i32>} : memref<1024x32xf32, #tpu.memory_space<vmem>>, vector<16xf32>,
      %add3A_982 = arith.addf %add3A_970, %get3A_981 : vector<16xf32>
      %add3A_983 = arith.addf %add3A_971, %add3A_978 : vector<16xf32>
      %add3A_984 = arith.addf %add3A_972, %add3A_982 : vector<16xf32>
      %slice3A_985 = vector.extract_strided_slice %get3A_66 {offsets = [3], sizes = [1], strides = [1]} : vector<16xi32> to vector<1xi32>
      %squeeze3A_986 = vector.extract %slice3A_985[0] : i32 from vector<1xi32>
      %get3A_987 = arith.index_cast %squeeze3A_986 : i32 to index
      %get3A_988 = arith.constant 0 : index
      %get3A_989 = tpu.vector_load %arg6[%get3A_987, %get3A_988] {strides = array<i32>} : memref<1024x32xf32, #tpu.memory_space<vmem>>, vector<16xf32>,
      %add3A_990 = arith.addf %add3A_978, %get3A_989 : vector<16xf32>
      %get3A_991 = arith.index_cast %squeeze3A_986 : i32 to index
      %get3A_992 = arith.constant 16 : index
      %get3A_993 = tpu.vector_load %arg6[%get3A_991, %get3A_992] {strides = array<i32>} : memref<1024x32xf32, #tpu.memory_space<vmem>>, vector<16xf32>,
      %add3A_994 = arith.addf %add3A_982, %get3A_993 : vector<16xf32>
      %add3A_995 = arith.addf %add3A_983, %add3A_990 : vector<16xf32>
      %add3A_996 = arith.addf %add3A_984, %add3A_994 : vector<16xf32>
      %slice3A_997 = vector.extract_strided_slice %get3A_62 {offsets = [3], sizes = [1], strides = [1]} : vector<16xi32> to vector<1xi32>
      %squeeze3A_998 = vector.extract %slice3A_997[0] : i32 from vector<1xi32>
      %get3A_999 = arith.index_cast %squeeze3A_998 : i32 to index
      %get3A_1000 = arith.constant 0 : index
      %get3A_1001 = tpu.vector_load %arg6[%get3A_999, %get3A_1000] {strides = array<i32>} : memref<1024x32xf32, #tpu.memory_space<vmem>>, vector<16xf32>,
      %add3A_1002 = arith.addf %add3A_990, %get3A_1001 : vector<16xf32>
      %get3A_1003 = arith.index_cast %squeeze3A_998 : i32 to index
      %get3A_1004 = arith.constant 16 : index
      %get3A_1005 = tpu.vector_load %arg6[%get3A_1003, %get3A_1004] {strides = array<i32>} : memref<1024x32xf32, #tpu.memory_space<vmem>>, vector<16xf32>,
      %add3A_1006 = arith.addf %add3A_994, %get3A_1005 : vector<16xf32>
      %add3A_1007 = arith.addf %add3A_995, %add3A_1002 : vector<16xf32>
      %add3A_1008 = arith.addf %add3A_996, %add3A_1006 : vector<16xf32>
      %slice3A_1009 = vector.extract_strided_slice %get3A_58 {offsets = [3], sizes = [1], strides = [1]} : vector<16xi32> to vector<1xi32>
      %squeeze3A_1010 = vector.extract %slice3A_1009[0] : i32 from vector<1xi32>
      %get3A_1011 = arith.index_cast %squeeze3A_1010 : i32 to index
      %get3A_1012 = arith.constant 0 : index
      %get3A_1013 = tpu.vector_load %arg6[%get3A_1011, %get3A_1012] {strides = array<i32>} : memref<1024x32xf32, #tpu.memory_space<vmem>>, vector<16xf32>,
      %get3A_1014 = arith.index_cast %squeeze3A_1010 : i32 to index
      %get3A_1015 = arith.constant 16 : index
      %get3A_1016 = tpu.vector_load %arg6[%get3A_1014, %get3A_1015] {strides = array<i32>} : memref<1024x32xf32, #tpu.memory_space<vmem>>, vector<16xf32>,
      %add3A_1017 = arith.addf %add3A_1002, %get3A_1013 : vector<16xf32>
      %add3A_1018 = arith.addf %add3A_1006, %get3A_1016 : vector<16xf32>
      %broadcast_in_dim3A_1019 = vector.broadcast %squeeze3A_832 : f32 to vector<16xf32>
      %gt3A_1020 = arith.constant 5.000000e-01 : f32
      %gt3A_1021 = vector.broadcast %gt3A_1020 : f32 to vector<16xf32>
      %gt3A_1022 = arith.cmpf ogt, %broadcast_in_dim3A_1019, %gt3A_1021 : vector<16xf32>
      %mul3A_1023 = arith.constant 5.000000e-01 : f32
      %mul3A_1024 = vector.broadcast %mul3A_1023 : f32 to vector<16xf32>
      %mul3A_1025 = arith.mulf %mul3A_1024, %get3A_1013 : vector<16xf32>
      %mul3A_1026 = vector.broadcast %squeeze3A_830 : f32 to vector<16xf32>
      %mul3A_1027 = arith.mulf %mul3A_1026, %add3A_1007 : vector<16xf32>
      %select_n3A_1028 = arith.select %gt3A_1022, %mul3A_1025, %mul3A_1027 : vector<16xi1>, vector<16xf32>
      %mul3A_1029 = arith.constant 5.000000e-01 : f32
      %mul3A_1030 = vector.broadcast %mul3A_1029 : f32 to vector<16xf32>
      %mul3A_1031 = arith.mulf %mul3A_1030, %get3A_1016 : vector<16xf32>
      %mul3A_1032 = vector.broadcast %squeeze3A_830 : f32 to vector<16xf32>
      %mul3A_1033 = arith.mulf %mul3A_1032, %add3A_1008 : vector<16xf32>
      %select_n3A_1034 = arith.select %gt3A_1022, %mul3A_1031, %mul3A_1033 : vector<16xi1>, vector<16xf32>
      %swap3A_1035 = arith.index_cast %add3A_828 : i32 to index
      %swap3A_1036 = arith.constant 0 : index
      %swap3A_1037 = tpu.vector_load %arg9[%swap3A_1035, %swap3A_1036] {strides = array<i32>} : memref<1024x32xf32, #tpu.memory_space<vmem>>, vector<16xf32>,
      tpu.vector_store %arg9[%swap3A_1035, %swap3A_1036], %add3A_1017 {strides = array<i32>} : memref<1024x32xf32, #tpu.memory_space<vmem>>, vector<16xf32>,
      %swap3A_1038 = arith.index_cast %add3A_828 : i32 to index
      %swap3A_1039 = arith.constant 16 : index
      %swap3A_1040 = tpu.vector_load %arg9[%swap3A_1038, %swap3A_1039] {strides = array<i32>} : memref<1024x32xf32, #tpu.memory_space<vmem>>, vector<16xf32>,
      tpu.vector_store %arg9[%swap3A_1038, %swap3A_1039], %add3A_1018 {strides = array<i32>} : memref<1024x32xf32, #tpu.memory_space<vmem>>, vector<16xf32>,
      %swap3A_1041 = arith.index_cast %add3A_828 : i32 to index
      %swap3A_1042 = arith.constant 0 : index
      %swap3A_1043 = tpu.vector_load %arg8[%swap3A_1041, %swap3A_1042] {strides = array<i32>} : memref<1024x32xf32, #tpu.memory_space<vmem>>, vector<16xf32>,
      tpu.vector_store %arg8[%swap3A_1041, %swap3A_1042], %select_n3A_1028 {strides = array<i32>} : memref<1024x32xf32, #tpu.memory_space<vmem>>, vector<16xf32>,
      %swap3A_1044 = arith.index_cast %add3A_828 : i32 to index
      %swap3A_1045 = arith.constant 16 : index
      %swap3A_1046 = tpu.vector_load %arg8[%swap3A_1044, %swap3A_1045] {strides = array<i32>} : memref<1024x32xf32, #tpu.memory_space<vmem>>, vector<16xf32>,
      tpu.vector_store %arg8[%swap3A_1044, %swap3A_1045], %select_n3A_1034 {strides = array<i32>} : memref<1024x32xf32, #tpu.memory_space<vmem>>, vector<16xf32>,
      %add3A_1047 = arith.constant 4 : i32
      %add3A_1048 = arith.addi %mul3A_50, %add3A_1047 : i32
      %slice3A_1049 = vector.extract_strided_slice %div3A_168 {offsets = [4], sizes = [1], strides = [1]} : vector<16xf32> to vector<1xf32>
      %squeeze3A_1050 = vector.extract %slice3A_1049[0] : f32 from vector<1xf32>
      %slice3A_1051 = vector.extract_strided_slice %select_n3A_170 {offsets = [4], sizes = [1], strides = [1]} : vector<16xf32> to vector<1xf32>
      %squeeze3A_1052 = vector.extract %slice3A_1051[0] : f32 from vector<1xf32>
      %slice3A_1053 = vector.extract_strided_slice %get3A_118 {offsets = [4], sizes = [1], strides = [1]} : vector<16xi32> to vector<1xi32>
      %squeeze3A_1054 = vector.extract %slice3A_1053[0] : i32 from vector<1xi32>
      %get3A_1055 = arith.index_cast %squeeze3A_1054 : i32 to index
      %get3A_1056 = arith.constant 0 : index
      %get3A_1057 = tpu.vector_load %arg6[%get3A_1055, %get3A_1056] {strides = array<i32>} : memref<1024x32xf32, #tpu.memory_space<vmem>>, vector<16xf32>,
      %get3A_1058 = arith.index_cast %squeeze3A_1054 : i32 to index
      %get3A_1059 = arith.constant 16 : index
      %get3A_1060 = tpu.vector_load %arg6[%get3A_1058, %get3A_1059] {strides = array<i32>} : memref<1024x32xf32, #tpu.memory_space<vmem>>, vector<16xf32>,
      %slice3A_1061 = vector.extract_strided_slice %get3A_114 {offsets = [4], sizes = [1], strides = [1]} : vector<16xi32> to vector<1xi32>
      %squeeze3A_1062 = vector.extract %slice3A_1061[0] : i32 from vector<1xi32>
      %get3A_1063 = arith.index_cast %squeeze3A_1062 : i32 to index
      %get3A_1064 = arith.constant 0 : index
      %get3A_1065 = tpu.vector_load %arg6[%get3A_1063, %get3A_1064] {strides = array<i32>} : memref<1024x32xf32, #tpu.memory_space<vmem>>, vector<16xf32>,
      %add3A_1066 = arith.addf %get3A_1057, %get3A_1065 : vector<16xf32>
      %get3A_1067 = arith.index_cast %squeeze3A_1062 : i32 to index
      %get3A_1068 = arith.constant 16 : index
      %get3A_1069 = tpu.vector_load %arg6[%get3A_1067, %get3A_1068] {strides = array<i32>} : memref<1024x32xf32, #tpu.memory_space<vmem>>, vector<16xf32>,
      %add3A_1070 = arith.addf %get3A_1060, %get3A_1069 : vector<16xf32>
      %add3A_1071 = arith.addf %get3A_1057, %add3A_1066 : vector<16xf32>
      %add3A_1072 = arith.addf %get3A_1060, %add3A_1070 : vector<16xf32>
      %slice3A_1073 = vector.extract_strided_slice %get3A_110 {offsets = [4], sizes = [1], strides = [1]} : vector<16xi32> to vector<1xi32>
      %squeeze3A_1074 = vector.extract %slice3A_1073[0] : i32 from vector<1xi32>
      %get3A_1075 = arith.index_cast %squeeze3A_1074 : i32 to index
      %get3A_1076 = arith.constant 0 : index
      %get3A_1077 = tpu.vector_load %arg6[%get3A_1075, %get3A_1076] {strides = array<i32>} : memref<1024x32xf32, #tpu.memory_space<vmem>>, vector<16xf32>,
      %add3A_1078 = arith.addf %add3A_1066, %get3A_1077 : vector<16xf32>
      %get3A_1079 = arith.index_cast %squeeze3A_1074 : i32 to index
      %get3A_1080 = arith.constant 16 : index
      %get3A_1081 = tpu.vector_load %arg6[%get3A_1079, %get3A_1080] {strides = array<i32>} : memref<1024x32xf32, #tpu.memory_space<vmem>>, vector<16xf32>,
      %add3A_1082 = arith.addf %add3A_1070, %get3A_1081 : vector<16xf32>
      %add3A_1083 = arith.addf %add3A_1071, %add3A_1078 : vector<16xf32>
      %add3A_1084 = arith.addf %add3A_1072, %add3A_1082 : vector<16xf32>
      %slice3A_1085 = vector.extract_strided_slice %get3A_106 {offsets = [4], sizes = [1], strides = [1]} : vector<16xi32> to vector<1xi32>
      %squeeze3A_1086 = vector.extract %slice3A_1085[0] : i32 from vector<1xi32>
      %get3A_1087 = arith.index_cast %squeeze3A_1086 : i32 to index
      %get3A_1088 = arith.constant 0 : index
      %get3A_1089 = tpu.vector_load %arg6[%get3A_1087, %get3A_1088] {strides = array<i32>} : memref<1024x32xf32, #tpu.memory_space<vmem>>, vector<16xf32>,
      %add3A_1090 = arith.addf %add3A_1078, %get3A_1089 : vector<16xf32>
      %get3A_1091 = arith.index_cast %squeeze3A_1086 : i32 to index
      %get3A_1092 = arith.constant 16 : index
      %get3A_1093 = tpu.vector_load %arg6[%get3A_1091, %get3A_1092] {strides = array<i32>} : memref<1024x32xf32, #tpu.memory_space<vmem>>, vector<16xf32>,
      %add3A_1094 = arith.addf %add3A_1082, %get3A_1093 : vector<16xf32>
      %add3A_1095 = arith.addf %add3A_1083, %add3A_1090 : vector<16xf32>
      %add3A_1096 = arith.addf %add3A_1084, %add3A_1094 : vector<16xf32>
      %slice3A_1097 = vector.extract_strided_slice %get3A_102 {offsets = [4], sizes = [1], strides = [1]} : vector<16xi32> to vector<1xi32>
      %squeeze3A_1098 = vector.extract %slice3A_1097[0] : i32 from vector<1xi32>
      %get3A_1099 = arith.index_cast %squeeze3A_1098 : i32 to index
      %get3A_1100 = arith.constant 0 : index
      %get3A_1101 = tpu.vector_load %arg6[%get3A_1099, %get3A_1100] {strides = array<i32>} : memref<1024x32xf32, #tpu.memory_space<vmem>>, vector<16xf32>,
      %add3A_1102 = arith.addf %add3A_1090, %get3A_1101 : vector<16xf32>
      %get3A_1103 = arith.index_cast %squeeze3A_1098 : i32 to index
      %get3A_1104 = arith.constant 16 : index
      %get3A_1105 = tpu.vector_load %arg6[%get3A_1103, %get3A_1104] {strides = array<i32>} : memref<1024x32xf32, #tpu.memory_space<vmem>>, vector<16xf32>,
      %add3A_1106 = arith.addf %add3A_1094, %get3A_1105 : vector<16xf32>
      %add3A_1107 = arith.addf %add3A_1095, %add3A_1102 : vector<16xf32>
      %add3A_1108 = arith.addf %add3A_1096, %add3A_1106 : vector<16xf32>
      %slice3A_1109 = vector.extract_strided_slice %get3A_98 {offsets = [4], sizes = [1], strides = [1]} : vector<16xi32> to vector<1xi32>
      %squeeze3A_1110 = vector.extract %slice3A_1109[0] : i32 from vector<1xi32>
      %get3A_1111 = arith.index_cast %squeeze3A_1110 : i32 to index
      %get3A_1112 = arith.constant 0 : index
      %get3A_1113 = tpu.vector_load %arg6[%get3A_1111, %get3A_1112] {strides = array<i32>} : memref<1024x32xf32, #tpu.memory_space<vmem>>, vector<16xf32>,
      %add3A_1114 = arith.addf %add3A_1102, %get3A_1113 : vector<16xf32>
      %get3A_1115 = arith.index_cast %squeeze3A_1110 : i32 to index
      %get3A_1116 = arith.constant 16 : index
      %get3A_1117 = tpu.vector_load %arg6[%get3A_1115, %get3A_1116] {strides = array<i32>} : memref<1024x32xf32, #tpu.memory_space<vmem>>, vector<16xf32>,
      %add3A_1118 = arith.addf %add3A_1106, %get3A_1117 : vector<16xf32>
      %add3A_1119 = arith.addf %add3A_1107, %add3A_1114 : vector<16xf32>
      %add3A_1120 = arith.addf %add3A_1108, %add3A_1118 : vector<16xf32>
      %slice3A_1121 = vector.extract_strided_slice %get3A_94 {offsets = [4], sizes = [1], strides = [1]} : vector<16xi32> to vector<1xi32>
      %squeeze3A_1122 = vector.extract %slice3A_1121[0] : i32 from vector<1xi32>
      %get3A_1123 = arith.index_cast %squeeze3A_1122 : i32 to index
      %get3A_1124 = arith.constant 0 : index
      %get3A_1125 = tpu.vector_load %arg6[%get3A_1123, %get3A_1124] {strides = array<i32>} : memref<1024x32xf32, #tpu.memory_space<vmem>>, vector<16xf32>,
      %add3A_1126 = arith.addf %add3A_1114, %get3A_1125 : vector<16xf32>
      %get3A_1127 = arith.index_cast %squeeze3A_1122 : i32 to index
      %get3A_1128 = arith.constant 16 : index
      %get3A_1129 = tpu.vector_load %arg6[%get3A_1127, %get3A_1128] {strides = array<i32>} : memref<1024x32xf32, #tpu.memory_space<vmem>>, vector<16xf32>,
      %add3A_1130 = arith.addf %add3A_1118, %get3A_1129 : vector<16xf32>
      %add3A_1131 = arith.addf %add3A_1119, %add3A_1126 : vector<16xf32>
      %add3A_1132 = arith.addf %add3A_1120, %add3A_1130 : vector<16xf32>
      %slice3A_1133 = vector.extract_strided_slice %get3A_90 {offsets = [4], sizes = [1], strides = [1]} : vector<16xi32> to vector<1xi32>
      %squeeze3A_1134 = vector.extract %slice3A_1133[0] : i32 from vector<1xi32>
      %get3A_1135 = arith.index_cast %squeeze3A_1134 : i32 to index
      %get3A_1136 = arith.constant 0 : index
      %get3A_1137 = tpu.vector_load %arg6[%get3A_1135, %get3A_1136] {strides = array<i32>} : memref<1024x32xf32, #tpu.memory_space<vmem>>, vector<16xf32>,
      %add3A_1138 = arith.addf %add3A_1126, %get3A_1137 : vector<16xf32>
      %get3A_1139 = arith.index_cast %squeeze3A_1134 : i32 to index
      %get3A_1140 = arith.constant 16 : index
      %get3A_1141 = tpu.vector_load %arg6[%get3A_1139, %get3A_1140] {strides = array<i32>} : memref<1024x32xf32, #tpu.memory_space<vmem>>, vector<16xf32>,
      %add3A_1142 = arith.addf %add3A_1130, %get3A_1141 : vector<16xf32>
      %add3A_1143 = arith.addf %add3A_1131, %add3A_1138 : vector<16xf32>
      %add3A_1144 = arith.addf %add3A_1132, %add3A_1142 : vector<16xf32>
      %slice3A_1145 = vector.extract_strided_slice %get3A_86 {offsets = [4], sizes = [1], strides = [1]} : vector<16xi32> to vector<1xi32>
      %squeeze3A_1146 = vector.extract %slice3A_1145[0] : i32 from vector<1xi32>
      %get3A_1147 = arith.index_cast %squeeze3A_1146 : i32 to index
      %get3A_1148 = arith.constant 0 : index
      %get3A_1149 = tpu.vector_load %arg6[%get3A_1147, %get3A_1148] {strides = array<i32>} : memref<1024x32xf32, #tpu.memory_space<vmem>>, vector<16xf32>,
      %add3A_1150 = arith.addf %add3A_1138, %get3A_1149 : vector<16xf32>
      %get3A_1151 = arith.index_cast %squeeze3A_1146 : i32 to index
      %get3A_1152 = arith.constant 16 : index
      %get3A_1153 = tpu.vector_load %arg6[%get3A_1151, %get3A_1152] {strides = array<i32>} : memref<1024x32xf32, #tpu.memory_space<vmem>>, vector<16xf32>,
      %add3A_1154 = arith.addf %add3A_1142, %get3A_1153 : vector<16xf32>
      %add3A_1155 = arith.addf %add3A_1143, %add3A_1150 : vector<16xf32>
      %add3A_1156 = arith.addf %add3A_1144, %add3A_1154 : vector<16xf32>
      %slice3A_1157 = vector.extract_strided_slice %get3A_82 {offsets = [4], sizes = [1], strides = [1]} : vector<16xi32> to vector<1xi32>
      %squeeze3A_1158 = vector.extract %slice3A_1157[0] : i32 from vector<1xi32>
      %get3A_1159 = arith.index_cast %squeeze3A_1158 : i32 to index
      %get3A_1160 = arith.constant 0 : index
      %get3A_1161 = tpu.vector_load %arg6[%get3A_1159, %get3A_1160] {strides = array<i32>} : memref<1024x32xf32, #tpu.memory_space<vmem>>, vector<16xf32>,
      %add3A_1162 = arith.addf %add3A_1150, %get3A_1161 : vector<16xf32>
      %get3A_1163 = arith.index_cast %squeeze3A_1158 : i32 to index
      %get3A_1164 = arith.constant 16 : index
      %get3A_1165 = tpu.vector_load %arg6[%get3A_1163, %get3A_1164] {strides = array<i32>} : memref<1024x32xf32, #tpu.memory_space<vmem>>, vector<16xf32>,
      %add3A_1166 = arith.addf %add3A_1154, %get3A_1165 : vector<16xf32>
      %add3A_1167 = arith.addf %add3A_1155, %add3A_1162 : vector<16xf32>
      %add3A_1168 = arith.addf %add3A_1156, %add3A_1166 : vector<16xf32>
      %slice3A_1169 = vector.extract_strided_slice %get3A_78 {offsets = [4], sizes = [1], strides = [1]} : vector<16xi32> to vector<1xi32>
      %squeeze3A_1170 = vector.extract %slice3A_1169[0] : i32 from vector<1xi32>
      %get3A_1171 = arith.index_cast %squeeze3A_1170 : i32 to index
      %get3A_1172 = arith.constant 0 : index
      %get3A_1173 = tpu.vector_load %arg6[%get3A_1171, %get3A_1172] {strides = array<i32>} : memref<1024x32xf32, #tpu.memory_space<vmem>>, vector<16xf32>,
      %add3A_1174 = arith.addf %add3A_1162, %get3A_1173 : vector<16xf32>
      %get3A_1175 = arith.index_cast %squeeze3A_1170 : i32 to index
      %get3A_1176 = arith.constant 16 : index
      %get3A_1177 = tpu.vector_load %arg6[%get3A_1175, %get3A_1176] {strides = array<i32>} : memref<1024x32xf32, #tpu.memory_space<vmem>>, vector<16xf32>,
      %add3A_1178 = arith.addf %add3A_1166, %get3A_1177 : vector<16xf32>
      %add3A_1179 = arith.addf %add3A_1167, %add3A_1174 : vector<16xf32>
      %add3A_1180 = arith.addf %add3A_1168, %add3A_1178 : vector<16xf32>
      %slice3A_1181 = vector.extract_strided_slice %get3A_74 {offsets = [4], sizes = [1], strides = [1]} : vector<16xi32> to vector<1xi32>
      %squeeze3A_1182 = vector.extract %slice3A_1181[0] : i32 from vector<1xi32>
      %get3A_1183 = arith.index_cast %squeeze3A_1182 : i32 to index
      %get3A_1184 = arith.constant 0 : index
      %get3A_1185 = tpu.vector_load %arg6[%get3A_1183, %get3A_1184] {strides = array<i32>} : memref<1024x32xf32, #tpu.memory_space<vmem>>, vector<16xf32>,
      %add3A_1186 = arith.addf %add3A_1174, %get3A_1185 : vector<16xf32>
      %get3A_1187 = arith.index_cast %squeeze3A_1182 : i32 to index
      %get3A_1188 = arith.constant 16 : index
      %get3A_1189 = tpu.vector_load %arg6[%get3A_1187, %get3A_1188] {strides = array<i32>} : memref<1024x32xf32, #tpu.memory_space<vmem>>, vector<16xf32>,
      %add3A_1190 = arith.addf %add3A_1178, %get3A_1189 : vector<16xf32>
      %add3A_1191 = arith.addf %add3A_1179, %add3A_1186 : vector<16xf32>
      %add3A_1192 = arith.addf %add3A_1180, %add3A_1190 : vector<16xf32>
      %slice3A_1193 = vector.extract_strided_slice %get3A_70 {offsets = [4], sizes = [1], strides = [1]} : vector<16xi32> to vector<1xi32>
      %squeeze3A_1194 = vector.extract %slice3A_1193[0] : i32 from vector<1xi32>
      %get3A_1195 = arith.index_cast %squeeze3A_1194 : i32 to index
      %get3A_1196 = arith.constant 0 : index
      %get3A_1197 = tpu.vector_load %arg6[%get3A_1195, %get3A_1196] {strides = array<i32>} : memref<1024x32xf32, #tpu.memory_space<vmem>>, vector<16xf32>,
      %add3A_1198 = arith.addf %add3A_1186, %get3A_1197 : vector<16xf32>
      %get3A_1199 = arith.index_cast %squeeze3A_1194 : i32 to index
      %get3A_1200 = arith.constant 16 : index
      %get3A_1201 = tpu.vector_load %arg6[%get3A_1199, %get3A_1200] {strides = array<i32>} : memref<1024x32xf32, #tpu.memory_space<vmem>>, vector<16xf32>,
      %add3A_1202 = arith.addf %add3A_1190, %get3A_1201 : vector<16xf32>
      %add3A_1203 = arith.addf %add3A_1191, %add3A_1198 : vector<16xf32>
      %add3A_1204 = arith.addf %add3A_1192, %add3A_1202 : vector<16xf32>
      %slice3A_1205 = vector.extract_strided_slice %get3A_66 {offsets = [4], sizes = [1], strides = [1]} : vector<16xi32> to vector<1xi32>
      %squeeze3A_1206 = vector.extract %slice3A_1205[0] : i32 from vector<1xi32>
      %get3A_1207 = arith.index_cast %squeeze3A_1206 : i32 to index
      %get3A_1208 = arith.constant 0 : index
      %get3A_1209 = tpu.vector_load %arg6[%get3A_1207, %get3A_1208] {strides = array<i32>} : memref<1024x32xf32, #tpu.memory_space<vmem>>, vector<16xf32>,
      %add3A_1210 = arith.addf %add3A_1198, %get3A_1209 : vector<16xf32>
      %get3A_1211 = arith.index_cast %squeeze3A_1206 : i32 to index
      %get3A_1212 = arith.constant 16 : index
      %get3A_1213 = tpu.vector_load %arg6[%get3A_1211, %get3A_1212] {strides = array<i32>} : memref<1024x32xf32, #tpu.memory_space<vmem>>, vector<16xf32>,
      %add3A_1214 = arith.addf %add3A_1202, %get3A_1213 : vector<16xf32>
      %add3A_1215 = arith.addf %add3A_1203, %add3A_1210 : vector<16xf32>
      %add3A_1216 = arith.addf %add3A_1204, %add3A_1214 : vector<16xf32>
      %slice3A_1217 = vector.extract_strided_slice %get3A_62 {offsets = [4], sizes = [1], strides = [1]} : vector<16xi32> to vector<1xi32>
      %squeeze3A_1218 = vector.extract %slice3A_1217[0] : i32 from vector<1xi32>
      %get3A_1219 = arith.index_cast %squeeze3A_1218 : i32 to index
      %get3A_1220 = arith.constant 0 : index
      %get3A_1221 = tpu.vector_load %arg6[%get3A_1219, %get3A_1220] {strides = array<i32>} : memref<1024x32xf32, #tpu.memory_space<vmem>>, vector<16xf32>,
      %add3A_1222 = arith.addf %add3A_1210, %get3A_1221 : vector<16xf32>
      %get3A_1223 = arith.index_cast %squeeze3A_1218 : i32 to index
      %get3A_1224 = arith.constant 16 : index
      %get3A_1225 = tpu.vector_load %arg6[%get3A_1223, %get3A_1224] {strides = array<i32>} : memref<1024x32xf32, #tpu.memory_space<vmem>>, vector<16xf32>,
      %add3A_1226 = arith.addf %add3A_1214, %get3A_1225 : vector<16xf32>
      %add3A_1227 = arith.addf %add3A_1215, %add3A_1222 : vector<16xf32>
      %add3A_1228 = arith.addf %add3A_1216, %add3A_1226 : vector<16xf32>
      %slice3A_1229 = vector.extract_strided_slice %get3A_58 {offsets = [4], sizes = [1], strides = [1]} : vector<16xi32> to vector<1xi32>
      %squeeze3A_1230 = vector.extract %slice3A_1229[0] : i32 from vector<1xi32>
      %get3A_1231 = arith.index_cast %squeeze3A_1230 : i32 to index
      %get3A_1232 = arith.constant 0 : index
      %get3A_1233 = tpu.vector_load %arg6[%get3A_1231, %get3A_1232] {strides = array<i32>} : memref<1024x32xf32, #tpu.memory_space<vmem>>, vector<16xf32>,
      %get3A_1234 = arith.index_cast %squeeze3A_1230 : i32 to index
      %get3A_1235 = arith.constant 16 : index
      %get3A_1236 = tpu.vector_load %arg6[%get3A_1234, %get3A_1235] {strides = array<i32>} : memref<1024x32xf32, #tpu.memory_space<vmem>>, vector<16xf32>,
      %add3A_1237 = arith.addf %add3A_1222, %get3A_1233 : vector<16xf32>
      %add3A_1238 = arith.addf %add3A_1226, %get3A_1236 : vector<16xf32>
      %broadcast_in_dim3A_1239 = vector.broadcast %squeeze3A_1052 : f32 to vector<16xf32>
      %gt3A_1240 = arith.constant 5.000000e-01 : f32
      %gt3A_1241 = vector.broadcast %gt3A_1240 : f32 to vector<16xf32>
      %gt3A_1242 = arith.cmpf ogt, %broadcast_in_dim3A_1239, %gt3A_1241 : vector<16xf32>
      %mul3A_1243 = arith.constant 5.000000e-01 : f32
      %mul3A_1244 = vector.broadcast %mul3A_1243 : f32 to vector<16xf32>
      %mul3A_1245 = arith.mulf %mul3A_1244, %get3A_1233 : vector<16xf32>
      %mul3A_1246 = vector.broadcast %squeeze3A_1050 : f32 to vector<16xf32>
      %mul3A_1247 = arith.mulf %mul3A_1246, %add3A_1227 : vector<16xf32>
      %select_n3A_1248 = arith.select %gt3A_1242, %mul3A_1245, %mul3A_1247 : vector<16xi1>, vector<16xf32>
      %mul3A_1249 = arith.constant 5.000000e-01 : f32
      %mul3A_1250 = vector.broadcast %mul3A_1249 : f32 to vector<16xf32>
      %mul3A_1251 = arith.mulf %mul3A_1250, %get3A_1236 : vector<16xf32>
      %mul3A_1252 = vector.broadcast %squeeze3A_1050 : f32 to vector<16xf32>
      %mul3A_1253 = arith.mulf %mul3A_1252, %add3A_1228 : vector<16xf32>
      %select_n3A_1254 = arith.select %gt3A_1242, %mul3A_1251, %mul3A_1253 : vector<16xi1>, vector<16xf32>
      %swap3A_1255 = arith.index_cast %add3A_1048 : i32 to index
      %swap3A_1256 = arith.constant 0 : index
      %swap3A_1257 = tpu.vector_load %arg9[%swap3A_1255, %swap3A_1256] {strides = array<i32>} : memref<1024x32xf32, #tpu.memory_space<vmem>>, vector<16xf32>,
      tpu.vector_store %arg9[%swap3A_1255, %swap3A_1256], %add3A_1237 {strides = array<i32>} : memref<1024x32xf32, #tpu.memory_space<vmem>>, vector<16xf32>,
      %swap3A_1258 = arith.index_cast %add3A_1048 : i32 to index
      %swap3A_1259 = arith.constant 16 : index
      %swap3A_1260 = tpu.vector_load %arg9[%swap3A_1258, %swap3A_1259] {strides = array<i32>} : memref<1024x32xf32, #tpu.memory_space<vmem>>, vector<16xf32>,
      tpu.vector_store %arg9[%swap3A_1258, %swap3A_1259], %add3A_1238 {strides = array<i32>} : memref<1024x32xf32, #tpu.memory_space<vmem>>, vector<16xf32>,
      %swap3A_1261 = arith.index_cast %add3A_1048 : i32 to index
      %swap3A_1262 = arith.constant 0 : index
      %swap3A_1263 = tpu.vector_load %arg8[%swap3A_1261, %swap3A_1262] {strides = array<i32>} : memref<1024x32xf32, #tpu.memory_space<vmem>>, vector<16xf32>,
      tpu.vector_store %arg8[%swap3A_1261, %swap3A_1262], %select_n3A_1248 {strides = array<i32>} : memref<1024x32xf32, #tpu.memory_space<vmem>>, vector<16xf32>,
      %swap3A_1264 = arith.index_cast %add3A_1048 : i32 to index
      %swap3A_1265 = arith.constant 16 : index
      %swap3A_1266 = tpu.vector_load %arg8[%swap3A_1264, %swap3A_1265] {strides = array<i32>} : memref<1024x32xf32, #tpu.memory_space<vmem>>, vector<16xf32>,
      tpu.vector_store %arg8[%swap3A_1264, %swap3A_1265], %select_n3A_1254 {strides = array<i32>} : memref<1024x32xf32, #tpu.memory_space<vmem>>, vector<16xf32>,
      %add3A_1267 = arith.constant 5 : i32
      %add3A_1268 = arith.addi %mul3A_50, %add3A_1267 : i32
      %slice3A_1269 = vector.extract_strided_slice %div3A_168 {offsets = [5], sizes = [1], strides = [1]} : vector<16xf32> to vector<1xf32>
      %squeeze3A_1270 = vector.extract %slice3A_1269[0] : f32 from vector<1xf32>
      %slice3A_1271 = vector.extract_strided_slice %select_n3A_170 {offsets = [5], sizes = [1], strides = [1]} : vector<16xf32> to vector<1xf32>
      %squeeze3A_1272 = vector.extract %slice3A_1271[0] : f32 from vector<1xf32>
      %slice3A_1273 = vector.extract_strided_slice %get3A_118 {offsets = [5], sizes = [1], strides = [1]} : vector<16xi32> to vector<1xi32>
      %squeeze3A_1274 = vector.extract %slice3A_1273[0] : i32 from vector<1xi32>
      %get3A_1275 = arith.index_cast %squeeze3A_1274 : i32 to index
      %get3A_1276 = arith.constant 0 : index
      %get3A_1277 = tpu.vector_load %arg6[%get3A_1275, %get3A_1276] {strides = array<i32>} : memref<1024x32xf32, #tpu.memory_space<vmem>>, vector<16xf32>,
      %get3A_1278 = arith.index_cast %squeeze3A_1274 : i32 to index
      %get3A_1279 = arith.constant 16 : index
      %get3A_1280 = tpu.vector_load %arg6[%get3A_1278, %get3A_1279] {strides = array<i32>} : memref<1024x32xf32, #tpu.memory_space<vmem>>, vector<16xf32>,
      %slice3A_1281 = vector.extract_strided_slice %get3A_114 {offsets = [5], sizes = [1], strides = [1]} : vector<16xi32> to vector<1xi32>
      %squeeze3A_1282 = vector.extract %slice3A_1281[0] : i32 from vector<1xi32>
      %get3A_1283 = arith.index_cast %squeeze3A_1282 : i32 to index
      %get3A_1284 = arith.constant 0 : index
      %get3A_1285 = tpu.vector_load %arg6[%get3A_1283, %get3A_1284] {strides = array<i32>} : memref<1024x32xf32, #tpu.memory_space<vmem>>, vector<16xf32>,
      %add3A_1286 = arith.addf %get3A_1277, %get3A_1285 : vector<16xf32>
      %get3A_1287 = arith.index_cast %squeeze3A_1282 : i32 to index
      %get3A_1288 = arith.constant 16 : index
      %get3A_1289 = tpu.vector_load %arg6[%get3A_1287, %get3A_1288] {strides = array<i32>} : memref<1024x32xf32, #tpu.memory_space<vmem>>, vector<16xf32>,
      %add3A_1290 = arith.addf %get3A_1280, %get3A_1289 : vector<16xf32>
      %add3A_1291 = arith.addf %get3A_1277, %add3A_1286 : vector<16xf32>
      %add3A_1292 = arith.addf %get3A_1280, %add3A_1290 : vector<16xf32>
      %slice3A_1293 = vector.extract_strided_slice %get3A_110 {offsets = [5], sizes = [1], strides = [1]} : vector<16xi32> to vector<1xi32>
      %squeeze3A_1294 = vector.extract %slice3A_1293[0] : i32 from vector<1xi32>
      %get3A_1295 = arith.index_cast %squeeze3A_1294 : i32 to index
      %get3A_1296 = arith.constant 0 : index
      %get3A_1297 = tpu.vector_load %arg6[%get3A_1295, %get3A_1296] {strides = array<i32>} : memref<1024x32xf32, #tpu.memory_space<vmem>>, vector<16xf32>,
      %add3A_1298 = arith.addf %add3A_1286, %get3A_1297 : vector<16xf32>
      %get3A_1299 = arith.index_cast %squeeze3A_1294 : i32 to index
      %get3A_1300 = arith.constant 16 : index
      %get3A_1301 = tpu.vector_load %arg6[%get3A_1299, %get3A_1300] {strides = array<i32>} : memref<1024x32xf32, #tpu.memory_space<vmem>>, vector<16xf32>,
      %add3A_1302 = arith.addf %add3A_1290, %get3A_1301 : vector<16xf32>
      %add3A_1303 = arith.addf %add3A_1291, %add3A_1298 : vector<16xf32>
      %add3A_1304 = arith.addf %add3A_1292, %add3A_1302 : vector<16xf32>
      %slice3A_1305 = vector.extract_strided_slice %get3A_106 {offsets = [5], sizes = [1], strides = [1]} : vector<16xi32> to vector<1xi32>
      %squeeze3A_1306 = vector.extract %slice3A_1305[0] : i32 from vector<1xi32>
      %get3A_1307 = arith.index_cast %squeeze3A_1306 : i32 to index
      %get3A_1308 = arith.constant 0 : index
      %get3A_1309 = tpu.vector_load %arg6[%get3A_1307, %get3A_1308] {strides = array<i32>} : memref<1024x32xf32, #tpu.memory_space<vmem>>, vector<16xf32>,
      %add3A_1310 = arith.addf %add3A_1298, %get3A_1309 : vector<16xf32>
      %get3A_1311 = arith.index_cast %squeeze3A_1306 : i32 to index
      %get3A_1312 = arith.constant 16 : index
      %get3A_1313 = tpu.vector_load %arg6[%get3A_1311, %get3A_1312] {strides = array<i32>} : memref<1024x32xf32, #tpu.memory_space<vmem>>, vector<16xf32>,
      %add3A_1314 = arith.addf %add3A_1302, %get3A_1313 : vector<16xf32>
      %add3A_1315 = arith.addf %add3A_1303, %add3A_1310 : vector<16xf32>
      %add3A_1316 = arith.addf %add3A_1304, %add3A_1314 : vector<16xf32>
      %slice3A_1317 = vector.extract_strided_slice %get3A_102 {offsets = [5], sizes = [1], strides = [1]} : vector<16xi32> to vector<1xi32>
      %squeeze3A_1318 = vector.extract %slice3A_1317[0] : i32 from vector<1xi32>
      %get3A_1319 = arith.index_cast %squeeze3A_1318 : i32 to index
      %get3A_1320 = arith.constant 0 : index
      %get3A_1321 = tpu.vector_load %arg6[%get3A_1319, %get3A_1320] {strides = array<i32>} : memref<1024x32xf32, #tpu.memory_space<vmem>>, vector<16xf32>,
      %add3A_1322 = arith.addf %add3A_1310, %get3A_1321 : vector<16xf32>
      %get3A_1323 = arith.index_cast %squeeze3A_1318 : i32 to index
      %get3A_1324 = arith.constant 16 : index
      %get3A_1325 = tpu.vector_load %arg6[%get3A_1323, %get3A_1324] {strides = array<i32>} : memref<1024x32xf32, #tpu.memory_space<vmem>>, vector<16xf32>,
      %add3A_1326 = arith.addf %add3A_1314, %get3A_1325 : vector<16xf32>
      %add3A_1327 = arith.addf %add3A_1315, %add3A_1322 : vector<16xf32>
      %add3A_1328 = arith.addf %add3A_1316, %add3A_1326 : vector<16xf32>
      %slice3A_1329 = vector.extract_strided_slice %get3A_98 {offsets = [5], sizes = [1], strides = [1]} : vector<16xi32> to vector<1xi32>
      %squeeze3A_1330 = vector.extract %slice3A_1329[0] : i32 from vector<1xi32>
      %get3A_1331 = arith.index_cast %squeeze3A_1330 : i32 to index
      %get3A_1332 = arith.constant 0 : index
      %get3A_1333 = tpu.vector_load %arg6[%get3A_1331, %get3A_1332] {strides = array<i32>} : memref<1024x32xf32, #tpu.memory_space<vmem>>, vector<16xf32>,
      %add3A_1334 = arith.addf %add3A_1322, %get3A_1333 : vector<16xf32>
      %get3A_1335 = arith.index_cast %squeeze3A_1330 : i32 to index
      %get3A_1336 = arith.constant 16 : index
      %get3A_1337 = tpu.vector_load %arg6[%get3A_1335, %get3A_1336] {strides = array<i32>} : memref<1024x32xf32, #tpu.memory_space<vmem>>, vector<16xf32>,
      %add3A_1338 = arith.addf %add3A_1326, %get3A_1337 : vector<16xf32>
      %add3A_1339 = arith.addf %add3A_1327, %add3A_1334 : vector<16xf32>
      %add3A_1340 = arith.addf %add3A_1328, %add3A_1338 : vector<16xf32>
      %slice3A_1341 = vector.extract_strided_slice %get3A_94 {offsets = [5], sizes = [1], strides = [1]} : vector<16xi32> to vector<1xi32>
      %squeeze3A_1342 = vector.extract %slice3A_1341[0] : i32 from vector<1xi32>
      %get3A_1343 = arith.index_cast %squeeze3A_1342 : i32 to index
      %get3A_1344 = arith.constant 0 : index
      %get3A_1345 = tpu.vector_load %arg6[%get3A_1343, %get3A_1344] {strides = array<i32>} : memref<1024x32xf32, #tpu.memory_space<vmem>>, vector<16xf32>,
      %add3A_1346 = arith.addf %add3A_1334, %get3A_1345 : vector<16xf32>
      %get3A_1347 = arith.index_cast %squeeze3A_1342 : i32 to index
      %get3A_1348 = arith.constant 16 : index
      %get3A_1349 = tpu.vector_load %arg6[%get3A_1347, %get3A_1348] {strides = array<i32>} : memref<1024x32xf32, #tpu.memory_space<vmem>>, vector<16xf32>,
      %add3A_1350 = arith.addf %add3A_1338, %get3A_1349 : vector<16xf32>
      %add3A_1351 = arith.addf %add3A_1339, %add3A_1346 : vector<16xf32>
      %add3A_1352 = arith.addf %add3A_1340, %add3A_1350 : vector<16xf32>
      %slice3A_1353 = vector.extract_strided_slice %get3A_90 {offsets = [5], sizes = [1], strides = [1]} : vector<16xi32> to vector<1xi32>
      %squeeze3A_1354 = vector.extract %slice3A_1353[0] : i32 from vector<1xi32>
      %get3A_1355 = arith.index_cast %squeeze3A_1354 : i32 to index
      %get3A_1356 = arith.constant 0 : index
      %get3A_1357 = tpu.vector_load %arg6[%get3A_1355, %get3A_1356] {strides = array<i32>} : memref<1024x32xf32, #tpu.memory_space<vmem>>, vector<16xf32>,
      %add3A_1358 = arith.addf %add3A_1346, %get3A_1357 : vector<16xf32>
      %get3A_1359 = arith.index_cast %squeeze3A_1354 : i32 to index
      %get3A_1360 = arith.constant 16 : index
      %get3A_1361 = tpu.vector_load %arg6[%get3A_1359, %get3A_1360] {strides = array<i32>} : memref<1024x32xf32, #tpu.memory_space<vmem>>, vector<16xf32>,
      %add3A_1362 = arith.addf %add3A_1350, %get3A_1361 : vector<16xf32>
      %add3A_1363 = arith.addf %add3A_1351, %add3A_1358 : vector<16xf32>
      %add3A_1364 = arith.addf %add3A_1352, %add3A_1362 : vector<16xf32>
      %slice3A_1365 = vector.extract_strided_slice %get3A_86 {offsets = [5], sizes = [1], strides = [1]} : vector<16xi32> to vector<1xi32>
      %squeeze3A_1366 = vector.extract %slice3A_1365[0] : i32 from vector<1xi32>
      %get3A_1367 = arith.index_cast %squeeze3A_1366 : i32 to index
      %get3A_1368 = arith.constant 0 : index
      %get3A_1369 = tpu.vector_load %arg6[%get3A_1367, %get3A_1368] {strides = array<i32>} : memref<1024x32xf32, #tpu.memory_space<vmem>>, vector<16xf32>,
      %add3A_1370 = arith.addf %add3A_1358, %get3A_1369 : vector<16xf32>
      %get3A_1371 = arith.index_cast %squeeze3A_1366 : i32 to index
      %get3A_1372 = arith.constant 16 : index
      %get3A_1373 = tpu.vector_load %arg6[%get3A_1371, %get3A_1372] {strides = array<i32>} : memref<1024x32xf32, #tpu.memory_space<vmem>>, vector<16xf32>,
      %add3A_1374 = arith.addf %add3A_1362, %get3A_1373 : vector<16xf32>
      %add3A_1375 = arith.addf %add3A_1363, %add3A_1370 : vector<16xf32>
      %add3A_1376 = arith.addf %add3A_1364, %add3A_1374 : vector<16xf32>
      %slice3A_1377 = vector.extract_strided_slice %get3A_82 {offsets = [5], sizes = [1], strides = [1]} : vector<16xi32> to vector<1xi32>
      %squeeze3A_1378 = vector.extract %slice3A_1377[0] : i32 from vector<1xi32>
      %get3A_1379 = arith.index_cast %squeeze3A_1378 : i32 to index
      %get3A_1380 = arith.constant 0 : index
      %get3A_1381 = tpu.vector_load %arg6[%get3A_1379, %get3A_1380] {strides = array<i32>} : memref<1024x32xf32, #tpu.memory_space<vmem>>, vector<16xf32>,
      %add3A_1382 = arith.addf %add3A_1370, %get3A_1381 : vector<16xf32>
      %get3A_1383 = arith.index_cast %squeeze3A_1378 : i32 to index
      %get3A_1384 = arith.constant 16 : index
      %get3A_1385 = tpu.vector_load %arg6[%get3A_1383, %get3A_1384] {strides = array<i32>} : memref<1024x32xf32, #tpu.memory_space<vmem>>, vector<16xf32>,
      %add3A_1386 = arith.addf %add3A_1374, %get3A_1385 : vector<16xf32>
      %add3A_1387 = arith.addf %add3A_1375, %add3A_1382 : vector<16xf32>
      %add3A_1388 = arith.addf %add3A_1376, %add3A_1386 : vector<16xf32>
      %slice3A_1389 = vector.extract_strided_slice %get3A_78 {offsets = [5], sizes = [1], strides = [1]} : vector<16xi32> to vector<1xi32>
      %squeeze3A_1390 = vector.extract %slice3A_1389[0] : i32 from vector<1xi32>
      %get3A_1391 = arith.index_cast %squeeze3A_1390 : i32 to index
      %get3A_1392 = arith.constant 0 : index
      %get3A_1393 = tpu.vector_load %arg6[%get3A_1391, %get3A_1392] {strides = array<i32>} : memref<1024x32xf32, #tpu.memory_space<vmem>>, vector<16xf32>,
      %add3A_1394 = arith.addf %add3A_1382, %get3A_1393 : vector<16xf32>
      %get3A_1395 = arith.index_cast %squeeze3A_1390 : i32 to index
      %get3A_1396 = arith.constant 16 : index
      %get3A_1397 = tpu.vector_load %arg6[%get3A_1395, %get3A_1396] {strides = array<i32>} : memref<1024x32xf32, #tpu.memory_space<vmem>>, vector<16xf32>,
      %add3A_1398 = arith.addf %add3A_1386, %get3A_1397 : vector<16xf32>
      %add3A_1399 = arith.addf %add3A_1387, %add3A_1394 : vector<16xf32>
      %add3A_1400 = arith.addf %add3A_1388, %add3A_1398 : vector<16xf32>
      %slice3A_1401 = vector.extract_strided_slice %get3A_74 {offsets = [5], sizes = [1], strides = [1]} : vector<16xi32> to vector<1xi32>
      %squeeze3A_1402 = vector.extract %slice3A_1401[0] : i32 from vector<1xi32>
      %get3A_1403 = arith.index_cast %squeeze3A_1402 : i32 to index
      %get3A_1404 = arith.constant 0 : index
      %get3A_1405 = tpu.vector_load %arg6[%get3A_1403, %get3A_1404] {strides = array<i32>} : memref<1024x32xf32, #tpu.memory_space<vmem>>, vector<16xf32>,
      %add3A_1406 = arith.addf %add3A_1394, %get3A_1405 : vector<16xf32>
      %get3A_1407 = arith.index_cast %squeeze3A_1402 : i32 to index
      %get3A_1408 = arith.constant 16 : index
      %get3A_1409 = tpu.vector_load %arg6[%get3A_1407, %get3A_1408] {strides = array<i32>} : memref<1024x32xf32, #tpu.memory_space<vmem>>, vector<16xf32>,
      %add3A_1410 = arith.addf %add3A_1398, %get3A_1409 : vector<16xf32>
      %add3A_1411 = arith.addf %add3A_1399, %add3A_1406 : vector<16xf32>
      %add3A_1412 = arith.addf %add3A_1400, %add3A_1410 : vector<16xf32>
      %slice3A_1413 = vector.extract_strided_slice %get3A_70 {offsets = [5], sizes = [1], strides = [1]} : vector<16xi32> to vector<1xi32>
      %squeeze3A_1414 = vector.extract %slice3A_1413[0] : i32 from vector<1xi32>
      %get3A_1415 = arith.index_cast %squeeze3A_1414 : i32 to index
      %get3A_1416 = arith.constant 0 : index
      %get3A_1417 = tpu.vector_load %arg6[%get3A_1415, %get3A_1416] {strides = array<i32>} : memref<1024x32xf32, #tpu.memory_space<vmem>>, vector<16xf32>,
      %add3A_1418 = arith.addf %add3A_1406, %get3A_1417 : vector<16xf32>
      %get3A_1419 = arith.index_cast %squeeze3A_1414 : i32 to index
      %get3A_1420 = arith.constant 16 : index
      %get3A_1421 = tpu.vector_load %arg6[%get3A_1419, %get3A_1420] {strides = array<i32>} : memref<1024x32xf32, #tpu.memory_space<vmem>>, vector<16xf32>,
      %add3A_1422 = arith.addf %add3A_1410, %get3A_1421 : vector<16xf32>
      %add3A_1423 = arith.addf %add3A_1411, %add3A_1418 : vector<16xf32>
      %add3A_1424 = arith.addf %add3A_1412, %add3A_1422 : vector<16xf32>
      %slice3A_1425 = vector.extract_strided_slice %get3A_66 {offsets = [5], sizes = [1], strides = [1]} : vector<16xi32> to vector<1xi32>
      %squeeze3A_1426 = vector.extract %slice3A_1425[0] : i32 from vector<1xi32>
      %get3A_1427 = arith.index_cast %squeeze3A_1426 : i32 to index
      %get3A_1428 = arith.constant 0 : index
      %get3A_1429 = tpu.vector_load %arg6[%get3A_1427, %get3A_1428] {strides = array<i32>} : memref<1024x32xf32, #tpu.memory_space<vmem>>, vector<16xf32>,
      %add3A_1430 = arith.addf %add3A_1418, %get3A_1429 : vector<16xf32>
      %get3A_1431 = arith.index_cast %squeeze3A_1426 : i32 to index
      %get3A_1432 = arith.constant 16 : index
      %get3A_1433 = tpu.vector_load %arg6[%get3A_1431, %get3A_1432] {strides = array<i32>} : memref<1024x32xf32, #tpu.memory_space<vmem>>, vector<16xf32>,
      %add3A_1434 = arith.addf %add3A_1422, %get3A_1433 : vector<16xf32>
      %add3A_1435 = arith.addf %add3A_1423, %add3A_1430 : vector<16xf32>
      %add3A_1436 = arith.addf %add3A_1424, %add3A_1434 : vector<16xf32>
      %slice3A_1437 = vector.extract_strided_slice %get3A_62 {offsets = [5], sizes = [1], strides = [1]} : vector<16xi32> to vector<1xi32>
      %squeeze3A_1438 = vector.extract %slice3A_1437[0] : i32 from vector<1xi32>
      %get3A_1439 = arith.index_cast %squeeze3A_1438 : i32 to index
      %get3A_1440 = arith.constant 0 : index
      %get3A_1441 = tpu.vector_load %arg6[%get3A_1439, %get3A_1440] {strides = array<i32>} : memref<1024x32xf32, #tpu.memory_space<vmem>>, vector<16xf32>,
      %add3A_1442 = arith.addf %add3A_1430, %get3A_1441 : vector<16xf32>
      %get3A_1443 = arith.index_cast %squeeze3A_1438 : i32 to index
      %get3A_1444 = arith.constant 16 : index
      %get3A_1445 = tpu.vector_load %arg6[%get3A_1443, %get3A_1444] {strides = array<i32>} : memref<1024x32xf32, #tpu.memory_space<vmem>>, vector<16xf32>,
      %add3A_1446 = arith.addf %add3A_1434, %get3A_1445 : vector<16xf32>
      %add3A_1447 = arith.addf %add3A_1435, %add3A_1442 : vector<16xf32>
      %add3A_1448 = arith.addf %add3A_1436, %add3A_1446 : vector<16xf32>
      %slice3A_1449 = vector.extract_strided_slice %get3A_58 {offsets = [5], sizes = [1], strides = [1]} : vector<16xi32> to vector<1xi32>
      %squeeze3A_1450 = vector.extract %slice3A_1449[0] : i32 from vector<1xi32>
      %get3A_1451 = arith.index_cast %squeeze3A_1450 : i32 to index
      %get3A_1452 = arith.constant 0 : index
      %get3A_1453 = tpu.vector_load %arg6[%get3A_1451, %get3A_1452] {strides = array<i32>} : memref<1024x32xf32, #tpu.memory_space<vmem>>, vector<16xf32>,
      %get3A_1454 = arith.index_cast %squeeze3A_1450 : i32 to index
      %get3A_1455 = arith.constant 16 : index
      %get3A_1456 = tpu.vector_load %arg6[%get3A_1454, %get3A_1455] {strides = array<i32>} : memref<1024x32xf32, #tpu.memory_space<vmem>>, vector<16xf32>,
      %add3A_1457 = arith.addf %add3A_1442, %get3A_1453 : vector<16xf32>
      %add3A_1458 = arith.addf %add3A_1446, %get3A_1456 : vector<16xf32>
      %broadcast_in_dim3A_1459 = vector.broadcast %squeeze3A_1272 : f32 to vector<16xf32>
      %gt3A_1460 = arith.constant 5.000000e-01 : f32
      %gt3A_1461 = vector.broadcast %gt3A_1460 : f32 to vector<16xf32>
      %gt3A_1462 = arith.cmpf ogt, %broadcast_in_dim3A_1459, %gt3A_1461 : vector<16xf32>
      %mul3A_1463 = arith.constant 5.000000e-01 : f32
      %mul3A_1464 = vector.broadcast %mul3A_1463 : f32 to vector<16xf32>
      %mul3A_1465 = arith.mulf %mul3A_1464, %get3A_1453 : vector<16xf32>
      %mul3A_1466 = vector.broadcast %squeeze3A_1270 : f32 to vector<16xf32>
      %mul3A_1467 = arith.mulf %mul3A_1466, %add3A_1447 : vector<16xf32>
      %select_n3A_1468 = arith.select %gt3A_1462, %mul3A_1465, %mul3A_1467 : vector<16xi1>, vector<16xf32>
      %mul3A_1469 = arith.constant 5.000000e-01 : f32
      %mul3A_1470 = vector.broadcast %mul3A_1469 : f32 to vector<16xf32>
      %mul3A_1471 = arith.mulf %mul3A_1470, %get3A_1456 : vector<16xf32>
      %mul3A_1472 = vector.broadcast %squeeze3A_1270 : f32 to vector<16xf32>
      %mul3A_1473 = arith.mulf %mul3A_1472, %add3A_1448 : vector<16xf32>
      %select_n3A_1474 = arith.select %gt3A_1462, %mul3A_1471, %mul3A_1473 : vector<16xi1>, vector<16xf32>
      %swap3A_1475 = arith.index_cast %add3A_1268 : i32 to index
      %swap3A_1476 = arith.constant 0 : index
      %swap3A_1477 = tpu.vector_load %arg9[%swap3A_1475, %swap3A_1476] {strides = array<i32>} : memref<1024x32xf32, #tpu.memory_space<vmem>>, vector<16xf32>,
      tpu.vector_store %arg9[%swap3A_1475, %swap3A_1476], %add3A_1457 {strides = array<i32>} : memref<1024x32xf32, #tpu.memory_space<vmem>>, vector<16xf32>,
      %swap3A_1478 = arith.index_cast %add3A_1268 : i32 to index
      %swap3A_1479 = arith.constant 16 : index
      %swap3A_1480 = tpu.vector_load %arg9[%swap3A_1478, %swap3A_1479] {strides = array<i32>} : memref<1024x32xf32, #tpu.memory_space<vmem>>, vector<16xf32>,
      tpu.vector_store %arg9[%swap3A_1478, %swap3A_1479], %add3A_1458 {strides = array<i32>} : memref<1024x32xf32, #tpu.memory_space<vmem>>, vector<16xf32>,
      %swap3A_1481 = arith.index_cast %add3A_1268 : i32 to index
      %swap3A_1482 = arith.constant 0 : index
      %swap3A_1483 = tpu.vector_load %arg8[%swap3A_1481, %swap3A_1482] {strides = array<i32>} : memref<1024x32xf32, #tpu.memory_space<vmem>>, vector<16xf32>,
      tpu.vector_store %arg8[%swap3A_1481, %swap3A_1482], %select_n3A_1468 {strides = array<i32>} : memref<1024x32xf32, #tpu.memory_space<vmem>>, vector<16xf32>,
      %swap3A_1484 = arith.index_cast %add3A_1268 : i32 to index
      %swap3A_1485 = arith.constant 16 : index
      %swap3A_1486 = tpu.vector_load %arg8[%swap3A_1484, %swap3A_1485] {strides = array<i32>} : memref<1024x32xf32, #tpu.memory_space<vmem>>, vector<16xf32>,
      tpu.vector_store %arg8[%swap3A_1484, %swap3A_1485], %select_n3A_1474 {strides = array<i32>} : memref<1024x32xf32, #tpu.memory_space<vmem>>, vector<16xf32>,
      %add3A_1487 = arith.constant 6 : i32
      %add3A_1488 = arith.addi %mul3A_50, %add3A_1487 : i32
      %slice3A_1489 = vector.extract_strided_slice %div3A_168 {offsets = [6], sizes = [1], strides = [1]} : vector<16xf32> to vector<1xf32>
      %squeeze3A_1490 = vector.extract %slice3A_1489[0] : f32 from vector<1xf32>
      %slice3A_1491 = vector.extract_strided_slice %select_n3A_170 {offsets = [6], sizes = [1], strides = [1]} : vector<16xf32> to vector<1xf32>
      %squeeze3A_1492 = vector.extract %slice3A_1491[0] : f32 from vector<1xf32>
      %slice3A_1493 = vector.extract_strided_slice %get3A_118 {offsets = [6], sizes = [1], strides = [1]} : vector<16xi32> to vector<1xi32>
      %squeeze3A_1494 = vector.extract %slice3A_1493[0] : i32 from vector<1xi32>
      %get3A_1495 = arith.index_cast %squeeze3A_1494 : i32 to index
      %get3A_1496 = arith.constant 0 : index
      %get3A_1497 = tpu.vector_load %arg6[%get3A_1495, %get3A_1496] {strides = array<i32>} : memref<1024x32xf32, #tpu.memory_space<vmem>>, vector<16xf32>,
      %get3A_1498 = arith.index_cast %squeeze3A_1494 : i32 to index
      %get3A_1499 = arith.constant 16 : index
      %get3A_1500 = tpu.vector_load %arg6[%get3A_1498, %get3A_1499] {strides = array<i32>} : memref<1024x32xf32, #tpu.memory_space<vmem>>, vector<16xf32>,
      %slice3A_1501 = vector.extract_strided_slice %get3A_114 {offsets = [6], sizes = [1], strides = [1]} : vector<16xi32> to vector<1xi32>
      %squeeze3A_1502 = vector.extract %slice3A_1501[0] : i32 from vector<1xi32>
      %get3A_1503 = arith.index_cast %squeeze3A_1502 : i32 to index
      %get3A_1504 = arith.constant 0 : index
      %get3A_1505 = tpu.vector_load %arg6[%get3A_1503, %get3A_1504] {strides = array<i32>} : memref<1024x32xf32, #tpu.memory_space<vmem>>, vector<16xf32>,
      %add3A_1506 = arith.addf %get3A_1497, %get3A_1505 : vector<16xf32>
      %get3A_1507 = arith.index_cast %squeeze3A_1502 : i32 to index
      %get3A_1508 = arith.constant 16 : index
      %get3A_1509 = tpu.vector_load %arg6[%get3A_1507, %get3A_1508] {strides = array<i32>} : memref<1024x32xf32, #tpu.memory_space<vmem>>, vector<16xf32>,
      %add3A_1510 = arith.addf %get3A_1500, %get3A_1509 : vector<16xf32>
      %add3A_1511 = arith.addf %get3A_1497, %add3A_1506 : vector<16xf32>
      %add3A_1512 = arith.addf %get3A_1500, %add3A_1510 : vector<16xf32>
      %slice3A_1513 = vector.extract_strided_slice %get3A_110 {offsets = [6], sizes = [1], strides = [1]} : vector<16xi32> to vector<1xi32>
      %squeeze3A_1514 = vector.extract %slice3A_1513[0] : i32 from vector<1xi32>
      %get3A_1515 = arith.index_cast %squeeze3A_1514 : i32 to index
      %get3A_1516 = arith.constant 0 : index
      %get3A_1517 = tpu.vector_load %arg6[%get3A_1515, %get3A_1516] {strides = array<i32>} : memref<1024x32xf32, #tpu.memory_space<vmem>>, vector<16xf32>,
      %add3A_1518 = arith.addf %add3A_1506, %get3A_1517 : vector<16xf32>
      %get3A_1519 = arith.index_cast %squeeze3A_1514 : i32 to index
      %get3A_1520 = arith.constant 16 : index
      %get3A_1521 = tpu.vector_load %arg6[%get3A_1519, %get3A_1520] {strides = array<i32>} : memref<1024x32xf32, #tpu.memory_space<vmem>>, vector<16xf32>,
      %add3A_1522 = arith.addf %add3A_1510, %get3A_1521 : vector<16xf32>
      %add3A_1523 = arith.addf %add3A_1511, %add3A_1518 : vector<16xf32>
      %add3A_1524 = arith.addf %add3A_1512, %add3A_1522 : vector<16xf32>
      %slice3A_1525 = vector.extract_strided_slice %get3A_106 {offsets = [6], sizes = [1], strides = [1]} : vector<16xi32> to vector<1xi32>
      %squeeze3A_1526 = vector.extract %slice3A_1525[0] : i32 from vector<1xi32>
      %get3A_1527 = arith.index_cast %squeeze3A_1526 : i32 to index
      %get3A_1528 = arith.constant 0 : index
      %get3A_1529 = tpu.vector_load %arg6[%get3A_1527, %get3A_1528] {strides = array<i32>} : memref<1024x32xf32, #tpu.memory_space<vmem>>, vector<16xf32>,
      %add3A_1530 = arith.addf %add3A_1518, %get3A_1529 : vector<16xf32>
      %get3A_1531 = arith.index_cast %squeeze3A_1526 : i32 to index
      %get3A_1532 = arith.constant 16 : index
      %get3A_1533 = tpu.vector_load %arg6[%get3A_1531, %get3A_1532] {strides = array<i32>} : memref<1024x32xf32, #tpu.memory_space<vmem>>, vector<16xf32>,
      %add3A_1534 = arith.addf %add3A_1522, %get3A_1533 : vector<16xf32>
      %add3A_1535 = arith.addf %add3A_1523, %add3A_1530 : vector<16xf32>
      %add3A_1536 = arith.addf %add3A_1524, %add3A_1534 : vector<16xf32>
      %slice3A_1537 = vector.extract_strided_slice %get3A_102 {offsets = [6], sizes = [1], strides = [1]} : vector<16xi32> to vector<1xi32>
      %squeeze3A_1538 = vector.extract %slice3A_1537[0] : i32 from vector<1xi32>
      %get3A_1539 = arith.index_cast %squeeze3A_1538 : i32 to index
      %get3A_1540 = arith.constant 0 : index
      %get3A_1541 = tpu.vector_load %arg6[%get3A_1539, %get3A_1540] {strides = array<i32>} : memref<1024x32xf32, #tpu.memory_space<vmem>>, vector<16xf32>,
      %add3A_1542 = arith.addf %add3A_1530, %get3A_1541 : vector<16xf32>
      %get3A_1543 = arith.index_cast %squeeze3A_1538 : i32 to index
      %get3A_1544 = arith.constant 16 : index
      %get3A_1545 = tpu.vector_load %arg6[%get3A_1543, %get3A_1544] {strides = array<i32>} : memref<1024x32xf32, #tpu.memory_space<vmem>>, vector<16xf32>,
      %add3A_1546 = arith.addf %add3A_1534, %get3A_1545 : vector<16xf32>
      %add3A_1547 = arith.addf %add3A_1535, %add3A_1542 : vector<16xf32>
      %add3A_1548 = arith.addf %add3A_1536, %add3A_1546 : vector<16xf32>
      %slice3A_1549 = vector.extract_strided_slice %get3A_98 {offsets = [6], sizes = [1], strides = [1]} : vector<16xi32> to vector<1xi32>
      %squeeze3A_1550 = vector.extract %slice3A_1549[0] : i32 from vector<1xi32>
      %get3A_1551 = arith.index_cast %squeeze3A_1550 : i32 to index
      %get3A_1552 = arith.constant 0 : index
      %get3A_1553 = tpu.vector_load %arg6[%get3A_1551, %get3A_1552] {strides = array<i32>} : memref<1024x32xf32, #tpu.memory_space<vmem>>, vector<16xf32>,
      %add3A_1554 = arith.addf %add3A_1542, %get3A_1553 : vector<16xf32>
      %get3A_1555 = arith.index_cast %squeeze3A_1550 : i32 to index
      %get3A_1556 = arith.constant 16 : index
      %get3A_1557 = tpu.vector_load %arg6[%get3A_1555, %get3A_1556] {strides = array<i32>} : memref<1024x32xf32, #tpu.memory_space<vmem>>, vector<16xf32>,
      %add3A_1558 = arith.addf %add3A_1546, %get3A_1557 : vector<16xf32>
      %add3A_1559 = arith.addf %add3A_1547, %add3A_1554 : vector<16xf32>
      %add3A_1560 = arith.addf %add3A_1548, %add3A_1558 : vector<16xf32>
      %slice3A_1561 = vector.extract_strided_slice %get3A_94 {offsets = [6], sizes = [1], strides = [1]} : vector<16xi32> to vector<1xi32>
      %squeeze3A_1562 = vector.extract %slice3A_1561[0] : i32 from vector<1xi32>
      %get3A_1563 = arith.index_cast %squeeze3A_1562 : i32 to index
      %get3A_1564 = arith.constant 0 : index
      %get3A_1565 = tpu.vector_load %arg6[%get3A_1563, %get3A_1564] {strides = array<i32>} : memref<1024x32xf32, #tpu.memory_space<vmem>>, vector<16xf32>,
      %add3A_1566 = arith.addf %add3A_1554, %get3A_1565 : vector<16xf32>
      %get3A_1567 = arith.index_cast %squeeze3A_1562 : i32 to index
      %get3A_1568 = arith.constant 16 : index
      %get3A_1569 = tpu.vector_load %arg6[%get3A_1567, %get3A_1568] {strides = array<i32>} : memref<1024x32xf32, #tpu.memory_space<vmem>>, vector<16xf32>,
      %add3A_1570 = arith.addf %add3A_1558, %get3A_1569 : vector<16xf32>
      %add3A_1571 = arith.addf %add3A_1559, %add3A_1566 : vector<16xf32>
      %add3A_1572 = arith.addf %add3A_1560, %add3A_1570 : vector<16xf32>
      %slice3A_1573 = vector.extract_strided_slice %get3A_90 {offsets = [6], sizes = [1], strides = [1]} : vector<16xi32> to vector<1xi32>
      %squeeze3A_1574 = vector.extract %slice3A_1573[0] : i32 from vector<1xi32>
      %get3A_1575 = arith.index_cast %squeeze3A_1574 : i32 to index
      %get3A_1576 = arith.constant 0 : index
      %get3A_1577 = tpu.vector_load %arg6[%get3A_1575, %get3A_1576] {strides = array<i32>} : memref<1024x32xf32, #tpu.memory_space<vmem>>, vector<16xf32>,
      %add3A_1578 = arith.addf %add3A_1566, %get3A_1577 : vector<16xf32>
      %get3A_1579 = arith.index_cast %squeeze3A_1574 : i32 to index
      %get3A_1580 = arith.constant 16 : index
      %get3A_1581 = tpu.vector_load %arg6[%get3A_1579, %get3A_1580] {strides = array<i32>} : memref<1024x32xf32, #tpu.memory_space<vmem>>, vector<16xf32>,
      %add3A_1582 = arith.addf %add3A_1570, %get3A_1581 : vector<16xf32>
      %add3A_1583 = arith.addf %add3A_1571, %add3A_1578 : vector<16xf32>
      %add3A_1584 = arith.addf %add3A_1572, %add3A_1582 : vector<16xf32>
      %slice3A_1585 = vector.extract_strided_slice %get3A_86 {offsets = [6], sizes = [1], strides = [1]} : vector<16xi32> to vector<1xi32>
      %squeeze3A_1586 = vector.extract %slice3A_1585[0] : i32 from vector<1xi32>
      %get3A_1587 = arith.index_cast %squeeze3A_1586 : i32 to index
      %get3A_1588 = arith.constant 0 : index
      %get3A_1589 = tpu.vector_load %arg6[%get3A_1587, %get3A_1588] {strides = array<i32>} : memref<1024x32xf32, #tpu.memory_space<vmem>>, vector<16xf32>,
      %add3A_1590 = arith.addf %add3A_1578, %get3A_1589 : vector<16xf32>
      %get3A_1591 = arith.index_cast %squeeze3A_1586 : i32 to index
      %get3A_1592 = arith.constant 16 : index
      %get3A_1593 = tpu.vector_load %arg6[%get3A_1591, %get3A_1592] {strides = array<i32>} : memref<1024x32xf32, #tpu.memory_space<vmem>>, vector<16xf32>,
      %add3A_1594 = arith.addf %add3A_1582, %get3A_1593 : vector<16xf32>
      %add3A_1595 = arith.addf %add3A_1583, %add3A_1590 : vector<16xf32>
      %add3A_1596 = arith.addf %add3A_1584, %add3A_1594 : vector<16xf32>
      %slice3A_1597 = vector.extract_strided_slice %get3A_82 {offsets = [6], sizes = [1], strides = [1]} : vector<16xi32> to vector<1xi32>
      %squeeze3A_1598 = vector.extract %slice3A_1597[0] : i32 from vector<1xi32>
      %get3A_1599 = arith.index_cast %squeeze3A_1598 : i32 to index
      %get3A_1600 = arith.constant 0 : index
      %get3A_1601 = tpu.vector_load %arg6[%get3A_1599, %get3A_1600] {strides = array<i32>} : memref<1024x32xf32, #tpu.memory_space<vmem>>, vector<16xf32>,
      %add3A_1602 = arith.addf %add3A_1590, %get3A_1601 : vector<16xf32>
      %get3A_1603 = arith.index_cast %squeeze3A_1598 : i32 to index
      %get3A_1604 = arith.constant 16 : index
      %get3A_1605 = tpu.vector_load %arg6[%get3A_1603, %get3A_1604] {strides = array<i32>} : memref<1024x32xf32, #tpu.memory_space<vmem>>, vector<16xf32>,
      %add3A_1606 = arith.addf %add3A_1594, %get3A_1605 : vector<16xf32>
      %add3A_1607 = arith.addf %add3A_1595, %add3A_1602 : vector<16xf32>
      %add3A_1608 = arith.addf %add3A_1596, %add3A_1606 : vector<16xf32>
      %slice3A_1609 = vector.extract_strided_slice %get3A_78 {offsets = [6], sizes = [1], strides = [1]} : vector<16xi32> to vector<1xi32>
      %squeeze3A_1610 = vector.extract %slice3A_1609[0] : i32 from vector<1xi32>
      %get3A_1611 = arith.index_cast %squeeze3A_1610 : i32 to index
      %get3A_1612 = arith.constant 0 : index
      %get3A_1613 = tpu.vector_load %arg6[%get3A_1611, %get3A_1612] {strides = array<i32>} : memref<1024x32xf32, #tpu.memory_space<vmem>>, vector<16xf32>,
      %add3A_1614 = arith.addf %add3A_1602, %get3A_1613 : vector<16xf32>
      %get3A_1615 = arith.index_cast %squeeze3A_1610 : i32 to index
      %get3A_1616 = arith.constant 16 : index
      %get3A_1617 = tpu.vector_load %arg6[%get3A_1615, %get3A_1616] {strides = array<i32>} : memref<1024x32xf32, #tpu.memory_space<vmem>>, vector<16xf32>,
      %add3A_1618 = arith.addf %add3A_1606, %get3A_1617 : vector<16xf32>
      %add3A_1619 = arith.addf %add3A_1607, %add3A_1614 : vector<16xf32>
      %add3A_1620 = arith.addf %add3A_1608, %add3A_1618 : vector<16xf32>
      %slice3A_1621 = vector.extract_strided_slice %get3A_74 {offsets = [6], sizes = [1], strides = [1]} : vector<16xi32> to vector<1xi32>
      %squeeze3A_1622 = vector.extract %slice3A_1621[0] : i32 from vector<1xi32>
      %get3A_1623 = arith.index_cast %squeeze3A_1622 : i32 to index
      %get3A_1624 = arith.constant 0 : index
      %get3A_1625 = tpu.vector_load %arg6[%get3A_1623, %get3A_1624] {strides = array<i32>} : memref<1024x32xf32, #tpu.memory_space<vmem>>, vector<16xf32>,
      %add3A_1626 = arith.addf %add3A_1614, %get3A_1625 : vector<16xf32>
      %get3A_1627 = arith.index_cast %squeeze3A_1622 : i32 to index
      %get3A_1628 = arith.constant 16 : index
      %get3A_1629 = tpu.vector_load %arg6[%get3A_1627, %get3A_1628] {strides = array<i32>} : memref<1024x32xf32, #tpu.memory_space<vmem>>, vector<16xf32>,
      %add3A_1630 = arith.addf %add3A_1618, %get3A_1629 : vector<16xf32>
      %add3A_1631 = arith.addf %add3A_1619, %add3A_1626 : vector<16xf32>
      %add3A_1632 = arith.addf %add3A_1620, %add3A_1630 : vector<16xf32>
      %slice3A_1633 = vector.extract_strided_slice %get3A_70 {offsets = [6], sizes = [1], strides = [1]} : vector<16xi32> to vector<1xi32>
      %squeeze3A_1634 = vector.extract %slice3A_1633[0] : i32 from vector<1xi32>
      %get3A_1635 = arith.index_cast %squeeze3A_1634 : i32 to index
      %get3A_1636 = arith.constant 0 : index
      %get3A_1637 = tpu.vector_load %arg6[%get3A_1635, %get3A_1636] {strides = array<i32>} : memref<1024x32xf32, #tpu.memory_space<vmem>>, vector<16xf32>,
      %add3A_1638 = arith.addf %add3A_1626, %get3A_1637 : vector<16xf32>
      %get3A_1639 = arith.index_cast %squeeze3A_1634 : i32 to index
      %get3A_1640 = arith.constant 16 : index
      %get3A_1641 = tpu.vector_load %arg6[%get3A_1639, %get3A_1640] {strides = array<i32>} : memref<1024x32xf32, #tpu.memory_space<vmem>>, vector<16xf32>,
      %add3A_1642 = arith.addf %add3A_1630, %get3A_1641 : vector<16xf32>
      %add3A_1643 = arith.addf %add3A_1631, %add3A_1638 : vector<16xf32>
      %add3A_1644 = arith.addf %add3A_1632, %add3A_1642 : vector<16xf32>
      %slice3A_1645 = vector.extract_strided_slice %get3A_66 {offsets = [6], sizes = [1], strides = [1]} : vector<16xi32> to vector<1xi32>
      %squeeze3A_1646 = vector.extract %slice3A_1645[0] : i32 from vector<1xi32>
      %get3A_1647 = arith.index_cast %squeeze3A_1646 : i32 to index
      %get3A_1648 = arith.constant 0 : index
      %get3A_1649 = tpu.vector_load %arg6[%get3A_1647, %get3A_1648] {strides = array<i32>} : memref<1024x32xf32, #tpu.memory_space<vmem>>, vector<16xf32>,
      %add3A_1650 = arith.addf %add3A_1638, %get3A_1649 : vector<16xf32>
      %get3A_1651 = arith.index_cast %squeeze3A_1646 : i32 to index
      %get3A_1652 = arith.constant 16 : index
      %get3A_1653 = tpu.vector_load %arg6[%get3A_1651, %get3A_1652] {strides = array<i32>} : memref<1024x32xf32, #tpu.memory_space<vmem>>, vector<16xf32>,
      %add3A_1654 = arith.addf %add3A_1642, %get3A_1653 : vector<16xf32>
      %add3A_1655 = arith.addf %add3A_1643, %add3A_1650 : vector<16xf32>
      %add3A_1656 = arith.addf %add3A_1644, %add3A_1654 : vector<16xf32>
      %slice3A_1657 = vector.extract_strided_slice %get3A_62 {offsets = [6], sizes = [1], strides = [1]} : vector<16xi32> to vector<1xi32>
      %squeeze3A_1658 = vector.extract %slice3A_1657[0] : i32 from vector<1xi32>
      %get3A_1659 = arith.index_cast %squeeze3A_1658 : i32 to index
      %get3A_1660 = arith.constant 0 : index
      %get3A_1661 = tpu.vector_load %arg6[%get3A_1659, %get3A_1660] {strides = array<i32>} : memref<1024x32xf32, #tpu.memory_space<vmem>>, vector<16xf32>,
      %add3A_1662 = arith.addf %add3A_1650, %get3A_1661 : vector<16xf32>
      %get3A_1663 = arith.index_cast %squeeze3A_1658 : i32 to index
      %get3A_1664 = arith.constant 16 : index
      %get3A_1665 = tpu.vector_load %arg6[%get3A_1663, %get3A_1664] {strides = array<i32>} : memref<1024x32xf32, #tpu.memory_space<vmem>>, vector<16xf32>,
      %add3A_1666 = arith.addf %add3A_1654, %get3A_1665 : vector<16xf32>
      %add3A_1667 = arith.addf %add3A_1655, %add3A_1662 : vector<16xf32>
      %add3A_1668 = arith.addf %add3A_1656, %add3A_1666 : vector<16xf32>
      %slice3A_1669 = vector.extract_strided_slice %get3A_58 {offsets = [6], sizes = [1], strides = [1]} : vector<16xi32> to vector<1xi32>
      %squeeze3A_1670 = vector.extract %slice3A_1669[0] : i32 from vector<1xi32>
      %get3A_1671 = arith.index_cast %squeeze3A_1670 : i32 to index
      %get3A_1672 = arith.constant 0 : index
      %get3A_1673 = tpu.vector_load %arg6[%get3A_1671, %get3A_1672] {strides = array<i32>} : memref<1024x32xf32, #tpu.memory_space<vmem>>, vector<16xf32>,
      %get3A_1674 = arith.index_cast %squeeze3A_1670 : i32 to index
      %get3A_1675 = arith.constant 16 : index
      %get3A_1676 = tpu.vector_load %arg6[%get3A_1674, %get3A_1675] {strides = array<i32>} : memref<1024x32xf32, #tpu.memory_space<vmem>>, vector<16xf32>,
      %add3A_1677 = arith.addf %add3A_1662, %get3A_1673 : vector<16xf32>
      %add3A_1678 = arith.addf %add3A_1666, %get3A_1676 : vector<16xf32>
      %broadcast_in_dim3A_1679 = vector.broadcast %squeeze3A_1492 : f32 to vector<16xf32>
      %gt3A_1680 = arith.constant 5.000000e-01 : f32
      %gt3A_1681 = vector.broadcast %gt3A_1680 : f32 to vector<16xf32>
      %gt3A_1682 = arith.cmpf ogt, %broadcast_in_dim3A_1679, %gt3A_1681 : vector<16xf32>
      %mul3A_1683 = arith.constant 5.000000e-01 : f32
      %mul3A_1684 = vector.broadcast %mul3A_1683 : f32 to vector<16xf32>
      %mul3A_1685 = arith.mulf %mul3A_1684, %get3A_1673 : vector<16xf32>
      %mul3A_1686 = vector.broadcast %squeeze3A_1490 : f32 to vector<16xf32>
      %mul3A_1687 = arith.mulf %mul3A_1686, %add3A_1667 : vector<16xf32>
      %select_n3A_1688 = arith.select %gt3A_1682, %mul3A_1685, %mul3A_1687 : vector<16xi1>, vector<16xf32>
      %mul3A_1689 = arith.constant 5.000000e-01 : f32
      %mul3A_1690 = vector.broadcast %mul3A_1689 : f32 to vector<16xf32>
      %mul3A_1691 = arith.mulf %mul3A_1690, %get3A_1676 : vector<16xf32>
      %mul3A_1692 = vector.broadcast %squeeze3A_1490 : f32 to vector<16xf32>
      %mul3A_1693 = arith.mulf %mul3A_1692, %add3A_1668 : vector<16xf32>
      %select_n3A_1694 = arith.select %gt3A_1682, %mul3A_1691, %mul3A_1693 : vector<16xi1>, vector<16xf32>
      %swap3A_1695 = arith.index_cast %add3A_1488 : i32 to index
      %swap3A_1696 = arith.constant 0 : index
      %swap3A_1697 = tpu.vector_load %arg9[%swap3A_1695, %swap3A_1696] {strides = array<i32>} : memref<1024x32xf32, #tpu.memory_space<vmem>>, vector<16xf32>,
      tpu.vector_store %arg9[%swap3A_1695, %swap3A_1696], %add3A_1677 {strides = array<i32>} : memref<1024x32xf32, #tpu.memory_space<vmem>>, vector<16xf32>,
      %swap3A_1698 = arith.index_cast %add3A_1488 : i32 to index
      %swap3A_1699 = arith.constant 16 : index
      %swap3A_1700 = tpu.vector_load %arg9[%swap3A_1698, %swap3A_1699] {strides = array<i32>} : memref<1024x32xf32, #tpu.memory_space<vmem>>, vector<16xf32>,
      tpu.vector_store %arg9[%swap3A_1698, %swap3A_1699], %add3A_1678 {strides = array<i32>} : memref<1024x32xf32, #tpu.memory_space<vmem>>, vector<16xf32>,
      %swap3A_1701 = arith.index_cast %add3A_1488 : i32 to index
      %swap3A_1702 = arith.constant 0 : index
      %swap3A_1703 = tpu.vector_load %arg8[%swap3A_1701, %swap3A_1702] {strides = array<i32>} : memref<1024x32xf32, #tpu.memory_space<vmem>>, vector<16xf32>,
      tpu.vector_store %arg8[%swap3A_1701, %swap3A_1702], %select_n3A_1688 {strides = array<i32>} : memref<1024x32xf32, #tpu.memory_space<vmem>>, vector<16xf32>,
      %swap3A_1704 = arith.index_cast %add3A_1488 : i32 to index
      %swap3A_1705 = arith.constant 16 : index
      %swap3A_1706 = tpu.vector_load %arg8[%swap3A_1704, %swap3A_1705] {strides = array<i32>} : memref<1024x32xf32, #tpu.memory_space<vmem>>, vector<16xf32>,
      tpu.vector_store %arg8[%swap3A_1704, %swap3A_1705], %select_n3A_1694 {strides = array<i32>} : memref<1024x32xf32, #tpu.memory_space<vmem>>, vector<16xf32>,
      %add3A_1707 = arith.constant 7 : i32
      %add3A_1708 = arith.addi %mul3A_50, %add3A_1707 : i32
      %slice3A_1709 = vector.extract_strided_slice %div3A_168 {offsets = [7], sizes = [1], strides = [1]} : vector<16xf32> to vector<1xf32>
      %squeeze3A_1710 = vector.extract %slice3A_1709[0] : f32 from vector<1xf32>
      %slice3A_1711 = vector.extract_strided_slice %select_n3A_170 {offsets = [7], sizes = [1], strides = [1]} : vector<16xf32> to vector<1xf32>
      %squeeze3A_1712 = vector.extract %slice3A_1711[0] : f32 from vector<1xf32>
      %slice3A_1713 = vector.extract_strided_slice %get3A_118 {offsets = [7], sizes = [1], strides = [1]} : vector<16xi32> to vector<1xi32>
      %squeeze3A_1714 = vector.extract %slice3A_1713[0] : i32 from vector<1xi32>
      %get3A_1715 = arith.index_cast %squeeze3A_1714 : i32 to index
      %get3A_1716 = arith.constant 0 : index
      %get3A_1717 = tpu.vector_load %arg6[%get3A_1715, %get3A_1716] {strides = array<i32>} : memref<1024x32xf32, #tpu.memory_space<vmem>>, vector<16xf32>,
      %get3A_1718 = arith.index_cast %squeeze3A_1714 : i32 to index
      %get3A_1719 = arith.constant 16 : index
      %get3A_1720 = tpu.vector_load %arg6[%get3A_1718, %get3A_1719] {strides = array<i32>} : memref<1024x32xf32, #tpu.memory_space<vmem>>, vector<16xf32>,
      %slice3A_1721 = vector.extract_strided_slice %get3A_114 {offsets = [7], sizes = [1], strides = [1]} : vector<16xi32> to vector<1xi32>
      %squeeze3A_1722 = vector.extract %slice3A_1721[0] : i32 from vector<1xi32>
      %get3A_1723 = arith.index_cast %squeeze3A_1722 : i32 to index
      %get3A_1724 = arith.constant 0 : index
      %get3A_1725 = tpu.vector_load %arg6[%get3A_1723, %get3A_1724] {strides = array<i32>} : memref<1024x32xf32, #tpu.memory_space<vmem>>, vector<16xf32>,
      %add3A_1726 = arith.addf %get3A_1717, %get3A_1725 : vector<16xf32>
      %get3A_1727 = arith.index_cast %squeeze3A_1722 : i32 to index
      %get3A_1728 = arith.constant 16 : index
      %get3A_1729 = tpu.vector_load %arg6[%get3A_1727, %get3A_1728] {strides = array<i32>} : memref<1024x32xf32, #tpu.memory_space<vmem>>, vector<16xf32>,
      %add3A_1730 = arith.addf %get3A_1720, %get3A_1729 : vector<16xf32>
      %add3A_1731 = arith.addf %get3A_1717, %add3A_1726 : vector<16xf32>
      %add3A_1732 = arith.addf %get3A_1720, %add3A_1730 : vector<16xf32>
      %slice3A_1733 = vector.extract_strided_slice %get3A_110 {offsets = [7], sizes = [1], strides = [1]} : vector<16xi32> to vector<1xi32>
      %squeeze3A_1734 = vector.extract %slice3A_1733[0] : i32 from vector<1xi32>
      %get3A_1735 = arith.index_cast %squeeze3A_1734 : i32 to index
      %get3A_1736 = arith.constant 0 : index
      %get3A_1737 = tpu.vector_load %arg6[%get3A_1735, %get3A_1736] {strides = array<i32>} : memref<1024x32xf32, #tpu.memory_space<vmem>>, vector<16xf32>,
      %add3A_1738 = arith.addf %add3A_1726, %get3A_1737 : vector<16xf32>
      %get3A_1739 = arith.index_cast %squeeze3A_1734 : i32 to index
      %get3A_1740 = arith.constant 16 : index
      %get3A_1741 = tpu.vector_load %arg6[%get3A_1739, %get3A_1740] {strides = array<i32>} : memref<1024x32xf32, #tpu.memory_space<vmem>>, vector<16xf32>,
      %add3A_1742 = arith.addf %add3A_1730, %get3A_1741 : vector<16xf32>
      %add3A_1743 = arith.addf %add3A_1731, %add3A_1738 : vector<16xf32>
      %add3A_1744 = arith.addf %add3A_1732, %add3A_1742 : vector<16xf32>
      %slice3A_1745 = vector.extract_strided_slice %get3A_106 {offsets = [7], sizes = [1], strides = [1]} : vector<16xi32> to vector<1xi32>
      %squeeze3A_1746 = vector.extract %slice3A_1745[0] : i32 from vector<1xi32>
      %get3A_1747 = arith.index_cast %squeeze3A_1746 : i32 to index
      %get3A_1748 = arith.constant 0 : index
      %get3A_1749 = tpu.vector_load %arg6[%get3A_1747, %get3A_1748] {strides = array<i32>} : memref<1024x32xf32, #tpu.memory_space<vmem>>, vector<16xf32>,
      %add3A_1750 = arith.addf %add3A_1738, %get3A_1749 : vector<16xf32>
      %get3A_1751 = arith.index_cast %squeeze3A_1746 : i32 to index
      %get3A_1752 = arith.constant 16 : index
      %get3A_1753 = tpu.vector_load %arg6[%get3A_1751, %get3A_1752] {strides = array<i32>} : memref<1024x32xf32, #tpu.memory_space<vmem>>, vector<16xf32>,
      %add3A_1754 = arith.addf %add3A_1742, %get3A_1753 : vector<16xf32>
      %add3A_1755 = arith.addf %add3A_1743, %add3A_1750 : vector<16xf32>
      %add3A_1756 = arith.addf %add3A_1744, %add3A_1754 : vector<16xf32>
      %slice3A_1757 = vector.extract_strided_slice %get3A_102 {offsets = [7], sizes = [1], strides = [1]} : vector<16xi32> to vector<1xi32>
      %squeeze3A_1758 = vector.extract %slice3A_1757[0] : i32 from vector<1xi32>
      %get3A_1759 = arith.index_cast %squeeze3A_1758 : i32 to index
      %get3A_1760 = arith.constant 0 : index
      %get3A_1761 = tpu.vector_load %arg6[%get3A_1759, %get3A_1760] {strides = array<i32>} : memref<1024x32xf32, #tpu.memory_space<vmem>>, vector<16xf32>,
      %add3A_1762 = arith.addf %add3A_1750, %get3A_1761 : vector<16xf32>
      %get3A_1763 = arith.index_cast %squeeze3A_1758 : i32 to index
      %get3A_1764 = arith.constant 16 : index
      %get3A_1765 = tpu.vector_load %arg6[%get3A_1763, %get3A_1764] {strides = array<i32>} : memref<1024x32xf32, #tpu.memory_space<vmem>>, vector<16xf32>,
      %add3A_1766 = arith.addf %add3A_1754, %get3A_1765 : vector<16xf32>
      %add3A_1767 = arith.addf %add3A_1755, %add3A_1762 : vector<16xf32>
      %add3A_1768 = arith.addf %add3A_1756, %add3A_1766 : vector<16xf32>
      %slice3A_1769 = vector.extract_strided_slice %get3A_98 {offsets = [7], sizes = [1], strides = [1]} : vector<16xi32> to vector<1xi32>
      %squeeze3A_1770 = vector.extract %slice3A_1769[0] : i32 from vector<1xi32>
      %get3A_1771 = arith.index_cast %squeeze3A_1770 : i32 to index
      %get3A_1772 = arith.constant 0 : index
      %get3A_1773 = tpu.vector_load %arg6[%get3A_1771, %get3A_1772] {strides = array<i32>} : memref<1024x32xf32, #tpu.memory_space<vmem>>, vector<16xf32>,
      %add3A_1774 = arith.addf %add3A_1762, %get3A_1773 : vector<16xf32>
      %get3A_1775 = arith.index_cast %squeeze3A_1770 : i32 to index
      %get3A_1776 = arith.constant 16 : index
      %get3A_1777 = tpu.vector_load %arg6[%get3A_1775, %get3A_1776] {strides = array<i32>} : memref<1024x32xf32, #tpu.memory_space<vmem>>, vector<16xf32>,
      %add3A_1778 = arith.addf %add3A_1766, %get3A_1777 : vector<16xf32>
      %add3A_1779 = arith.addf %add3A_1767, %add3A_1774 : vector<16xf32>
      %add3A_1780 = arith.addf %add3A_1768, %add3A_1778 : vector<16xf32>
      %slice3A_1781 = vector.extract_strided_slice %get3A_94 {offsets = [7], sizes = [1], strides = [1]} : vector<16xi32> to vector<1xi32>
      %squeeze3A_1782 = vector.extract %slice3A_1781[0] : i32 from vector<1xi32>
      %get3A_1783 = arith.index_cast %squeeze3A_1782 : i32 to index
      %get3A_1784 = arith.constant 0 : index
      %get3A_1785 = tpu.vector_load %arg6[%get3A_1783, %get3A_1784] {strides = array<i32>} : memref<1024x32xf32, #tpu.memory_space<vmem>>, vector<16xf32>,
      %add3A_1786 = arith.addf %add3A_1774, %get3A_1785 : vector<16xf32>
      %get3A_1787 = arith.index_cast %squeeze3A_1782 : i32 to index
      %get3A_1788 = arith.constant 16 : index
      %get3A_1789 = tpu.vector_load %arg6[%get3A_1787, %get3A_1788] {strides = array<i32>} : memref<1024x32xf32, #tpu.memory_space<vmem>>, vector<16xf32>,
      %add3A_1790 = arith.addf %add3A_1778, %get3A_1789 : vector<16xf32>
      %add3A_1791 = arith.addf %add3A_1779, %add3A_1786 : vector<16xf32>
      %add3A_1792 = arith.addf %add3A_1780, %add3A_1790 : vector<16xf32>
      %slice3A_1793 = vector.extract_strided_slice %get3A_90 {offsets = [7], sizes = [1], strides = [1]} : vector<16xi32> to vector<1xi32>
      %squeeze3A_1794 = vector.extract %slice3A_1793[0] : i32 from vector<1xi32>
      %get3A_1795 = arith.index_cast %squeeze3A_1794 : i32 to index
      %get3A_1796 = arith.constant 0 : index
      %get3A_1797 = tpu.vector_load %arg6[%get3A_1795, %get3A_1796] {strides = array<i32>} : memref<1024x32xf32, #tpu.memory_space<vmem>>, vector<16xf32>,
      %add3A_1798 = arith.addf %add3A_1786, %get3A_1797 : vector<16xf32>
      %get3A_1799 = arith.index_cast %squeeze3A_1794 : i32 to index
      %get3A_1800 = arith.constant 16 : index
      %get3A_1801 = tpu.vector_load %arg6[%get3A_1799, %get3A_1800] {strides = array<i32>} : memref<1024x32xf32, #tpu.memory_space<vmem>>, vector<16xf32>,
      %add3A_1802 = arith.addf %add3A_1790, %get3A_1801 : vector<16xf32>
      %add3A_1803 = arith.addf %add3A_1791, %add3A_1798 : vector<16xf32>
      %add3A_1804 = arith.addf %add3A_1792, %add3A_1802 : vector<16xf32>
      %slice3A_1805 = vector.extract_strided_slice %get3A_86 {offsets = [7], sizes = [1], strides = [1]} : vector<16xi32> to vector<1xi32>
      %squeeze3A_1806 = vector.extract %slice3A_1805[0] : i32 from vector<1xi32>
      %get3A_1807 = arith.index_cast %squeeze3A_1806 : i32 to index
      %get3A_1808 = arith.constant 0 : index
      %get3A_1809 = tpu.vector_load %arg6[%get3A_1807, %get3A_1808] {strides = array<i32>} : memref<1024x32xf32, #tpu.memory_space<vmem>>, vector<16xf32>,
      %add3A_1810 = arith.addf %add3A_1798, %get3A_1809 : vector<16xf32>
      %get3A_1811 = arith.index_cast %squeeze3A_1806 : i32 to index
      %get3A_1812 = arith.constant 16 : index
      %get3A_1813 = tpu.vector_load %arg6[%get3A_1811, %get3A_1812] {strides = array<i32>} : memref<1024x32xf32, #tpu.memory_space<vmem>>, vector<16xf32>,
      %add3A_1814 = arith.addf %add3A_1802, %get3A_1813 : vector<16xf32>
      %add3A_1815 = arith.addf %add3A_1803, %add3A_1810 : vector<16xf32>
      %add3A_1816 = arith.addf %add3A_1804, %add3A_1814 : vector<16xf32>
      %slice3A_1817 = vector.extract_strided_slice %get3A_82 {offsets = [7], sizes = [1], strides = [1]} : vector<16xi32> to vector<1xi32>
      %squeeze3A_1818 = vector.extract %slice3A_1817[0] : i32 from vector<1xi32>
      %get3A_1819 = arith.index_cast %squeeze3A_1818 : i32 to index
      %get3A_1820 = arith.constant 0 : index
      %get3A_1821 = tpu.vector_load %arg6[%get3A_1819, %get3A_1820] {strides = array<i32>} : memref<1024x32xf32, #tpu.memory_space<vmem>>, vector<16xf32>,
      %add3A_1822 = arith.addf %add3A_1810, %get3A_1821 : vector<16xf32>
      %get3A_1823 = arith.index_cast %squeeze3A_1818 : i32 to index
      %get3A_1824 = arith.constant 16 : index
      %get3A_1825 = tpu.vector_load %arg6[%get3A_1823, %get3A_1824] {strides = array<i32>} : memref<1024x32xf32, #tpu.memory_space<vmem>>, vector<16xf32>,
      %add3A_1826 = arith.addf %add3A_1814, %get3A_1825 : vector<16xf32>
      %add3A_1827 = arith.addf %add3A_1815, %add3A_1822 : vector<16xf32>
      %add3A_1828 = arith.addf %add3A_1816, %add3A_1826 : vector<16xf32>
      %slice3A_1829 = vector.extract_strided_slice %get3A_78 {offsets = [7], sizes = [1], strides = [1]} : vector<16xi32> to vector<1xi32>
      %squeeze3A_1830 = vector.extract %slice3A_1829[0] : i32 from vector<1xi32>
      %get3A_1831 = arith.index_cast %squeeze3A_1830 : i32 to index
      %get3A_1832 = arith.constant 0 : index
      %get3A_1833 = tpu.vector_load %arg6[%get3A_1831, %get3A_1832] {strides = array<i32>} : memref<1024x32xf32, #tpu.memory_space<vmem>>, vector<16xf32>,
      %add3A_1834 = arith.addf %add3A_1822, %get3A_1833 : vector<16xf32>
      %get3A_1835 = arith.index_cast %squeeze3A_1830 : i32 to index
      %get3A_1836 = arith.constant 16 : index
      %get3A_1837 = tpu.vector_load %arg6[%get3A_1835, %get3A_1836] {strides = array<i32>} : memref<1024x32xf32, #tpu.memory_space<vmem>>, vector<16xf32>,
      %add3A_1838 = arith.addf %add3A_1826, %get3A_1837 : vector<16xf32>
      %add3A_1839 = arith.addf %add3A_1827, %add3A_1834 : vector<16xf32>
      %add3A_1840 = arith.addf %add3A_1828, %add3A_1838 : vector<16xf32>
      %slice3A_1841 = vector.extract_strided_slice %get3A_74 {offsets = [7], sizes = [1], strides = [1]} : vector<16xi32> to vector<1xi32>
      %squeeze3A_1842 = vector.extract %slice3A_1841[0] : i32 from vector<1xi32>
      %get3A_1843 = arith.index_cast %squeeze3A_1842 : i32 to index
      %get3A_1844 = arith.constant 0 : index
      %get3A_1845 = tpu.vector_load %arg6[%get3A_1843, %get3A_1844] {strides = array<i32>} : memref<1024x32xf32, #tpu.memory_space<vmem>>, vector<16xf32>,
      %add3A_1846 = arith.addf %add3A_1834, %get3A_1845 : vector<16xf32>
      %get3A_1847 = arith.index_cast %squeeze3A_1842 : i32 to index
      %get3A_1848 = arith.constant 16 : index
      %get3A_1849 = tpu.vector_load %arg6[%get3A_1847, %get3A_1848] {strides = array<i32>} : memref<1024x32xf32, #tpu.memory_space<vmem>>, vector<16xf32>,
      %add3A_1850 = arith.addf %add3A_1838, %get3A_1849 : vector<16xf32>
      %add3A_1851 = arith.addf %add3A_1839, %add3A_1846 : vector<16xf32>
      %add3A_1852 = arith.addf %add3A_1840, %add3A_1850 : vector<16xf32>
      %slice3A_1853 = vector.extract_strided_slice %get3A_70 {offsets = [7], sizes = [1], strides = [1]} : vector<16xi32> to vector<1xi32>
      %squeeze3A_1854 = vector.extract %slice3A_1853[0] : i32 from vector<1xi32>
      %get3A_1855 = arith.index_cast %squeeze3A_1854 : i32 to index
      %get3A_1856 = arith.constant 0 : index
      %get3A_1857 = tpu.vector_load %arg6[%get3A_1855, %get3A_1856] {strides = array<i32>} : memref<1024x32xf32, #tpu.memory_space<vmem>>, vector<16xf32>,
      %add3A_1858 = arith.addf %add3A_1846, %get3A_1857 : vector<16xf32>
      %get3A_1859 = arith.index_cast %squeeze3A_1854 : i32 to index
      %get3A_1860 = arith.constant 16 : index
      %get3A_1861 = tpu.vector_load %arg6[%get3A_1859, %get3A_1860] {strides = array<i32>} : memref<1024x32xf32, #tpu.memory_space<vmem>>, vector<16xf32>,
      %add3A_1862 = arith.addf %add3A_1850, %get3A_1861 : vector<16xf32>
      %add3A_1863 = arith.addf %add3A_1851, %add3A_1858 : vector<16xf32>
      %add3A_1864 = arith.addf %add3A_1852, %add3A_1862 : vector<16xf32>
      %slice3A_1865 = vector.extract_strided_slice %get3A_66 {offsets = [7], sizes = [1], strides = [1]} : vector<16xi32> to vector<1xi32>
      %squeeze3A_1866 = vector.extract %slice3A_1865[0] : i32 from vector<1xi32>
      %get3A_1867 = arith.index_cast %squeeze3A_1866 : i32 to index
      %get3A_1868 = arith.constant 0 : index
      %get3A_1869 = tpu.vector_load %arg6[%get3A_1867, %get3A_1868] {strides = array<i32>} : memref<1024x32xf32, #tpu.memory_space<vmem>>, vector<16xf32>,
      %add3A_1870 = arith.addf %add3A_1858, %get3A_1869 : vector<16xf32>
      %get3A_1871 = arith.index_cast %squeeze3A_1866 : i32 to index
      %get3A_1872 = arith.constant 16 : index
      %get3A_1873 = tpu.vector_load %arg6[%get3A_1871, %get3A_1872] {strides = array<i32>} : memref<1024x32xf32, #tpu.memory_space<vmem>>, vector<16xf32>,
      %add3A_1874 = arith.addf %add3A_1862, %get3A_1873 : vector<16xf32>
      %add3A_1875 = arith.addf %add3A_1863, %add3A_1870 : vector<16xf32>
      %add3A_1876 = arith.addf %add3A_1864, %add3A_1874 : vector<16xf32>
      %slice3A_1877 = vector.extract_strided_slice %get3A_62 {offsets = [7], sizes = [1], strides = [1]} : vector<16xi32> to vector<1xi32>
      %squeeze3A_1878 = vector.extract %slice3A_1877[0] : i32 from vector<1xi32>
      %get3A_1879 = arith.index_cast %squeeze3A_1878 : i32 to index
      %get3A_1880 = arith.constant 0 : index
      %get3A_1881 = tpu.vector_load %arg6[%get3A_1879, %get3A_1880] {strides = array<i32>} : memref<1024x32xf32, #tpu.memory_space<vmem>>, vector<16xf32>,
      %add3A_1882 = arith.addf %add3A_1870, %get3A_1881 : vector<16xf32>
      %get3A_1883 = arith.index_cast %squeeze3A_1878 : i32 to index
      %get3A_1884 = arith.constant 16 : index
      %get3A_1885 = tpu.vector_load %arg6[%get3A_1883, %get3A_1884] {strides = array<i32>} : memref<1024x32xf32, #tpu.memory_space<vmem>>, vector<16xf32>,
      %add3A_1886 = arith.addf %add3A_1874, %get3A_1885 : vector<16xf32>
      %add3A_1887 = arith.addf %add3A_1875, %add3A_1882 : vector<16xf32>
      %add3A_1888 = arith.addf %add3A_1876, %add3A_1886 : vector<16xf32>
      %slice3A_1889 = vector.extract_strided_slice %get3A_58 {offsets = [7], sizes = [1], strides = [1]} : vector<16xi32> to vector<1xi32>
      %squeeze3A_1890 = vector.extract %slice3A_1889[0] : i32 from vector<1xi32>
      %get3A_1891 = arith.index_cast %squeeze3A_1890 : i32 to index
      %get3A_1892 = arith.constant 0 : index
      %get3A_1893 = tpu.vector_load %arg6[%get3A_1891, %get3A_1892] {strides = array<i32>} : memref<1024x32xf32, #tpu.memory_space<vmem>>, vector<16xf32>,
      %get3A_1894 = arith.index_cast %squeeze3A_1890 : i32 to index
      %get3A_1895 = arith.constant 16 : index
      %get3A_1896 = tpu.vector_load %arg6[%get3A_1894, %get3A_1895] {strides = array<i32>} : memref<1024x32xf32, #tpu.memory_space<vmem>>, vector<16xf32>,
      %add3A_1897 = arith.addf %add3A_1882, %get3A_1893 : vector<16xf32>
      %add3A_1898 = arith.addf %add3A_1886, %get3A_1896 : vector<16xf32>
      %broadcast_in_dim3A_1899 = vector.broadcast %squeeze3A_1712 : f32 to vector<16xf32>
      %gt3A_1900 = arith.constant 5.000000e-01 : f32
      %gt3A_1901 = vector.broadcast %gt3A_1900 : f32 to vector<16xf32>
      %gt3A_1902 = arith.cmpf ogt, %broadcast_in_dim3A_1899, %gt3A_1901 : vector<16xf32>
      %mul3A_1903 = arith.constant 5.000000e-01 : f32
      %mul3A_1904 = vector.broadcast %mul3A_1903 : f32 to vector<16xf32>
      %mul3A_1905 = arith.mulf %mul3A_1904, %get3A_1893 : vector<16xf32>
      %mul3A_1906 = vector.broadcast %squeeze3A_1710 : f32 to vector<16xf32>
      %mul3A_1907 = arith.mulf %mul3A_1906, %add3A_1887 : vector<16xf32>
      %select_n3A_1908 = arith.select %gt3A_1902, %mul3A_1905, %mul3A_1907 : vector<16xi1>, vector<16xf32>
      %mul3A_1909 = arith.constant 5.000000e-01 : f32
      %mul3A_1910 = vector.broadcast %mul3A_1909 : f32 to vector<16xf32>
      %mul3A_1911 = arith.mulf %mul3A_1910, %get3A_1896 : vector<16xf32>
      %mul3A_1912 = vector.broadcast %squeeze3A_1710 : f32 to vector<16xf32>
      %mul3A_1913 = arith.mulf %mul3A_1912, %add3A_1888 : vector<16xf32>
      %select_n3A_1914 = arith.select %gt3A_1902, %mul3A_1911, %mul3A_1913 : vector<16xi1>, vector<16xf32>
      %swap3A_1915 = arith.index_cast %add3A_1708 : i32 to index
      %swap3A_1916 = arith.constant 0 : index
      %swap3A_1917 = tpu.vector_load %arg9[%swap3A_1915, %swap3A_1916] {strides = array<i32>} : memref<1024x32xf32, #tpu.memory_space<vmem>>, vector<16xf32>,
      tpu.vector_store %arg9[%swap3A_1915, %swap3A_1916], %add3A_1897 {strides = array<i32>} : memref<1024x32xf32, #tpu.memory_space<vmem>>, vector<16xf32>,
      %swap3A_1918 = arith.index_cast %add3A_1708 : i32 to index
      %swap3A_1919 = arith.constant 16 : index
      %swap3A_1920 = tpu.vector_load %arg9[%swap3A_1918, %swap3A_1919] {strides = array<i32>} : memref<1024x32xf32, #tpu.memory_space<vmem>>, vector<16xf32>,
      tpu.vector_store %arg9[%swap3A_1918, %swap3A_1919], %add3A_1898 {strides = array<i32>} : memref<1024x32xf32, #tpu.memory_space<vmem>>, vector<16xf32>,
      %swap3A_1921 = arith.index_cast %add3A_1708 : i32 to index
      %swap3A_1922 = arith.constant 0 : index
      %swap3A_1923 = tpu.vector_load %arg8[%swap3A_1921, %swap3A_1922] {strides = array<i32>} : memref<1024x32xf32, #tpu.memory_space<vmem>>, vector<16xf32>,
      tpu.vector_store %arg8[%swap3A_1921, %swap3A_1922], %select_n3A_1908 {strides = array<i32>} : memref<1024x32xf32, #tpu.memory_space<vmem>>, vector<16xf32>,
      %swap3A_1924 = arith.index_cast %add3A_1708 : i32 to index
      %swap3A_1925 = arith.constant 16 : index
      %swap3A_1926 = tpu.vector_load %arg8[%swap3A_1924, %swap3A_1925] {strides = array<i32>} : memref<1024x32xf32, #tpu.memory_space<vmem>>, vector<16xf32>,
      tpu.vector_store %arg8[%swap3A_1924, %swap3A_1925], %select_n3A_1914 {strides = array<i32>} : memref<1024x32xf32, #tpu.memory_space<vmem>>, vector<16xf32>,
      %add3A_1927 = arith.constant 8 : i32
      %add3A_1928 = arith.addi %mul3A_50, %add3A_1927 : i32
      %slice3A_1929 = vector.extract_strided_slice %div3A_168 {offsets = [8], sizes = [1], strides = [1]} : vector<16xf32> to vector<1xf32>
      %squeeze3A_1930 = vector.extract %slice3A_1929[0] : f32 from vector<1xf32>
      %slice3A_1931 = vector.extract_strided_slice %select_n3A_170 {offsets = [8], sizes = [1], strides = [1]} : vector<16xf32> to vector<1xf32>
      %squeeze3A_1932 = vector.extract %slice3A_1931[0] : f32 from vector<1xf32>
      %slice3A_1933 = vector.extract_strided_slice %get3A_118 {offsets = [8], sizes = [1], strides = [1]} : vector<16xi32> to vector<1xi32>
      %squeeze3A_1934 = vector.extract %slice3A_1933[0] : i32 from vector<1xi32>
      %get3A_1935 = arith.index_cast %squeeze3A_1934 : i32 to index
      %get3A_1936 = arith.constant 0 : index
      %get3A_1937 = tpu.vector_load %arg6[%get3A_1935, %get3A_1936] {strides = array<i32>} : memref<1024x32xf32, #tpu.memory_space<vmem>>, vector<16xf32>,
      %get3A_1938 = arith.index_cast %squeeze3A_1934 : i32 to index
      %get3A_1939 = arith.constant 16 : index
      %get3A_1940 = tpu.vector_load %arg6[%get3A_1938, %get3A_1939] {strides = array<i32>} : memref<1024x32xf32, #tpu.memory_space<vmem>>, vector<16xf32>,
      %slice3A_1941 = vector.extract_strided_slice %get3A_114 {offsets = [8], sizes = [1], strides = [1]} : vector<16xi32> to vector<1xi32>
      %squeeze3A_1942 = vector.extract %slice3A_1941[0] : i32 from vector<1xi32>
      %get3A_1943 = arith.index_cast %squeeze3A_1942 : i32 to index
      %get3A_1944 = arith.constant 0 : index
      %get3A_1945 = tpu.vector_load %arg6[%get3A_1943, %get3A_1944] {strides = array<i32>} : memref<1024x32xf32, #tpu.memory_space<vmem>>, vector<16xf32>,
      %add3A_1946 = arith.addf %get3A_1937, %get3A_1945 : vector<16xf32>
      %get3A_1947 = arith.index_cast %squeeze3A_1942 : i32 to index
      %get3A_1948 = arith.constant 16 : index
      %get3A_1949 = tpu.vector_load %arg6[%get3A_1947, %get3A_1948] {strides = array<i32>} : memref<1024x32xf32, #tpu.memory_space<vmem>>, vector<16xf32>,
      %add3A_1950 = arith.addf %get3A_1940, %get3A_1949 : vector<16xf32>
      %add3A_1951 = arith.addf %get3A_1937, %add3A_1946 : vector<16xf32>
      %add3A_1952 = arith.addf %get3A_1940, %add3A_1950 : vector<16xf32>
      %slice3A_1953 = vector.extract_strided_slice %get3A_110 {offsets = [8], sizes = [1], strides = [1]} : vector<16xi32> to vector<1xi32>
      %squeeze3A_1954 = vector.extract %slice3A_1953[0] : i32 from vector<1xi32>
      %get3A_1955 = arith.index_cast %squeeze3A_1954 : i32 to index
      %get3A_1956 = arith.constant 0 : index
      %get3A_1957 = tpu.vector_load %arg6[%get3A_1955, %get3A_1956] {strides = array<i32>} : memref<1024x32xf32, #tpu.memory_space<vmem>>, vector<16xf32>,
      %add3A_1958 = arith.addf %add3A_1946, %get3A_1957 : vector<16xf32>
      %get3A_1959 = arith.index_cast %squeeze3A_1954 : i32 to index
      %get3A_1960 = arith.constant 16 : index
      %get3A_1961 = tpu.vector_load %arg6[%get3A_1959, %get3A_1960] {strides = array<i32>} : memref<1024x32xf32, #tpu.memory_space<vmem>>, vector<16xf32>,
      %add3A_1962 = arith.addf %add3A_1950, %get3A_1961 : vector<16xf32>
      %add3A_1963 = arith.addf %add3A_1951, %add3A_1958 : vector<16xf32>
      %add3A_1964 = arith.addf %add3A_1952, %add3A_1962 : vector<16xf32>
      %slice3A_1965 = vector.extract_strided_slice %get3A_106 {offsets = [8], sizes = [1], strides = [1]} : vector<16xi32> to vector<1xi32>
      %squeeze3A_1966 = vector.extract %slice3A_1965[0] : i32 from vector<1xi32>
      %get3A_1967 = arith.index_cast %squeeze3A_1966 : i32 to index
      %get3A_1968 = arith.constant 0 : index
      %get3A_1969 = tpu.vector_load %arg6[%get3A_1967, %get3A_1968] {strides = array<i32>} : memref<1024x32xf32, #tpu.memory_space<vmem>>, vector<16xf32>,
      %add3A_1970 = arith.addf %add3A_1958, %get3A_1969 : vector<16xf32>
      %get3A_1971 = arith.index_cast %squeeze3A_1966 : i32 to index
      %get3A_1972 = arith.constant 16 : index
      %get3A_1973 = tpu.vector_load %arg6[%get3A_1971, %get3A_1972] {strides = array<i32>} : memref<1024x32xf32, #tpu.memory_space<vmem>>, vector<16xf32>,
      %add3A_1974 = arith.addf %add3A_1962, %get3A_1973 : vector<16xf32>
      %add3A_1975 = arith.addf %add3A_1963, %add3A_1970 : vector<16xf32>
      %add3A_1976 = arith.addf %add3A_1964, %add3A_1974 : vector<16xf32>
      %slice3A_1977 = vector.extract_strided_slice %get3A_102 {offsets = [8], sizes = [1], strides = [1]} : vector<16xi32> to vector<1xi32>
      %squeeze3A_1978 = vector.extract %slice3A_1977[0] : i32 from vector<1xi32>
      %get3A_1979 = arith.index_cast %squeeze3A_1978 : i32 to index
      %get3A_1980 = arith.constant 0 : index
      %get3A_1981 = tpu.vector_load %arg6[%get3A_1979, %get3A_1980] {strides = array<i32>} : memref<1024x32xf32, #tpu.memory_space<vmem>>, vector<16xf32>,
      %add3A_1982 = arith.addf %add3A_1970, %get3A_1981 : vector<16xf32>
      %get3A_1983 = arith.index_cast %squeeze3A_1978 : i32 to index
      %get3A_1984 = arith.constant 16 : index
      %get3A_1985 = tpu.vector_load %arg6[%get3A_1983, %get3A_1984] {strides = array<i32>} : memref<1024x32xf32, #tpu.memory_space<vmem>>, vector<16xf32>,
      %add3A_1986 = arith.addf %add3A_1974, %get3A_1985 : vector<16xf32>
      %add3A_1987 = arith.addf %add3A_1975, %add3A_1982 : vector<16xf32>
      %add3A_1988 = arith.addf %add3A_1976, %add3A_1986 : vector<16xf32>
      %slice3A_1989 = vector.extract_strided_slice %get3A_98 {offsets = [8], sizes = [1], strides = [1]} : vector<16xi32> to vector<1xi32>
      %squeeze3A_1990 = vector.extract %slice3A_1989[0] : i32 from vector<1xi32>
      %get3A_1991 = arith.index_cast %squeeze3A_1990 : i32 to index
      %get3A_1992 = arith.constant 0 : index
      %get3A_1993 = tpu.vector_load %arg6[%get3A_1991, %get3A_1992] {strides = array<i32>} : memref<1024x32xf32, #tpu.memory_space<vmem>>, vector<16xf32>,
      %add3A_1994 = arith.addf %add3A_1982, %get3A_1993 : vector<16xf32>
      %get3A_1995 = arith.index_cast %squeeze3A_1990 : i32 to index
      %get3A_1996 = arith.constant 16 : index
      %get3A_1997 = tpu.vector_load %arg6[%get3A_1995, %get3A_1996] {strides = array<i32>} : memref<1024x32xf32, #tpu.memory_space<vmem>>, vector<16xf32>,
      %add3A_1998 = arith.addf %add3A_1986, %get3A_1997 : vector<16xf32>
      %add3A_1999 = arith.addf %add3A_1987, %add3A_1994 : vector<16xf32>
      %add3A_2000 = arith.addf %add3A_1988, %add3A_1998 : vector<16xf32>
      %slice3A_2001 = vector.extract_strided_slice %get3A_94 {offsets = [8], sizes = [1], strides = [1]} : vector<16xi32> to vector<1xi32>
      %squeeze3A_2002 = vector.extract %slice3A_2001[0] : i32 from vector<1xi32>
      %get3A_2003 = arith.index_cast %squeeze3A_2002 : i32 to index
      %get3A_2004 = arith.constant 0 : index
      %get3A_2005 = tpu.vector_load %arg6[%get3A_2003, %get3A_2004] {strides = array<i32>} : memref<1024x32xf32, #tpu.memory_space<vmem>>, vector<16xf32>,
      %add3A_2006 = arith.addf %add3A_1994, %get3A_2005 : vector<16xf32>
      %get3A_2007 = arith.index_cast %squeeze3A_2002 : i32 to index
      %get3A_2008 = arith.constant 16 : index
      %get3A_2009 = tpu.vector_load %arg6[%get3A_2007, %get3A_2008] {strides = array<i32>} : memref<1024x32xf32, #tpu.memory_space<vmem>>, vector<16xf32>,
      %add3A_2010 = arith.addf %add3A_1998, %get3A_2009 : vector<16xf32>
      %add3A_2011 = arith.addf %add3A_1999, %add3A_2006 : vector<16xf32>
      %add3A_2012 = arith.addf %add3A_2000, %add3A_2010 : vector<16xf32>
      %slice3A_2013 = vector.extract_strided_slice %get3A_90 {offsets = [8], sizes = [1], strides = [1]} : vector<16xi32> to vector<1xi32>
      %squeeze3A_2014 = vector.extract %slice3A_2013[0] : i32 from vector<1xi32>
      %get3A_2015 = arith.index_cast %squeeze3A_2014 : i32 to index
      %get3A_2016 = arith.constant 0 : index
      %get3A_2017 = tpu.vector_load %arg6[%get3A_2015, %get3A_2016] {strides = array<i32>} : memref<1024x32xf32, #tpu.memory_space<vmem>>, vector<16xf32>,
      %add3A_2018 = arith.addf %add3A_2006, %get3A_2017 : vector<16xf32>
      %get3A_2019 = arith.index_cast %squeeze3A_2014 : i32 to index
      %get3A_2020 = arith.constant 16 : index
      %get3A_2021 = tpu.vector_load %arg6[%get3A_2019, %get3A_2020] {strides = array<i32>} : memref<1024x32xf32, #tpu.memory_space<vmem>>, vector<16xf32>,
      %add3A_2022 = arith.addf %add3A_2010, %get3A_2021 : vector<16xf32>
      %add3A_2023 = arith.addf %add3A_2011, %add3A_2018 : vector<16xf32>
      %add3A_2024 = arith.addf %add3A_2012, %add3A_2022 : vector<16xf32>
      %slice3A_2025 = vector.extract_strided_slice %get3A_86 {offsets = [8], sizes = [1], strides = [1]} : vector<16xi32> to vector<1xi32>
      %squeeze3A_2026 = vector.extract %slice3A_2025[0] : i32 from vector<1xi32>
      %get3A_2027 = arith.index_cast %squeeze3A_2026 : i32 to index
      %get3A_2028 = arith.constant 0 : index
      %get3A_2029 = tpu.vector_load %arg6[%get3A_2027, %get3A_2028] {strides = array<i32>} : memref<1024x32xf32, #tpu.memory_space<vmem>>, vector<16xf32>,
      %add3A_2030 = arith.addf %add3A_2018, %get3A_2029 : vector<16xf32>
      %get3A_2031 = arith.index_cast %squeeze3A_2026 : i32 to index
      %get3A_2032 = arith.constant 16 : index
      %get3A_2033 = tpu.vector_load %arg6[%get3A_2031, %get3A_2032] {strides = array<i32>} : memref<1024x32xf32, #tpu.memory_space<vmem>>, vector<16xf32>,
      %add3A_2034 = arith.addf %add3A_2022, %get3A_2033 : vector<16xf32>
      %add3A_2035 = arith.addf %add3A_2023, %add3A_2030 : vector<16xf32>
      %add3A_2036 = arith.addf %add3A_2024, %add3A_2034 : vector<16xf32>
      %slice3A_2037 = vector.extract_strided_slice %get3A_82 {offsets = [8], sizes = [1], strides = [1]} : vector<16xi32> to vector<1xi32>
      %squeeze3A_2038 = vector.extract %slice3A_2037[0] : i32 from vector<1xi32>
      %get3A_2039 = arith.index_cast %squeeze3A_2038 : i32 to index
      %get3A_2040 = arith.constant 0 : index
      %get3A_2041 = tpu.vector_load %arg6[%get3A_2039, %get3A_2040] {strides = array<i32>} : memref<1024x32xf32, #tpu.memory_space<vmem>>, vector<16xf32>,
      %add3A_2042 = arith.addf %add3A_2030, %get3A_2041 : vector<16xf32>
      %get3A_2043 = arith.index_cast %squeeze3A_2038 : i32 to index
      %get3A_2044 = arith.constant 16 : index
      %get3A_2045 = tpu.vector_load %arg6[%get3A_2043, %get3A_2044] {strides = array<i32>} : memref<1024x32xf32, #tpu.memory_space<vmem>>, vector<16xf32>,
      %add3A_2046 = arith.addf %add3A_2034, %get3A_2045 : vector<16xf32>
      %add3A_2047 = arith.addf %add3A_2035, %add3A_2042 : vector<16xf32>
      %add3A_2048 = arith.addf %add3A_2036, %add3A_2046 : vector<16xf32>
      %slice3A_2049 = vector.extract_strided_slice %get3A_78 {offsets = [8], sizes = [1], strides = [1]} : vector<16xi32> to vector<1xi32>
      %squeeze3A_2050 = vector.extract %slice3A_2049[0] : i32 from vector<1xi32>
      %get3A_2051 = arith.index_cast %squeeze3A_2050 : i32 to index
      %get3A_2052 = arith.constant 0 : index
      %get3A_2053 = tpu.vector_load %arg6[%get3A_2051, %get3A_2052] {strides = array<i32>} : memref<1024x32xf32, #tpu.memory_space<vmem>>, vector<16xf32>,
      %add3A_2054 = arith.addf %add3A_2042, %get3A_2053 : vector<16xf32>
      %get3A_2055 = arith.index_cast %squeeze3A_2050 : i32 to index
      %get3A_2056 = arith.constant 16 : index
      %get3A_2057 = tpu.vector_load %arg6[%get3A_2055, %get3A_2056] {strides = array<i32>} : memref<1024x32xf32, #tpu.memory_space<vmem>>, vector<16xf32>,
      %add3A_2058 = arith.addf %add3A_2046, %get3A_2057 : vector<16xf32>
      %add3A_2059 = arith.addf %add3A_2047, %add3A_2054 : vector<16xf32>
      %add3A_2060 = arith.addf %add3A_2048, %add3A_2058 : vector<16xf32>
      %slice3A_2061 = vector.extract_strided_slice %get3A_74 {offsets = [8], sizes = [1], strides = [1]} : vector<16xi32> to vector<1xi32>
      %squeeze3A_2062 = vector.extract %slice3A_2061[0] : i32 from vector<1xi32>
      %get3A_2063 = arith.index_cast %squeeze3A_2062 : i32 to index
      %get3A_2064 = arith.constant 0 : index
      %get3A_2065 = tpu.vector_load %arg6[%get3A_2063, %get3A_2064] {strides = array<i32>} : memref<1024x32xf32, #tpu.memory_space<vmem>>, vector<16xf32>,
      %add3A_2066 = arith.addf %add3A_2054, %get3A_2065 : vector<16xf32>
      %get3A_2067 = arith.index_cast %squeeze3A_2062 : i32 to index
      %get3A_2068 = arith.constant 16 : index
      %get3A_2069 = tpu.vector_load %arg6[%get3A_2067, %get3A_2068] {strides = array<i32>} : memref<1024x32xf32, #tpu.memory_space<vmem>>, vector<16xf32>,
      %add3A_2070 = arith.addf %add3A_2058, %get3A_2069 : vector<16xf32>
      %add3A_2071 = arith.addf %add3A_2059, %add3A_2066 : vector<16xf32>
      %add3A_2072 = arith.addf %add3A_2060, %add3A_2070 : vector<16xf32>
      %slice3A_2073 = vector.extract_strided_slice %get3A_70 {offsets = [8], sizes = [1], strides = [1]} : vector<16xi32> to vector<1xi32>
      %squeeze3A_2074 = vector.extract %slice3A_2073[0] : i32 from vector<1xi32>
      %get3A_2075 = arith.index_cast %squeeze3A_2074 : i32 to index
      %get3A_2076 = arith.constant 0 : index
      %get3A_2077 = tpu.vector_load %arg6[%get3A_2075, %get3A_2076] {strides = array<i32>} : memref<1024x32xf32, #tpu.memory_space<vmem>>, vector<16xf32>,
      %add3A_2078 = arith.addf %add3A_2066, %get3A_2077 : vector<16xf32>
      %get3A_2079 = arith.index_cast %squeeze3A_2074 : i32 to index
      %get3A_2080 = arith.constant 16 : index
      %get3A_2081 = tpu.vector_load %arg6[%get3A_2079, %get3A_2080] {strides = array<i32>} : memref<1024x32xf32, #tpu.memory_space<vmem>>, vector<16xf32>,
      %add3A_2082 = arith.addf %add3A_2070, %get3A_2081 : vector<16xf32>
      %add3A_2083 = arith.addf %add3A_2071, %add3A_2078 : vector<16xf32>
      %add3A_2084 = arith.addf %add3A_2072, %add3A_2082 : vector<16xf32>
      %slice3A_2085 = vector.extract_strided_slice %get3A_66 {offsets = [8], sizes = [1], strides = [1]} : vector<16xi32> to vector<1xi32>
      %squeeze3A_2086 = vector.extract %slice3A_2085[0] : i32 from vector<1xi32>
      %get3A_2087 = arith.index_cast %squeeze3A_2086 : i32 to index
      %get3A_2088 = arith.constant 0 : index
      %get3A_2089 = tpu.vector_load %arg6[%get3A_2087, %get3A_2088] {strides = array<i32>} : memref<1024x32xf32, #tpu.memory_space<vmem>>, vector<16xf32>,
      %add3A_2090 = arith.addf %add3A_2078, %get3A_2089 : vector<16xf32>
      %get3A_2091 = arith.index_cast %squeeze3A_2086 : i32 to index
      %get3A_2092 = arith.constant 16 : index
      %get3A_2093 = tpu.vector_load %arg6[%get3A_2091, %get3A_2092] {strides = array<i32>} : memref<1024x32xf32, #tpu.memory_space<vmem>>, vector<16xf32>,
      %add3A_2094 = arith.addf %add3A_2082, %get3A_2093 : vector<16xf32>
      %add3A_2095 = arith.addf %add3A_2083, %add3A_2090 : vector<16xf32>
      %add3A_2096 = arith.addf %add3A_2084, %add3A_2094 : vector<16xf32>
      %slice3A_2097 = vector.extract_strided_slice %get3A_62 {offsets = [8], sizes = [1], strides = [1]} : vector<16xi32> to vector<1xi32>
      %squeeze3A_2098 = vector.extract %slice3A_2097[0] : i32 from vector<1xi32>
      %get3A_2099 = arith.index_cast %squeeze3A_2098 : i32 to index
      %get3A_2100 = arith.constant 0 : index
      %get3A_2101 = tpu.vector_load %arg6[%get3A_2099, %get3A_2100] {strides = array<i32>} : memref<1024x32xf32, #tpu.memory_space<vmem>>, vector<16xf32>,
      %add3A_2102 = arith.addf %add3A_2090, %get3A_2101 : vector<16xf32>
      %get3A_2103 = arith.index_cast %squeeze3A_2098 : i32 to index
      %get3A_2104 = arith.constant 16 : index
      %get3A_2105 = tpu.vector_load %arg6[%get3A_2103, %get3A_2104] {strides = array<i32>} : memref<1024x32xf32, #tpu.memory_space<vmem>>, vector<16xf32>,
      %add3A_2106 = arith.addf %add3A_2094, %get3A_2105 : vector<16xf32>
      %add3A_2107 = arith.addf %add3A_2095, %add3A_2102 : vector<16xf32>
      %add3A_2108 = arith.addf %add3A_2096, %add3A_2106 : vector<16xf32>
      %slice3A_2109 = vector.extract_strided_slice %get3A_58 {offsets = [8], sizes = [1], strides = [1]} : vector<16xi32> to vector<1xi32>
      %squeeze3A_2110 = vector.extract %slice3A_2109[0] : i32 from vector<1xi32>
      %get3A_2111 = arith.index_cast %squeeze3A_2110 : i32 to index
      %get3A_2112 = arith.constant 0 : index
      %get3A_2113 = tpu.vector_load %arg6[%get3A_2111, %get3A_2112] {strides = array<i32>} : memref<1024x32xf32, #tpu.memory_space<vmem>>, vector<16xf32>,
      %get3A_2114 = arith.index_cast %squeeze3A_2110 : i32 to index
      %get3A_2115 = arith.constant 16 : index
      %get3A_2116 = tpu.vector_load %arg6[%get3A_2114, %get3A_2115] {strides = array<i32>} : memref<1024x32xf32, #tpu.memory_space<vmem>>, vector<16xf32>,
      %add3A_2117 = arith.addf %add3A_2102, %get3A_2113 : vector<16xf32>
      %add3A_2118 = arith.addf %add3A_2106, %get3A_2116 : vector<16xf32>
      %broadcast_in_dim3A_2119 = vector.broadcast %squeeze3A_1932 : f32 to vector<16xf32>
      %gt3A_2120 = arith.constant 5.000000e-01 : f32
      %gt3A_2121 = vector.broadcast %gt3A_2120 : f32 to vector<16xf32>
      %gt3A_2122 = arith.cmpf ogt, %broadcast_in_dim3A_2119, %gt3A_2121 : vector<16xf32>
      %mul3A_2123 = arith.constant 5.000000e-01 : f32
      %mul3A_2124 = vector.broadcast %mul3A_2123 : f32 to vector<16xf32>
      %mul3A_2125 = arith.mulf %mul3A_2124, %get3A_2113 : vector<16xf32>
      %mul3A_2126 = vector.broadcast %squeeze3A_1930 : f32 to vector<16xf32>
      %mul3A_2127 = arith.mulf %mul3A_2126, %add3A_2107 : vector<16xf32>
      %select_n3A_2128 = arith.select %gt3A_2122, %mul3A_2125, %mul3A_2127 : vector<16xi1>, vector<16xf32>
      %mul3A_2129 = arith.constant 5.000000e-01 : f32
      %mul3A_2130 = vector.broadcast %mul3A_2129 : f32 to vector<16xf32>
      %mul3A_2131 = arith.mulf %mul3A_2130, %get3A_2116 : vector<16xf32>
      %mul3A_2132 = vector.broadcast %squeeze3A_1930 : f32 to vector<16xf32>
      %mul3A_2133 = arith.mulf %mul3A_2132, %add3A_2108 : vector<16xf32>
      %select_n3A_2134 = arith.select %gt3A_2122, %mul3A_2131, %mul3A_2133 : vector<16xi1>, vector<16xf32>
      %swap3A_2135 = arith.index_cast %add3A_1928 : i32 to index
      %swap3A_2136 = arith.constant 0 : index
      %swap3A_2137 = tpu.vector_load %arg9[%swap3A_2135, %swap3A_2136] {strides = array<i32>} : memref<1024x32xf32, #tpu.memory_space<vmem>>, vector<16xf32>,
      tpu.vector_store %arg9[%swap3A_2135, %swap3A_2136], %add3A_2117 {strides = array<i32>} : memref<1024x32xf32, #tpu.memory_space<vmem>>, vector<16xf32>,
      %swap3A_2138 = arith.index_cast %add3A_1928 : i32 to index
      %swap3A_2139 = arith.constant 16 : index
      %swap3A_2140 = tpu.vector_load %arg9[%swap3A_2138, %swap3A_2139] {strides = array<i32>} : memref<1024x32xf32, #tpu.memory_space<vmem>>, vector<16xf32>,
      tpu.vector_store %arg9[%swap3A_2138, %swap3A_2139], %add3A_2118 {strides = array<i32>} : memref<1024x32xf32, #tpu.memory_space<vmem>>, vector<16xf32>,
      %swap3A_2141 = arith.index_cast %add3A_1928 : i32 to index
      %swap3A_2142 = arith.constant 0 : index
      %swap3A_2143 = tpu.vector_load %arg8[%swap3A_2141, %swap3A_2142] {strides = array<i32>} : memref<1024x32xf32, #tpu.memory_space<vmem>>, vector<16xf32>,
      tpu.vector_store %arg8[%swap3A_2141, %swap3A_2142], %select_n3A_2128 {strides = array<i32>} : memref<1024x32xf32, #tpu.memory_space<vmem>>, vector<16xf32>,
      %swap3A_2144 = arith.index_cast %add3A_1928 : i32 to index
      %swap3A_2145 = arith.constant 16 : index
      %swap3A_2146 = tpu.vector_load %arg8[%swap3A_2144, %swap3A_2145] {strides = array<i32>} : memref<1024x32xf32, #tpu.memory_space<vmem>>, vector<16xf32>,
      tpu.vector_store %arg8[%swap3A_2144, %swap3A_2145], %select_n3A_2134 {strides = array<i32>} : memref<1024x32xf32, #tpu.memory_space<vmem>>, vector<16xf32>,
      %add3A_2147 = arith.constant 9 : i32
      %add3A_2148 = arith.addi %mul3A_50, %add3A_2147 : i32
      %slice3A_2149 = vector.extract_strided_slice %div3A_168 {offsets = [9], sizes = [1], strides = [1]} : vector<16xf32> to vector<1xf32>
      %squeeze3A_2150 = vector.extract %slice3A_2149[0] : f32 from vector<1xf32>
      %slice3A_2151 = vector.extract_strided_slice %select_n3A_170 {offsets = [9], sizes = [1], strides = [1]} : vector<16xf32> to vector<1xf32>
      %squeeze3A_2152 = vector.extract %slice3A_2151[0] : f32 from vector<1xf32>
      %slice3A_2153 = vector.extract_strided_slice %get3A_118 {offsets = [9], sizes = [1], strides = [1]} : vector<16xi32> to vector<1xi32>
      %squeeze3A_2154 = vector.extract %slice3A_2153[0] : i32 from vector<1xi32>
      %get3A_2155 = arith.index_cast %squeeze3A_2154 : i32 to index
      %get3A_2156 = arith.constant 0 : index
      %get3A_2157 = tpu.vector_load %arg6[%get3A_2155, %get3A_2156] {strides = array<i32>} : memref<1024x32xf32, #tpu.memory_space<vmem>>, vector<16xf32>,
      %get3A_2158 = arith.index_cast %squeeze3A_2154 : i32 to index
      %get3A_2159 = arith.constant 16 : index
      %get3A_2160 = tpu.vector_load %arg6[%get3A_2158, %get3A_2159] {strides = array<i32>} : memref<1024x32xf32, #tpu.memory_space<vmem>>, vector<16xf32>,
      %slice3A_2161 = vector.extract_strided_slice %get3A_114 {offsets = [9], sizes = [1], strides = [1]} : vector<16xi32> to vector<1xi32>
      %squeeze3A_2162 = vector.extract %slice3A_2161[0] : i32 from vector<1xi32>
      %get3A_2163 = arith.index_cast %squeeze3A_2162 : i32 to index
      %get3A_2164 = arith.constant 0 : index
      %get3A_2165 = tpu.vector_load %arg6[%get3A_2163, %get3A_2164] {strides = array<i32>} : memref<1024x32xf32, #tpu.memory_space<vmem>>, vector<16xf32>,
      %add3A_2166 = arith.addf %get3A_2157, %get3A_2165 : vector<16xf32>
      %get3A_2167 = arith.index_cast %squeeze3A_2162 : i32 to index
      %get3A_2168 = arith.constant 16 : index
      %get3A_2169 = tpu.vector_load %arg6[%get3A_2167, %get3A_2168] {strides = array<i32>} : memref<1024x32xf32, #tpu.memory_space<vmem>>, vector<16xf32>,
      %add3A_2170 = arith.addf %get3A_2160, %get3A_2169 : vector<16xf32>
      %add3A_2171 = arith.addf %get3A_2157, %add3A_2166 : vector<16xf32>
      %add3A_2172 = arith.addf %get3A_2160, %add3A_2170 : vector<16xf32>
      %slice3A_2173 = vector.extract_strided_slice %get3A_110 {offsets = [9], sizes = [1], strides = [1]} : vector<16xi32> to vector<1xi32>
      %squeeze3A_2174 = vector.extract %slice3A_2173[0] : i32 from vector<1xi32>
      %get3A_2175 = arith.index_cast %squeeze3A_2174 : i32 to index
      %get3A_2176 = arith.constant 0 : index
      %get3A_2177 = tpu.vector_load %arg6[%get3A_2175, %get3A_2176] {strides = array<i32>} : memref<1024x32xf32, #tpu.memory_space<vmem>>, vector<16xf32>,
      %add3A_2178 = arith.addf %add3A_2166, %get3A_2177 : vector<16xf32>
      %get3A_2179 = arith.index_cast %squeeze3A_2174 : i32 to index
      %get3A_2180 = arith.constant 16 : index
      %get3A_2181 = tpu.vector_load %arg6[%get3A_2179, %get3A_2180] {strides = array<i32>} : memref<1024x32xf32, #tpu.memory_space<vmem>>, vector<16xf32>,
      %add3A_2182 = arith.addf %add3A_2170, %get3A_2181 : vector<16xf32>
      %add3A_2183 = arith.addf %add3A_2171, %add3A_2178 : vector<16xf32>
      %add3A_2184 = arith.addf %add3A_2172, %add3A_2182 : vector<16xf32>
      %slice3A_2185 = vector.extract_strided_slice %get3A_106 {offsets = [9], sizes = [1], strides = [1]} : vector<16xi32> to vector<1xi32>
      %squeeze3A_2186 = vector.extract %slice3A_2185[0] : i32 from vector<1xi32>
      %get3A_2187 = arith.index_cast %squeeze3A_2186 : i32 to index
      %get3A_2188 = arith.constant 0 : index
      %get3A_2189 = tpu.vector_load %arg6[%get3A_2187, %get3A_2188] {strides = array<i32>} : memref<1024x32xf32, #tpu.memory_space<vmem>>, vector<16xf32>,
      %add3A_2190 = arith.addf %add3A_2178, %get3A_2189 : vector<16xf32>
      %get3A_2191 = arith.index_cast %squeeze3A_2186 : i32 to index
      %get3A_2192 = arith.constant 16 : index
      %get3A_2193 = tpu.vector_load %arg6[%get3A_2191, %get3A_2192] {strides = array<i32>} : memref<1024x32xf32, #tpu.memory_space<vmem>>, vector<16xf32>,
      %add3A_2194 = arith.addf %add3A_2182, %get3A_2193 : vector<16xf32>
      %add3A_2195 = arith.addf %add3A_2183, %add3A_2190 : vector<16xf32>
      %add3A_2196 = arith.addf %add3A_2184, %add3A_2194 : vector<16xf32>
      %slice3A_2197 = vector.extract_strided_slice %get3A_102 {offsets = [9], sizes = [1], strides = [1]} : vector<16xi32> to vector<1xi32>
      %squeeze3A_2198 = vector.extract %slice3A_2197[0] : i32 from vector<1xi32>
      %get3A_2199 = arith.index_cast %squeeze3A_2198 : i32 to index
      %get3A_2200 = arith.constant 0 : index
      %get3A_2201 = tpu.vector_load %arg6[%get3A_2199, %get3A_2200] {strides = array<i32>} : memref<1024x32xf32, #tpu.memory_space<vmem>>, vector<16xf32>,
      %add3A_2202 = arith.addf %add3A_2190, %get3A_2201 : vector<16xf32>
      %get3A_2203 = arith.index_cast %squeeze3A_2198 : i32 to index
      %get3A_2204 = arith.constant 16 : index
      %get3A_2205 = tpu.vector_load %arg6[%get3A_2203, %get3A_2204] {strides = array<i32>} : memref<1024x32xf32, #tpu.memory_space<vmem>>, vector<16xf32>,
      %add3A_2206 = arith.addf %add3A_2194, %get3A_2205 : vector<16xf32>
      %add3A_2207 = arith.addf %add3A_2195, %add3A_2202 : vector<16xf32>
      %add3A_2208 = arith.addf %add3A_2196, %add3A_2206 : vector<16xf32>
      %slice3A_2209 = vector.extract_strided_slice %get3A_98 {offsets = [9], sizes = [1], strides = [1]} : vector<16xi32> to vector<1xi32>
      %squeeze3A_2210 = vector.extract %slice3A_2209[0] : i32 from vector<1xi32>
      %get3A_2211 = arith.index_cast %squeeze3A_2210 : i32 to index
      %get3A_2212 = arith.constant 0 : index
      %get3A_2213 = tpu.vector_load %arg6[%get3A_2211, %get3A_2212] {strides = array<i32>} : memref<1024x32xf32, #tpu.memory_space<vmem>>, vector<16xf32>,
      %add3A_2214 = arith.addf %add3A_2202, %get3A_2213 : vector<16xf32>
      %get3A_2215 = arith.index_cast %squeeze3A_2210 : i32 to index
      %get3A_2216 = arith.constant 16 : index
      %get3A_2217 = tpu.vector_load %arg6[%get3A_2215, %get3A_2216] {strides = array<i32>} : memref<1024x32xf32, #tpu.memory_space<vmem>>, vector<16xf32>,
      %add3A_2218 = arith.addf %add3A_2206, %get3A_2217 : vector<16xf32>
      %add3A_2219 = arith.addf %add3A_2207, %add3A_2214 : vector<16xf32>
      %add3A_2220 = arith.addf %add3A_2208, %add3A_2218 : vector<16xf32>
      %slice3A_2221 = vector.extract_strided_slice %get3A_94 {offsets = [9], sizes = [1], strides = [1]} : vector<16xi32> to vector<1xi32>
      %squeeze3A_2222 = vector.extract %slice3A_2221[0] : i32 from vector<1xi32>
      %get3A_2223 = arith.index_cast %squeeze3A_2222 : i32 to index
      %get3A_2224 = arith.constant 0 : index
      %get3A_2225 = tpu.vector_load %arg6[%get3A_2223, %get3A_2224] {strides = array<i32>} : memref<1024x32xf32, #tpu.memory_space<vmem>>, vector<16xf32>,
      %add3A_2226 = arith.addf %add3A_2214, %get3A_2225 : vector<16xf32>
      %get3A_2227 = arith.index_cast %squeeze3A_2222 : i32 to index
      %get3A_2228 = arith.constant 16 : index
      %get3A_2229 = tpu.vector_load %arg6[%get3A_2227, %get3A_2228] {strides = array<i32>} : memref<1024x32xf32, #tpu.memory_space<vmem>>, vector<16xf32>,
      %add3A_2230 = arith.addf %add3A_2218, %get3A_2229 : vector<16xf32>
      %add3A_2231 = arith.addf %add3A_2219, %add3A_2226 : vector<16xf32>
      %add3A_2232 = arith.addf %add3A_2220, %add3A_2230 : vector<16xf32>
      %slice3A_2233 = vector.extract_strided_slice %get3A_90 {offsets = [9], sizes = [1], strides = [1]} : vector<16xi32> to vector<1xi32>
      %squeeze3A_2234 = vector.extract %slice3A_2233[0] : i32 from vector<1xi32>
      %get3A_2235 = arith.index_cast %squeeze3A_2234 : i32 to index
      %get3A_2236 = arith.constant 0 : index
      %get3A_2237 = tpu.vector_load %arg6[%get3A_2235, %get3A_2236] {strides = array<i32>} : memref<1024x32xf32, #tpu.memory_space<vmem>>, vector<16xf32>,
      %add3A_2238 = arith.addf %add3A_2226, %get3A_2237 : vector<16xf32>
      %get3A_2239 = arith.index_cast %squeeze3A_2234 : i32 to index
      %get3A_2240 = arith.constant 16 : index
      %get3A_2241 = tpu.vector_load %arg6[%get3A_2239, %get3A_2240] {strides = array<i32>} : memref<1024x32xf32, #tpu.memory_space<vmem>>, vector<16xf32>,
      %add3A_2242 = arith.addf %add3A_2230, %get3A_2241 : vector<16xf32>
      %add3A_2243 = arith.addf %add3A_2231, %add3A_2238 : vector<16xf32>
      %add3A_2244 = arith.addf %add3A_2232, %add3A_2242 : vector<16xf32>
      %slice3A_2245 = vector.extract_strided_slice %get3A_86 {offsets = [9], sizes = [1], strides = [1]} : vector<16xi32> to vector<1xi32>
      %squeeze3A_2246 = vector.extract %slice3A_2245[0] : i32 from vector<1xi32>
      %get3A_2247 = arith.index_cast %squeeze3A_2246 : i32 to index
      %get3A_2248 = arith.constant 0 : index
      %get3A_2249 = tpu.vector_load %arg6[%get3A_2247, %get3A_2248] {strides = array<i32>} : memref<1024x32xf32, #tpu.memory_space<vmem>>, vector<16xf32>,
      %add3A_2250 = arith.addf %add3A_2238, %get3A_2249 : vector<16xf32>
      %get3A_2251 = arith.index_cast %squeeze3A_2246 : i32 to index
      %get3A_2252 = arith.constant 16 : index
      %get3A_2253 = tpu.vector_load %arg6[%get3A_2251, %get3A_2252] {strides = array<i32>} : memref<1024x32xf32, #tpu.memory_space<vmem>>, vector<16xf32>,
      %add3A_2254 = arith.addf %add3A_2242, %get3A_2253 : vector<16xf32>
      %add3A_2255 = arith.addf %add3A_2243, %add3A_2250 : vector<16xf32>
      %add3A_2256 = arith.addf %add3A_2244, %add3A_2254 : vector<16xf32>
      %slice3A_2257 = vector.extract_strided_slice %get3A_82 {offsets = [9], sizes = [1], strides = [1]} : vector<16xi32> to vector<1xi32>
      %squeeze3A_2258 = vector.extract %slice3A_2257[0] : i32 from vector<1xi32>
      %get3A_2259 = arith.index_cast %squeeze3A_2258 : i32 to index
      %get3A_2260 = arith.constant 0 : index
      %get3A_2261 = tpu.vector_load %arg6[%get3A_2259, %get3A_2260] {strides = array<i32>} : memref<1024x32xf32, #tpu.memory_space<vmem>>, vector<16xf32>,
      %add3A_2262 = arith.addf %add3A_2250, %get3A_2261 : vector<16xf32>
      %get3A_2263 = arith.index_cast %squeeze3A_2258 : i32 to index
      %get3A_2264 = arith.constant 16 : index
      %get3A_2265 = tpu.vector_load %arg6[%get3A_2263, %get3A_2264] {strides = array<i32>} : memref<1024x32xf32, #tpu.memory_space<vmem>>, vector<16xf32>,
      %add3A_2266 = arith.addf %add3A_2254, %get3A_2265 : vector<16xf32>
      %add3A_2267 = arith.addf %add3A_2255, %add3A_2262 : vector<16xf32>
      %add3A_2268 = arith.addf %add3A_2256, %add3A_2266 : vector<16xf32>
      %slice3A_2269 = vector.extract_strided_slice %get3A_78 {offsets = [9], sizes = [1], strides = [1]} : vector<16xi32> to vector<1xi32>
      %squeeze3A_2270 = vector.extract %slice3A_2269[0] : i32 from vector<1xi32>
      %get3A_2271 = arith.index_cast %squeeze3A_2270 : i32 to index
      %get3A_2272 = arith.constant 0 : index
      %get3A_2273 = tpu.vector_load %arg6[%get3A_2271, %get3A_2272] {strides = array<i32>} : memref<1024x32xf32, #tpu.memory_space<vmem>>, vector<16xf32>,
      %add3A_2274 = arith.addf %add3A_2262, %get3A_2273 : vector<16xf32>
      %get3A_2275 = arith.index_cast %squeeze3A_2270 : i32 to index
      %get3A_2276 = arith.constant 16 : index
      %get3A_2277 = tpu.vector_load %arg6[%get3A_2275, %get3A_2276] {strides = array<i32>} : memref<1024x32xf32, #tpu.memory_space<vmem>>, vector<16xf32>,
      %add3A_2278 = arith.addf %add3A_2266, %get3A_2277 : vector<16xf32>
      %add3A_2279 = arith.addf %add3A_2267, %add3A_2274 : vector<16xf32>
      %add3A_2280 = arith.addf %add3A_2268, %add3A_2278 : vector<16xf32>
      %slice3A_2281 = vector.extract_strided_slice %get3A_74 {offsets = [9], sizes = [1], strides = [1]} : vector<16xi32> to vector<1xi32>
      %squeeze3A_2282 = vector.extract %slice3A_2281[0] : i32 from vector<1xi32>
      %get3A_2283 = arith.index_cast %squeeze3A_2282 : i32 to index
      %get3A_2284 = arith.constant 0 : index
      %get3A_2285 = tpu.vector_load %arg6[%get3A_2283, %get3A_2284] {strides = array<i32>} : memref<1024x32xf32, #tpu.memory_space<vmem>>, vector<16xf32>,
      %add3A_2286 = arith.addf %add3A_2274, %get3A_2285 : vector<16xf32>
      %get3A_2287 = arith.index_cast %squeeze3A_2282 : i32 to index
      %get3A_2288 = arith.constant 16 : index
      %get3A_2289 = tpu.vector_load %arg6[%get3A_2287, %get3A_2288] {strides = array<i32>} : memref<1024x32xf32, #tpu.memory_space<vmem>>, vector<16xf32>,
      %add3A_2290 = arith.addf %add3A_2278, %get3A_2289 : vector<16xf32>
      %add3A_2291 = arith.addf %add3A_2279, %add3A_2286 : vector<16xf32>
      %add3A_2292 = arith.addf %add3A_2280, %add3A_2290 : vector<16xf32>
      %slice3A_2293 = vector.extract_strided_slice %get3A_70 {offsets = [9], sizes = [1], strides = [1]} : vector<16xi32> to vector<1xi32>
      %squeeze3A_2294 = vector.extract %slice3A_2293[0] : i32 from vector<1xi32>
      %get3A_2295 = arith.index_cast %squeeze3A_2294 : i32 to index
      %get3A_2296 = arith.constant 0 : index
      %get3A_2297 = tpu.vector_load %arg6[%get3A_2295, %get3A_2296] {strides = array<i32>} : memref<1024x32xf32, #tpu.memory_space<vmem>>, vector<16xf32>,
      %add3A_2298 = arith.addf %add3A_2286, %get3A_2297 : vector<16xf32>
      %get3A_2299 = arith.index_cast %squeeze3A_2294 : i32 to index
      %get3A_2300 = arith.constant 16 : index
      %get3A_2301 = tpu.vector_load %arg6[%get3A_2299, %get3A_2300] {strides = array<i32>} : memref<1024x32xf32, #tpu.memory_space<vmem>>, vector<16xf32>,
      %add3A_2302 = arith.addf %add3A_2290, %get3A_2301 : vector<16xf32>
      %add3A_2303 = arith.addf %add3A_2291, %add3A_2298 : vector<16xf32>
      %add3A_2304 = arith.addf %add3A_2292, %add3A_2302 : vector<16xf32>
      %slice3A_2305 = vector.extract_strided_slice %get3A_66 {offsets = [9], sizes = [1], strides = [1]} : vector<16xi32> to vector<1xi32>
      %squeeze3A_2306 = vector.extract %slice3A_2305[0] : i32 from vector<1xi32>
      %get3A_2307 = arith.index_cast %squeeze3A_2306 : i32 to index
      %get3A_2308 = arith.constant 0 : index
      %get3A_2309 = tpu.vector_load %arg6[%get3A_2307, %get3A_2308] {strides = array<i32>} : memref<1024x32xf32, #tpu.memory_space<vmem>>, vector<16xf32>,
      %add3A_2310 = arith.addf %add3A_2298, %get3A_2309 : vector<16xf32>
      %get3A_2311 = arith.index_cast %squeeze3A_2306 : i32 to index
      %get3A_2312 = arith.constant 16 : index
      %get3A_2313 = tpu.vector_load %arg6[%get3A_2311, %get3A_2312] {strides = array<i32>} : memref<1024x32xf32, #tpu.memory_space<vmem>>, vector<16xf32>,
      %add3A_2314 = arith.addf %add3A_2302, %get3A_2313 : vector<16xf32>
      %add3A_2315 = arith.addf %add3A_2303, %add3A_2310 : vector<16xf32>
      %add3A_2316 = arith.addf %add3A_2304, %add3A_2314 : vector<16xf32>
      %slice3A_2317 = vector.extract_strided_slice %get3A_62 {offsets = [9], sizes = [1], strides = [1]} : vector<16xi32> to vector<1xi32>
      %squeeze3A_2318 = vector.extract %slice3A_2317[0] : i32 from vector<1xi32>
      %get3A_2319 = arith.index_cast %squeeze3A_2318 : i32 to index
      %get3A_2320 = arith.constant 0 : index
      %get3A_2321 = tpu.vector_load %arg6[%get3A_2319, %get3A_2320] {strides = array<i32>} : memref<1024x32xf32, #tpu.memory_space<vmem>>, vector<16xf32>,
      %add3A_2322 = arith.addf %add3A_2310, %get3A_2321 : vector<16xf32>
      %get3A_2323 = arith.index_cast %squeeze3A_2318 : i32 to index
      %get3A_2324 = arith.constant 16 : index
      %get3A_2325 = tpu.vector_load %arg6[%get3A_2323, %get3A_2324] {strides = array<i32>} : memref<1024x32xf32, #tpu.memory_space<vmem>>, vector<16xf32>,
      %add3A_2326 = arith.addf %add3A_2314, %get3A_2325 : vector<16xf32>
      %add3A_2327 = arith.addf %add3A_2315, %add3A_2322 : vector<16xf32>
      %add3A_2328 = arith.addf %add3A_2316, %add3A_2326 : vector<16xf32>
      %slice3A_2329 = vector.extract_strided_slice %get3A_58 {offsets = [9], sizes = [1], strides = [1]} : vector<16xi32> to vector<1xi32>
      %squeeze3A_2330 = vector.extract %slice3A_2329[0] : i32 from vector<1xi32>
      %get3A_2331 = arith.index_cast %squeeze3A_2330 : i32 to index
      %get3A_2332 = arith.constant 0 : index
      %get3A_2333 = tpu.vector_load %arg6[%get3A_2331, %get3A_2332] {strides = array<i32>} : memref<1024x32xf32, #tpu.memory_space<vmem>>, vector<16xf32>,
      %get3A_2334 = arith.index_cast %squeeze3A_2330 : i32 to index
      %get3A_2335 = arith.constant 16 : index
      %get3A_2336 = tpu.vector_load %arg6[%get3A_2334, %get3A_2335] {strides = array<i32>} : memref<1024x32xf32, #tpu.memory_space<vmem>>, vector<16xf32>,
      %add3A_2337 = arith.addf %add3A_2322, %get3A_2333 : vector<16xf32>
      %add3A_2338 = arith.addf %add3A_2326, %get3A_2336 : vector<16xf32>
      %broadcast_in_dim3A_2339 = vector.broadcast %squeeze3A_2152 : f32 to vector<16xf32>
      %gt3A_2340 = arith.constant 5.000000e-01 : f32
      %gt3A_2341 = vector.broadcast %gt3A_2340 : f32 to vector<16xf32>
      %gt3A_2342 = arith.cmpf ogt, %broadcast_in_dim3A_2339, %gt3A_2341 : vector<16xf32>
      %mul3A_2343 = arith.constant 5.000000e-01 : f32
      %mul3A_2344 = vector.broadcast %mul3A_2343 : f32 to vector<16xf32>
      %mul3A_2345 = arith.mulf %mul3A_2344, %get3A_2333 : vector<16xf32>
      %mul3A_2346 = vector.broadcast %squeeze3A_2150 : f32 to vector<16xf32>
      %mul3A_2347 = arith.mulf %mul3A_2346, %add3A_2327 : vector<16xf32>
      %select_n3A_2348 = arith.select %gt3A_2342, %mul3A_2345, %mul3A_2347 : vector<16xi1>, vector<16xf32>
      %mul3A_2349 = arith.constant 5.000000e-01 : f32
      %mul3A_2350 = vector.broadcast %mul3A_2349 : f32 to vector<16xf32>
      %mul3A_2351 = arith.mulf %mul3A_2350, %get3A_2336 : vector<16xf32>
      %mul3A_2352 = vector.broadcast %squeeze3A_2150 : f32 to vector<16xf32>
      %mul3A_2353 = arith.mulf %mul3A_2352, %add3A_2328 : vector<16xf32>
      %select_n3A_2354 = arith.select %gt3A_2342, %mul3A_2351, %mul3A_2353 : vector<16xi1>, vector<16xf32>
      %swap3A_2355 = arith.index_cast %add3A_2148 : i32 to index
      %swap3A_2356 = arith.constant 0 : index
      %swap3A_2357 = tpu.vector_load %arg9[%swap3A_2355, %swap3A_2356] {strides = array<i32>} : memref<1024x32xf32, #tpu.memory_space<vmem>>, vector<16xf32>,
      tpu.vector_store %arg9[%swap3A_2355, %swap3A_2356], %add3A_2337 {strides = array<i32>} : memref<1024x32xf32, #tpu.memory_space<vmem>>, vector<16xf32>,
      %swap3A_2358 = arith.index_cast %add3A_2148 : i32 to index
      %swap3A_2359 = arith.constant 16 : index
      %swap3A_2360 = tpu.vector_load %arg9[%swap3A_2358, %swap3A_2359] {strides = array<i32>} : memref<1024x32xf32, #tpu.memory_space<vmem>>, vector<16xf32>,
      tpu.vector_store %arg9[%swap3A_2358, %swap3A_2359], %add3A_2338 {strides = array<i32>} : memref<1024x32xf32, #tpu.memory_space<vmem>>, vector<16xf32>,
      %swap3A_2361 = arith.index_cast %add3A_2148 : i32 to index
      %swap3A_2362 = arith.constant 0 : index
      %swap3A_2363 = tpu.vector_load %arg8[%swap3A_2361, %swap3A_2362] {strides = array<i32>} : memref<1024x32xf32, #tpu.memory_space<vmem>>, vector<16xf32>,
      tpu.vector_store %arg8[%swap3A_2361, %swap3A_2362], %select_n3A_2348 {strides = array<i32>} : memref<1024x32xf32, #tpu.memory_space<vmem>>, vector<16xf32>,
      %swap3A_2364 = arith.index_cast %add3A_2148 : i32 to index
      %swap3A_2365 = arith.constant 16 : index
      %swap3A_2366 = tpu.vector_load %arg8[%swap3A_2364, %swap3A_2365] {strides = array<i32>} : memref<1024x32xf32, #tpu.memory_space<vmem>>, vector<16xf32>,
      tpu.vector_store %arg8[%swap3A_2364, %swap3A_2365], %select_n3A_2354 {strides = array<i32>} : memref<1024x32xf32, #tpu.memory_space<vmem>>, vector<16xf32>,
      %add3A_2367 = arith.constant 10 : i32
      %add3A_2368 = arith.addi %mul3A_50, %add3A_2367 : i32
      %slice3A_2369 = vector.extract_strided_slice %div3A_168 {offsets = [10], sizes = [1], strides = [1]} : vector<16xf32> to vector<1xf32>
      %squeeze3A_2370 = vector.extract %slice3A_2369[0] : f32 from vector<1xf32>
      %slice3A_2371 = vector.extract_strided_slice %select_n3A_170 {offsets = [10], sizes = [1], strides = [1]} : vector<16xf32> to vector<1xf32>
      %squeeze3A_2372 = vector.extract %slice3A_2371[0] : f32 from vector<1xf32>
      %slice3A_2373 = vector.extract_strided_slice %get3A_118 {offsets = [10], sizes = [1], strides = [1]} : vector<16xi32> to vector<1xi32>
      %squeeze3A_2374 = vector.extract %slice3A_2373[0] : i32 from vector<1xi32>
      %get3A_2375 = arith.index_cast %squeeze3A_2374 : i32 to index
      %get3A_2376 = arith.constant 0 : index
      %get3A_2377 = tpu.vector_load %arg6[%get3A_2375, %get3A_2376] {strides = array<i32>} : memref<1024x32xf32, #tpu.memory_space<vmem>>, vector<16xf32>,
      %get3A_2378 = arith.index_cast %squeeze3A_2374 : i32 to index
      %get3A_2379 = arith.constant 16 : index
      %get3A_2380 = tpu.vector_load %arg6[%get3A_2378, %get3A_2379] {strides = array<i32>} : memref<1024x32xf32, #tpu.memory_space<vmem>>, vector<16xf32>,
      %slice3A_2381 = vector.extract_strided_slice %get3A_114 {offsets = [10], sizes = [1], strides = [1]} : vector<16xi32> to vector<1xi32>
      %squeeze3A_2382 = vector.extract %slice3A_2381[0] : i32 from vector<1xi32>
      %get3A_2383 = arith.index_cast %squeeze3A_2382 : i32 to index
      %get3A_2384 = arith.constant 0 : index
      %get3A_2385 = tpu.vector_load %arg6[%get3A_2383, %get3A_2384] {strides = array<i32>} : memref<1024x32xf32, #tpu.memory_space<vmem>>, vector<16xf32>,
      %add3A_2386 = arith.addf %get3A_2377, %get3A_2385 : vector<16xf32>
      %get3A_2387 = arith.index_cast %squeeze3A_2382 : i32 to index
      %get3A_2388 = arith.constant 16 : index
      %get3A_2389 = tpu.vector_load %arg6[%get3A_2387, %get3A_2388] {strides = array<i32>} : memref<1024x32xf32, #tpu.memory_space<vmem>>, vector<16xf32>,
      %add3A_2390 = arith.addf %get3A_2380, %get3A_2389 : vector<16xf32>
      %add3A_2391 = arith.addf %get3A_2377, %add3A_2386 : vector<16xf32>
      %add3A_2392 = arith.addf %get3A_2380, %add3A_2390 : vector<16xf32>
      %slice3A_2393 = vector.extract_strided_slice %get3A_110 {offsets = [10], sizes = [1], strides = [1]} : vector<16xi32> to vector<1xi32>
      %squeeze3A_2394 = vector.extract %slice3A_2393[0] : i32 from vector<1xi32>
      %get3A_2395 = arith.index_cast %squeeze3A_2394 : i32 to index
      %get3A_2396 = arith.constant 0 : index
      %get3A_2397 = tpu.vector_load %arg6[%get3A_2395, %get3A_2396] {strides = array<i32>} : memref<1024x32xf32, #tpu.memory_space<vmem>>, vector<16xf32>,
      %add3A_2398 = arith.addf %add3A_2386, %get3A_2397 : vector<16xf32>
      %get3A_2399 = arith.index_cast %squeeze3A_2394 : i32 to index
      %get3A_2400 = arith.constant 16 : index
      %get3A_2401 = tpu.vector_load %arg6[%get3A_2399, %get3A_2400] {strides = array<i32>} : memref<1024x32xf32, #tpu.memory_space<vmem>>, vector<16xf32>,
      %add3A_2402 = arith.addf %add3A_2390, %get3A_2401 : vector<16xf32>
      %add3A_2403 = arith.addf %add3A_2391, %add3A_2398 : vector<16xf32>
      %add3A_2404 = arith.addf %add3A_2392, %add3A_2402 : vector<16xf32>
      %slice3A_2405 = vector.extract_strided_slice %get3A_106 {offsets = [10], sizes = [1], strides = [1]} : vector<16xi32> to vector<1xi32>
      %squeeze3A_2406 = vector.extract %slice3A_2405[0] : i32 from vector<1xi32>
      %get3A_2407 = arith.index_cast %squeeze3A_2406 : i32 to index
      %get3A_2408 = arith.constant 0 : index
      %get3A_2409 = tpu.vector_load %arg6[%get3A_2407, %get3A_2408] {strides = array<i32>} : memref<1024x32xf32, #tpu.memory_space<vmem>>, vector<16xf32>,
      %add3A_2410 = arith.addf %add3A_2398, %get3A_2409 : vector<16xf32>
      %get3A_2411 = arith.index_cast %squeeze3A_2406 : i32 to index
      %get3A_2412 = arith.constant 16 : index
      %get3A_2413 = tpu.vector_load %arg6[%get3A_2411, %get3A_2412] {strides = array<i32>} : memref<1024x32xf32, #tpu.memory_space<vmem>>, vector<16xf32>,
      %add3A_2414 = arith.addf %add3A_2402, %get3A_2413 : vector<16xf32>
      %add3A_2415 = arith.addf %add3A_2403, %add3A_2410 : vector<16xf32>
      %add3A_2416 = arith.addf %add3A_2404, %add3A_2414 : vector<16xf32>
      %slice3A_2417 = vector.extract_strided_slice %get3A_102 {offsets = [10], sizes = [1], strides = [1]} : vector<16xi32> to vector<1xi32>
      %squeeze3A_2418 = vector.extract %slice3A_2417[0] : i32 from vector<1xi32>
      %get3A_2419 = arith.index_cast %squeeze3A_2418 : i32 to index
      %get3A_2420 = arith.constant 0 : index
      %get3A_2421 = tpu.vector_load %arg6[%get3A_2419, %get3A_2420] {strides = array<i32>} : memref<1024x32xf32, #tpu.memory_space<vmem>>, vector<16xf32>,
      %add3A_2422 = arith.addf %add3A_2410, %get3A_2421 : vector<16xf32>
      %get3A_2423 = arith.index_cast %squeeze3A_2418 : i32 to index
      %get3A_2424 = arith.constant 16 : index
      %get3A_2425 = tpu.vector_load %arg6[%get3A_2423, %get3A_2424] {strides = array<i32>} : memref<1024x32xf32, #tpu.memory_space<vmem>>, vector<16xf32>,
      %add3A_2426 = arith.addf %add3A_2414, %get3A_2425 : vector<16xf32>
      %add3A_2427 = arith.addf %add3A_2415, %add3A_2422 : vector<16xf32>
      %add3A_2428 = arith.addf %add3A_2416, %add3A_2426 : vector<16xf32>
      %slice3A_2429 = vector.extract_strided_slice %get3A_98 {offsets = [10], sizes = [1], strides = [1]} : vector<16xi32> to vector<1xi32>
      %squeeze3A_2430 = vector.extract %slice3A_2429[0] : i32 from vector<1xi32>
      %get3A_2431 = arith.index_cast %squeeze3A_2430 : i32 to index
      %get3A_2432 = arith.constant 0 : index
      %get3A_2433 = tpu.vector_load %arg6[%get3A_2431, %get3A_2432] {strides = array<i32>} : memref<1024x32xf32, #tpu.memory_space<vmem>>, vector<16xf32>,
      %add3A_2434 = arith.addf %add3A_2422, %get3A_2433 : vector<16xf32>
      %get3A_2435 = arith.index_cast %squeeze3A_2430 : i32 to index
      %get3A_2436 = arith.constant 16 : index
      %get3A_2437 = tpu.vector_load %arg6[%get3A_2435, %get3A_2436] {strides = array<i32>} : memref<1024x32xf32, #tpu.memory_space<vmem>>, vector<16xf32>,
      %add3A_2438 = arith.addf %add3A_2426, %get3A_2437 : vector<16xf32>
      %add3A_2439 = arith.addf %add3A_2427, %add3A_2434 : vector<16xf32>
      %add3A_2440 = arith.addf %add3A_2428, %add3A_2438 : vector<16xf32>
      %slice3A_2441 = vector.extract_strided_slice %get3A_94 {offsets = [10], sizes = [1], strides = [1]} : vector<16xi32> to vector<1xi32>
      %squeeze3A_2442 = vector.extract %slice3A_2441[0] : i32 from vector<1xi32>
      %get3A_2443 = arith.index_cast %squeeze3A_2442 : i32 to index
      %get3A_2444 = arith.constant 0 : index
      %get3A_2445 = tpu.vector_load %arg6[%get3A_2443, %get3A_2444] {strides = array<i32>} : memref<1024x32xf32, #tpu.memory_space<vmem>>, vector<16xf32>,
      %add3A_2446 = arith.addf %add3A_2434, %get3A_2445 : vector<16xf32>
      %get3A_2447 = arith.index_cast %squeeze3A_2442 : i32 to index
      %get3A_2448 = arith.constant 16 : index
      %get3A_2449 = tpu.vector_load %arg6[%get3A_2447, %get3A_2448] {strides = array<i32>} : memref<1024x32xf32, #tpu.memory_space<vmem>>, vector<16xf32>,
      %add3A_2450 = arith.addf %add3A_2438, %get3A_2449 : vector<16xf32>
      %add3A_2451 = arith.addf %add3A_2439, %add3A_2446 : vector<16xf32>
      %add3A_2452 = arith.addf %add3A_2440, %add3A_2450 : vector<16xf32>
      %slice3A_2453 = vector.extract_strided_slice %get3A_90 {offsets = [10], sizes = [1], strides = [1]} : vector<16xi32> to vector<1xi32>
      %squeeze3A_2454 = vector.extract %slice3A_2453[0] : i32 from vector<1xi32>
      %get3A_2455 = arith.index_cast %squeeze3A_2454 : i32 to index
      %get3A_2456 = arith.constant 0 : index
      %get3A_2457 = tpu.vector_load %arg6[%get3A_2455, %get3A_2456] {strides = array<i32>} : memref<1024x32xf32, #tpu.memory_space<vmem>>, vector<16xf32>,
      %add3A_2458 = arith.addf %add3A_2446, %get3A_2457 : vector<16xf32>
      %get3A_2459 = arith.index_cast %squeeze3A_2454 : i32 to index
      %get3A_2460 = arith.constant 16 : index
      %get3A_2461 = tpu.vector_load %arg6[%get3A_2459, %get3A_2460] {strides = array<i32>} : memref<1024x32xf32, #tpu.memory_space<vmem>>, vector<16xf32>,
      %add3A_2462 = arith.addf %add3A_2450, %get3A_2461 : vector<16xf32>
      %add3A_2463 = arith.addf %add3A_2451, %add3A_2458 : vector<16xf32>
      %add3A_2464 = arith.addf %add3A_2452, %add3A_2462 : vector<16xf32>
      %slice3A_2465 = vector.extract_strided_slice %get3A_86 {offsets = [10], sizes = [1], strides = [1]} : vector<16xi32> to vector<1xi32>
      %squeeze3A_2466 = vector.extract %slice3A_2465[0] : i32 from vector<1xi32>
      %get3A_2467 = arith.index_cast %squeeze3A_2466 : i32 to index
      %get3A_2468 = arith.constant 0 : index
      %get3A_2469 = tpu.vector_load %arg6[%get3A_2467, %get3A_2468] {strides = array<i32>} : memref<1024x32xf32, #tpu.memory_space<vmem>>, vector<16xf32>,
      %add3A_2470 = arith.addf %add3A_2458, %get3A_2469 : vector<16xf32>
      %get3A_2471 = arith.index_cast %squeeze3A_2466 : i32 to index
      %get3A_2472 = arith.constant 16 : index
      %get3A_2473 = tpu.vector_load %arg6[%get3A_2471, %get3A_2472] {strides = array<i32>} : memref<1024x32xf32, #tpu.memory_space<vmem>>, vector<16xf32>,
      %add3A_2474 = arith.addf %add3A_2462, %get3A_2473 : vector<16xf32>
      %add3A_2475 = arith.addf %add3A_2463, %add3A_2470 : vector<16xf32>
      %add3A_2476 = arith.addf %add3A_2464, %add3A_2474 : vector<16xf32>
      %slice3A_2477 = vector.extract_strided_slice %get3A_82 {offsets = [10], sizes = [1], strides = [1]} : vector<16xi32> to vector<1xi32>
      %squeeze3A_2478 = vector.extract %slice3A_2477[0] : i32 from vector<1xi32>
      %get3A_2479 = arith.index_cast %squeeze3A_2478 : i32 to index
      %get3A_2480 = arith.constant 0 : index
      %get3A_2481 = tpu.vector_load %arg6[%get3A_2479, %get3A_2480] {strides = array<i32>} : memref<1024x32xf32, #tpu.memory_space<vmem>>, vector<16xf32>,
      %add3A_2482 = arith.addf %add3A_2470, %get3A_2481 : vector<16xf32>
      %get3A_2483 = arith.index_cast %squeeze3A_2478 : i32 to index
      %get3A_2484 = arith.constant 16 : index
      %get3A_2485 = tpu.vector_load %arg6[%get3A_2483, %get3A_2484] {strides = array<i32>} : memref<1024x32xf32, #tpu.memory_space<vmem>>, vector<16xf32>,
      %add3A_2486 = arith.addf %add3A_2474, %get3A_2485 : vector<16xf32>
      %add3A_2487 = arith.addf %add3A_2475, %add3A_2482 : vector<16xf32>
      %add3A_2488 = arith.addf %add3A_2476, %add3A_2486 : vector<16xf32>
      %slice3A_2489 = vector.extract_strided_slice %get3A_78 {offsets = [10], sizes = [1], strides = [1]} : vector<16xi32> to vector<1xi32>
      %squeeze3A_2490 = vector.extract %slice3A_2489[0] : i32 from vector<1xi32>
      %get3A_2491 = arith.index_cast %squeeze3A_2490 : i32 to index
      %get3A_2492 = arith.constant 0 : index
      %get3A_2493 = tpu.vector_load %arg6[%get3A_2491, %get3A_2492] {strides = array<i32>} : memref<1024x32xf32, #tpu.memory_space<vmem>>, vector<16xf32>,
      %add3A_2494 = arith.addf %add3A_2482, %get3A_2493 : vector<16xf32>
      %get3A_2495 = arith.index_cast %squeeze3A_2490 : i32 to index
      %get3A_2496 = arith.constant 16 : index
      %get3A_2497 = tpu.vector_load %arg6[%get3A_2495, %get3A_2496] {strides = array<i32>} : memref<1024x32xf32, #tpu.memory_space<vmem>>, vector<16xf32>,
      %add3A_2498 = arith.addf %add3A_2486, %get3A_2497 : vector<16xf32>
      %add3A_2499 = arith.addf %add3A_2487, %add3A_2494 : vector<16xf32>
      %add3A_2500 = arith.addf %add3A_2488, %add3A_2498 : vector<16xf32>
      %slice3A_2501 = vector.extract_strided_slice %get3A_74 {offsets = [10], sizes = [1], strides = [1]} : vector<16xi32> to vector<1xi32>
      %squeeze3A_2502 = vector.extract %slice3A_2501[0] : i32 from vector<1xi32>
      %get3A_2503 = arith.index_cast %squeeze3A_2502 : i32 to index
      %get3A_2504 = arith.constant 0 : index
      %get3A_2505 = tpu.vector_load %arg6[%get3A_2503, %get3A_2504] {strides = array<i32>} : memref<1024x32xf32, #tpu.memory_space<vmem>>, vector<16xf32>,
      %add3A_2506 = arith.addf %add3A_2494, %get3A_2505 : vector<16xf32>
      %get3A_2507 = arith.index_cast %squeeze3A_2502 : i32 to index
      %get3A_2508 = arith.constant 16 : index
      %get3A_2509 = tpu.vector_load %arg6[%get3A_2507, %get3A_2508] {strides = array<i32>} : memref<1024x32xf32, #tpu.memory_space<vmem>>, vector<16xf32>,
      %add3A_2510 = arith.addf %add3A_2498, %get3A_2509 : vector<16xf32>
      %add3A_2511 = arith.addf %add3A_2499, %add3A_2506 : vector<16xf32>
      %add3A_2512 = arith.addf %add3A_2500, %add3A_2510 : vector<16xf32>
      %slice3A_2513 = vector.extract_strided_slice %get3A_70 {offsets = [10], sizes = [1], strides = [1]} : vector<16xi32> to vector<1xi32>
      %squeeze3A_2514 = vector.extract %slice3A_2513[0] : i32 from vector<1xi32>
      %get3A_2515 = arith.index_cast %squeeze3A_2514 : i32 to index
      %get3A_2516 = arith.constant 0 : index
      %get3A_2517 = tpu.vector_load %arg6[%get3A_2515, %get3A_2516] {strides = array<i32>} : memref<1024x32xf32, #tpu.memory_space<vmem>>, vector<16xf32>,
      %add3A_2518 = arith.addf %add3A_2506, %get3A_2517 : vector<16xf32>
      %get3A_2519 = arith.index_cast %squeeze3A_2514 : i32 to index
      %get3A_2520 = arith.constant 16 : index
      %get3A_2521 = tpu.vector_load %arg6[%get3A_2519, %get3A_2520] {strides = array<i32>} : memref<1024x32xf32, #tpu.memory_space<vmem>>, vector<16xf32>,
      %add3A_2522 = arith.addf %add3A_2510, %get3A_2521 : vector<16xf32>
      %add3A_2523 = arith.addf %add3A_2511, %add3A_2518 : vector<16xf32>
      %add3A_2524 = arith.addf %add3A_2512, %add3A_2522 : vector<16xf32>
      %slice3A_2525 = vector.extract_strided_slice %get3A_66 {offsets = [10], sizes = [1], strides = [1]} : vector<16xi32> to vector<1xi32>
      %squeeze3A_2526 = vector.extract %slice3A_2525[0] : i32 from vector<1xi32>
      %get3A_2527 = arith.index_cast %squeeze3A_2526 : i32 to index
      %get3A_2528 = arith.constant 0 : index
      %get3A_2529 = tpu.vector_load %arg6[%get3A_2527, %get3A_2528] {strides = array<i32>} : memref<1024x32xf32, #tpu.memory_space<vmem>>, vector<16xf32>,
      %add3A_2530 = arith.addf %add3A_2518, %get3A_2529 : vector<16xf32>
      %get3A_2531 = arith.index_cast %squeeze3A_2526 : i32 to index
      %get3A_2532 = arith.constant 16 : index
      %get3A_2533 = tpu.vector_load %arg6[%get3A_2531, %get3A_2532] {strides = array<i32>} : memref<1024x32xf32, #tpu.memory_space<vmem>>, vector<16xf32>,
      %add3A_2534 = arith.addf %add3A_2522, %get3A_2533 : vector<16xf32>
      %add3A_2535 = arith.addf %add3A_2523, %add3A_2530 : vector<16xf32>
      %add3A_2536 = arith.addf %add3A_2524, %add3A_2534 : vector<16xf32>
      %slice3A_2537 = vector.extract_strided_slice %get3A_62 {offsets = [10], sizes = [1], strides = [1]} : vector<16xi32> to vector<1xi32>
      %squeeze3A_2538 = vector.extract %slice3A_2537[0] : i32 from vector<1xi32>
      %get3A_2539 = arith.index_cast %squeeze3A_2538 : i32 to index
      %get3A_2540 = arith.constant 0 : index
      %get3A_2541 = tpu.vector_load %arg6[%get3A_2539, %get3A_2540] {strides = array<i32>} : memref<1024x32xf32, #tpu.memory_space<vmem>>, vector<16xf32>,
      %add3A_2542 = arith.addf %add3A_2530, %get3A_2541 : vector<16xf32>
      %get3A_2543 = arith.index_cast %squeeze3A_2538 : i32 to index
      %get3A_2544 = arith.constant 16 : index
      %get3A_2545 = tpu.vector_load %arg6[%get3A_2543, %get3A_2544] {strides = array<i32>} : memref<1024x32xf32, #tpu.memory_space<vmem>>, vector<16xf32>,
      %add3A_2546 = arith.addf %add3A_2534, %get3A_2545 : vector<16xf32>
      %add3A_2547 = arith.addf %add3A_2535, %add3A_2542 : vector<16xf32>
      %add3A_2548 = arith.addf %add3A_2536, %add3A_2546 : vector<16xf32>
      %slice3A_2549 = vector.extract_strided_slice %get3A_58 {offsets = [10], sizes = [1], strides = [1]} : vector<16xi32> to vector<1xi32>
      %squeeze3A_2550 = vector.extract %slice3A_2549[0] : i32 from vector<1xi32>
      %get3A_2551 = arith.index_cast %squeeze3A_2550 : i32 to index
      %get3A_2552 = arith.constant 0 : index
      %get3A_2553 = tpu.vector_load %arg6[%get3A_2551, %get3A_2552] {strides = array<i32>} : memref<1024x32xf32, #tpu.memory_space<vmem>>, vector<16xf32>,
      %get3A_2554 = arith.index_cast %squeeze3A_2550 : i32 to index
      %get3A_2555 = arith.constant 16 : index
      %get3A_2556 = tpu.vector_load %arg6[%get3A_2554, %get3A_2555] {strides = array<i32>} : memref<1024x32xf32, #tpu.memory_space<vmem>>, vector<16xf32>,
      %add3A_2557 = arith.addf %add3A_2542, %get3A_2553 : vector<16xf32>
      %add3A_2558 = arith.addf %add3A_2546, %get3A_2556 : vector<16xf32>
      %broadcast_in_dim3A_2559 = vector.broadcast %squeeze3A_2372 : f32 to vector<16xf32>
      %gt3A_2560 = arith.constant 5.000000e-01 : f32
      %gt3A_2561 = vector.broadcast %gt3A_2560 : f32 to vector<16xf32>
      %gt3A_2562 = arith.cmpf ogt, %broadcast_in_dim3A_2559, %gt3A_2561 : vector<16xf32>
      %mul3A_2563 = arith.constant 5.000000e-01 : f32
      %mul3A_2564 = vector.broadcast %mul3A_2563 : f32 to vector<16xf32>
      %mul3A_2565 = arith.mulf %mul3A_2564, %get3A_2553 : vector<16xf32>
      %mul3A_2566 = vector.broadcast %squeeze3A_2370 : f32 to vector<16xf32>
      %mul3A_2567 = arith.mulf %mul3A_2566, %add3A_2547 : vector<16xf32>
      %select_n3A_2568 = arith.select %gt3A_2562, %mul3A_2565, %mul3A_2567 : vector<16xi1>, vector<16xf32>
      %mul3A_2569 = arith.constant 5.000000e-01 : f32
      %mul3A_2570 = vector.broadcast %mul3A_2569 : f32 to vector<16xf32>
      %mul3A_2571 = arith.mulf %mul3A_2570, %get3A_2556 : vector<16xf32>
      %mul3A_2572 = vector.broadcast %squeeze3A_2370 : f32 to vector<16xf32>
      %mul3A_2573 = arith.mulf %mul3A_2572, %add3A_2548 : vector<16xf32>
      %select_n3A_2574 = arith.select %gt3A_2562, %mul3A_2571, %mul3A_2573 : vector<16xi1>, vector<16xf32>
      %swap3A_2575 = arith.index_cast %add3A_2368 : i32 to index
      %swap3A_2576 = arith.constant 0 : index
      %swap3A_2577 = tpu.vector_load %arg9[%swap3A_2575, %swap3A_2576] {strides = array<i32>} : memref<1024x32xf32, #tpu.memory_space<vmem>>, vector<16xf32>,
      tpu.vector_store %arg9[%swap3A_2575, %swap3A_2576], %add3A_2557 {strides = array<i32>} : memref<1024x32xf32, #tpu.memory_space<vmem>>, vector<16xf32>,
      %swap3A_2578 = arith.index_cast %add3A_2368 : i32 to index
      %swap3A_2579 = arith.constant 16 : index
      %swap3A_2580 = tpu.vector_load %arg9[%swap3A_2578, %swap3A_2579] {strides = array<i32>} : memref<1024x32xf32, #tpu.memory_space<vmem>>, vector<16xf32>,
      tpu.vector_store %arg9[%swap3A_2578, %swap3A_2579], %add3A_2558 {strides = array<i32>} : memref<1024x32xf32, #tpu.memory_space<vmem>>, vector<16xf32>,
      %swap3A_2581 = arith.index_cast %add3A_2368 : i32 to index
      %swap3A_2582 = arith.constant 0 : index
      %swap3A_2583 = tpu.vector_load %arg8[%swap3A_2581, %swap3A_2582] {strides = array<i32>} : memref<1024x32xf32, #tpu.memory_space<vmem>>, vector<16xf32>,
      tpu.vector_store %arg8[%swap3A_2581, %swap3A_2582], %select_n3A_2568 {strides = array<i32>} : memref<1024x32xf32, #tpu.memory_space<vmem>>, vector<16xf32>,
      %swap3A_2584 = arith.index_cast %add3A_2368 : i32 to index
      %swap3A_2585 = arith.constant 16 : index
      %swap3A_2586 = tpu.vector_load %arg8[%swap3A_2584, %swap3A_2585] {strides = array<i32>} : memref<1024x32xf32, #tpu.memory_space<vmem>>, vector<16xf32>,
      tpu.vector_store %arg8[%swap3A_2584, %swap3A_2585], %select_n3A_2574 {strides = array<i32>} : memref<1024x32xf32, #tpu.memory_space<vmem>>, vector<16xf32>,
      %add3A_2587 = arith.constant 11 : i32
      %add3A_2588 = arith.addi %mul3A_50, %add3A_2587 : i32
      %slice3A_2589 = vector.extract_strided_slice %div3A_168 {offsets = [11], sizes = [1], strides = [1]} : vector<16xf32> to vector<1xf32>
      %squeeze3A_2590 = vector.extract %slice3A_2589[0] : f32 from vector<1xf32>
      %slice3A_2591 = vector.extract_strided_slice %select_n3A_170 {offsets = [11], sizes = [1], strides = [1]} : vector<16xf32> to vector<1xf32>
      %squeeze3A_2592 = vector.extract %slice3A_2591[0] : f32 from vector<1xf32>
      %slice3A_2593 = vector.extract_strided_slice %get3A_118 {offsets = [11], sizes = [1], strides = [1]} : vector<16xi32> to vector<1xi32>
      %squeeze3A_2594 = vector.extract %slice3A_2593[0] : i32 from vector<1xi32>
      %get3A_2595 = arith.index_cast %squeeze3A_2594 : i32 to index
      %get3A_2596 = arith.constant 0 : index
      %get3A_2597 = tpu.vector_load %arg6[%get3A_2595, %get3A_2596] {strides = array<i32>} : memref<1024x32xf32, #tpu.memory_space<vmem>>, vector<16xf32>,
      %get3A_2598 = arith.index_cast %squeeze3A_2594 : i32 to index
      %get3A_2599 = arith.constant 16 : index
      %get3A_2600 = tpu.vector_load %arg6[%get3A_2598, %get3A_2599] {strides = array<i32>} : memref<1024x32xf32, #tpu.memory_space<vmem>>, vector<16xf32>,
      %slice3A_2601 = vector.extract_strided_slice %get3A_114 {offsets = [11], sizes = [1], strides = [1]} : vector<16xi32> to vector<1xi32>
      %squeeze3A_2602 = vector.extract %slice3A_2601[0] : i32 from vector<1xi32>
      %get3A_2603 = arith.index_cast %squeeze3A_2602 : i32 to index
      %get3A_2604 = arith.constant 0 : index
      %get3A_2605 = tpu.vector_load %arg6[%get3A_2603, %get3A_2604] {strides = array<i32>} : memref<1024x32xf32, #tpu.memory_space<vmem>>, vector<16xf32>,
      %add3A_2606 = arith.addf %get3A_2597, %get3A_2605 : vector<16xf32>
      %get3A_2607 = arith.index_cast %squeeze3A_2602 : i32 to index
      %get3A_2608 = arith.constant 16 : index
      %get3A_2609 = tpu.vector_load %arg6[%get3A_2607, %get3A_2608] {strides = array<i32>} : memref<1024x32xf32, #tpu.memory_space<vmem>>, vector<16xf32>,
      %add3A_2610 = arith.addf %get3A_2600, %get3A_2609 : vector<16xf32>
      %add3A_2611 = arith.addf %get3A_2597, %add3A_2606 : vector<16xf32>
      %add3A_2612 = arith.addf %get3A_2600, %add3A_2610 : vector<16xf32>
      %slice3A_2613 = vector.extract_strided_slice %get3A_110 {offsets = [11], sizes = [1], strides = [1]} : vector<16xi32> to vector<1xi32>
      %squeeze3A_2614 = vector.extract %slice3A_2613[0] : i32 from vector<1xi32>
      %get3A_2615 = arith.index_cast %squeeze3A_2614 : i32 to index
      %get3A_2616 = arith.constant 0 : index
      %get3A_2617 = tpu.vector_load %arg6[%get3A_2615, %get3A_2616] {strides = array<i32>} : memref<1024x32xf32, #tpu.memory_space<vmem>>, vector<16xf32>,
      %add3A_2618 = arith.addf %add3A_2606, %get3A_2617 : vector<16xf32>
      %get3A_2619 = arith.index_cast %squeeze3A_2614 : i32 to index
      %get3A_2620 = arith.constant 16 : index
      %get3A_2621 = tpu.vector_load %arg6[%get3A_2619, %get3A_2620] {strides = array<i32>} : memref<1024x32xf32, #tpu.memory_space<vmem>>, vector<16xf32>,
      %add3A_2622 = arith.addf %add3A_2610, %get3A_2621 : vector<16xf32>
      %add3A_2623 = arith.addf %add3A_2611, %add3A_2618 : vector<16xf32>
      %add3A_2624 = arith.addf %add3A_2612, %add3A_2622 : vector<16xf32>
      %slice3A_2625 = vector.extract_strided_slice %get3A_106 {offsets = [11], sizes = [1], strides = [1]} : vector<16xi32> to vector<1xi32>
      %squeeze3A_2626 = vector.extract %slice3A_2625[0] : i32 from vector<1xi32>
      %get3A_2627 = arith.index_cast %squeeze3A_2626 : i32 to index
      %get3A_2628 = arith.constant 0 : index
      %get3A_2629 = tpu.vector_load %arg6[%get3A_2627, %get3A_2628] {strides = array<i32>} : memref<1024x32xf32, #tpu.memory_space<vmem>>, vector<16xf32>,
      %add3A_2630 = arith.addf %add3A_2618, %get3A_2629 : vector<16xf32>
      %get3A_2631 = arith.index_cast %squeeze3A_2626 : i32 to index
      %get3A_2632 = arith.constant 16 : index
      %get3A_2633 = tpu.vector_load %arg6[%get3A_2631, %get3A_2632] {strides = array<i32>} : memref<1024x32xf32, #tpu.memory_space<vmem>>, vector<16xf32>,
      %add3A_2634 = arith.addf %add3A_2622, %get3A_2633 : vector<16xf32>
      %add3A_2635 = arith.addf %add3A_2623, %add3A_2630 : vector<16xf32>
      %add3A_2636 = arith.addf %add3A_2624, %add3A_2634 : vector<16xf32>
      %slice3A_2637 = vector.extract_strided_slice %get3A_102 {offsets = [11], sizes = [1], strides = [1]} : vector<16xi32> to vector<1xi32>
      %squeeze3A_2638 = vector.extract %slice3A_2637[0] : i32 from vector<1xi32>
      %get3A_2639 = arith.index_cast %squeeze3A_2638 : i32 to index
      %get3A_2640 = arith.constant 0 : index
      %get3A_2641 = tpu.vector_load %arg6[%get3A_2639, %get3A_2640] {strides = array<i32>} : memref<1024x32xf32, #tpu.memory_space<vmem>>, vector<16xf32>,
      %add3A_2642 = arith.addf %add3A_2630, %get3A_2641 : vector<16xf32>
      %get3A_2643 = arith.index_cast %squeeze3A_2638 : i32 to index
      %get3A_2644 = arith.constant 16 : index
      %get3A_2645 = tpu.vector_load %arg6[%get3A_2643, %get3A_2644] {strides = array<i32>} : memref<1024x32xf32, #tpu.memory_space<vmem>>, vector<16xf32>,
      %add3A_2646 = arith.addf %add3A_2634, %get3A_2645 : vector<16xf32>
      %add3A_2647 = arith.addf %add3A_2635, %add3A_2642 : vector<16xf32>
      %add3A_2648 = arith.addf %add3A_2636, %add3A_2646 : vector<16xf32>
      %slice3A_2649 = vector.extract_strided_slice %get3A_98 {offsets = [11], sizes = [1], strides = [1]} : vector<16xi32> to vector<1xi32>
      %squeeze3A_2650 = vector.extract %slice3A_2649[0] : i32 from vector<1xi32>
      %get3A_2651 = arith.index_cast %squeeze3A_2650 : i32 to index
      %get3A_2652 = arith.constant 0 : index
      %get3A_2653 = tpu.vector_load %arg6[%get3A_2651, %get3A_2652] {strides = array<i32>} : memref<1024x32xf32, #tpu.memory_space<vmem>>, vector<16xf32>,
      %add3A_2654 = arith.addf %add3A_2642, %get3A_2653 : vector<16xf32>
      %get3A_2655 = arith.index_cast %squeeze3A_2650 : i32 to index
      %get3A_2656 = arith.constant 16 : index
      %get3A_2657 = tpu.vector_load %arg6[%get3A_2655, %get3A_2656] {strides = array<i32>} : memref<1024x32xf32, #tpu.memory_space<vmem>>, vector<16xf32>,
      %add3A_2658 = arith.addf %add3A_2646, %get3A_2657 : vector<16xf32>
      %add3A_2659 = arith.addf %add3A_2647, %add3A_2654 : vector<16xf32>
      %add3A_2660 = arith.addf %add3A_2648, %add3A_2658 : vector<16xf32>
      %slice3A_2661 = vector.extract_strided_slice %get3A_94 {offsets = [11], sizes = [1], strides = [1]} : vector<16xi32> to vector<1xi32>
      %squeeze3A_2662 = vector.extract %slice3A_2661[0] : i32 from vector<1xi32>
      %get3A_2663 = arith.index_cast %squeeze3A_2662 : i32 to index
      %get3A_2664 = arith.constant 0 : index
      %get3A_2665 = tpu.vector_load %arg6[%get3A_2663, %get3A_2664] {strides = array<i32>} : memref<1024x32xf32, #tpu.memory_space<vmem>>, vector<16xf32>,
      %add3A_2666 = arith.addf %add3A_2654, %get3A_2665 : vector<16xf32>
      %get3A_2667 = arith.index_cast %squeeze3A_2662 : i32 to index
      %get3A_2668 = arith.constant 16 : index
      %get3A_2669 = tpu.vector_load %arg6[%get3A_2667, %get3A_2668] {strides = array<i32>} : memref<1024x32xf32, #tpu.memory_space<vmem>>, vector<16xf32>,
      %add3A_2670 = arith.addf %add3A_2658, %get3A_2669 : vector<16xf32>
      %add3A_2671 = arith.addf %add3A_2659, %add3A_2666 : vector<16xf32>
      %add3A_2672 = arith.addf %add3A_2660, %add3A_2670 : vector<16xf32>
      %slice3A_2673 = vector.extract_strided_slice %get3A_90 {offsets = [11], sizes = [1], strides = [1]} : vector<16xi32> to vector<1xi32>
      %squeeze3A_2674 = vector.extract %slice3A_2673[0] : i32 from vector<1xi32>
      %get3A_2675 = arith.index_cast %squeeze3A_2674 : i32 to index
      %get3A_2676 = arith.constant 0 : index
      %get3A_2677 = tpu.vector_load %arg6[%get3A_2675, %get3A_2676] {strides = array<i32>} : memref<1024x32xf32, #tpu.memory_space<vmem>>, vector<16xf32>,
      %add3A_2678 = arith.addf %add3A_2666, %get3A_2677 : vector<16xf32>
      %get3A_2679 = arith.index_cast %squeeze3A_2674 : i32 to index
      %get3A_2680 = arith.constant 16 : index
      %get3A_2681 = tpu.vector_load %arg6[%get3A_2679, %get3A_2680] {strides = array<i32>} : memref<1024x32xf32, #tpu.memory_space<vmem>>, vector<16xf32>,
      %add3A_2682 = arith.addf %add3A_2670, %get3A_2681 : vector<16xf32>
      %add3A_2683 = arith.addf %add3A_2671, %add3A_2678 : vector<16xf32>
      %add3A_2684 = arith.addf %add3A_2672, %add3A_2682 : vector<16xf32>
      %slice3A_2685 = vector.extract_strided_slice %get3A_86 {offsets = [11], sizes = [1], strides = [1]} : vector<16xi32> to vector<1xi32>
      %squeeze3A_2686 = vector.extract %slice3A_2685[0] : i32 from vector<1xi32>
      %get3A_2687 = arith.index_cast %squeeze3A_2686 : i32 to index
      %get3A_2688 = arith.constant 0 : index
      %get3A_2689 = tpu.vector_load %arg6[%get3A_2687, %get3A_2688] {strides = array<i32>} : memref<1024x32xf32, #tpu.memory_space<vmem>>, vector<16xf32>,
      %add3A_2690 = arith.addf %add3A_2678, %get3A_2689 : vector<16xf32>
      %get3A_2691 = arith.index_cast %squeeze3A_2686 : i32 to index
      %get3A_2692 = arith.constant 16 : index
      %get3A_2693 = tpu.vector_load %arg6[%get3A_2691, %get3A_2692] {strides = array<i32>} : memref<1024x32xf32, #tpu.memory_space<vmem>>, vector<16xf32>,
      %add3A_2694 = arith.addf %add3A_2682, %get3A_2693 : vector<16xf32>
      %add3A_2695 = arith.addf %add3A_2683, %add3A_2690 : vector<16xf32>
      %add3A_2696 = arith.addf %add3A_2684, %add3A_2694 : vector<16xf32>
      %slice3A_2697 = vector.extract_strided_slice %get3A_82 {offsets = [11], sizes = [1], strides = [1]} : vector<16xi32> to vector<1xi32>
      %squeeze3A_2698 = vector.extract %slice3A_2697[0] : i32 from vector<1xi32>
      %get3A_2699 = arith.index_cast %squeeze3A_2698 : i32 to index
      %get3A_2700 = arith.constant 0 : index
      %get3A_2701 = tpu.vector_load %arg6[%get3A_2699, %get3A_2700] {strides = array<i32>} : memref<1024x32xf32, #tpu.memory_space<vmem>>, vector<16xf32>,
      %add3A_2702 = arith.addf %add3A_2690, %get3A_2701 : vector<16xf32>
      %get3A_2703 = arith.index_cast %squeeze3A_2698 : i32 to index
      %get3A_2704 = arith.constant 16 : index
      %get3A_2705 = tpu.vector_load %arg6[%get3A_2703, %get3A_2704] {strides = array<i32>} : memref<1024x32xf32, #tpu.memory_space<vmem>>, vector<16xf32>,
      %add3A_2706 = arith.addf %add3A_2694, %get3A_2705 : vector<16xf32>
      %add3A_2707 = arith.addf %add3A_2695, %add3A_2702 : vector<16xf32>
      %add3A_2708 = arith.addf %add3A_2696, %add3A_2706 : vector<16xf32>
      %slice3A_2709 = vector.extract_strided_slice %get3A_78 {offsets = [11], sizes = [1], strides = [1]} : vector<16xi32> to vector<1xi32>
      %squeeze3A_2710 = vector.extract %slice3A_2709[0] : i32 from vector<1xi32>
      %get3A_2711 = arith.index_cast %squeeze3A_2710 : i32 to index
      %get3A_2712 = arith.constant 0 : index
      %get3A_2713 = tpu.vector_load %arg6[%get3A_2711, %get3A_2712] {strides = array<i32>} : memref<1024x32xf32, #tpu.memory_space<vmem>>, vector<16xf32>,
      %add3A_2714 = arith.addf %add3A_2702, %get3A_2713 : vector<16xf32>
      %get3A_2715 = arith.index_cast %squeeze3A_2710 : i32 to index
      %get3A_2716 = arith.constant 16 : index
      %get3A_2717 = tpu.vector_load %arg6[%get3A_2715, %get3A_2716] {strides = array<i32>} : memref<1024x32xf32, #tpu.memory_space<vmem>>, vector<16xf32>,
      %add3A_2718 = arith.addf %add3A_2706, %get3A_2717 : vector<16xf32>
      %add3A_2719 = arith.addf %add3A_2707, %add3A_2714 : vector<16xf32>
      %add3A_2720 = arith.addf %add3A_2708, %add3A_2718 : vector<16xf32>
      %slice3A_2721 = vector.extract_strided_slice %get3A_74 {offsets = [11], sizes = [1], strides = [1]} : vector<16xi32> to vector<1xi32>
      %squeeze3A_2722 = vector.extract %slice3A_2721[0] : i32 from vector<1xi32>
      %get3A_2723 = arith.index_cast %squeeze3A_2722 : i32 to index
      %get3A_2724 = arith.constant 0 : index
      %get3A_2725 = tpu.vector_load %arg6[%get3A_2723, %get3A_2724] {strides = array<i32>} : memref<1024x32xf32, #tpu.memory_space<vmem>>, vector<16xf32>,
      %add3A_2726 = arith.addf %add3A_2714, %get3A_2725 : vector<16xf32>
      %get3A_2727 = arith.index_cast %squeeze3A_2722 : i32 to index
      %get3A_2728 = arith.constant 16 : index
      %get3A_2729 = tpu.vector_load %arg6[%get3A_2727, %get3A_2728] {strides = array<i32>} : memref<1024x32xf32, #tpu.memory_space<vmem>>, vector<16xf32>,
      %add3A_2730 = arith.addf %add3A_2718, %get3A_2729 : vector<16xf32>
      %add3A_2731 = arith.addf %add3A_2719, %add3A_2726 : vector<16xf32>
      %add3A_2732 = arith.addf %add3A_2720, %add3A_2730 : vector<16xf32>
      %slice3A_2733 = vector.extract_strided_slice %get3A_70 {offsets = [11], sizes = [1], strides = [1]} : vector<16xi32> to vector<1xi32>
      %squeeze3A_2734 = vector.extract %slice3A_2733[0] : i32 from vector<1xi32>
      %get3A_2735 = arith.index_cast %squeeze3A_2734 : i32 to index
      %get3A_2736 = arith.constant 0 : index
      %get3A_2737 = tpu.vector_load %arg6[%get3A_2735, %get3A_2736] {strides = array<i32>} : memref<1024x32xf32, #tpu.memory_space<vmem>>, vector<16xf32>,
      %add3A_2738 = arith.addf %add3A_2726, %get3A_2737 : vector<16xf32>
      %get3A_2739 = arith.index_cast %squeeze3A_2734 : i32 to index
      %get3A_2740 = arith.constant 16 : index
      %get3A_2741 = tpu.vector_load %arg6[%get3A_2739, %get3A_2740] {strides = array<i32>} : memref<1024x32xf32, #tpu.memory_space<vmem>>, vector<16xf32>,
      %add3A_2742 = arith.addf %add3A_2730, %get3A_2741 : vector<16xf32>
      %add3A_2743 = arith.addf %add3A_2731, %add3A_2738 : vector<16xf32>
      %add3A_2744 = arith.addf %add3A_2732, %add3A_2742 : vector<16xf32>
      %slice3A_2745 = vector.extract_strided_slice %get3A_66 {offsets = [11], sizes = [1], strides = [1]} : vector<16xi32> to vector<1xi32>
      %squeeze3A_2746 = vector.extract %slice3A_2745[0] : i32 from vector<1xi32>
      %get3A_2747 = arith.index_cast %squeeze3A_2746 : i32 to index
      %get3A_2748 = arith.constant 0 : index
      %get3A_2749 = tpu.vector_load %arg6[%get3A_2747, %get3A_2748] {strides = array<i32>} : memref<1024x32xf32, #tpu.memory_space<vmem>>, vector<16xf32>,
      %add3A_2750 = arith.addf %add3A_2738, %get3A_2749 : vector<16xf32>
      %get3A_2751 = arith.index_cast %squeeze3A_2746 : i32 to index
      %get3A_2752 = arith.constant 16 : index
      %get3A_2753 = tpu.vector_load %arg6[%get3A_2751, %get3A_2752] {strides = array<i32>} : memref<1024x32xf32, #tpu.memory_space<vmem>>, vector<16xf32>,
      %add3A_2754 = arith.addf %add3A_2742, %get3A_2753 : vector<16xf32>
      %add3A_2755 = arith.addf %add3A_2743, %add3A_2750 : vector<16xf32>
      %add3A_2756 = arith.addf %add3A_2744, %add3A_2754 : vector<16xf32>
      %slice3A_2757 = vector.extract_strided_slice %get3A_62 {offsets = [11], sizes = [1], strides = [1]} : vector<16xi32> to vector<1xi32>
      %squeeze3A_2758 = vector.extract %slice3A_2757[0] : i32 from vector<1xi32>
      %get3A_2759 = arith.index_cast %squeeze3A_2758 : i32 to index
      %get3A_2760 = arith.constant 0 : index
      %get3A_2761 = tpu.vector_load %arg6[%get3A_2759, %get3A_2760] {strides = array<i32>} : memref<1024x32xf32, #tpu.memory_space<vmem>>, vector<16xf32>,
      %add3A_2762 = arith.addf %add3A_2750, %get3A_2761 : vector<16xf32>
      %get3A_2763 = arith.index_cast %squeeze3A_2758 : i32 to index
      %get3A_2764 = arith.constant 16 : index
      %get3A_2765 = tpu.vector_load %arg6[%get3A_2763, %get3A_2764] {strides = array<i32>} : memref<1024x32xf32, #tpu.memory_space<vmem>>, vector<16xf32>,
      %add3A_2766 = arith.addf %add3A_2754, %get3A_2765 : vector<16xf32>
      %add3A_2767 = arith.addf %add3A_2755, %add3A_2762 : vector<16xf32>
      %add3A_2768 = arith.addf %add3A_2756, %add3A_2766 : vector<16xf32>
      %slice3A_2769 = vector.extract_strided_slice %get3A_58 {offsets = [11], sizes = [1], strides = [1]} : vector<16xi32> to vector<1xi32>
      %squeeze3A_2770 = vector.extract %slice3A_2769[0] : i32 from vector<1xi32>
      %get3A_2771 = arith.index_cast %squeeze3A_2770 : i32 to index
      %get3A_2772 = arith.constant 0 : index
      %get3A_2773 = tpu.vector_load %arg6[%get3A_2771, %get3A_2772] {strides = array<i32>} : memref<1024x32xf32, #tpu.memory_space<vmem>>, vector<16xf32>,
      %get3A_2774 = arith.index_cast %squeeze3A_2770 : i32 to index
      %get3A_2775 = arith.constant 16 : index
      %get3A_2776 = tpu.vector_load %arg6[%get3A_2774, %get3A_2775] {strides = array<i32>} : memref<1024x32xf32, #tpu.memory_space<vmem>>, vector<16xf32>,
      %add3A_2777 = arith.addf %add3A_2762, %get3A_2773 : vector<16xf32>
      %add3A_2778 = arith.addf %add3A_2766, %get3A_2776 : vector<16xf32>
      %broadcast_in_dim3A_2779 = vector.broadcast %squeeze3A_2592 : f32 to vector<16xf32>
      %gt3A_2780 = arith.constant 5.000000e-01 : f32
      %gt3A_2781 = vector.broadcast %gt3A_2780 : f32 to vector<16xf32>
      %gt3A_2782 = arith.cmpf ogt, %broadcast_in_dim3A_2779, %gt3A_2781 : vector<16xf32>
      %mul3A_2783 = arith.constant 5.000000e-01 : f32
      %mul3A_2784 = vector.broadcast %mul3A_2783 : f32 to vector<16xf32>
      %mul3A_2785 = arith.mulf %mul3A_2784, %get3A_2773 : vector<16xf32>
      %mul3A_2786 = vector.broadcast %squeeze3A_2590 : f32 to vector<16xf32>
      %mul3A_2787 = arith.mulf %mul3A_2786, %add3A_2767 : vector<16xf32>
      %select_n3A_2788 = arith.select %gt3A_2782, %mul3A_2785, %mul3A_2787 : vector<16xi1>, vector<16xf32>
      %mul3A_2789 = arith.constant 5.000000e-01 : f32
      %mul3A_2790 = vector.broadcast %mul3A_2789 : f32 to vector<16xf32>
      %mul3A_2791 = arith.mulf %mul3A_2790, %get3A_2776 : vector<16xf32>
      %mul3A_2792 = vector.broadcast %squeeze3A_2590 : f32 to vector<16xf32>
      %mul3A_2793 = arith.mulf %mul3A_2792, %add3A_2768 : vector<16xf32>
      %select_n3A_2794 = arith.select %gt3A_2782, %mul3A_2791, %mul3A_2793 : vector<16xi1>, vector<16xf32>
      %swap3A_2795 = arith.index_cast %add3A_2588 : i32 to index
      %swap3A_2796 = arith.constant 0 : index
      %swap3A_2797 = tpu.vector_load %arg9[%swap3A_2795, %swap3A_2796] {strides = array<i32>} : memref<1024x32xf32, #tpu.memory_space<vmem>>, vector<16xf32>,
      tpu.vector_store %arg9[%swap3A_2795, %swap3A_2796], %add3A_2777 {strides = array<i32>} : memref<1024x32xf32, #tpu.memory_space<vmem>>, vector<16xf32>,
      %swap3A_2798 = arith.index_cast %add3A_2588 : i32 to index
      %swap3A_2799 = arith.constant 16 : index
      %swap3A_2800 = tpu.vector_load %arg9[%swap3A_2798, %swap3A_2799] {strides = array<i32>} : memref<1024x32xf32, #tpu.memory_space<vmem>>, vector<16xf32>,
      tpu.vector_store %arg9[%swap3A_2798, %swap3A_2799], %add3A_2778 {strides = array<i32>} : memref<1024x32xf32, #tpu.memory_space<vmem>>, vector<16xf32>,
      %swap3A_2801 = arith.index_cast %add3A_2588 : i32 to index
      %swap3A_2802 = arith.constant 0 : index
      %swap3A_2803 = tpu.vector_load %arg8[%swap3A_2801, %swap3A_2802] {strides = array<i32>} : memref<1024x32xf32, #tpu.memory_space<vmem>>, vector<16xf32>,
      tpu.vector_store %arg8[%swap3A_2801, %swap3A_2802], %select_n3A_2788 {strides = array<i32>} : memref<1024x32xf32, #tpu.memory_space<vmem>>, vector<16xf32>,
      %swap3A_2804 = arith.index_cast %add3A_2588 : i32 to index
      %swap3A_2805 = arith.constant 16 : index
      %swap3A_2806 = tpu.vector_load %arg8[%swap3A_2804, %swap3A_2805] {strides = array<i32>} : memref<1024x32xf32, #tpu.memory_space<vmem>>, vector<16xf32>,
      tpu.vector_store %arg8[%swap3A_2804, %swap3A_2805], %select_n3A_2794 {strides = array<i32>} : memref<1024x32xf32, #tpu.memory_space<vmem>>, vector<16xf32>,
      %add3A_2807 = arith.constant 12 : i32
      %add3A_2808 = arith.addi %mul3A_50, %add3A_2807 : i32
      %slice3A_2809 = vector.extract_strided_slice %div3A_168 {offsets = [12], sizes = [1], strides = [1]} : vector<16xf32> to vector<1xf32>
      %squeeze3A_2810 = vector.extract %slice3A_2809[0] : f32 from vector<1xf32>
      %slice3A_2811 = vector.extract_strided_slice %select_n3A_170 {offsets = [12], sizes = [1], strides = [1]} : vector<16xf32> to vector<1xf32>
      %squeeze3A_2812 = vector.extract %slice3A_2811[0] : f32 from vector<1xf32>
      %slice3A_2813 = vector.extract_strided_slice %get3A_118 {offsets = [12], sizes = [1], strides = [1]} : vector<16xi32> to vector<1xi32>
      %squeeze3A_2814 = vector.extract %slice3A_2813[0] : i32 from vector<1xi32>
      %get3A_2815 = arith.index_cast %squeeze3A_2814 : i32 to index
      %get3A_2816 = arith.constant 0 : index
      %get3A_2817 = tpu.vector_load %arg6[%get3A_2815, %get3A_2816] {strides = array<i32>} : memref<1024x32xf32, #tpu.memory_space<vmem>>, vector<16xf32>,
      %get3A_2818 = arith.index_cast %squeeze3A_2814 : i32 to index
      %get3A_2819 = arith.constant 16 : index
      %get3A_2820 = tpu.vector_load %arg6[%get3A_2818, %get3A_2819] {strides = array<i32>} : memref<1024x32xf32, #tpu.memory_space<vmem>>, vector<16xf32>,
      %slice3A_2821 = vector.extract_strided_slice %get3A_114 {offsets = [12], sizes = [1], strides = [1]} : vector<16xi32> to vector<1xi32>
      %squeeze3A_2822 = vector.extract %slice3A_2821[0] : i32 from vector<1xi32>
      %get3A_2823 = arith.index_cast %squeeze3A_2822 : i32 to index
      %get3A_2824 = arith.constant 0 : index
      %get3A_2825 = tpu.vector_load %arg6[%get3A_2823, %get3A_2824] {strides = array<i32>} : memref<1024x32xf32, #tpu.memory_space<vmem>>, vector<16xf32>,
      %add3A_2826 = arith.addf %get3A_2817, %get3A_2825 : vector<16xf32>
      %get3A_2827 = arith.index_cast %squeeze3A_2822 : i32 to index
      %get3A_2828 = arith.constant 16 : index
      %get3A_2829 = tpu.vector_load %arg6[%get3A_2827, %get3A_2828] {strides = array<i32>} : memref<1024x32xf32, #tpu.memory_space<vmem>>, vector<16xf32>,
      %add3A_2830 = arith.addf %get3A_2820, %get3A_2829 : vector<16xf32>
      %add3A_2831 = arith.addf %get3A_2817, %add3A_2826 : vector<16xf32>
      %add3A_2832 = arith.addf %get3A_2820, %add3A_2830 : vector<16xf32>
      %slice3A_2833 = vector.extract_strided_slice %get3A_110 {offsets = [12], sizes = [1], strides = [1]} : vector<16xi32> to vector<1xi32>
      %squeeze3A_2834 = vector.extract %slice3A_2833[0] : i32 from vector<1xi32>
      %get3A_2835 = arith.index_cast %squeeze3A_2834 : i32 to index
      %get3A_2836 = arith.constant 0 : index
      %get3A_2837 = tpu.vector_load %arg6[%get3A_2835, %get3A_2836] {strides = array<i32>} : memref<1024x32xf32, #tpu.memory_space<vmem>>, vector<16xf32>,
      %add3A_2838 = arith.addf %add3A_2826, %get3A_2837 : vector<16xf32>
      %get3A_2839 = arith.index_cast %squeeze3A_2834 : i32 to index
      %get3A_2840 = arith.constant 16 : index
      %get3A_2841 = tpu.vector_load %arg6[%get3A_2839, %get3A_2840] {strides = array<i32>} : memref<1024x32xf32, #tpu.memory_space<vmem>>, vector<16xf32>,
      %add3A_2842 = arith.addf %add3A_2830, %get3A_2841 : vector<16xf32>
      %add3A_2843 = arith.addf %add3A_2831, %add3A_2838 : vector<16xf32>
      %add3A_2844 = arith.addf %add3A_2832, %add3A_2842 : vector<16xf32>
      %slice3A_2845 = vector.extract_strided_slice %get3A_106 {offsets = [12], sizes = [1], strides = [1]} : vector<16xi32> to vector<1xi32>
      %squeeze3A_2846 = vector.extract %slice3A_2845[0] : i32 from vector<1xi32>
      %get3A_2847 = arith.index_cast %squeeze3A_2846 : i32 to index
      %get3A_2848 = arith.constant 0 : index
      %get3A_2849 = tpu.vector_load %arg6[%get3A_2847, %get3A_2848] {strides = array<i32>} : memref<1024x32xf32, #tpu.memory_space<vmem>>, vector<16xf32>,
      %add3A_2850 = arith.addf %add3A_2838, %get3A_2849 : vector<16xf32>
      %get3A_2851 = arith.index_cast %squeeze3A_2846 : i32 to index
      %get3A_2852 = arith.constant 16 : index
      %get3A_2853 = tpu.vector_load %arg6[%get3A_2851, %get3A_2852] {strides = array<i32>} : memref<1024x32xf32, #tpu.memory_space<vmem>>, vector<16xf32>,
      %add3A_2854 = arith.addf %add3A_2842, %get3A_2853 : vector<16xf32>
      %add3A_2855 = arith.addf %add3A_2843, %add3A_2850 : vector<16xf32>
      %add3A_2856 = arith.addf %add3A_2844, %add3A_2854 : vector<16xf32>
      %slice3A_2857 = vector.extract_strided_slice %get3A_102 {offsets = [12], sizes = [1], strides = [1]} : vector<16xi32> to vector<1xi32>
      %squeeze3A_2858 = vector.extract %slice3A_2857[0] : i32 from vector<1xi32>
      %get3A_2859 = arith.index_cast %squeeze3A_2858 : i32 to index
      %get3A_2860 = arith.constant 0 : index
      %get3A_2861 = tpu.vector_load %arg6[%get3A_2859, %get3A_2860] {strides = array<i32>} : memref<1024x32xf32, #tpu.memory_space<vmem>>, vector<16xf32>,
      %add3A_2862 = arith.addf %add3A_2850, %get3A_2861 : vector<16xf32>
      %get3A_2863 = arith.index_cast %squeeze3A_2858 : i32 to index
      %get3A_2864 = arith.constant 16 : index
      %get3A_2865 = tpu.vector_load %arg6[%get3A_2863, %get3A_2864] {strides = array<i32>} : memref<1024x32xf32, #tpu.memory_space<vmem>>, vector<16xf32>,
      %add3A_2866 = arith.addf %add3A_2854, %get3A_2865 : vector<16xf32>
      %add3A_2867 = arith.addf %add3A_2855, %add3A_2862 : vector<16xf32>
      %add3A_2868 = arith.addf %add3A_2856, %add3A_2866 : vector<16xf32>
      %slice3A_2869 = vector.extract_strided_slice %get3A_98 {offsets = [12], sizes = [1], strides = [1]} : vector<16xi32> to vector<1xi32>
      %squeeze3A_2870 = vector.extract %slice3A_2869[0] : i32 from vector<1xi32>
      %get3A_2871 = arith.index_cast %squeeze3A_2870 : i32 to index
      %get3A_2872 = arith.constant 0 : index
      %get3A_2873 = tpu.vector_load %arg6[%get3A_2871, %get3A_2872] {strides = array<i32>} : memref<1024x32xf32, #tpu.memory_space<vmem>>, vector<16xf32>,
      %add3A_2874 = arith.addf %add3A_2862, %get3A_2873 : vector<16xf32>
      %get3A_2875 = arith.index_cast %squeeze3A_2870 : i32 to index
      %get3A_2876 = arith.constant 16 : index
      %get3A_2877 = tpu.vector_load %arg6[%get3A_2875, %get3A_2876] {strides = array<i32>} : memref<1024x32xf32, #tpu.memory_space<vmem>>, vector<16xf32>,
      %add3A_2878 = arith.addf %add3A_2866, %get3A_2877 : vector<16xf32>
      %add3A_2879 = arith.addf %add3A_2867, %add3A_2874 : vector<16xf32>
      %add3A_2880 = arith.addf %add3A_2868, %add3A_2878 : vector<16xf32>
      %slice3A_2881 = vector.extract_strided_slice %get3A_94 {offsets = [12], sizes = [1], strides = [1]} : vector<16xi32> to vector<1xi32>
      %squeeze3A_2882 = vector.extract %slice3A_2881[0] : i32 from vector<1xi32>
      %get3A_2883 = arith.index_cast %squeeze3A_2882 : i32 to index
      %get3A_2884 = arith.constant 0 : index
      %get3A_2885 = tpu.vector_load %arg6[%get3A_2883, %get3A_2884] {strides = array<i32>} : memref<1024x32xf32, #tpu.memory_space<vmem>>, vector<16xf32>,
      %add3A_2886 = arith.addf %add3A_2874, %get3A_2885 : vector<16xf32>
      %get3A_2887 = arith.index_cast %squeeze3A_2882 : i32 to index
      %get3A_2888 = arith.constant 16 : index
      %get3A_2889 = tpu.vector_load %arg6[%get3A_2887, %get3A_2888] {strides = array<i32>} : memref<1024x32xf32, #tpu.memory_space<vmem>>, vector<16xf32>,
      %add3A_2890 = arith.addf %add3A_2878, %get3A_2889 : vector<16xf32>
      %add3A_2891 = arith.addf %add3A_2879, %add3A_2886 : vector<16xf32>
      %add3A_2892 = arith.addf %add3A_2880, %add3A_2890 : vector<16xf32>
      %slice3A_2893 = vector.extract_strided_slice %get3A_90 {offsets = [12], sizes = [1], strides = [1]} : vector<16xi32> to vector<1xi32>
      %squeeze3A_2894 = vector.extract %slice3A_2893[0] : i32 from vector<1xi32>
      %get3A_2895 = arith.index_cast %squeeze3A_2894 : i32 to index
      %get3A_2896 = arith.constant 0 : index
      %get3A_2897 = tpu.vector_load %arg6[%get3A_2895, %get3A_2896] {strides = array<i32>} : memref<1024x32xf32, #tpu.memory_space<vmem>>, vector<16xf32>,
      %add3A_2898 = arith.addf %add3A_2886, %get3A_2897 : vector<16xf32>
      %get3A_2899 = arith.index_cast %squeeze3A_2894 : i32 to index
      %get3A_2900 = arith.constant 16 : index
      %get3A_2901 = tpu.vector_load %arg6[%get3A_2899, %get3A_2900] {strides = array<i32>} : memref<1024x32xf32, #tpu.memory_space<vmem>>, vector<16xf32>,
      %add3A_2902 = arith.addf %add3A_2890, %get3A_2901 : vector<16xf32>
      %add3A_2903 = arith.addf %add3A_2891, %add3A_2898 : vector<16xf32>
      %add3A_2904 = arith.addf %add3A_2892, %add3A_2902 : vector<16xf32>
      %slice3A_2905 = vector.extract_strided_slice %get3A_86 {offsets = [12], sizes = [1], strides = [1]} : vector<16xi32> to vector<1xi32>
      %squeeze3A_2906 = vector.extract %slice3A_2905[0] : i32 from vector<1xi32>
      %get3A_2907 = arith.index_cast %squeeze3A_2906 : i32 to index
      %get3A_2908 = arith.constant 0 : index
      %get3A_2909 = tpu.vector_load %arg6[%get3A_2907, %get3A_2908] {strides = array<i32>} : memref<1024x32xf32, #tpu.memory_space<vmem>>, vector<16xf32>,
      %add3A_2910 = arith.addf %add3A_2898, %get3A_2909 : vector<16xf32>
      %get3A_2911 = arith.index_cast %squeeze3A_2906 : i32 to index
      %get3A_2912 = arith.constant 16 : index
      %get3A_2913 = tpu.vector_load %arg6[%get3A_2911, %get3A_2912] {strides = array<i32>} : memref<1024x32xf32, #tpu.memory_space<vmem>>, vector<16xf32>,
      %add3A_2914 = arith.addf %add3A_2902, %get3A_2913 : vector<16xf32>
      %add3A_2915 = arith.addf %add3A_2903, %add3A_2910 : vector<16xf32>
      %add3A_2916 = arith.addf %add3A_2904, %add3A_2914 : vector<16xf32>
      %slice3A_2917 = vector.extract_strided_slice %get3A_82 {offsets = [12], sizes = [1], strides = [1]} : vector<16xi32> to vector<1xi32>
      %squeeze3A_2918 = vector.extract %slice3A_2917[0] : i32 from vector<1xi32>
      %get3A_2919 = arith.index_cast %squeeze3A_2918 : i32 to index
      %get3A_2920 = arith.constant 0 : index
      %get3A_2921 = tpu.vector_load %arg6[%get3A_2919, %get3A_2920] {strides = array<i32>} : memref<1024x32xf32, #tpu.memory_space<vmem>>, vector<16xf32>,
      %add3A_2922 = arith.addf %add3A_2910, %get3A_2921 : vector<16xf32>
      %get3A_2923 = arith.index_cast %squeeze3A_2918 : i32 to index
      %get3A_2924 = arith.constant 16 : index
      %get3A_2925 = tpu.vector_load %arg6[%get3A_2923, %get3A_2924] {strides = array<i32>} : memref<1024x32xf32, #tpu.memory_space<vmem>>, vector<16xf32>,
      %add3A_2926 = arith.addf %add3A_2914, %get3A_2925 : vector<16xf32>
      %add3A_2927 = arith.addf %add3A_2915, %add3A_2922 : vector<16xf32>
      %add3A_2928 = arith.addf %add3A_2916, %add3A_2926 : vector<16xf32>
      %slice3A_2929 = vector.extract_strided_slice %get3A_78 {offsets = [12], sizes = [1], strides = [1]} : vector<16xi32> to vector<1xi32>
      %squeeze3A_2930 = vector.extract %slice3A_2929[0] : i32 from vector<1xi32>
      %get3A_2931 = arith.index_cast %squeeze3A_2930 : i32 to index
      %get3A_2932 = arith.constant 0 : index
      %get3A_2933 = tpu.vector_load %arg6[%get3A_2931, %get3A_2932] {strides = array<i32>} : memref<1024x32xf32, #tpu.memory_space<vmem>>, vector<16xf32>,
      %add3A_2934 = arith.addf %add3A_2922, %get3A_2933 : vector<16xf32>
      %get3A_2935 = arith.index_cast %squeeze3A_2930 : i32 to index
      %get3A_2936 = arith.constant 16 : index
      %get3A_2937 = tpu.vector_load %arg6[%get3A_2935, %get3A_2936] {strides = array<i32>} : memref<1024x32xf32, #tpu.memory_space<vmem>>, vector<16xf32>,
      %add3A_2938 = arith.addf %add3A_2926, %get3A_2937 : vector<16xf32>
      %add3A_2939 = arith.addf %add3A_2927, %add3A_2934 : vector<16xf32>
      %add3A_2940 = arith.addf %add3A_2928, %add3A_2938 : vector<16xf32>
      %slice3A_2941 = vector.extract_strided_slice %get3A_74 {offsets = [12], sizes = [1], strides = [1]} : vector<16xi32> to vector<1xi32>
      %squeeze3A_2942 = vector.extract %slice3A_2941[0] : i32 from vector<1xi32>
      %get3A_2943 = arith.index_cast %squeeze3A_2942 : i32 to index
      %get3A_2944 = arith.constant 0 : index
      %get3A_2945 = tpu.vector_load %arg6[%get3A_2943, %get3A_2944] {strides = array<i32>} : memref<1024x32xf32, #tpu.memory_space<vmem>>, vector<16xf32>,
      %add3A_2946 = arith.addf %add3A_2934, %get3A_2945 : vector<16xf32>
      %get3A_2947 = arith.index_cast %squeeze3A_2942 : i32 to index
      %get3A_2948 = arith.constant 16 : index
      %get3A_2949 = tpu.vector_load %arg6[%get3A_2947, %get3A_2948] {strides = array<i32>} : memref<1024x32xf32, #tpu.memory_space<vmem>>, vector<16xf32>,
      %add3A_2950 = arith.addf %add3A_2938, %get3A_2949 : vector<16xf32>
      %add3A_2951 = arith.addf %add3A_2939, %add3A_2946 : vector<16xf32>
      %add3A_2952 = arith.addf %add3A_2940, %add3A_2950 : vector<16xf32>
      %slice3A_2953 = vector.extract_strided_slice %get3A_70 {offsets = [12], sizes = [1], strides = [1]} : vector<16xi32> to vector<1xi32>
      %squeeze3A_2954 = vector.extract %slice3A_2953[0] : i32 from vector<1xi32>
      %get3A_2955 = arith.index_cast %squeeze3A_2954 : i32 to index
      %get3A_2956 = arith.constant 0 : index
      %get3A_2957 = tpu.vector_load %arg6[%get3A_2955, %get3A_2956] {strides = array<i32>} : memref<1024x32xf32, #tpu.memory_space<vmem>>, vector<16xf32>,
      %add3A_2958 = arith.addf %add3A_2946, %get3A_2957 : vector<16xf32>
      %get3A_2959 = arith.index_cast %squeeze3A_2954 : i32 to index
      %get3A_2960 = arith.constant 16 : index
      %get3A_2961 = tpu.vector_load %arg6[%get3A_2959, %get3A_2960] {strides = array<i32>} : memref<1024x32xf32, #tpu.memory_space<vmem>>, vector<16xf32>,
      %add3A_2962 = arith.addf %add3A_2950, %get3A_2961 : vector<16xf32>
      %add3A_2963 = arith.addf %add3A_2951, %add3A_2958 : vector<16xf32>
      %add3A_2964 = arith.addf %add3A_2952, %add3A_2962 : vector<16xf32>
      %slice3A_2965 = vector.extract_strided_slice %get3A_66 {offsets = [12], sizes = [1], strides = [1]} : vector<16xi32> to vector<1xi32>
      %squeeze3A_2966 = vector.extract %slice3A_2965[0] : i32 from vector<1xi32>
      %get3A_2967 = arith.index_cast %squeeze3A_2966 : i32 to index
      %get3A_2968 = arith.constant 0 : index
      %get3A_2969 = tpu.vector_load %arg6[%get3A_2967, %get3A_2968] {strides = array<i32>} : memref<1024x32xf32, #tpu.memory_space<vmem>>, vector<16xf32>,
      %add3A_2970 = arith.addf %add3A_2958, %get3A_2969 : vector<16xf32>
      %get3A_2971 = arith.index_cast %squeeze3A_2966 : i32 to index
      %get3A_2972 = arith.constant 16 : index
      %get3A_2973 = tpu.vector_load %arg6[%get3A_2971, %get3A_2972] {strides = array<i32>} : memref<1024x32xf32, #tpu.memory_space<vmem>>, vector<16xf32>,
      %add3A_2974 = arith.addf %add3A_2962, %get3A_2973 : vector<16xf32>
      %add3A_2975 = arith.addf %add3A_2963, %add3A_2970 : vector<16xf32>
      %add3A_2976 = arith.addf %add3A_2964, %add3A_2974 : vector<16xf32>
      %slice3A_2977 = vector.extract_strided_slice %get3A_62 {offsets = [12], sizes = [1], strides = [1]} : vector<16xi32> to vector<1xi32>
      %squeeze3A_2978 = vector.extract %slice3A_2977[0] : i32 from vector<1xi32>
      %get3A_2979 = arith.index_cast %squeeze3A_2978 : i32 to index
      %get3A_2980 = arith.constant 0 : index
      %get3A_2981 = tpu.vector_load %arg6[%get3A_2979, %get3A_2980] {strides = array<i32>} : memref<1024x32xf32, #tpu.memory_space<vmem>>, vector<16xf32>,
      %add3A_2982 = arith.addf %add3A_2970, %get3A_2981 : vector<16xf32>
      %get3A_2983 = arith.index_cast %squeeze3A_2978 : i32 to index
      %get3A_2984 = arith.constant 16 : index
      %get3A_2985 = tpu.vector_load %arg6[%get3A_2983, %get3A_2984] {strides = array<i32>} : memref<1024x32xf32, #tpu.memory_space<vmem>>, vector<16xf32>,
      %add3A_2986 = arith.addf %add3A_2974, %get3A_2985 : vector<16xf32>
      %add3A_2987 = arith.addf %add3A_2975, %add3A_2982 : vector<16xf32>
      %add3A_2988 = arith.addf %add3A_2976, %add3A_2986 : vector<16xf32>
      %slice3A_2989 = vector.extract_strided_slice %get3A_58 {offsets = [12], sizes = [1], strides = [1]} : vector<16xi32> to vector<1xi32>
      %squeeze3A_2990 = vector.extract %slice3A_2989[0] : i32 from vector<1xi32>
      %get3A_2991 = arith.index_cast %squeeze3A_2990 : i32 to index
      %get3A_2992 = arith.constant 0 : index
      %get3A_2993 = tpu.vector_load %arg6[%get3A_2991, %get3A_2992] {strides = array<i32>} : memref<1024x32xf32, #tpu.memory_space<vmem>>, vector<16xf32>,
      %get3A_2994 = arith.index_cast %squeeze3A_2990 : i32 to index
      %get3A_2995 = arith.constant 16 : index
      %get3A_2996 = tpu.vector_load %arg6[%get3A_2994, %get3A_2995] {strides = array<i32>} : memref<1024x32xf32, #tpu.memory_space<vmem>>, vector<16xf32>,
      %add3A_2997 = arith.addf %add3A_2982, %get3A_2993 : vector<16xf32>
      %add3A_2998 = arith.addf %add3A_2986, %get3A_2996 : vector<16xf32>
      %broadcast_in_dim3A_2999 = vector.broadcast %squeeze3A_2812 : f32 to vector<16xf32>
      %gt3A_3000 = arith.constant 5.000000e-01 : f32
      %gt3A_3001 = vector.broadcast %gt3A_3000 : f32 to vector<16xf32>
      %gt3A_3002 = arith.cmpf ogt, %broadcast_in_dim3A_2999, %gt3A_3001 : vector<16xf32>
      %mul3A_3003 = arith.constant 5.000000e-01 : f32
      %mul3A_3004 = vector.broadcast %mul3A_3003 : f32 to vector<16xf32>
      %mul3A_3005 = arith.mulf %mul3A_3004, %get3A_2993 : vector<16xf32>
      %mul3A_3006 = vector.broadcast %squeeze3A_2810 : f32 to vector<16xf32>
      %mul3A_3007 = arith.mulf %mul3A_3006, %add3A_2987 : vector<16xf32>
      %select_n3A_3008 = arith.select %gt3A_3002, %mul3A_3005, %mul3A_3007 : vector<16xi1>, vector<16xf32>
      %mul3A_3009 = arith.constant 5.000000e-01 : f32
      %mul3A_3010 = vector.broadcast %mul3A_3009 : f32 to vector<16xf32>
      %mul3A_3011 = arith.mulf %mul3A_3010, %get3A_2996 : vector<16xf32>
      %mul3A_3012 = vector.broadcast %squeeze3A_2810 : f32 to vector<16xf32>
      %mul3A_3013 = arith.mulf %mul3A_3012, %add3A_2988 : vector<16xf32>
      %select_n3A_3014 = arith.select %gt3A_3002, %mul3A_3011, %mul3A_3013 : vector<16xi1>, vector<16xf32>
      %swap3A_3015 = arith.index_cast %add3A_2808 : i32 to index
      %swap3A_3016 = arith.constant 0 : index
      %swap3A_3017 = tpu.vector_load %arg9[%swap3A_3015, %swap3A_3016] {strides = array<i32>} : memref<1024x32xf32, #tpu.memory_space<vmem>>, vector<16xf32>,
      tpu.vector_store %arg9[%swap3A_3015, %swap3A_3016], %add3A_2997 {strides = array<i32>} : memref<1024x32xf32, #tpu.memory_space<vmem>>, vector<16xf32>,
      %swap3A_3018 = arith.index_cast %add3A_2808 : i32 to index
      %swap3A_3019 = arith.constant 16 : index
      %swap3A_3020 = tpu.vector_load %arg9[%swap3A_3018, %swap3A_3019] {strides = array<i32>} : memref<1024x32xf32, #tpu.memory_space<vmem>>, vector<16xf32>,
      tpu.vector_store %arg9[%swap3A_3018, %swap3A_3019], %add3A_2998 {strides = array<i32>} : memref<1024x32xf32, #tpu.memory_space<vmem>>, vector<16xf32>,
      %swap3A_3021 = arith.index_cast %add3A_2808 : i32 to index
      %swap3A_3022 = arith.constant 0 : index
      %swap3A_3023 = tpu.vector_load %arg8[%swap3A_3021, %swap3A_3022] {strides = array<i32>} : memref<1024x32xf32, #tpu.memory_space<vmem>>, vector<16xf32>,
      tpu.vector_store %arg8[%swap3A_3021, %swap3A_3022], %select_n3A_3008 {strides = array<i32>} : memref<1024x32xf32, #tpu.memory_space<vmem>>, vector<16xf32>,
      %swap3A_3024 = arith.index_cast %add3A_2808 : i32 to index
      %swap3A_3025 = arith.constant 16 : index
      %swap3A_3026 = tpu.vector_load %arg8[%swap3A_3024, %swap3A_3025] {strides = array<i32>} : memref<1024x32xf32, #tpu.memory_space<vmem>>, vector<16xf32>,
      tpu.vector_store %arg8[%swap3A_3024, %swap3A_3025], %select_n3A_3014 {strides = array<i32>} : memref<1024x32xf32, #tpu.memory_space<vmem>>, vector<16xf32>,
      %add3A_3027 = arith.constant 13 : i32
      %add3A_3028 = arith.addi %mul3A_50, %add3A_3027 : i32
      %slice3A_3029 = vector.extract_strided_slice %div3A_168 {offsets = [13], sizes = [1], strides = [1]} : vector<16xf32> to vector<1xf32>
      %squeeze3A_3030 = vector.extract %slice3A_3029[0] : f32 from vector<1xf32>
      %slice3A_3031 = vector.extract_strided_slice %select_n3A_170 {offsets = [13], sizes = [1], strides = [1]} : vector<16xf32> to vector<1xf32>
      %squeeze3A_3032 = vector.extract %slice3A_3031[0] : f32 from vector<1xf32>
      %slice3A_3033 = vector.extract_strided_slice %get3A_118 {offsets = [13], sizes = [1], strides = [1]} : vector<16xi32> to vector<1xi32>
      %squeeze3A_3034 = vector.extract %slice3A_3033[0] : i32 from vector<1xi32>
      %get3A_3035 = arith.index_cast %squeeze3A_3034 : i32 to index
      %get3A_3036 = arith.constant 0 : index
      %get3A_3037 = tpu.vector_load %arg6[%get3A_3035, %get3A_3036] {strides = array<i32>} : memref<1024x32xf32, #tpu.memory_space<vmem>>, vector<16xf32>,
      %get3A_3038 = arith.index_cast %squeeze3A_3034 : i32 to index
      %get3A_3039 = arith.constant 16 : index
      %get3A_3040 = tpu.vector_load %arg6[%get3A_3038, %get3A_3039] {strides = array<i32>} : memref<1024x32xf32, #tpu.memory_space<vmem>>, vector<16xf32>,
      %slice3A_3041 = vector.extract_strided_slice %get3A_114 {offsets = [13], sizes = [1], strides = [1]} : vector<16xi32> to vector<1xi32>
      %squeeze3A_3042 = vector.extract %slice3A_3041[0] : i32 from vector<1xi32>
      %get3A_3043 = arith.index_cast %squeeze3A_3042 : i32 to index
      %get3A_3044 = arith.constant 0 : index
      %get3A_3045 = tpu.vector_load %arg6[%get3A_3043, %get3A_3044] {strides = array<i32>} : memref<1024x32xf32, #tpu.memory_space<vmem>>, vector<16xf32>,
      %add3A_3046 = arith.addf %get3A_3037, %get3A_3045 : vector<16xf32>
      %get3A_3047 = arith.index_cast %squeeze3A_3042 : i32 to index
      %get3A_3048 = arith.constant 16 : index
      %get3A_3049 = tpu.vector_load %arg6[%get3A_3047, %get3A_3048] {strides = array<i32>} : memref<1024x32xf32, #tpu.memory_space<vmem>>, vector<16xf32>,
      %add3A_3050 = arith.addf %get3A_3040, %get3A_3049 : vector<16xf32>
      %add3A_3051 = arith.addf %get3A_3037, %add3A_3046 : vector<16xf32>
      %add3A_3052 = arith.addf %get3A_3040, %add3A_3050 : vector<16xf32>
      %slice3A_3053 = vector.extract_strided_slice %get3A_110 {offsets = [13], sizes = [1], strides = [1]} : vector<16xi32> to vector<1xi32>
      %squeeze3A_3054 = vector.extract %slice3A_3053[0] : i32 from vector<1xi32>
      %get3A_3055 = arith.index_cast %squeeze3A_3054 : i32 to index
      %get3A_3056 = arith.constant 0 : index
      %get3A_3057 = tpu.vector_load %arg6[%get3A_3055, %get3A_3056] {strides = array<i32>} : memref<1024x32xf32, #tpu.memory_space<vmem>>, vector<16xf32>,
      %add3A_3058 = arith.addf %add3A_3046, %get3A_3057 : vector<16xf32>
      %get3A_3059 = arith.index_cast %squeeze3A_3054 : i32 to index
      %get3A_3060 = arith.constant 16 : index
      %get3A_3061 = tpu.vector_load %arg6[%get3A_3059, %get3A_3060] {strides = array<i32>} : memref<1024x32xf32, #tpu.memory_space<vmem>>, vector<16xf32>,
      %add3A_3062 = arith.addf %add3A_3050, %get3A_3061 : vector<16xf32>
      %add3A_3063 = arith.addf %add3A_3051, %add3A_3058 : vector<16xf32>
      %add3A_3064 = arith.addf %add3A_3052, %add3A_3062 : vector<16xf32>
      %slice3A_3065 = vector.extract_strided_slice %get3A_106 {offsets = [13], sizes = [1], strides = [1]} : vector<16xi32> to vector<1xi32>
      %squeeze3A_3066 = vector.extract %slice3A_3065[0] : i32 from vector<1xi32>
      %get3A_3067 = arith.index_cast %squeeze3A_3066 : i32 to index
      %get3A_3068 = arith.constant 0 : index
      %get3A_3069 = tpu.vector_load %arg6[%get3A_3067, %get3A_3068] {strides = array<i32>} : memref<1024x32xf32, #tpu.memory_space<vmem>>, vector<16xf32>,
      %add3A_3070 = arith.addf %add3A_3058, %get3A_3069 : vector<16xf32>
      %get3A_3071 = arith.index_cast %squeeze3A_3066 : i32 to index
      %get3A_3072 = arith.constant 16 : index
      %get3A_3073 = tpu.vector_load %arg6[%get3A_3071, %get3A_3072] {strides = array<i32>} : memref<1024x32xf32, #tpu.memory_space<vmem>>, vector<16xf32>,
      %add3A_3074 = arith.addf %add3A_3062, %get3A_3073 : vector<16xf32>
      %add3A_3075 = arith.addf %add3A_3063, %add3A_3070 : vector<16xf32>
      %add3A_3076 = arith.addf %add3A_3064, %add3A_3074 : vector<16xf32>
      %slice3A_3077 = vector.extract_strided_slice %get3A_102 {offsets = [13], sizes = [1], strides = [1]} : vector<16xi32> to vector<1xi32>
      %squeeze3A_3078 = vector.extract %slice3A_3077[0] : i32 from vector<1xi32>
      %get3A_3079 = arith.index_cast %squeeze3A_3078 : i32 to index
      %get3A_3080 = arith.constant 0 : index
      %get3A_3081 = tpu.vector_load %arg6[%get3A_3079, %get3A_3080] {strides = array<i32>} : memref<1024x32xf32, #tpu.memory_space<vmem>>, vector<16xf32>,
      %add3A_3082 = arith.addf %add3A_3070, %get3A_3081 : vector<16xf32>
      %get3A_3083 = arith.index_cast %squeeze3A_3078 : i32 to index
      %get3A_3084 = arith.constant 16 : index
      %get3A_3085 = tpu.vector_load %arg6[%get3A_3083, %get3A_3084] {strides = array<i32>} : memref<1024x32xf32, #tpu.memory_space<vmem>>, vector<16xf32>,
      %add3A_3086 = arith.addf %add3A_3074, %get3A_3085 : vector<16xf32>
      %add3A_3087 = arith.addf %add3A_3075, %add3A_3082 : vector<16xf32>
      %add3A_3088 = arith.addf %add3A_3076, %add3A_3086 : vector<16xf32>
      %slice3A_3089 = vector.extract_strided_slice %get3A_98 {offsets = [13], sizes = [1], strides = [1]} : vector<16xi32> to vector<1xi32>
      %squeeze3A_3090 = vector.extract %slice3A_3089[0] : i32 from vector<1xi32>
      %get3A_3091 = arith.index_cast %squeeze3A_3090 : i32 to index
      %get3A_3092 = arith.constant 0 : index
      %get3A_3093 = tpu.vector_load %arg6[%get3A_3091, %get3A_3092] {strides = array<i32>} : memref<1024x32xf32, #tpu.memory_space<vmem>>, vector<16xf32>,
      %add3A_3094 = arith.addf %add3A_3082, %get3A_3093 : vector<16xf32>
      %get3A_3095 = arith.index_cast %squeeze3A_3090 : i32 to index
      %get3A_3096 = arith.constant 16 : index
      %get3A_3097 = tpu.vector_load %arg6[%get3A_3095, %get3A_3096] {strides = array<i32>} : memref<1024x32xf32, #tpu.memory_space<vmem>>, vector<16xf32>,
      %add3A_3098 = arith.addf %add3A_3086, %get3A_3097 : vector<16xf32>
      %add3A_3099 = arith.addf %add3A_3087, %add3A_3094 : vector<16xf32>
      %add3A_3100 = arith.addf %add3A_3088, %add3A_3098 : vector<16xf32>
      %slice3A_3101 = vector.extract_strided_slice %get3A_94 {offsets = [13], sizes = [1], strides = [1]} : vector<16xi32> to vector<1xi32>
      %squeeze3A_3102 = vector.extract %slice3A_3101[0] : i32 from vector<1xi32>
      %get3A_3103 = arith.index_cast %squeeze3A_3102 : i32 to index
      %get3A_3104 = arith.constant 0 : index
      %get3A_3105 = tpu.vector_load %arg6[%get3A_3103, %get3A_3104] {strides = array<i32>} : memref<1024x32xf32, #tpu.memory_space<vmem>>, vector<16xf32>,
      %add3A_3106 = arith.addf %add3A_3094, %get3A_3105 : vector<16xf32>
      %get3A_3107 = arith.index_cast %squeeze3A_3102 : i32 to index
      %get3A_3108 = arith.constant 16 : index
      %get3A_3109 = tpu.vector_load %arg6[%get3A_3107, %get3A_3108] {strides = array<i32>} : memref<1024x32xf32, #tpu.memory_space<vmem>>, vector<16xf32>,
      %add3A_3110 = arith.addf %add3A_3098, %get3A_3109 : vector<16xf32>
      %add3A_3111 = arith.addf %add3A_3099, %add3A_3106 : vector<16xf32>
      %add3A_3112 = arith.addf %add3A_3100, %add3A_3110 : vector<16xf32>
      %slice3A_3113 = vector.extract_strided_slice %get3A_90 {offsets = [13], sizes = [1], strides = [1]} : vector<16xi32> to vector<1xi32>
      %squeeze3A_3114 = vector.extract %slice3A_3113[0] : i32 from vector<1xi32>
      %get3A_3115 = arith.index_cast %squeeze3A_3114 : i32 to index
      %get3A_3116 = arith.constant 0 : index
      %get3A_3117 = tpu.vector_load %arg6[%get3A_3115, %get3A_3116] {strides = array<i32>} : memref<1024x32xf32, #tpu.memory_space<vmem>>, vector<16xf32>,
      %add3A_3118 = arith.addf %add3A_3106, %get3A_3117 : vector<16xf32>
      %get3A_3119 = arith.index_cast %squeeze3A_3114 : i32 to index
      %get3A_3120 = arith.constant 16 : index
      %get3A_3121 = tpu.vector_load %arg6[%get3A_3119, %get3A_3120] {strides = array<i32>} : memref<1024x32xf32, #tpu.memory_space<vmem>>, vector<16xf32>,
      %add3A_3122 = arith.addf %add3A_3110, %get3A_3121 : vector<16xf32>
      %add3A_3123 = arith.addf %add3A_3111, %add3A_3118 : vector<16xf32>
      %add3A_3124 = arith.addf %add3A_3112, %add3A_3122 : vector<16xf32>
      %slice3A_3125 = vector.extract_strided_slice %get3A_86 {offsets = [13], sizes = [1], strides = [1]} : vector<16xi32> to vector<1xi32>
      %squeeze3A_3126 = vector.extract %slice3A_3125[0] : i32 from vector<1xi32>
      %get3A_3127 = arith.index_cast %squeeze3A_3126 : i32 to index
      %get3A_3128 = arith.constant 0 : index
      %get3A_3129 = tpu.vector_load %arg6[%get3A_3127, %get3A_3128] {strides = array<i32>} : memref<1024x32xf32, #tpu.memory_space<vmem>>, vector<16xf32>,
      %add3A_3130 = arith.addf %add3A_3118, %get3A_3129 : vector<16xf32>
      %get3A_3131 = arith.index_cast %squeeze3A_3126 : i32 to index
      %get3A_3132 = arith.constant 16 : index
      %get3A_3133 = tpu.vector_load %arg6[%get3A_3131, %get3A_3132] {strides = array<i32>} : memref<1024x32xf32, #tpu.memory_space<vmem>>, vector<16xf32>,
      %add3A_3134 = arith.addf %add3A_3122, %get3A_3133 : vector<16xf32>
      %add3A_3135 = arith.addf %add3A_3123, %add3A_3130 : vector<16xf32>
      %add3A_3136 = arith.addf %add3A_3124, %add3A_3134 : vector<16xf32>
      %slice3A_3137 = vector.extract_strided_slice %get3A_82 {offsets = [13], sizes = [1], strides = [1]} : vector<16xi32> to vector<1xi32>
      %squeeze3A_3138 = vector.extract %slice3A_3137[0] : i32 from vector<1xi32>
      %get3A_3139 = arith.index_cast %squeeze3A_3138 : i32 to index
      %get3A_3140 = arith.constant 0 : index
      %get3A_3141 = tpu.vector_load %arg6[%get3A_3139, %get3A_3140] {strides = array<i32>} : memref<1024x32xf32, #tpu.memory_space<vmem>>, vector<16xf32>,
      %add3A_3142 = arith.addf %add3A_3130, %get3A_3141 : vector<16xf32>
      %get3A_3143 = arith.index_cast %squeeze3A_3138 : i32 to index
      %get3A_3144 = arith.constant 16 : index
      %get3A_3145 = tpu.vector_load %arg6[%get3A_3143, %get3A_3144] {strides = array<i32>} : memref<1024x32xf32, #tpu.memory_space<vmem>>, vector<16xf32>,
      %add3A_3146 = arith.addf %add3A_3134, %get3A_3145 : vector<16xf32>
      %add3A_3147 = arith.addf %add3A_3135, %add3A_3142 : vector<16xf32>
      %add3A_3148 = arith.addf %add3A_3136, %add3A_3146 : vector<16xf32>
      %slice3A_3149 = vector.extract_strided_slice %get3A_78 {offsets = [13], sizes = [1], strides = [1]} : vector<16xi32> to vector<1xi32>
      %squeeze3A_3150 = vector.extract %slice3A_3149[0] : i32 from vector<1xi32>
      %get3A_3151 = arith.index_cast %squeeze3A_3150 : i32 to index
      %get3A_3152 = arith.constant 0 : index
      %get3A_3153 = tpu.vector_load %arg6[%get3A_3151, %get3A_3152] {strides = array<i32>} : memref<1024x32xf32, #tpu.memory_space<vmem>>, vector<16xf32>,
      %add3A_3154 = arith.addf %add3A_3142, %get3A_3153 : vector<16xf32>
      %get3A_3155 = arith.index_cast %squeeze3A_3150 : i32 to index
      %get3A_3156 = arith.constant 16 : index
      %get3A_3157 = tpu.vector_load %arg6[%get3A_3155, %get3A_3156] {strides = array<i32>} : memref<1024x32xf32, #tpu.memory_space<vmem>>, vector<16xf32>,
      %add3A_3158 = arith.addf %add3A_3146, %get3A_3157 : vector<16xf32>
      %add3A_3159 = arith.addf %add3A_3147, %add3A_3154 : vector<16xf32>
      %add3A_3160 = arith.addf %add3A_3148, %add3A_3158 : vector<16xf32>
      %slice3A_3161 = vector.extract_strided_slice %get3A_74 {offsets = [13], sizes = [1], strides = [1]} : vector<16xi32> to vector<1xi32>
      %squeeze3A_3162 = vector.extract %slice3A_3161[0] : i32 from vector<1xi32>
      %get3A_3163 = arith.index_cast %squeeze3A_3162 : i32 to index
      %get3A_3164 = arith.constant 0 : index
      %get3A_3165 = tpu.vector_load %arg6[%get3A_3163, %get3A_3164] {strides = array<i32>} : memref<1024x32xf32, #tpu.memory_space<vmem>>, vector<16xf32>,
      %add3A_3166 = arith.addf %add3A_3154, %get3A_3165 : vector<16xf32>
      %get3A_3167 = arith.index_cast %squeeze3A_3162 : i32 to index
      %get3A_3168 = arith.constant 16 : index
      %get3A_3169 = tpu.vector_load %arg6[%get3A_3167, %get3A_3168] {strides = array<i32>} : memref<1024x32xf32, #tpu.memory_space<vmem>>, vector<16xf32>,
      %add3A_3170 = arith.addf %add3A_3158, %get3A_3169 : vector<16xf32>
      %add3A_3171 = arith.addf %add3A_3159, %add3A_3166 : vector<16xf32>
      %add3A_3172 = arith.addf %add3A_3160, %add3A_3170 : vector<16xf32>
      %slice3A_3173 = vector.extract_strided_slice %get3A_70 {offsets = [13], sizes = [1], strides = [1]} : vector<16xi32> to vector<1xi32>
      %squeeze3A_3174 = vector.extract %slice3A_3173[0] : i32 from vector<1xi32>
      %get3A_3175 = arith.index_cast %squeeze3A_3174 : i32 to index
      %get3A_3176 = arith.constant 0 : index
      %get3A_3177 = tpu.vector_load %arg6[%get3A_3175, %get3A_3176] {strides = array<i32>} : memref<1024x32xf32, #tpu.memory_space<vmem>>, vector<16xf32>,
      %add3A_3178 = arith.addf %add3A_3166, %get3A_3177 : vector<16xf32>
      %get3A_3179 = arith.index_cast %squeeze3A_3174 : i32 to index
      %get3A_3180 = arith.constant 16 : index
      %get3A_3181 = tpu.vector_load %arg6[%get3A_3179, %get3A_3180] {strides = array<i32>} : memref<1024x32xf32, #tpu.memory_space<vmem>>, vector<16xf32>,
      %add3A_3182 = arith.addf %add3A_3170, %get3A_3181 : vector<16xf32>
      %add3A_3183 = arith.addf %add3A_3171, %add3A_3178 : vector<16xf32>
      %add3A_3184 = arith.addf %add3A_3172, %add3A_3182 : vector<16xf32>
      %slice3A_3185 = vector.extract_strided_slice %get3A_66 {offsets = [13], sizes = [1], strides = [1]} : vector<16xi32> to vector<1xi32>
      %squeeze3A_3186 = vector.extract %slice3A_3185[0] : i32 from vector<1xi32>
      %get3A_3187 = arith.index_cast %squeeze3A_3186 : i32 to index
      %get3A_3188 = arith.constant 0 : index
      %get3A_3189 = tpu.vector_load %arg6[%get3A_3187, %get3A_3188] {strides = array<i32>} : memref<1024x32xf32, #tpu.memory_space<vmem>>, vector<16xf32>,
      %add3A_3190 = arith.addf %add3A_3178, %get3A_3189 : vector<16xf32>
      %get3A_3191 = arith.index_cast %squeeze3A_3186 : i32 to index
      %get3A_3192 = arith.constant 16 : index
      %get3A_3193 = tpu.vector_load %arg6[%get3A_3191, %get3A_3192] {strides = array<i32>} : memref<1024x32xf32, #tpu.memory_space<vmem>>, vector<16xf32>,
      %add3A_3194 = arith.addf %add3A_3182, %get3A_3193 : vector<16xf32>
      %add3A_3195 = arith.addf %add3A_3183, %add3A_3190 : vector<16xf32>
      %add3A_3196 = arith.addf %add3A_3184, %add3A_3194 : vector<16xf32>
      %slice3A_3197 = vector.extract_strided_slice %get3A_62 {offsets = [13], sizes = [1], strides = [1]} : vector<16xi32> to vector<1xi32>
      %squeeze3A_3198 = vector.extract %slice3A_3197[0] : i32 from vector<1xi32>
      %get3A_3199 = arith.index_cast %squeeze3A_3198 : i32 to index
      %get3A_3200 = arith.constant 0 : index
      %get3A_3201 = tpu.vector_load %arg6[%get3A_3199, %get3A_3200] {strides = array<i32>} : memref<1024x32xf32, #tpu.memory_space<vmem>>, vector<16xf32>,
      %add3A_3202 = arith.addf %add3A_3190, %get3A_3201 : vector<16xf32>
      %get3A_3203 = arith.index_cast %squeeze3A_3198 : i32 to index
      %get3A_3204 = arith.constant 16 : index
      %get3A_3205 = tpu.vector_load %arg6[%get3A_3203, %get3A_3204] {strides = array<i32>} : memref<1024x32xf32, #tpu.memory_space<vmem>>, vector<16xf32>,
      %add3A_3206 = arith.addf %add3A_3194, %get3A_3205 : vector<16xf32>
      %add3A_3207 = arith.addf %add3A_3195, %add3A_3202 : vector<16xf32>
      %add3A_3208 = arith.addf %add3A_3196, %add3A_3206 : vector<16xf32>
      %slice3A_3209 = vector.extract_strided_slice %get3A_58 {offsets = [13], sizes = [1], strides = [1]} : vector<16xi32> to vector<1xi32>
      %squeeze3A_3210 = vector.extract %slice3A_3209[0] : i32 from vector<1xi32>
      %get3A_3211 = arith.index_cast %squeeze3A_3210 : i32 to index
      %get3A_3212 = arith.constant 0 : index
      %get3A_3213 = tpu.vector_load %arg6[%get3A_3211, %get3A_3212] {strides = array<i32>} : memref<1024x32xf32, #tpu.memory_space<vmem>>, vector<16xf32>,
      %get3A_3214 = arith.index_cast %squeeze3A_3210 : i32 to index
      %get3A_3215 = arith.constant 16 : index
      %get3A_3216 = tpu.vector_load %arg6[%get3A_3214, %get3A_3215] {strides = array<i32>} : memref<1024x32xf32, #tpu.memory_space<vmem>>, vector<16xf32>,
      %add3A_3217 = arith.addf %add3A_3202, %get3A_3213 : vector<16xf32>
      %add3A_3218 = arith.addf %add3A_3206, %get3A_3216 : vector<16xf32>
      %broadcast_in_dim3A_3219 = vector.broadcast %squeeze3A_3032 : f32 to vector<16xf32>
      %gt3A_3220 = arith.constant 5.000000e-01 : f32
      %gt3A_3221 = vector.broadcast %gt3A_3220 : f32 to vector<16xf32>
      %gt3A_3222 = arith.cmpf ogt, %broadcast_in_dim3A_3219, %gt3A_3221 : vector<16xf32>
      %mul3A_3223 = arith.constant 5.000000e-01 : f32
      %mul3A_3224 = vector.broadcast %mul3A_3223 : f32 to vector<16xf32>
      %mul3A_3225 = arith.mulf %mul3A_3224, %get3A_3213 : vector<16xf32>
      %mul3A_3226 = vector.broadcast %squeeze3A_3030 : f32 to vector<16xf32>
      %mul3A_3227 = arith.mulf %mul3A_3226, %add3A_3207 : vector<16xf32>
      %select_n3A_3228 = arith.select %gt3A_3222, %mul3A_3225, %mul3A_3227 : vector<16xi1>, vector<16xf32>
      %mul3A_3229 = arith.constant 5.000000e-01 : f32
      %mul3A_3230 = vector.broadcast %mul3A_3229 : f32 to vector<16xf32>
      %mul3A_3231 = arith.mulf %mul3A_3230, %get3A_3216 : vector<16xf32>
      %mul3A_3232 = vector.broadcast %squeeze3A_3030 : f32 to vector<16xf32>
      %mul3A_3233 = arith.mulf %mul3A_3232, %add3A_3208 : vector<16xf32>
      %select_n3A_3234 = arith.select %gt3A_3222, %mul3A_3231, %mul3A_3233 : vector<16xi1>, vector<16xf32>
      %swap3A_3235 = arith.index_cast %add3A_3028 : i32 to index
      %swap3A_3236 = arith.constant 0 : index
      %swap3A_3237 = tpu.vector_load %arg9[%swap3A_3235, %swap3A_3236] {strides = array<i32>} : memref<1024x32xf32, #tpu.memory_space<vmem>>, vector<16xf32>,
      tpu.vector_store %arg9[%swap3A_3235, %swap3A_3236], %add3A_3217 {strides = array<i32>} : memref<1024x32xf32, #tpu.memory_space<vmem>>, vector<16xf32>,
      %swap3A_3238 = arith.index_cast %add3A_3028 : i32 to index
      %swap3A_3239 = arith.constant 16 : index
      %swap3A_3240 = tpu.vector_load %arg9[%swap3A_3238, %swap3A_3239] {strides = array<i32>} : memref<1024x32xf32, #tpu.memory_space<vmem>>, vector<16xf32>,
      tpu.vector_store %arg9[%swap3A_3238, %swap3A_3239], %add3A_3218 {strides = array<i32>} : memref<1024x32xf32, #tpu.memory_space<vmem>>, vector<16xf32>,
      %swap3A_3241 = arith.index_cast %add3A_3028 : i32 to index
      %swap3A_3242 = arith.constant 0 : index
      %swap3A_3243 = tpu.vector_load %arg8[%swap3A_3241, %swap3A_3242] {strides = array<i32>} : memref<1024x32xf32, #tpu.memory_space<vmem>>, vector<16xf32>,
      tpu.vector_store %arg8[%swap3A_3241, %swap3A_3242], %select_n3A_3228 {strides = array<i32>} : memref<1024x32xf32, #tpu.memory_space<vmem>>, vector<16xf32>,
      %swap3A_3244 = arith.index_cast %add3A_3028 : i32 to index
      %swap3A_3245 = arith.constant 16 : index
      %swap3A_3246 = tpu.vector_load %arg8[%swap3A_3244, %swap3A_3245] {strides = array<i32>} : memref<1024x32xf32, #tpu.memory_space<vmem>>, vector<16xf32>,
      tpu.vector_store %arg8[%swap3A_3244, %swap3A_3245], %select_n3A_3234 {strides = array<i32>} : memref<1024x32xf32, #tpu.memory_space<vmem>>, vector<16xf32>,
      %add3A_3247 = arith.constant 14 : i32
      %add3A_3248 = arith.addi %mul3A_50, %add3A_3247 : i32
      %slice3A_3249 = vector.extract_strided_slice %div3A_168 {offsets = [14], sizes = [1], strides = [1]} : vector<16xf32> to vector<1xf32>
      %squeeze3A_3250 = vector.extract %slice3A_3249[0] : f32 from vector<1xf32>
      %slice3A_3251 = vector.extract_strided_slice %select_n3A_170 {offsets = [14], sizes = [1], strides = [1]} : vector<16xf32> to vector<1xf32>
      %squeeze3A_3252 = vector.extract %slice3A_3251[0] : f32 from vector<1xf32>
      %slice3A_3253 = vector.extract_strided_slice %get3A_118 {offsets = [14], sizes = [1], strides = [1]} : vector<16xi32> to vector<1xi32>
      %squeeze3A_3254 = vector.extract %slice3A_3253[0] : i32 from vector<1xi32>
      %get3A_3255 = arith.index_cast %squeeze3A_3254 : i32 to index
      %get3A_3256 = arith.constant 0 : index
      %get3A_3257 = tpu.vector_load %arg6[%get3A_3255, %get3A_3256] {strides = array<i32>} : memref<1024x32xf32, #tpu.memory_space<vmem>>, vector<16xf32>,
      %get3A_3258 = arith.index_cast %squeeze3A_3254 : i32 to index
      %get3A_3259 = arith.constant 16 : index
      %get3A_3260 = tpu.vector_load %arg6[%get3A_3258, %get3A_3259] {strides = array<i32>} : memref<1024x32xf32, #tpu.memory_space<vmem>>, vector<16xf32>,
      %slice3A_3261 = vector.extract_strided_slice %get3A_114 {offsets = [14], sizes = [1], strides = [1]} : vector<16xi32> to vector<1xi32>
      %squeeze3A_3262 = vector.extract %slice3A_3261[0] : i32 from vector<1xi32>
      %get3A_3263 = arith.index_cast %squeeze3A_3262 : i32 to index
      %get3A_3264 = arith.constant 0 : index
      %get3A_3265 = tpu.vector_load %arg6[%get3A_3263, %get3A_3264] {strides = array<i32>} : memref<1024x32xf32, #tpu.memory_space<vmem>>, vector<16xf32>,
      %add3A_3266 = arith.addf %get3A_3257, %get3A_3265 : vector<16xf32>
      %get3A_3267 = arith.index_cast %squeeze3A_3262 : i32 to index
      %get3A_3268 = arith.constant 16 : index
      %get3A_3269 = tpu.vector_load %arg6[%get3A_3267, %get3A_3268] {strides = array<i32>} : memref<1024x32xf32, #tpu.memory_space<vmem>>, vector<16xf32>,
      %add3A_3270 = arith.addf %get3A_3260, %get3A_3269 : vector<16xf32>
      %add3A_3271 = arith.addf %get3A_3257, %add3A_3266 : vector<16xf32>
      %add3A_3272 = arith.addf %get3A_3260, %add3A_3270 : vector<16xf32>
      %slice3A_3273 = vector.extract_strided_slice %get3A_110 {offsets = [14], sizes = [1], strides = [1]} : vector<16xi32> to vector<1xi32>
      %squeeze3A_3274 = vector.extract %slice3A_3273[0] : i32 from vector<1xi32>
      %get3A_3275 = arith.index_cast %squeeze3A_3274 : i32 to index
      %get3A_3276 = arith.constant 0 : index
      %get3A_3277 = tpu.vector_load %arg6[%get3A_3275, %get3A_3276] {strides = array<i32>} : memref<1024x32xf32, #tpu.memory_space<vmem>>, vector<16xf32>,
      %add3A_3278 = arith.addf %add3A_3266, %get3A_3277 : vector<16xf32>
      %get3A_3279 = arith.index_cast %squeeze3A_3274 : i32 to index
      %get3A_3280 = arith.constant 16 : index
      %get3A_3281 = tpu.vector_load %arg6[%get3A_3279, %get3A_3280] {strides = array<i32>} : memref<1024x32xf32, #tpu.memory_space<vmem>>, vector<16xf32>,
      %add3A_3282 = arith.addf %add3A_3270, %get3A_3281 : vector<16xf32>
      %add3A_3283 = arith.addf %add3A_3271, %add3A_3278 : vector<16xf32>
      %add3A_3284 = arith.addf %add3A_3272, %add3A_3282 : vector<16xf32>
      %slice3A_3285 = vector.extract_strided_slice %get3A_106 {offsets = [14], sizes = [1], strides = [1]} : vector<16xi32> to vector<1xi32>
      %squeeze3A_3286 = vector.extract %slice3A_3285[0] : i32 from vector<1xi32>
      %get3A_3287 = arith.index_cast %squeeze3A_3286 : i32 to index
      %get3A_3288 = arith.constant 0 : index
      %get3A_3289 = tpu.vector_load %arg6[%get3A_3287, %get3A_3288] {strides = array<i32>} : memref<1024x32xf32, #tpu.memory_space<vmem>>, vector<16xf32>,
      %add3A_3290 = arith.addf %add3A_3278, %get3A_3289 : vector<16xf32>
      %get3A_3291 = arith.index_cast %squeeze3A_3286 : i32 to index
      %get3A_3292 = arith.constant 16 : index
      %get3A_3293 = tpu.vector_load %arg6[%get3A_3291, %get3A_3292] {strides = array<i32>} : memref<1024x32xf32, #tpu.memory_space<vmem>>, vector<16xf32>,
      %add3A_3294 = arith.addf %add3A_3282, %get3A_3293 : vector<16xf32>
      %add3A_3295 = arith.addf %add3A_3283, %add3A_3290 : vector<16xf32>
      %add3A_3296 = arith.addf %add3A_3284, %add3A_3294 : vector<16xf32>
      %slice3A_3297 = vector.extract_strided_slice %get3A_102 {offsets = [14], sizes = [1], strides = [1]} : vector<16xi32> to vector<1xi32>
      %squeeze3A_3298 = vector.extract %slice3A_3297[0] : i32 from vector<1xi32>
      %get3A_3299 = arith.index_cast %squeeze3A_3298 : i32 to index
      %get3A_3300 = arith.constant 0 : index
      %get3A_3301 = tpu.vector_load %arg6[%get3A_3299, %get3A_3300] {strides = array<i32>} : memref<1024x32xf32, #tpu.memory_space<vmem>>, vector<16xf32>,
      %add3A_3302 = arith.addf %add3A_3290, %get3A_3301 : vector<16xf32>
      %get3A_3303 = arith.index_cast %squeeze3A_3298 : i32 to index
      %get3A_3304 = arith.constant 16 : index
      %get3A_3305 = tpu.vector_load %arg6[%get3A_3303, %get3A_3304] {strides = array<i32>} : memref<1024x32xf32, #tpu.memory_space<vmem>>, vector<16xf32>,
      %add3A_3306 = arith.addf %add3A_3294, %get3A_3305 : vector<16xf32>
      %add3A_3307 = arith.addf %add3A_3295, %add3A_3302 : vector<16xf32>
      %add3A_3308 = arith.addf %add3A_3296, %add3A_3306 : vector<16xf32>
      %slice3A_3309 = vector.extract_strided_slice %get3A_98 {offsets = [14], sizes = [1], strides = [1]} : vector<16xi32> to vector<1xi32>
      %squeeze3A_3310 = vector.extract %slice3A_3309[0] : i32 from vector<1xi32>
      %get3A_3311 = arith.index_cast %squeeze3A_3310 : i32 to index
      %get3A_3312 = arith.constant 0 : index
      %get3A_3313 = tpu.vector_load %arg6[%get3A_3311, %get3A_3312] {strides = array<i32>} : memref<1024x32xf32, #tpu.memory_space<vmem>>, vector<16xf32>,
      %add3A_3314 = arith.addf %add3A_3302, %get3A_3313 : vector<16xf32>
      %get3A_3315 = arith.index_cast %squeeze3A_3310 : i32 to index
      %get3A_3316 = arith.constant 16 : index
      %get3A_3317 = tpu.vector_load %arg6[%get3A_3315, %get3A_3316] {strides = array<i32>} : memref<1024x32xf32, #tpu.memory_space<vmem>>, vector<16xf32>,
      %add3A_3318 = arith.addf %add3A_3306, %get3A_3317 : vector<16xf32>
      %add3A_3319 = arith.addf %add3A_3307, %add3A_3314 : vector<16xf32>
      %add3A_3320 = arith.addf %add3A_3308, %add3A_3318 : vector<16xf32>
      %slice3A_3321 = vector.extract_strided_slice %get3A_94 {offsets = [14], sizes = [1], strides = [1]} : vector<16xi32> to vector<1xi32>
      %squeeze3A_3322 = vector.extract %slice3A_3321[0] : i32 from vector<1xi32>
      %get3A_3323 = arith.index_cast %squeeze3A_3322 : i32 to index
      %get3A_3324 = arith.constant 0 : index
      %get3A_3325 = tpu.vector_load %arg6[%get3A_3323, %get3A_3324] {strides = array<i32>} : memref<1024x32xf32, #tpu.memory_space<vmem>>, vector<16xf32>,
      %add3A_3326 = arith.addf %add3A_3314, %get3A_3325 : vector<16xf32>
      %get3A_3327 = arith.index_cast %squeeze3A_3322 : i32 to index
      %get3A_3328 = arith.constant 16 : index
      %get3A_3329 = tpu.vector_load %arg6[%get3A_3327, %get3A_3328] {strides = array<i32>} : memref<1024x32xf32, #tpu.memory_space<vmem>>, vector<16xf32>,
      %add3A_3330 = arith.addf %add3A_3318, %get3A_3329 : vector<16xf32>
      %add3A_3331 = arith.addf %add3A_3319, %add3A_3326 : vector<16xf32>
      %add3A_3332 = arith.addf %add3A_3320, %add3A_3330 : vector<16xf32>
      %slice3A_3333 = vector.extract_strided_slice %get3A_90 {offsets = [14], sizes = [1], strides = [1]} : vector<16xi32> to vector<1xi32>
      %squeeze3A_3334 = vector.extract %slice3A_3333[0] : i32 from vector<1xi32>
      %get3A_3335 = arith.index_cast %squeeze3A_3334 : i32 to index
      %get3A_3336 = arith.constant 0 : index
      %get3A_3337 = tpu.vector_load %arg6[%get3A_3335, %get3A_3336] {strides = array<i32>} : memref<1024x32xf32, #tpu.memory_space<vmem>>, vector<16xf32>,
      %add3A_3338 = arith.addf %add3A_3326, %get3A_3337 : vector<16xf32>
      %get3A_3339 = arith.index_cast %squeeze3A_3334 : i32 to index
      %get3A_3340 = arith.constant 16 : index
      %get3A_3341 = tpu.vector_load %arg6[%get3A_3339, %get3A_3340] {strides = array<i32>} : memref<1024x32xf32, #tpu.memory_space<vmem>>, vector<16xf32>,
      %add3A_3342 = arith.addf %add3A_3330, %get3A_3341 : vector<16xf32>
      %add3A_3343 = arith.addf %add3A_3331, %add3A_3338 : vector<16xf32>
      %add3A_3344 = arith.addf %add3A_3332, %add3A_3342 : vector<16xf32>
      %slice3A_3345 = vector.extract_strided_slice %get3A_86 {offsets = [14], sizes = [1], strides = [1]} : vector<16xi32> to vector<1xi32>
      %squeeze3A_3346 = vector.extract %slice3A_3345[0] : i32 from vector<1xi32>
      %get3A_3347 = arith.index_cast %squeeze3A_3346 : i32 to index
      %get3A_3348 = arith.constant 0 : index
      %get3A_3349 = tpu.vector_load %arg6[%get3A_3347, %get3A_3348] {strides = array<i32>} : memref<1024x32xf32, #tpu.memory_space<vmem>>, vector<16xf32>,
      %add3A_3350 = arith.addf %add3A_3338, %get3A_3349 : vector<16xf32>
      %get3A_3351 = arith.index_cast %squeeze3A_3346 : i32 to index
      %get3A_3352 = arith.constant 16 : index
      %get3A_3353 = tpu.vector_load %arg6[%get3A_3351, %get3A_3352] {strides = array<i32>} : memref<1024x32xf32, #tpu.memory_space<vmem>>, vector<16xf32>,
      %add3A_3354 = arith.addf %add3A_3342, %get3A_3353 : vector<16xf32>
      %add3A_3355 = arith.addf %add3A_3343, %add3A_3350 : vector<16xf32>
      %add3A_3356 = arith.addf %add3A_3344, %add3A_3354 : vector<16xf32>
      %slice3A_3357 = vector.extract_strided_slice %get3A_82 {offsets = [14], sizes = [1], strides = [1]} : vector<16xi32> to vector<1xi32>
      %squeeze3A_3358 = vector.extract %slice3A_3357[0] : i32 from vector<1xi32>
      %get3A_3359 = arith.index_cast %squeeze3A_3358 : i32 to index
      %get3A_3360 = arith.constant 0 : index
      %get3A_3361 = tpu.vector_load %arg6[%get3A_3359, %get3A_3360] {strides = array<i32>} : memref<1024x32xf32, #tpu.memory_space<vmem>>, vector<16xf32>,
      %add3A_3362 = arith.addf %add3A_3350, %get3A_3361 : vector<16xf32>
      %get3A_3363 = arith.index_cast %squeeze3A_3358 : i32 to index
      %get3A_3364 = arith.constant 16 : index
      %get3A_3365 = tpu.vector_load %arg6[%get3A_3363, %get3A_3364] {strides = array<i32>} : memref<1024x32xf32, #tpu.memory_space<vmem>>, vector<16xf32>,
      %add3A_3366 = arith.addf %add3A_3354, %get3A_3365 : vector<16xf32>
      %add3A_3367 = arith.addf %add3A_3355, %add3A_3362 : vector<16xf32>
      %add3A_3368 = arith.addf %add3A_3356, %add3A_3366 : vector<16xf32>
      %slice3A_3369 = vector.extract_strided_slice %get3A_78 {offsets = [14], sizes = [1], strides = [1]} : vector<16xi32> to vector<1xi32>
      %squeeze3A_3370 = vector.extract %slice3A_3369[0] : i32 from vector<1xi32>
      %get3A_3371 = arith.index_cast %squeeze3A_3370 : i32 to index
      %get3A_3372 = arith.constant 0 : index
      %get3A_3373 = tpu.vector_load %arg6[%get3A_3371, %get3A_3372] {strides = array<i32>} : memref<1024x32xf32, #tpu.memory_space<vmem>>, vector<16xf32>,
      %add3A_3374 = arith.addf %add3A_3362, %get3A_3373 : vector<16xf32>
      %get3A_3375 = arith.index_cast %squeeze3A_3370 : i32 to index
      %get3A_3376 = arith.constant 16 : index
      %get3A_3377 = tpu.vector_load %arg6[%get3A_3375, %get3A_3376] {strides = array<i32>} : memref<1024x32xf32, #tpu.memory_space<vmem>>, vector<16xf32>,
      %add3A_3378 = arith.addf %add3A_3366, %get3A_3377 : vector<16xf32>
      %add3A_3379 = arith.addf %add3A_3367, %add3A_3374 : vector<16xf32>
      %add3A_3380 = arith.addf %add3A_3368, %add3A_3378 : vector<16xf32>
      %slice3A_3381 = vector.extract_strided_slice %get3A_74 {offsets = [14], sizes = [1], strides = [1]} : vector<16xi32> to vector<1xi32>
      %squeeze3A_3382 = vector.extract %slice3A_3381[0] : i32 from vector<1xi32>
      %get3A_3383 = arith.index_cast %squeeze3A_3382 : i32 to index
      %get3A_3384 = arith.constant 0 : index
      %get3A_3385 = tpu.vector_load %arg6[%get3A_3383, %get3A_3384] {strides = array<i32>} : memref<1024x32xf32, #tpu.memory_space<vmem>>, vector<16xf32>,
      %add3A_3386 = arith.addf %add3A_3374, %get3A_3385 : vector<16xf32>
      %get3A_3387 = arith.index_cast %squeeze3A_3382 : i32 to index
      %get3A_3388 = arith.constant 16 : index
      %get3A_3389 = tpu.vector_load %arg6[%get3A_3387, %get3A_3388] {strides = array<i32>} : memref<1024x32xf32, #tpu.memory_space<vmem>>, vector<16xf32>,
      %add3A_3390 = arith.addf %add3A_3378, %get3A_3389 : vector<16xf32>
      %add3A_3391 = arith.addf %add3A_3379, %add3A_3386 : vector<16xf32>
      %add3A_3392 = arith.addf %add3A_3380, %add3A_3390 : vector<16xf32>
      %slice3A_3393 = vector.extract_strided_slice %get3A_70 {offsets = [14], sizes = [1], strides = [1]} : vector<16xi32> to vector<1xi32>
      %squeeze3A_3394 = vector.extract %slice3A_3393[0] : i32 from vector<1xi32>
      %get3A_3395 = arith.index_cast %squeeze3A_3394 : i32 to index
      %get3A_3396 = arith.constant 0 : index
      %get3A_3397 = tpu.vector_load %arg6[%get3A_3395, %get3A_3396] {strides = array<i32>} : memref<1024x32xf32, #tpu.memory_space<vmem>>, vector<16xf32>,
      %add3A_3398 = arith.addf %add3A_3386, %get3A_3397 : vector<16xf32>
      %get3A_3399 = arith.index_cast %squeeze3A_3394 : i32 to index
      %get3A_3400 = arith.constant 16 : index
      %get3A_3401 = tpu.vector_load %arg6[%get3A_3399, %get3A_3400] {strides = array<i32>} : memref<1024x32xf32, #tpu.memory_space<vmem>>, vector<16xf32>,
      %add3A_3402 = arith.addf %add3A_3390, %get3A_3401 : vector<16xf32>
      %add3A_3403 = arith.addf %add3A_3391, %add3A_3398 : vector<16xf32>
      %add3A_3404 = arith.addf %add3A_3392, %add3A_3402 : vector<16xf32>
      %slice3A_3405 = vector.extract_strided_slice %get3A_66 {offsets = [14], sizes = [1], strides = [1]} : vector<16xi32> to vector<1xi32>
      %squeeze3A_3406 = vector.extract %slice3A_3405[0] : i32 from vector<1xi32>
      %get3A_3407 = arith.index_cast %squeeze3A_3406 : i32 to index
      %get3A_3408 = arith.constant 0 : index
      %get3A_3409 = tpu.vector_load %arg6[%get3A_3407, %get3A_3408] {strides = array<i32>} : memref<1024x32xf32, #tpu.memory_space<vmem>>, vector<16xf32>,
      %add3A_3410 = arith.addf %add3A_3398, %get3A_3409 : vector<16xf32>
      %get3A_3411 = arith.index_cast %squeeze3A_3406 : i32 to index
      %get3A_3412 = arith.constant 16 : index
      %get3A_3413 = tpu.vector_load %arg6[%get3A_3411, %get3A_3412] {strides = array<i32>} : memref<1024x32xf32, #tpu.memory_space<vmem>>, vector<16xf32>,
      %add3A_3414 = arith.addf %add3A_3402, %get3A_3413 : vector<16xf32>
      %add3A_3415 = arith.addf %add3A_3403, %add3A_3410 : vector<16xf32>
      %add3A_3416 = arith.addf %add3A_3404, %add3A_3414 : vector<16xf32>
      %slice3A_3417 = vector.extract_strided_slice %get3A_62 {offsets = [14], sizes = [1], strides = [1]} : vector<16xi32> to vector<1xi32>
      %squeeze3A_3418 = vector.extract %slice3A_3417[0] : i32 from vector<1xi32>
      %get3A_3419 = arith.index_cast %squeeze3A_3418 : i32 to index
      %get3A_3420 = arith.constant 0 : index
      %get3A_3421 = tpu.vector_load %arg6[%get3A_3419, %get3A_3420] {strides = array<i32>} : memref<1024x32xf32, #tpu.memory_space<vmem>>, vector<16xf32>,
      %add3A_3422 = arith.addf %add3A_3410, %get3A_3421 : vector<16xf32>
      %get3A_3423 = arith.index_cast %squeeze3A_3418 : i32 to index
      %get3A_3424 = arith.constant 16 : index
      %get3A_3425 = tpu.vector_load %arg6[%get3A_3423, %get3A_3424] {strides = array<i32>} : memref<1024x32xf32, #tpu.memory_space<vmem>>, vector<16xf32>,
      %add3A_3426 = arith.addf %add3A_3414, %get3A_3425 : vector<16xf32>
      %add3A_3427 = arith.addf %add3A_3415, %add3A_3422 : vector<16xf32>
      %add3A_3428 = arith.addf %add3A_3416, %add3A_3426 : vector<16xf32>
      %slice3A_3429 = vector.extract_strided_slice %get3A_58 {offsets = [14], sizes = [1], strides = [1]} : vector<16xi32> to vector<1xi32>
      %squeeze3A_3430 = vector.extract %slice3A_3429[0] : i32 from vector<1xi32>
      %get3A_3431 = arith.index_cast %squeeze3A_3430 : i32 to index
      %get3A_3432 = arith.constant 0 : index
      %get3A_3433 = tpu.vector_load %arg6[%get3A_3431, %get3A_3432] {strides = array<i32>} : memref<1024x32xf32, #tpu.memory_space<vmem>>, vector<16xf32>,
      %get3A_3434 = arith.index_cast %squeeze3A_3430 : i32 to index
      %get3A_3435 = arith.constant 16 : index
      %get3A_3436 = tpu.vector_load %arg6[%get3A_3434, %get3A_3435] {strides = array<i32>} : memref<1024x32xf32, #tpu.memory_space<vmem>>, vector<16xf32>,
      %add3A_3437 = arith.addf %add3A_3422, %get3A_3433 : vector<16xf32>
      %add3A_3438 = arith.addf %add3A_3426, %get3A_3436 : vector<16xf32>
      %broadcast_in_dim3A_3439 = vector.broadcast %squeeze3A_3252 : f32 to vector<16xf32>
      %gt3A_3440 = arith.constant 5.000000e-01 : f32
      %gt3A_3441 = vector.broadcast %gt3A_3440 : f32 to vector<16xf32>
      %gt3A_3442 = arith.cmpf ogt, %broadcast_in_dim3A_3439, %gt3A_3441 : vector<16xf32>
      %mul3A_3443 = arith.constant 5.000000e-01 : f32
      %mul3A_3444 = vector.broadcast %mul3A_3443 : f32 to vector<16xf32>
      %mul3A_3445 = arith.mulf %mul3A_3444, %get3A_3433 : vector<16xf32>
      %mul3A_3446 = vector.broadcast %squeeze3A_3250 : f32 to vector<16xf32>
      %mul3A_3447 = arith.mulf %mul3A_3446, %add3A_3427 : vector<16xf32>
      %select_n3A_3448 = arith.select %gt3A_3442, %mul3A_3445, %mul3A_3447 : vector<16xi1>, vector<16xf32>
      %mul3A_3449 = arith.constant 5.000000e-01 : f32
      %mul3A_3450 = vector.broadcast %mul3A_3449 : f32 to vector<16xf32>
      %mul3A_3451 = arith.mulf %mul3A_3450, %get3A_3436 : vector<16xf32>
      %mul3A_3452 = vector.broadcast %squeeze3A_3250 : f32 to vector<16xf32>
      %mul3A_3453 = arith.mulf %mul3A_3452, %add3A_3428 : vector<16xf32>
      %select_n3A_3454 = arith.select %gt3A_3442, %mul3A_3451, %mul3A_3453 : vector<16xi1>, vector<16xf32>
      %swap3A_3455 = arith.index_cast %add3A_3248 : i32 to index
      %swap3A_3456 = arith.constant 0 : index
      %swap3A_3457 = tpu.vector_load %arg9[%swap3A_3455, %swap3A_3456] {strides = array<i32>} : memref<1024x32xf32, #tpu.memory_space<vmem>>, vector<16xf32>,
      tpu.vector_store %arg9[%swap3A_3455, %swap3A_3456], %add3A_3437 {strides = array<i32>} : memref<1024x32xf32, #tpu.memory_space<vmem>>, vector<16xf32>,
      %swap3A_3458 = arith.index_cast %add3A_3248 : i32 to index
      %swap3A_3459 = arith.constant 16 : index
      %swap3A_3460 = tpu.vector_load %arg9[%swap3A_3458, %swap3A_3459] {strides = array<i32>} : memref<1024x32xf32, #tpu.memory_space<vmem>>, vector<16xf32>,
      tpu.vector_store %arg9[%swap3A_3458, %swap3A_3459], %add3A_3438 {strides = array<i32>} : memref<1024x32xf32, #tpu.memory_space<vmem>>, vector<16xf32>,
      %swap3A_3461 = arith.index_cast %add3A_3248 : i32 to index
      %swap3A_3462 = arith.constant 0 : index
      %swap3A_3463 = tpu.vector_load %arg8[%swap3A_3461, %swap3A_3462] {strides = array<i32>} : memref<1024x32xf32, #tpu.memory_space<vmem>>, vector<16xf32>,
      tpu.vector_store %arg8[%swap3A_3461, %swap3A_3462], %select_n3A_3448 {strides = array<i32>} : memref<1024x32xf32, #tpu.memory_space<vmem>>, vector<16xf32>,
      %swap3A_3464 = arith.index_cast %add3A_3248 : i32 to index
      %swap3A_3465 = arith.constant 16 : index
      %swap3A_3466 = tpu.vector_load %arg8[%swap3A_3464, %swap3A_3465] {strides = array<i32>} : memref<1024x32xf32, #tpu.memory_space<vmem>>, vector<16xf32>,
      tpu.vector_store %arg8[%swap3A_3464, %swap3A_3465], %select_n3A_3454 {strides = array<i32>} : memref<1024x32xf32, #tpu.memory_space<vmem>>, vector<16xf32>,
      %add3A_3467 = arith.constant 15 : i32
      %add3A_3468 = arith.addi %mul3A_50, %add3A_3467 : i32
      %slice3A_3469 = vector.extract_strided_slice %div3A_168 {offsets = [15], sizes = [1], strides = [1]} : vector<16xf32> to vector<1xf32>
      %squeeze3A_3470 = vector.extract %slice3A_3469[0] : f32 from vector<1xf32>
      %slice3A_3471 = vector.extract_strided_slice %select_n3A_170 {offsets = [15], sizes = [1], strides = [1]} : vector<16xf32> to vector<1xf32>
      %squeeze3A_3472 = vector.extract %slice3A_3471[0] : f32 from vector<1xf32>
      %slice3A_3473 = vector.extract_strided_slice %get3A_118 {offsets = [15], sizes = [1], strides = [1]} : vector<16xi32> to vector<1xi32>
      %squeeze3A_3474 = vector.extract %slice3A_3473[0] : i32 from vector<1xi32>
      %get3A_3475 = arith.index_cast %squeeze3A_3474 : i32 to index
      %get3A_3476 = arith.constant 0 : index
      %get3A_3477 = tpu.vector_load %arg6[%get3A_3475, %get3A_3476] {strides = array<i32>} : memref<1024x32xf32, #tpu.memory_space<vmem>>, vector<16xf32>,
      %get3A_3478 = arith.index_cast %squeeze3A_3474 : i32 to index
      %get3A_3479 = arith.constant 16 : index
      %get3A_3480 = tpu.vector_load %arg6[%get3A_3478, %get3A_3479] {strides = array<i32>} : memref<1024x32xf32, #tpu.memory_space<vmem>>, vector<16xf32>,
      %slice3A_3481 = vector.extract_strided_slice %get3A_114 {offsets = [15], sizes = [1], strides = [1]} : vector<16xi32> to vector<1xi32>
      %squeeze3A_3482 = vector.extract %slice3A_3481[0] : i32 from vector<1xi32>
      %get3A_3483 = arith.index_cast %squeeze3A_3482 : i32 to index
      %get3A_3484 = arith.constant 0 : index
      %get3A_3485 = tpu.vector_load %arg6[%get3A_3483, %get3A_3484] {strides = array<i32>} : memref<1024x32xf32, #tpu.memory_space<vmem>>, vector<16xf32>,
      %add3A_3486 = arith.addf %get3A_3477, %get3A_3485 : vector<16xf32>
      %get3A_3487 = arith.index_cast %squeeze3A_3482 : i32 to index
      %get3A_3488 = arith.constant 16 : index
      %get3A_3489 = tpu.vector_load %arg6[%get3A_3487, %get3A_3488] {strides = array<i32>} : memref<1024x32xf32, #tpu.memory_space<vmem>>, vector<16xf32>,
      %add3A_3490 = arith.addf %get3A_3480, %get3A_3489 : vector<16xf32>
      %add3A_3491 = arith.addf %get3A_3477, %add3A_3486 : vector<16xf32>
      %add3A_3492 = arith.addf %get3A_3480, %add3A_3490 : vector<16xf32>
      %slice3A_3493 = vector.extract_strided_slice %get3A_110 {offsets = [15], sizes = [1], strides = [1]} : vector<16xi32> to vector<1xi32>
      %squeeze3A_3494 = vector.extract %slice3A_3493[0] : i32 from vector<1xi32>
      %get3A_3495 = arith.index_cast %squeeze3A_3494 : i32 to index
      %get3A_3496 = arith.constant 0 : index
      %get3A_3497 = tpu.vector_load %arg6[%get3A_3495, %get3A_3496] {strides = array<i32>} : memref<1024x32xf32, #tpu.memory_space<vmem>>, vector<16xf32>,
      %add3A_3498 = arith.addf %add3A_3486, %get3A_3497 : vector<16xf32>
      %get3A_3499 = arith.index_cast %squeeze3A_3494 : i32 to index
      %get3A_3500 = arith.constant 16 : index
      %get3A_3501 = tpu.vector_load %arg6[%get3A_3499, %get3A_3500] {strides = array<i32>} : memref<1024x32xf32, #tpu.memory_space<vmem>>, vector<16xf32>,
      %add3A_3502 = arith.addf %add3A_3490, %get3A_3501 : vector<16xf32>
      %add3A_3503 = arith.addf %add3A_3491, %add3A_3498 : vector<16xf32>
      %add3A_3504 = arith.addf %add3A_3492, %add3A_3502 : vector<16xf32>
      %slice3A_3505 = vector.extract_strided_slice %get3A_106 {offsets = [15], sizes = [1], strides = [1]} : vector<16xi32> to vector<1xi32>
      %squeeze3A_3506 = vector.extract %slice3A_3505[0] : i32 from vector<1xi32>
      %get3A_3507 = arith.index_cast %squeeze3A_3506 : i32 to index
      %get3A_3508 = arith.constant 0 : index
      %get3A_3509 = tpu.vector_load %arg6[%get3A_3507, %get3A_3508] {strides = array<i32>} : memref<1024x32xf32, #tpu.memory_space<vmem>>, vector<16xf32>,
      %add3A_3510 = arith.addf %add3A_3498, %get3A_3509 : vector<16xf32>
      %get3A_3511 = arith.index_cast %squeeze3A_3506 : i32 to index
      %get3A_3512 = arith.constant 16 : index
      %get3A_3513 = tpu.vector_load %arg6[%get3A_3511, %get3A_3512] {strides = array<i32>} : memref<1024x32xf32, #tpu.memory_space<vmem>>, vector<16xf32>,
      %add3A_3514 = arith.addf %add3A_3502, %get3A_3513 : vector<16xf32>
      %add3A_3515 = arith.addf %add3A_3503, %add3A_3510 : vector<16xf32>
      %add3A_3516 = arith.addf %add3A_3504, %add3A_3514 : vector<16xf32>
      %slice3A_3517 = vector.extract_strided_slice %get3A_102 {offsets = [15], sizes = [1], strides = [1]} : vector<16xi32> to vector<1xi32>
      %squeeze3A_3518 = vector.extract %slice3A_3517[0] : i32 from vector<1xi32>
      %get3A_3519 = arith.index_cast %squeeze3A_3518 : i32 to index
      %get3A_3520 = arith.constant 0 : index
      %get3A_3521 = tpu.vector_load %arg6[%get3A_3519, %get3A_3520] {strides = array<i32>} : memref<1024x32xf32, #tpu.memory_space<vmem>>, vector<16xf32>,
      %add3A_3522 = arith.addf %add3A_3510, %get3A_3521 : vector<16xf32>
      %get3A_3523 = arith.index_cast %squeeze3A_3518 : i32 to index
      %get3A_3524 = arith.constant 16 : index
      %get3A_3525 = tpu.vector_load %arg6[%get3A_3523, %get3A_3524] {strides = array<i32>} : memref<1024x32xf32, #tpu.memory_space<vmem>>, vector<16xf32>,
      %add3A_3526 = arith.addf %add3A_3514, %get3A_3525 : vector<16xf32>
      %add3A_3527 = arith.addf %add3A_3515, %add3A_3522 : vector<16xf32>
      %add3A_3528 = arith.addf %add3A_3516, %add3A_3526 : vector<16xf32>
      %slice3A_3529 = vector.extract_strided_slice %get3A_98 {offsets = [15], sizes = [1], strides = [1]} : vector<16xi32> to vector<1xi32>
      %squeeze3A_3530 = vector.extract %slice3A_3529[0] : i32 from vector<1xi32>
      %get3A_3531 = arith.index_cast %squeeze3A_3530 : i32 to index
      %get3A_3532 = arith.constant 0 : index
      %get3A_3533 = tpu.vector_load %arg6[%get3A_3531, %get3A_3532] {strides = array<i32>} : memref<1024x32xf32, #tpu.memory_space<vmem>>, vector<16xf32>,
      %add3A_3534 = arith.addf %add3A_3522, %get3A_3533 : vector<16xf32>
      %get3A_3535 = arith.index_cast %squeeze3A_3530 : i32 to index
      %get3A_3536 = arith.constant 16 : index
      %get3A_3537 = tpu.vector_load %arg6[%get3A_3535, %get3A_3536] {strides = array<i32>} : memref<1024x32xf32, #tpu.memory_space<vmem>>, vector<16xf32>,
      %add3A_3538 = arith.addf %add3A_3526, %get3A_3537 : vector<16xf32>
      %add3A_3539 = arith.addf %add3A_3527, %add3A_3534 : vector<16xf32>
      %add3A_3540 = arith.addf %add3A_3528, %add3A_3538 : vector<16xf32>
      %slice3A_3541 = vector.extract_strided_slice %get3A_94 {offsets = [15], sizes = [1], strides = [1]} : vector<16xi32> to vector<1xi32>
      %squeeze3A_3542 = vector.extract %slice3A_3541[0] : i32 from vector<1xi32>
      %get3A_3543 = arith.index_cast %squeeze3A_3542 : i32 to index
      %get3A_3544 = arith.constant 0 : index
      %get3A_3545 = tpu.vector_load %arg6[%get3A_3543, %get3A_3544] {strides = array<i32>} : memref<1024x32xf32, #tpu.memory_space<vmem>>, vector<16xf32>,
      %add3A_3546 = arith.addf %add3A_3534, %get3A_3545 : vector<16xf32>
      %get3A_3547 = arith.index_cast %squeeze3A_3542 : i32 to index
      %get3A_3548 = arith.constant 16 : index
      %get3A_3549 = tpu.vector_load %arg6[%get3A_3547, %get3A_3548] {strides = array<i32>} : memref<1024x32xf32, #tpu.memory_space<vmem>>, vector<16xf32>,
      %add3A_3550 = arith.addf %add3A_3538, %get3A_3549 : vector<16xf32>
      %add3A_3551 = arith.addf %add3A_3539, %add3A_3546 : vector<16xf32>
      %add3A_3552 = arith.addf %add3A_3540, %add3A_3550 : vector<16xf32>
      %slice3A_3553 = vector.extract_strided_slice %get3A_90 {offsets = [15], sizes = [1], strides = [1]} : vector<16xi32> to vector<1xi32>
      %squeeze3A_3554 = vector.extract %slice3A_3553[0] : i32 from vector<1xi32>
      %get3A_3555 = arith.index_cast %squeeze3A_3554 : i32 to index
      %get3A_3556 = arith.constant 0 : index
      %get3A_3557 = tpu.vector_load %arg6[%get3A_3555, %get3A_3556] {strides = array<i32>} : memref<1024x32xf32, #tpu.memory_space<vmem>>, vector<16xf32>,
      %add3A_3558 = arith.addf %add3A_3546, %get3A_3557 : vector<16xf32>
      %get3A_3559 = arith.index_cast %squeeze3A_3554 : i32 to index
      %get3A_3560 = arith.constant 16 : index
      %get3A_3561 = tpu.vector_load %arg6[%get3A_3559, %get3A_3560] {strides = array<i32>} : memref<1024x32xf32, #tpu.memory_space<vmem>>, vector<16xf32>,
      %add3A_3562 = arith.addf %add3A_3550, %get3A_3561 : vector<16xf32>
      %add3A_3563 = arith.addf %add3A_3551, %add3A_3558 : vector<16xf32>
      %add3A_3564 = arith.addf %add3A_3552, %add3A_3562 : vector<16xf32>
      %slice3A_3565 = vector.extract_strided_slice %get3A_86 {offsets = [15], sizes = [1], strides = [1]} : vector<16xi32> to vector<1xi32>
      %squeeze3A_3566 = vector.extract %slice3A_3565[0] : i32 from vector<1xi32>
      %get3A_3567 = arith.index_cast %squeeze3A_3566 : i32 to index
      %get3A_3568 = arith.constant 0 : index
      %get3A_3569 = tpu.vector_load %arg6[%get3A_3567, %get3A_3568] {strides = array<i32>} : memref<1024x32xf32, #tpu.memory_space<vmem>>, vector<16xf32>,
      %add3A_3570 = arith.addf %add3A_3558, %get3A_3569 : vector<16xf32>
      %get3A_3571 = arith.index_cast %squeeze3A_3566 : i32 to index
      %get3A_3572 = arith.constant 16 : index
      %get3A_3573 = tpu.vector_load %arg6[%get3A_3571, %get3A_3572] {strides = array<i32>} : memref<1024x32xf32, #tpu.memory_space<vmem>>, vector<16xf32>,
      %add3A_3574 = arith.addf %add3A_3562, %get3A_3573 : vector<16xf32>
      %add3A_3575 = arith.addf %add3A_3563, %add3A_3570 : vector<16xf32>
      %add3A_3576 = arith.addf %add3A_3564, %add3A_3574 : vector<16xf32>
      %slice3A_3577 = vector.extract_strided_slice %get3A_82 {offsets = [15], sizes = [1], strides = [1]} : vector<16xi32> to vector<1xi32>
      %squeeze3A_3578 = vector.extract %slice3A_3577[0] : i32 from vector<1xi32>
      %get3A_3579 = arith.index_cast %squeeze3A_3578 : i32 to index
      %get3A_3580 = arith.constant 0 : index
      %get3A_3581 = tpu.vector_load %arg6[%get3A_3579, %get3A_3580] {strides = array<i32>} : memref<1024x32xf32, #tpu.memory_space<vmem>>, vector<16xf32>,
      %add3A_3582 = arith.addf %add3A_3570, %get3A_3581 : vector<16xf32>
      %get3A_3583 = arith.index_cast %squeeze3A_3578 : i32 to index
      %get3A_3584 = arith.constant 16 : index
      %get3A_3585 = tpu.vector_load %arg6[%get3A_3583, %get3A_3584] {strides = array<i32>} : memref<1024x32xf32, #tpu.memory_space<vmem>>, vector<16xf32>,
      %add3A_3586 = arith.addf %add3A_3574, %get3A_3585 : vector<16xf32>
      %add3A_3587 = arith.addf %add3A_3575, %add3A_3582 : vector<16xf32>
      %add3A_3588 = arith.addf %add3A_3576, %add3A_3586 : vector<16xf32>
      %slice3A_3589 = vector.extract_strided_slice %get3A_78 {offsets = [15], sizes = [1], strides = [1]} : vector<16xi32> to vector<1xi32>
      %squeeze3A_3590 = vector.extract %slice3A_3589[0] : i32 from vector<1xi32>
      %get3A_3591 = arith.index_cast %squeeze3A_3590 : i32 to index
      %get3A_3592 = arith.constant 0 : index
      %get3A_3593 = tpu.vector_load %arg6[%get3A_3591, %get3A_3592] {strides = array<i32>} : memref<1024x32xf32, #tpu.memory_space<vmem>>, vector<16xf32>,
      %add3A_3594 = arith.addf %add3A_3582, %get3A_3593 : vector<16xf32>
      %get3A_3595 = arith.index_cast %squeeze3A_3590 : i32 to index
      %get3A_3596 = arith.constant 16 : index
      %get3A_3597 = tpu.vector_load %arg6[%get3A_3595, %get3A_3596] {strides = array<i32>} : memref<1024x32xf32, #tpu.memory_space<vmem>>, vector<16xf32>,
      %add3A_3598 = arith.addf %add3A_3586, %get3A_3597 : vector<16xf32>
      %add3A_3599 = arith.addf %add3A_3587, %add3A_3594 : vector<16xf32>
      %add3A_3600 = arith.addf %add3A_3588, %add3A_3598 : vector<16xf32>
      %slice3A_3601 = vector.extract_strided_slice %get3A_74 {offsets = [15], sizes = [1], strides = [1]} : vector<16xi32> to vector<1xi32>
      %squeeze3A_3602 = vector.extract %slice3A_3601[0] : i32 from vector<1xi32>
      %get3A_3603 = arith.index_cast %squeeze3A_3602 : i32 to index
      %get3A_3604 = arith.constant 0 : index
      %get3A_3605 = tpu.vector_load %arg6[%get3A_3603, %get3A_3604] {strides = array<i32>} : memref<1024x32xf32, #tpu.memory_space<vmem>>, vector<16xf32>,
      %add3A_3606 = arith.addf %add3A_3594, %get3A_3605 : vector<16xf32>
      %get3A_3607 = arith.index_cast %squeeze3A_3602 : i32 to index
      %get3A_3608 = arith.constant 16 : index
      %get3A_3609 = tpu.vector_load %arg6[%get3A_3607, %get3A_3608] {strides = array<i32>} : memref<1024x32xf32, #tpu.memory_space<vmem>>, vector<16xf32>,
      %add3A_3610 = arith.addf %add3A_3598, %get3A_3609 : vector<16xf32>
      %add3A_3611 = arith.addf %add3A_3599, %add3A_3606 : vector<16xf32>
      %add3A_3612 = arith.addf %add3A_3600, %add3A_3610 : vector<16xf32>
      %slice3A_3613 = vector.extract_strided_slice %get3A_70 {offsets = [15], sizes = [1], strides = [1]} : vector<16xi32> to vector<1xi32>
      %squeeze3A_3614 = vector.extract %slice3A_3613[0] : i32 from vector<1xi32>
      %get3A_3615 = arith.index_cast %squeeze3A_3614 : i32 to index
      %get3A_3616 = arith.constant 0 : index
      %get3A_3617 = tpu.vector_load %arg6[%get3A_3615, %get3A_3616] {strides = array<i32>} : memref<1024x32xf32, #tpu.memory_space<vmem>>, vector<16xf32>,
      %add3A_3618 = arith.addf %add3A_3606, %get3A_3617 : vector<16xf32>
      %get3A_3619 = arith.index_cast %squeeze3A_3614 : i32 to index
      %get3A_3620 = arith.constant 16 : index
      %get3A_3621 = tpu.vector_load %arg6[%get3A_3619, %get3A_3620] {strides = array<i32>} : memref<1024x32xf32, #tpu.memory_space<vmem>>, vector<16xf32>,
      %add3A_3622 = arith.addf %add3A_3610, %get3A_3621 : vector<16xf32>
      %add3A_3623 = arith.addf %add3A_3611, %add3A_3618 : vector<16xf32>
      %add3A_3624 = arith.addf %add3A_3612, %add3A_3622 : vector<16xf32>
      %slice3A_3625 = vector.extract_strided_slice %get3A_66 {offsets = [15], sizes = [1], strides = [1]} : vector<16xi32> to vector<1xi32>
      %squeeze3A_3626 = vector.extract %slice3A_3625[0] : i32 from vector<1xi32>
      %get3A_3627 = arith.index_cast %squeeze3A_3626 : i32 to index
      %get3A_3628 = arith.constant 0 : index
      %get3A_3629 = tpu.vector_load %arg6[%get3A_3627, %get3A_3628] {strides = array<i32>} : memref<1024x32xf32, #tpu.memory_space<vmem>>, vector<16xf32>,
      %add3A_3630 = arith.addf %add3A_3618, %get3A_3629 : vector<16xf32>
      %get3A_3631 = arith.index_cast %squeeze3A_3626 : i32 to index
      %get3A_3632 = arith.constant 16 : index
      %get3A_3633 = tpu.vector_load %arg6[%get3A_3631, %get3A_3632] {strides = array<i32>} : memref<1024x32xf32, #tpu.memory_space<vmem>>, vector<16xf32>,
      %add3A_3634 = arith.addf %add3A_3622, %get3A_3633 : vector<16xf32>
      %add3A_3635 = arith.addf %add3A_3623, %add3A_3630 : vector<16xf32>
      %add3A_3636 = arith.addf %add3A_3624, %add3A_3634 : vector<16xf32>
      %slice3A_3637 = vector.extract_strided_slice %get3A_62 {offsets = [15], sizes = [1], strides = [1]} : vector<16xi32> to vector<1xi32>
      %squeeze3A_3638 = vector.extract %slice3A_3637[0] : i32 from vector<1xi32>
      %get3A_3639 = arith.index_cast %squeeze3A_3638 : i32 to index
      %get3A_3640 = arith.constant 0 : index
      %get3A_3641 = tpu.vector_load %arg6[%get3A_3639, %get3A_3640] {strides = array<i32>} : memref<1024x32xf32, #tpu.memory_space<vmem>>, vector<16xf32>,
      %add3A_3642 = arith.addf %add3A_3630, %get3A_3641 : vector<16xf32>
      %get3A_3643 = arith.index_cast %squeeze3A_3638 : i32 to index
      %get3A_3644 = arith.constant 16 : index
      %get3A_3645 = tpu.vector_load %arg6[%get3A_3643, %get3A_3644] {strides = array<i32>} : memref<1024x32xf32, #tpu.memory_space<vmem>>, vector<16xf32>,
      %add3A_3646 = arith.addf %add3A_3634, %get3A_3645 : vector<16xf32>
      %add3A_3647 = arith.addf %add3A_3635, %add3A_3642 : vector<16xf32>
      %add3A_3648 = arith.addf %add3A_3636, %add3A_3646 : vector<16xf32>
      %slice3A_3649 = vector.extract_strided_slice %get3A_58 {offsets = [15], sizes = [1], strides = [1]} : vector<16xi32> to vector<1xi32>
      %squeeze3A_3650 = vector.extract %slice3A_3649[0] : i32 from vector<1xi32>
      %get3A_3651 = arith.index_cast %squeeze3A_3650 : i32 to index
      %get3A_3652 = arith.constant 0 : index
      %get3A_3653 = tpu.vector_load %arg6[%get3A_3651, %get3A_3652] {strides = array<i32>} : memref<1024x32xf32, #tpu.memory_space<vmem>>, vector<16xf32>,
      %get3A_3654 = arith.index_cast %squeeze3A_3650 : i32 to index
      %get3A_3655 = arith.constant 16 : index
      %get3A_3656 = tpu.vector_load %arg6[%get3A_3654, %get3A_3655] {strides = array<i32>} : memref<1024x32xf32, #tpu.memory_space<vmem>>, vector<16xf32>,
      %add3A_3657 = arith.addf %add3A_3642, %get3A_3653 : vector<16xf32>
      %add3A_3658 = arith.addf %add3A_3646, %get3A_3656 : vector<16xf32>
      %broadcast_in_dim3A_3659 = vector.broadcast %squeeze3A_3472 : f32 to vector<16xf32>
      %gt3A_3660 = arith.constant 5.000000e-01 : f32
      %gt3A_3661 = vector.broadcast %gt3A_3660 : f32 to vector<16xf32>
      %gt3A_3662 = arith.cmpf ogt, %broadcast_in_dim3A_3659, %gt3A_3661 : vector<16xf32>
      %mul3A_3663 = arith.constant 5.000000e-01 : f32
      %mul3A_3664 = vector.broadcast %mul3A_3663 : f32 to vector<16xf32>
      %mul3A_3665 = arith.mulf %mul3A_3664, %get3A_3653 : vector<16xf32>
      %mul3A_3666 = vector.broadcast %squeeze3A_3470 : f32 to vector<16xf32>
      %mul3A_3667 = arith.mulf %mul3A_3666, %add3A_3647 : vector<16xf32>
      %select_n3A_3668 = arith.select %gt3A_3662, %mul3A_3665, %mul3A_3667 : vector<16xi1>, vector<16xf32>
      %mul3A_3669 = arith.constant 5.000000e-01 : f32
      %mul3A_3670 = vector.broadcast %mul3A_3669 : f32 to vector<16xf32>
      %mul3A_3671 = arith.mulf %mul3A_3670, %get3A_3656 : vector<16xf32>
      %mul3A_3672 = vector.broadcast %squeeze3A_3470 : f32 to vector<16xf32>
      %mul3A_3673 = arith.mulf %mul3A_3672, %add3A_3648 : vector<16xf32>
      %select_n3A_3674 = arith.select %gt3A_3662, %mul3A_3671, %mul3A_3673 : vector<16xi1>, vector<16xf32>
      %swap3A_3675 = arith.index_cast %add3A_3468 : i32 to index
      %swap3A_3676 = arith.constant 0 : index
      %swap3A_3677 = tpu.vector_load %arg9[%swap3A_3675, %swap3A_3676] {strides = array<i32>} : memref<1024x32xf32, #tpu.memory_space<vmem>>, vector<16xf32>,
      tpu.vector_store %arg9[%swap3A_3675, %swap3A_3676], %add3A_3657 {strides = array<i32>} : memref<1024x32xf32, #tpu.memory_space<vmem>>, vector<16xf32>,
      %swap3A_3678 = arith.index_cast %add3A_3468 : i32 to index
      %swap3A_3679 = arith.constant 16 : index
      %swap3A_3680 = tpu.vector_load %arg9[%swap3A_3678, %swap3A_3679] {strides = array<i32>} : memref<1024x32xf32, #tpu.memory_space<vmem>>, vector<16xf32>,
      tpu.vector_store %arg9[%swap3A_3678, %swap3A_3679], %add3A_3658 {strides = array<i32>} : memref<1024x32xf32, #tpu.memory_space<vmem>>, vector<16xf32>,
      %swap3A_3681 = arith.index_cast %add3A_3468 : i32 to index
      %swap3A_3682 = arith.constant 0 : index
      %swap3A_3683 = tpu.vector_load %arg8[%swap3A_3681, %swap3A_3682] {strides = array<i32>} : memref<1024x32xf32, #tpu.memory_space<vmem>>, vector<16xf32>,
      tpu.vector_store %arg8[%swap3A_3681, %swap3A_3682], %select_n3A_3668 {strides = array<i32>} : memref<1024x32xf32, #tpu.memory_space<vmem>>, vector<16xf32>,
      %swap3A_3684 = arith.index_cast %add3A_3468 : i32 to index
      %swap3A_3685 = arith.constant 16 : index
      %swap3A_3686 = tpu.vector_load %arg8[%swap3A_3684, %swap3A_3685] {strides = array<i32>} : memref<1024x32xf32, #tpu.memory_space<vmem>>, vector<16xf32>,
      tpu.vector_store %arg8[%swap3A_3684, %swap3A_3685], %select_n3A_3674 {strides = array<i32>} : memref<1024x32xf32, #tpu.memory_space<vmem>>, vector<16xf32>,
    }
    %scan3A_39 = arith.constant 64 : i32
    %mul3A_40 = arith.constant 1024 : i32
    %mul3A_41 = arith.muli %select_n3A, %mul3A_40 : i32
    %mul3A_42 = arith.constant 32 : i32
    %mul3A_43 = arith.muli %select_n3A_30, %mul3A_42 : i32
    "tpu.region"() ({
      %run_scoped3A = tpu.sem_alloc : memref<!tpu.dma_semaphore, #tpu.memory_space<semaphore_mem>>
      %dma_start3A = tpu.memref_slice %arg4[%mul3A_41, %mul3A_43] : memref<8192x128xf32, #tpu.memory_space<hbm>> -> memref<1024x32xf32, #tpu.memory_space<hbm>>
      %dma_start3A_48 = tpu.memref_slice %arg4[%mul3A_41, %mul3A_43] : memref<8192x128xf32, #tpu.memory_space<hbm>> -> memref<1024x32xf32, #tpu.memory_space<hbm>>
      tpu.enqueue_dma source(%arg8 : memref<1024x32xf32, #tpu.memory_space<vmem>>) target(%dma_start3A_48 : memref<1024x32xf32, #tpu.memory_space<hbm>>) target_semaphore(%run_scoped3A : memref<!tpu.dma_semaphore, #tpu.memory_space<semaphore_mem>>)
      %dma_wait3A = tpu.memref_slice %arg4[%mul3A_41, %mul3A_43] : memref<8192x128xf32, #tpu.memory_space<hbm>> -> memref<1024x32xf32, #tpu.memory_space<hbm>>
      %dma_wait3A_49 = tpu.memref_slice %arg4[%mul3A_41, %mul3A_43] : memref<8192x128xf32, #tpu.memory_space<hbm>> -> memref<1024x32xf32, #tpu.memory_space<hbm>>
      tpu.wait_dma2 semaphore(%run_scoped3A : memref<!tpu.dma_semaphore, #tpu.memory_space<semaphore_mem>>) src(%arg8 : memref<1024x32xf32, #tpu.memory_space<vmem>>) dst(%dma_wait3A_49 : memref<1024x32xf32, #tpu.memory_space<hbm>>)
      tpu.yield
    }) : () -> ()
    %mul3A_44 = arith.constant 1024 : i32
    %mul3A_45 = arith.muli %select_n3A, %mul3A_44 : i32
    %mul3A_46 = arith.constant 32 : i32
    %mul3A_47 = arith.muli %select_n3A_30, %mul3A_46 : i32
    "tpu.region"() ({
      %run_scoped3A = tpu.sem_alloc : memref<!tpu.dma_semaphore, #tpu.memory_space<semaphore_mem>>
      %dma_start3A = tpu.memref_slice %arg5[%mul3A_45, %mul3A_47] : memref<8192x128xf32, #tpu.memory_space<hbm>> -> memref<1024x32xf32, #tpu.memory_space<hbm>>
      %dma_start3A_48 = tpu.memref_slice %arg5[%mul3A_45, %mul3A_47] : memref<8192x128xf32, #tpu.memory_space<hbm>> -> memref<1024x32xf32, #tpu.memory_space<hbm>>
      tpu.enqueue_dma source(%arg9 : memref<1024x32xf32, #tpu.memory_space<vmem>>) target(%dma_start3A_48 : memref<1024x32xf32, #tpu.memory_space<hbm>>) target_semaphore(%run_scoped3A : memref<!tpu.dma_semaphore, #tpu.memory_space<semaphore_mem>>)
      %dma_wait3A = tpu.memref_slice %arg5[%mul3A_45, %mul3A_47] : memref<8192x128xf32, #tpu.memory_space<hbm>> -> memref<1024x32xf32, #tpu.memory_space<hbm>>
      %dma_wait3A_49 = tpu.memref_slice %arg5[%mul3A_45, %mul3A_47] : memref<8192x128xf32, #tpu.memory_space<hbm>> -> memref<1024x32xf32, #tpu.memory_space<hbm>>
      tpu.wait_dma2 semaphore(%run_scoped3A : memref<!tpu.dma_semaphore, #tpu.memory_space<semaphore_mem>>) src(%arg9 : memref<1024x32xf32, #tpu.memory_space<vmem>>) dst(%dma_wait3A_49 : memref<1024x32xf32, #tpu.memory_space<hbm>>)
      tpu.yield
    }) : () -> ()
    return
  }
}

</mosaic_0001>

<sc_bundles>
// kernel: _sc_gather.3.cloned.1.call-start
scs
__scs_entry_jumppad:
0x0: {  	(pc) =	sbr.rel $0x88, $3  }
0x1: {  	(tag) =	ssettag $0x0;
	lr =	simm.s32 $0x1  }
0x2: {  	[smem:$0x3F9F] =	sst lr;
	_ =	strace $0xD0000000  }
0x3: {  	_ = 	snop  }
0x4: {  	_ = 	snop  }
0x5: {  	_ = 	snop  }
0x6: {  	_ = 	snop  }
0x7: {  	_ = 	snop  }
__scs_overlays_trampoline_lowered:
0x8: {  	[smem:$0x3FAE] =	sst s0  }
0x9: {  	[smem:$0x3FAF] =	sst s1  }
0xa: {  	[smem:$0x3FB0] =	sst s2  }
0xb: {  	[smem:$0x3FB1] =	sst s3  }
0xc: {  	[smem:$0x3FB2] =	sst s4  }
0xd: {  	[smem:$0x3FB3] =	sst s5  }
0xe: {  	[smem:$0x3FB4] =	sst s6  }
0xf: {  	[smem:$0x3FB5] =	sst s7  }
0x10: {  	[smem:$0x3FB6] =	sst s8  }
0x11: {  	[smem:$0x3FB7] =	sst s9;
	s0 =	simm.s32 @!p0 $0x0  }
0x12: {  	s1 =	sld [smem:$0x3F9D];
	s0 =	simm.s32 @p0 $0x1  }
0x13: {  	[smem:$0x3FB8] =	sst s0;
	s0 =	simm.s32 @!p1 $0x0  }
0x14: {  	s2 =	sld [smem:$0x3F9C];
	s0 =	simm.s32 @p1 $0x1  }
0x15: {  	[smem:$0x3FB9] =	sst s0;
	s0 =	simm.s32 @!p2 $0x0  }
0x16: {  	s3 =	sld [smem:$0x3FDB];
	s0 =	simm.s32 @p2 $0x1  }
0x17: {  	s4 =	simm.s32 $0x1BF5;
	[smem:$0x3FBB] =	sst s0  }
0x18: {  	s0 =	sld [smem:$0x3F9E];
	_ =	swait.ge [sflag:s4], $0x0  }
0x19: {  	s7 =	sld [smem:$0x3F9F]  }
0x1a: {  	s8 =	sadd.s32 $0xFFFFE003, lr  }
0x1b: {  	s9 =	sadd.s32 $0xFFFFFEF7, lr;
	s5 =	simm.s32 $0xFFFFFFFF;
	p2 =	slt.u32 s8, $0xFFFFF086  }
0x1c: {  	p1 =	slt.u32 s9, $0xF7A;
	s5 =	simm.s32 @!p2 $0x0  }
0x1d: {  	s5 =	simm.s32 @p1 $0x1;
	p0 =	seq.s32 s7, s2  }
0x1e: {  	s7 =	smul.u32 @!p0 $0xF7A, s2;
	p2 =	seq.s32 @!p0 s5, $0x0  }
0x1f: {  	s9 =	smul.u32 $0xF7A, s1;
	s8 =	simm.s32 @!p0 $0x1BF5;
	p2 =	por !p2, p0  }
0x20: {  	[sflag:s8] =	ssyncset.s32 @!p0 $0xFFFFF086;
	s6 =	sadd.s32 @!p0 s3, s7;
	s7 =	simm.s32 @!p0 $0x108  }
0x21: {  	s3 =	sadd.s32 s3, s9;
	s6 =	sadd.s32 @!p0 $0x88, s6;
	s7 =	simm.s32 @p2 $0x1082  }
0x22: {  	[simem:s7], [sflag:s8] =	dma.local @!p0 [hbm:s6], $0xF7A  }
0x23: {  	s9 =	sor.u32 $0xD0000000, s2;
	s6 =	simm.s32 $0x108;
	_ =	swait.ge @!p0 [sflag:s8], $0x0  }
0x24: {  	s3 =	sadd.s32 $0x88, s3;
	s6 =	simm.s32 @!p1 $0x1082;
	[sflag:s4] =	ssyncset.s32 $0xFFFFF086  }
0x25: {  	[simem:s6], [sflag:s4] =	dma.local [hbm:s3], $0xF7A  }
0x26: {  	[smem:$0x3F9F] =	sst s1;
	(tag) =	ssettag s2;
	_ =	strace s9  }
0x27: {  	s1 =	sld [smem:$0x3FAF]  }
0x28: {  	s2 =	sld [smem:$0x3FB0]  }
0x29: {  	s4 =	sld [smem:$0x3FB2]  }
0x2a: {  	p0 =	seq.s32 s5, $0x0;
	s5 =	sld [smem:$0x3FB3]  }
0x2b: {  	s6 =	sld [smem:$0x3FB4]  }
0x2c: {  	s7 =	sld [smem:$0x3FB5]  }
0x2d: {  	s3 =	simm.s32 $0x108;
	s8 =	sld [smem:$0x3FB6]  }
0x2e: {  	s3 =	simm.s32 @!p0 $0x1082;
	s9 =	sld [smem:$0x3FB7]  }
0x2f: {  	lr =	sadd.s32 s0, s3;
	s0 =	sld [smem:$0x3FAE]  }
0x30: {  	s3 =	sld [smem:$0x3FB1]  }
0x31: {  	[smem:$0x3FBA] =	sst s10  }
0x32: {  	s10 =	sld [smem:$0x3FB8];
	_ =	sdelay $0x3  }
0x33: {  	p0 =	seq.s32 s10, $0x1;
	s10 =	sld [smem:$0x3FBA];
	_ =	sdelay $0x3  }
0x34: {  	[smem:$0x3FBA] =	sst s10  }
0x35: {  	s10 =	sld [smem:$0x3FB9];
	_ =	sdelay $0x3  }
0x36: {  	p1 =	seq.s32 s10, $0x1;
	s10 =	sld [smem:$0x3FBA];
	_ =	sdelay $0x3  }
0x37: {  	[smem:$0x3FBA] =	sst s10  }
0x38: {  	s10 =	sld [smem:$0x3FBB]  }
0x39: {  	_ = 	snop;
	(pc) =	sbr.ind lr, $3  }
0x3a: {  	_ = 	snop  }
0x3b: {  	_ = 	snop  }
0x3c: {  	p2 =	seq.s32 s10, $0x1;
	s10 =	sld [smem:$0x3FBA]  }
0x3d: {  	_ =	shalt  }
0x3e: {  	_ =	shalt  }
0x3f: {  	_ =	shalt  }
0x40: {  	_ =	shalt  }
0x41: {  	_ =	shalt  }
0x42: {  	_ =	shalt  }
0x43: {  	_ =	shalt  }
0x44: {  	_ =	shalt  }
0x45: {  	_ =	shalt  }
0x46: {  	_ =	shalt  }
0x47: {  	_ =	shalt  }
0x48: {  	_ =	shalt  }
0x49: {  	_ =	shalt  }
0x4a: {  	_ =	shalt  }
0x4b: {  	_ =	shalt  }
0x4c: {  	_ =	shalt  }
0x4d: {  	_ =	shalt  }
0x4e: {  	_ =	shalt  }
0x4f: {  	_ =	shalt  }
0x50: {  	_ =	shalt  }
0x51: {  	_ =	shalt  }
0x52: {  	_ =	shalt  }
0x53: {  	_ =	shalt  }
0x54: {  	_ =	shalt  }
0x55: {  	_ =	shalt  }
0x56: {  	_ =	shalt  }
0x57: {  	_ =	shalt  }
0x58: {  	_ =	shalt  }
0x59: {  	_ =	shalt  }
0x5a: {  	_ =	shalt  }
0x5b: {  	_ =	shalt  }
0x5c: {  	_ =	shalt  }
0x5d: {  	_ =	shalt  }
0x5e: {  	_ =	shalt  }
0x5f: {  	_ =	shalt  }
0x60: {  	_ =	shalt  }
0x61: {  	_ =	shalt  }
0x62: {  	_ =	shalt  }
0x63: {  	_ =	shalt  }
0x64: {  	_ =	shalt  }
0x65: {  	_ =	shalt  }
0x66: {  	_ =	shalt  }
0x67: {  	_ =	shalt  }
0x68: {  	_ =	shalt  }
0x69: {  	_ =	shalt  }
0x6a: {  	_ =	shalt  }
0x6b: {  	_ =	shalt  }
0x6c: {  	_ =	shalt  }
0x6d: {  	_ =	shalt  }
0x6e: {  	_ =	shalt  }
0x6f: {  	_ =	shalt  }
0x70: {  	_ =	shalt  }
0x71: {  	_ =	shalt  }
0x72: {  	_ =	shalt  }
0x73: {  	_ =	shalt  }
0x74: {  	_ =	shalt  }
0x75: {  	_ =	shalt  }
0x76: {  	_ =	shalt  }
0x77: {  	_ =	shalt  }
0x78: {  	_ =	shalt  }
0x79: {  	_ =	shalt  }
0x7a: {  	_ =	shalt  }
0x7b: {  	_ =	shalt  }
0x7c: {  	_ =	shalt  }
0x7d: {  	_ =	shalt  }
0x7e: {  	_ =	shalt  }
0x7f: {  	_ =	shalt  }
0x80: {  	_ =	shalt  }
0x81: {  	_ =	shalt  }
0x82: {  	_ =	shalt  }
0x83: {  	_ =	shalt  }
0x84: {  	_ =	shalt  }
0x85: {  	_ =	shalt  }
0x86: {  	_ =	shalt  }
0x87: {  	_ =	shalt  }
.Lfunc_end0:
.L_simem_size_0:
called_computation_lowered:
.L_overlay_start_0:
0x88: {  	s2 =	sld [smem:$0x3FD9]  }
0x89: {  	s3 =	sld [smem:$0x3FFE];
	_ =	sdelay $0x1  }
0x8a: {  	s1 =	srdreg.scid  }
0x8b: {  	s0 =	sand.u32 $0x1, s1  }
0x8c: {  	s14 =	sshll.u32 s0, $0xA;
	s2 =	sadd.s32 s3, s2  }
0x8d: {  	s2 =	sadd.s32 s2, s14  }
0x8e: {  	[smem:$0x3FC6] =	sst s2  }
0x8f: {  	_ = 	snop  }
0x90: {  	s2 =	sld [smem:$0x3FD0];
	_ =	sdelay $0x2  }
0x91: {  	s4 =	simm.s32 $0xA;
	s5 =	simm.s32 $0x10;
	s15 =	sld [smem:$0x3FC9]  }
0x92: {  	[smem:s5], [sflag:s4] =	dma.local [hbm:s2], $0x1  }
0x93: {  	_ =	swait.eq [sflag:s4], $0x1  }
0x94: {  	[sflag:s4] =	ssyncset.done $0x0  }
0x95: {  	s16 =	sld [smem:$0x10];
	[sflag:s4] =	ssyncadd.s32 $0xFFFFFFFF  }
0x96: {  	s17 =	sld [smem:$0x11];
	(tm) =	ssettm $0x1  }
0x97: {  	s18 =	sld [smem:$0x3FFB];
	_ =	sdelay $0x3  }
0x98: {  	_ =	strace s18  }
0x99: {  	s5 =	sld [smem:$0x3FFC];
	_ =	sdelay $0x3  }
0x9a: {  	_ =	strace s5  }
0x9b: {  	s5 =	sld [smem:$0x3FFD];
	_ =	sdelay $0x3  }
0x9c: {  	_ =	strace s5  }
0x9d: {  	_ =	strace $0x8FFFFFFF  }
0x9e: {  	s19 =	sld [smem:$0x3FDB];
	_ =	sdelay $0x1  }
0x9f: {  	s6 =	simm.s32 $_scs_section_size  }
0xa0: {  	s7 =	simm.s32 $_size__tile_overlayer_lowered;
	s8 =	simm.s32 $_tile_overlayer_lowered  }
0xa1: {  	s22 =	simm.s32 $0x1BFF;
	s21 =	sshll.u32 s8, $0x1;
	s5 =	sadd.s32 s6, s19  }
0xa2: {  	s9 =	simm.s32 $0x0;
	s20 =	sshll.u32 s7, $0x1;
	s7 =	sadd.s32 s21, s5  }
0xa3: {  	[timem:s9], [sflag:s22] =	dma.local [hbm:s7], s20  }
0xa4: {  	_ =	swait.ge [sflag:s22], s20  }
0xa5: {  	s6 =	ssub.s32 $0x0, s20;
	[sflag:s22] =	ssyncset.done $0x0  }
0xa6: {  	[sflag:s22] =	ssyncadd.s32 s6;
	_ =	sdelay $0x1  }
0xa7: {  	s23 =	simm.s32 $0x1B8B  }
0xa8: {  	_ =	swait.ge [sflag:s23], $0x1  }
0xa9: {  	[sflag:s23] =	ssyncset.done $0x0  }
0xaa: {  	s25 =	simm.s32 $0x1B8E;
	s24 =	sld [smem:$0x3FFE];
	[sflag:s23] =	ssyncadd.s32 $0xFFFFFFFF  }
0xab: {  	s26 =	simm.s32 $execute0_lowered;
	[smem:$0x3FD2] =	sst s25  }
0xac: {  	s7 =	sshll.u32 s26, $0x1;
	_ =	strace $0x80000046;
	[dreg:$0x1] =	wrdreg $0xFFFFFFFF  }
0xad: {  	s28 =	simm.s32 $_size_execute0_lowered;
	s5 =	sadd.s32 s5, s7;
	[dreg:$0x0] =	wrdreg $0x0  }
0xae: {  	s7 =	sshll.u32 s28, $0x1;
	[dreg:$0x2] =	wrdreg s5  }
0xaf: {  	[dreg:$0x3] =	wrdreg s7  }
0xb0: {  	[dreg:$0x4] =	wrdreg $0xC0  }
0xb1: {  	_ =	task [dreg:s9], $0x5FFFF  }
0xb2: {  	[dreg:$0x1] =	wrdreg $0xFFFFFFFF  }
0xb3: {  	[dreg:$0x0] =	wrdreg $0x60  }
0xb4: {  	[dreg:$0x2] =	wrdreg s15  }
0xb5: {  	[dreg:$0x3] =	wrdreg s24  }
0xb6: {  	[dreg:$0x4] =	wrdreg s16  }
0xb7: {  	[dreg:$0x5] =	wrdreg s17  }
0xb8: {  	[dreg:$0x6] =	wrdreg $0x9  }
0xb9: {  	_ =	task.clear_ibuf [dreg:s9], $0x7FFFF;
	_ =	strace $0x90000046  }
0xba: {  	s29 =	simm.s32 $0x9;
	_ =	strace $0x80000048  }
0xbb: {  	_ =	swait.ge [sflag:s29], $0x1  }
0xbc: {  	[sflag:s29] =	ssyncadd.s32 $0xFFFFFFFF  }
0xbd: {  	_ =	strace $0x90000048  }
0xbe: {  	_ =	sfence  }
0xbf: {  	s30 =	sld [smem:$0x0];
	_ =	sdelay $0x2  }
0xc0: {  	s31 =	sshll.u32 s1, $0xD;
	s1 =	sshrl.u32 s1, $0x2  }
0xc1: {  	s3 =	sand.u32 $0x4000, s31;
	s1 =	sadd.s32 s1, s30  }
0xc2: {  	s0 =	sor.u32 s3, s0;
	s1 =	sshll.u32 s1, $0x11  }
0xc3: {  	s0 =	sor.u32 s1, s0  }
0xc4: {  	s0 =	sadd.s32 $0x8F2B, s0  }
0xc5: {  	[sflag:s0] =	ssyncadd.remote.s32 $0x1  }
0xc6: {  	_ =	sfence.sel $0xFFFF  }
0xc7: {  	[dreg:$0x0] =	wrdreg $0xFFFFFFFF;
	(pc) =	sbr.abs _section_cstart, $3  }
0xc8: {  	[dreg:$0x1] =	wrdreg $0xFFFFFFFF  }
0xc9: {  	_ =	task.clear_ibuf [dreg:s9], $0x2FFFF;
	_ =	strace $0x9FFFFFFF  }
0xca: {  	(tm) =	ssettm $0x7FFFFFFF  }
0xcb: {  	_ =	shalt  }
tec
execute0_lowered:
.L_overlay_start_1:
0x0: {  	(tag) =	ssettag $0x1  }
0x1: {  	s3 =	rddreg [dreg:$0x0]  }
0x2: {  	s4 =	rddreg [dreg:$0x1]  }
0x3: {  	s5 =	rddreg [dreg:$0x2]  }
0x4: {  	s6 =	rddreg [dreg:$0x3]  }
0x5: {  	s0 =	rddreg [dreg:$0x4];
	s2 =	simm.s32 $0x0;
	s1 =	stileid.u32  }
0x6: {  	s7 =	srdreg.scid;
	s12 =	simm.s32 $0x2000;
	s13 =	simm.s32 $0x8000  }
0x7: {  	s14 =	simm.s32 $0xC000;
	s15 =	simm.s32 $0x14000;
	s16 =	simm.s32 $0x0  }
0x8: {  	[smem:$0x7FF] =	sst s2;
	s8 =	sshrl.u32 s1, $0x1;
	s7 =	sand.u32 $0x1, s7  }
0x9: {  	s9 =	sshll.u32 s1, $0x1;
	_ =	strace $0x80000047;
	s10 =	sshll.u32 s8, $0x7  }
0xa: {  	s11 =	ssub.s32 $0x2, s7;
	s9 =	sand.u32 $0x2, s9;
	s8 =	sshll.u32 s8, $0xE  }
0xb: {  	s4 =	sadd.s32 s10, s4;
	s30 =	sshrl.u32 s11, $0x1;
	s7 =	sor.u32 s7, s9  }
0xc: {  	s9 =	simm.s32 $0x80;
	s10 =	simm.s32 $0x1;
	s31 =	ssub.s32 s11, s30  }
0xd: {  	s7 =	sshll.u32 s7, $0x2;
	s4 =	sadd.s32 $0x800, s4;
	s11 =	simm.s32 $0x400  }
0xe: {  	s3 =	sadd.s32 s3, s7;
	s7 =	sor.u32 s8, s7;
	s8 =	simm.s32 $0x20  }
0xf: {  	v0 =	vimm.f32 $1.000000000e+00;
	v1 =	vimm.s32 $0x0;
	s5 =	sadd.s32 s5, s7;
	s6 =	sadd.s32 s6, s7;
	s7 =	smax.u32 s31, $0x1  }
.LBB2_1:
0x10: {  	[tilespmem:s2], [sflag:$0x1] =	stream.strided.gather [hbm4b:s3+s8], $0x8000, s9, s8, $0x38;
	[tilespmem:$0x1C000] =	vst v63  }
0x11: {  	_ =	swait.ge [sflag:s10], $0x8000  }
0x12: {  	[sflag:s10] =	ssyncset.done $0x0  }
0x13: {  	[sflag:s10] =	ssyncadd.s32 $0xFFFF8000  }
0x14: {  	[tilespmem:s13], [sflag:$0x1] =	stream.strided.gather [hbm4b:s4+s11], $0x4000, s12, s11, $0x38;
	[tilespmem:$0x1C000] =	vst v63  }
0x15: {  	_ =	swait.ge [sflag:s10], $0x4000  }
0x16: {  	[sflag:s10] =	ssyncset.done $0x0  }
0x17: {  	s17 =	simm.s32 $0xA000;
	s18 =	simm.s32 $0x0;
	[sflag:s10] =	ssyncadd.s32 $0xFFFFC000  }
.LBB2_2:
0x18: {  	v17 =	vld [tilespmem:s17+$0xFFFFE000]  }
0x19: {  	v16 =	vld [tilespmem:s17+$0xFFFFE400];
	_ =	sdelay $0x1  }
0x1a: {  	v15 =	vld [tilespmem:s17+$0xFFFFE800];
	_ =	sdelay $0x1  }
0x1b: {  	v14 =	vld [tilespmem:s17+$0xFFFFEC00]  }
0x1c: {  	vm0 =	veq.s32 v17, $0x0;
	vm1 =	veq.s32 v16, $0x0  }
0x1d: {  	v18 =	vld [tilespmem:s17+$0x1C00];
	v2 =	vsel vm0, $0x0, v0;
	v3 =	vsel vm1, $0x0, v0  }
0x1e: {  	v13 =	vld [tilespmem:s17+$0xFFFFF000];
	vm9 =	veq.s32 v15, $0x0;
	v2 =	vadd.f32 v3, v2  }
0x1f: {  	v12 =	vld [tilespmem:s17+$0x1800];
	v3 =	vsel vm9, $0x0, v0  }
0x20: {  	vm10 =	veq.s32 v14, $0x0;
	v2 =	vadd.f32 v3, v2  }
0x21: {  	v19 =	vld [tilespmem:s17+$0xFFFFF400];
	v3 =	vsel vm10, $0x0, v0  }
0x22: {  	v10 =	vld [tilespmem:s17+$0x1400];
	v4 =	vadd.f32 v3, v2;
	v2 =	vshll.u32 v18, $0x7  }
0x23: {  	v11 =	vld [tilespmem:s17+$0xFFFFF800];
	v3 =	vshra.s32 v2, $0x2  }
0x24: {  	v9 =	vld [tilespmem:s17+$0x1000];
	vm11 =	veq.s32 v13, $0x0;
	v2 =	vshll.u32 v12, $0x7;
	(v2sf) =	vpush v3, $0x0  }
0x25: {  	v20 =	vld [tilespmem:s17+$0xFFFFFC00];
	v5 =	vsel vm11, $0x0, v0;
	v2 =	vshra.s32 v2, $0x2  }
0x26: {  	v8 =	vld [tilespmem:s17+$0xC00];
	vm12 =	veq.s32 v19, $0x0;
	v4 =	vadd.f32 v5, v4;
	(v2sf) =	vpush v2, $0x0  }
0x27: {  	v6 =	vshll.u32 v10, $0x7;
	v36 =	vsel vm12, $0x0, v0  }
0x28: {  	v21 =	vld [tilespmem:s17+$0x0];
	v5 =	vadd.f32 v36, v4;
	v4 =	vshra.s32 v6, $0x2  }
0x29: {  	v23 =	vld [tilespmem:s17+$0x800];
	vm13 =	veq.s32 v11, $0x0;
	v37 =	vshll.u32 v9, $0x7;
	(v2sf) =	vpush v4, $0x0  }
0x2a: {  	vm14 =	veq.s32 v20, $0x0;
	v7 =	vsel vm13, $0x0, v0;
	v6 =	vshra.s32 v37, $0x2  }
0x2b: {  	v22 =	vld [tilespmem:s17+$0x400];
	v24 =	vshll.u32 v8, $0x7;
	v5 =	vadd.f32 v7, v5;
	(v2sf) =	vpush v6, $0x0  }
0x2c: {  	v38 =	vsel vm14, $0x0, v0;
	v7 =	vshra.s32 v24, $0x2  }
0x2d: {  	vm15 =	veq.s32 v21, $0x0;
	(v2sf) =	vpush v7, $0x0;
	v5 =	vadd.f32 v38, v5  }
0x2e: {  	v40 =	vshll.u32 v23, $0x7;
	v39 =	vsel vm15, $0x0, v0  }
0x2f: {  	v24 =	vadd.f32 v39, v5;
	v5 =	vshra.s32 v40, $0x2  }
0x30: {  	vm4 =	veq.s32 v22, $0x0;
	(v2sf) =	vpush v5, $0x0  }
0x31: {  	vm5 =	veq.s32 v23, $0x0;
	v22 =	vshll.u32 v22, $0x7;
	v25 =	vsel vm4, $0x0, v0  }
0x32: {  	vm6 =	veq.s32 v8, $0x0;
	v21 =	vshll.u32 v21, $0x7;
	v24 =	vadd.f32 v25, v24  }
0x33: {  	vm7 =	veq.s32 v9, $0x0;
	v20 =	vshll.u32 v20, $0x7;
	v23 =	vsel vm5, $0x0, v0;
	s19 =	spop (v2sf)  }
0x34: {  	vm8 =	veq.s32 v10, $0x0;
	v8 =	vshra.s32 v22, $0x2;
	v23 =	vadd.f32 v23, v24;
	v42 =	vld [tilespmem:s19+$0x0]  }
0x35: {  	v11 =	vshll.u32 v11, $0x7;
	v41 =	vsel vm6, $0x0, v0;
	(v2sf) =	vpush v8, $0x0;
	s20 =	spop (v2sf);
	v45 =	vld [tilespmem:s19+$0x10]  }
0x36: {  	v49 =	vshll.u32 v19, $0x7;
	v9 =	vshra.s32 v21, $0x2;
	v22 =	vadd.f32 v41, v23;
	v44 =	vld [tilespmem:s20+$0x0]  }
0x37: {  	v13 =	vshll.u32 v13, $0x7;
	v43 =	vsel vm7, $0x0, v0;
	(v2sf) =	vpush v9, $0x0;
	v47 =	vld [tilespmem:s20+$0x10]  }
0x38: {  	v10 =	vshra.s32 v20, $0x2;
	v46 =	vsel vm8, $0x0, v0;
	v21 =	vadd.f32 v43, v22;
	s31 =	spop (v2sf)  }
0x39: {  	v11 =	vshra.s32 v11, $0x2;
	vm9 =	veq.s32 v12, $0x0;
	(v2sf) =	vpush v10, $0x0;
	v48 =	vld [tilespmem:s31+$0x0]  }
0x3a: {  	v12 =	vshra.s32 v49, $0x2;
	v20 =	vadd.f32 v46, v21;
	v26 =	vld [tilespmem:s31+$0x10];
	s20 =	spop (v2sf);
	(v2sf) =	vpush v11, $0x0  }
0x3b: {  	v13 =	vshra.s32 v13, $0x2;
	v27 =	vld [tilespmem:s20+$0x0];
	(v2sf) =	vpush v12, $0x0;
	v24 =	vadd.f32 v44, v42  }
0x3c: {  	v50 =	vsel vm9, $0x0, v0;
	v52 =	vld [tilespmem:s20+$0x10];
	s21 =	spop (v2sf);
	(v2sf) =	vpush v13, $0x0;
	v51 =	vadd.f32 v47, v45  }
0x3d: {  	v14 =	vshll.u32 v14, $0x7;
	v19 =	vadd.f32 v50, v20;
	v23 =	vadd.f32 v24, v42  }
0x3e: {  	v14 =	vshra.s32 v14, $0x2;
	v54 =	vld [tilespmem:s21+$0x0];
	v53 =	vadd.f32 v48, v24;
	v22 =	vadd.f32 v51, v45  }
0x3f: {  	v55 =	vld [tilespmem:s21+$0x10];
	v20 =	vadd.f32 v26, v51;
	s22 =	spop (v2sf);
	(v2sf) =	vpush v14, $0x0  }
0x40: {  	vm10 =	veq.s32 v18, $0x0;
	v23 =	vadd.f32 v53, v23;
	v18 =	vadd.f32 v27, v53  }
0x41: {  	v56 =	vld [tilespmem:s22+$0x0];
	v22 =	vadd.f32 v20, v22;
	v20 =	vadd.f32 v52, v20  }
0x42: {  	v15 =	vshll.u32 v15, $0x7;
	v58 =	vld [tilespmem:s22+$0x10];
	v23 =	vadd.f32 v18, v23  }
0x43: {  	v15 =	vshra.s32 v15, $0x2;
	v18 =	vadd.f32 v54, v18;
	v22 =	vadd.f32 v20, v22  }
0x44: {  	v57 =	vsel vm10, $0x0, v0;
	v20 =	vadd.f32 v55, v20;
	s23 =	spop (v2sf);
	(v2sf) =	vpush v15, $0x0  }
0x45: {  	v16 =	vshll.u32 v16, $0x7;
	v19 =	vadd.f32 v57, v19;
	v23 =	vadd.f32 v18, v23;
	v59 =	vld [tilespmem:s23+$0x0]  }
0x46: {  	v16 =	vshra.s32 v16, $0x2;
	v26 =	vadd.f32 v56, v18;
	v22 =	vadd.f32 v20, v22;
	v60 =	vld [tilespmem:s23+$0x10];
	s24 =	spop (v2sf)  }
0x47: {  	v17 =	vshll.u32 v17, $0x7;
	v20 =	vadd.f32 v58, v20;
	(v2sf) =	vpush v16, $0x0;
	v61 =	vld [tilespmem:s24+$0x0]  }
0x48: {  	v28 =	vadd.f32 $-1.000000000e+00, v19;
	v18 =	vshra.s32 v17, $0x2;
	v29 =	vld [tilespmem:s24+$0x10];
	v62 =	vadd.f32 v26, v23;
	s25 =	spop (v2sf)  }
0x49: {  	v22 =	vadd.f32 v20, v22;
	s26 =	spop (v2sf);
	(v2sf) =	vpush v18, $0x0  }
0x4a: {  	v63 =	vld [tilespmem:s25+$0x0];
	s28 =	spop (v2sf);
	(v2sf) =	vpush v3, $0x1;
	v30 =	vadd.f32 v59, v26  }
0x4b: {  	v31 =	vld [tilespmem:s25+$0x10];
	v20 =	vadd.f32 v60, v20;
	s29 =	spop (v2sf);
	(v2sf) =	vpush v2, $0x1  }
0x4c: {  	v32 =	vld [tilespmem:s26+$0x0];
	v21 =	vadd.f32 v30, v62;
	v17 =	vadd.f32 v61, v30  }
0x4d: {  	v33 =	vld [tilespmem:s26+$0x10];
	v22 =	vadd.f32 v20, v22;
	v20 =	vadd.f32 v29, v20  }
0x4e: {  	v34 =	vld [tilespmem:s28+$0x0];
	s30 =	spop (v2sf);
	(v2sf) =	vpush v4, $0x1;
	v21 =	vadd.f32 v17, v21  }
0x4f: {  	v35 =	vld [tilespmem:s28+$0x10];
	v17 =	vadd.f32 v63, v17;
	v22 =	vadd.f32 v20, v22  }
0x50: {  	v36 =	vld [tilespmem:s29+$0x0];
	v20 =	vadd.f32 v31, v20;
	(v2sf) =	vpush v6, $0x1  }
0x51: {  	v37 =	vld [tilespmem:s29+$0x10];
	v21 =	vadd.f32 v17, v21;
	v17 =	vadd.f32 v32, v17  }
0x52: {  	v38 =	vld [tilespmem:s30+$0x0];
	v22 =	vadd.f32 v20, v22;
	v20 =	vadd.f32 v33, v20  }
0x53: {  	v39 =	vld [tilespmem:s30+$0x10];
	v21 =	vadd.f32 v17, v21;
	v17 =	vadd.f32 v34, v17;
	s31 =	spop (v2sf)  }
0x54: {  	(erf) = vrcp.f32 v28;
	v22 =	vadd.f32 v20, v22;
	v20 =	vadd.f32 v35, v20;
	v40 =	vld [tilespmem:s31+$0x0]  }
0x55: {  	v21 =	vadd.f32 v17, v21;
	v17 =	vadd.f32 v36, v17  }
0x56: {  	v22 =	vadd.f32 v20, v22;
	v20 =	vadd.f32 v37, v20;
	v41 =	vld [tilespmem:s31+$0x10];
	s20 =	spop (v2sf)  }
0x57: {  	v42 =	vld [tilespmem:s20+$0x0];
	v21 =	vadd.f32 v17, v21;
	v17 =	vadd.f32 v38, v17  }
0x58: {  	v43 =	vld [tilespmem:s20+$0x10];
	v22 =	vadd.f32 v20, v22;
	v20 =	vadd.f32 v39, v20  }
0x59: {  	s21 =	spop (v2sf);
	v21 =	vadd.f32 v17, v21;
	v17 =	vadd.f32 v40, v17  }
0x5a: {  	(v2sf) =	vpush v7, $0x1;
	v44 =	vld [tilespmem:s21+$0x0]  }
0x5b: {  	vm11 =	veq.f32 v19, $1.000000000e+00;
	v22 =	vadd.f32 v20, v22;
	v45 =	vld [tilespmem:s21+$0x10];
	v20 =	vadd.f32 v41, v20  }
0x5c: {  	v19 =	vsel vm11, $0x1, v1;
	v21 =	vadd.f32 v17, v21;
	v26 =	vadd.f32 v42, v17  }
0x5d: {  	v46 =	vbroadcast v19, $0x0;
	v22 =	vadd.f32 v20, v22;
	v20 =	vadd.f32 v43, v20;
	v17 =	vpop (erf)  }
0x5e: {  	v21 =	vadd.f32 v26, v21;
	v47 =	vbroadcast v17, $0x0  }
0x5f: {  	v23 =	vand.u32 $0x1, v46;
	v22 =	vadd.f32 v20, v22;
	v26 =	vadd.f32 v44, v26  }
0x60: {  	s19 =	sshra.s32 s18, $0x2;
	v20 =	vadd.f32 v45, v20;
	v25 =	vmul.f32 $5.000000000e-01, v44;
	v21 =	vmul.f32 v21, v47  }
0x61: {  	vm12 =	veq.s32 v23, $0x1;
	v48 =	vmul.f32 $5.000000000e-01, v45;
	[tilespmem:s19+$0x14000] =	vst v26;
	v22 =	vmul.f32 v22, v47  }
0x62: {  	[tilespmem:s19+$0x14010] =	vst v20;
	v21 =	vsel vm12, v25, v21  }
0x63: {  	v49 =	vsel vm12, v48, v22;
	[tilespmem:s19+$0xC000] =	vst v21  }
0x64: {  	s22 =	spop (v2sf);
	[tilespmem:s19+$0xC010] =	vst v49  }
0x65: {  	v20 =	vld [tilespmem:s22+$0x0]  }
0x66: {  	s23 =	spop (v2sf);
	v21 =	vld [tilespmem:s22+$0x10]  }
0x67: {  	v50 =	vld [tilespmem:s23+$0x0]  }
0x68: {  	s24 =	spop (v2sf);
	v51 =	vld [tilespmem:s23+$0x10]  }
0x69: {  	v52 =	vld [tilespmem:s24+$0x0]  }
0x6a: {  	s25 =	spop (v2sf);
	v53 =	vld [tilespmem:s24+$0x10]  }
0x6b: {  	v26 =	vld [tilespmem:s25+$0x0]  }
0x6c: {  	v54 =	vld [tilespmem:s25+$0x10];
	s26 =	spop (v2sf)  }
0x6d: {  	v55 =	vld [tilespmem:s26+$0x0]  }
0x6e: {  	v56 =	vld [tilespmem:s26+$0x10];
	(v2sf) =	vpush v5, $0x1;
	_ =	sdelay $0x1  }
0x6f: {  	(v2sf) =	vpush v8, $0x1;
	_ =	sdelay $0x1  }
0x70: {  	(v2sf) =	vpush v9, $0x1;
	_ =	sdelay $0x1  }
0x71: {  	(v2sf) =	vpush v10, $0x1  }
0x72: {  	(v2sf) =	vpush v11, $0x1;
	_ =	sdelay $0x1  }
0x73: {  	v22 =	vadd.f32 v50, v20  }
0x74: {  	v23 =	vadd.f32 v51, v21  }
0x75: {  	v20 =	vadd.f32 v22, v20;
	(v2sf) =	vpush v12, $0x1  }
0x76: {  	v22 =	vadd.f32 v52, v22;
	v21 =	vadd.f32 v23, v21  }
0x77: {  	v23 =	vadd.f32 v53, v23;
	(v2sf) =	vpush v13, $0x1  }
0x78: {  	v20 =	vadd.f32 v22, v20;
	v22 =	vadd.f32 v26, v22  }
0x79: {  	v21 =	vadd.f32 v23, v21;
	s28 =	spop (v2sf)  }
0x7a: {  	v23 =	vadd.f32 v54, v23;
	v20 =	vadd.f32 v22, v20;
	v57 =	vld [tilespmem:s28+$0x0]  }
0x7b: {  	v22 =	vadd.f32 v55, v22;
	(v2sf) =	vpush v14, $0x1;
	v58 =	vld [tilespmem:s28+$0x10];
	s29 =	spop (v2sf)  }
0x7c: {  	v21 =	vadd.f32 v23, v21;
	(v2sf) =	vpush v15, $0x1;
	v59 =	vld [tilespmem:s29+$0x0]  }
0x7d: {  	v23 =	vadd.f32 v56, v23;
	v60 =	vld [tilespmem:s29+$0x10];
	s30 =	spop (v2sf);
	(v2sf) =	vpush v16, $0x1  }
0x7e: {  	v20 =	vadd.f32 v22, v20;
	v61 =	vld [tilespmem:s30+$0x0]  }
0x7f: {  	v21 =	vadd.f32 v23, v21;
	v62 =	vld [tilespmem:s30+$0x10];
	s31 =	spop (v2sf);
	v22 =	vadd.f32 v57, v22  }
0x80: {  	v63 =	vld [tilespmem:s31+$0x0];
	s21 =	spop (v2sf);
	(v2sf) =	vpush v18, $0x1;
	v23 =	vadd.f32 v58, v23  }
0x81: {  	v32 =	vld [tilespmem:s31+$0x10];
	v20 =	vadd.f32 v22, v20;
	v22 =	vadd.f32 v59, v22  }
0x82: {  	v33 =	vld [tilespmem:s21+$0x0];
	v21 =	vadd.f32 v23, v21;
	v23 =	vadd.f32 v60, v23  }
0x83: {  	v34 =	vld [tilespmem:s21+$0x10];
	v20 =	vadd.f32 v22, v20;
	v22 =	vadd.f32 v61, v22  }
0x84: {  	s22 =	spop (v2sf);
	v21 =	vadd.f32 v23, v21;
	v23 =	vadd.f32 v62, v23  }
0x85: {  	v35 =	vld [tilespmem:s22+$0x0];
	v20 =	vadd.f32 v22, v20;
	v22 =	vadd.f32 v63, v22  }
0x86: {  	v36 =	vld [tilespmem:s22+$0x10];
	v21 =	vadd.f32 v23, v21;
	v23 =	vadd.f32 v32, v23  }
0x87: {  	s23 =	spop (v2sf);
	v20 =	vadd.f32 v22, v20;
	v22 =	vadd.f32 v33, v22  }
0x88: {  	v37 =	vld [tilespmem:s23+$0x0];
	v21 =	vadd.f32 v23, v21;
	v23 =	vadd.f32 v34, v23  }
0x89: {  	v38 =	vld [tilespmem:s23+$0x10];
	v20 =	vadd.f32 v22, v20  }
0x8a: {  	s24 =	spop (v2sf);
	v22 =	vadd.f32 v35, v22;
	v21 =	vadd.f32 v23, v21  }
0x8b: {  	v23 =	vadd.f32 v36, v23;
	s25 =	spop (v2sf);
	(v2sf) =	vpush v3, $0x2  }
0x8c: {  	v39 =	vld [tilespmem:s24+$0x0];
	s26 =	spop (v2sf);
	(v2sf) =	vpush v2, $0x2;
	v20 =	vadd.f32 v22, v20  }
0x8d: {  	v40 =	vld [tilespmem:s24+$0x10];
	v22 =	vadd.f32 v37, v22;
	v21 =	vadd.f32 v23, v21  }
0x8e: {  	v41 =	vld [tilespmem:s25+$0x0];
	v23 =	vadd.f32 v38, v23;
	(v2sf) =	vpush v4, $0x2  }
0x8f: {  	v42 =	vld [tilespmem:s25+$0x10];
	(v2sf) =	vpush v6, $0x2;
	v20 =	vadd.f32 v22, v20  }
0x90: {  	v43 =	vld [tilespmem:s26+$0x0];
	v21 =	vadd.f32 v23, v21;
	(v2sf) =	vpush v7, $0x2  }
0x91: {  	v44 =	vld [tilespmem:s26+$0x10];
	v22 =	vadd.f32 v39, v22;
	(v2sf) =	vpush v5, $0x2  }
0x92: {  	s28 =	spop (v2sf);
	v23 =	vadd.f32 v40, v23;
	(v2sf) =	vpush v8, $0x2  }
0x93: {  	v45 =	vld [tilespmem:s28+$0x0];
	v20 =	vadd.f32 v22, v20;
	v22 =	vadd.f32 v41, v22  }
0x94: {  	v46 =	vld [tilespmem:s28+$0x10];
	v21 =	vadd.f32 v23, v21;
	v23 =	vadd.f32 v42, v23  }
0x95: {  	v20 =	vadd.f32 v22, v20;
	v22 =	vadd.f32 v43, v22  }
0x96: {  	v47 =	vbroadcast v19, $0x1;
	v21 =	vadd.f32 v23, v21;
	v23 =	vadd.f32 v44, v23  }
0x97: {  	v48 =	vbroadcast v17, $0x1;
	(v2sf) =	vpush v9, $0x2;
	v20 =	vadd.f32 v22, v20  }
0x98: {  	v24 =	vand.u32 $0x1, v47;
	v21 =	vadd.f32 v23, v21;
	v22 =	vadd.f32 v45, v22  }
0x99: {  	v49 =	vmul.f32 $5.000000000e-01, v45;
	v23 =	vadd.f32 v46, v23;
	v20 =	vmul.f32 v20, v48  }
0x9a: {  	vm13 =	veq.s32 v24, $0x1;
	v50 =	vmul.f32 $5.000000000e-01, v46;
	v21 =	vmul.f32 v21, v48;
	[tilespmem:s19+$0x14020] =	vst v22  }
0x9b: {  	[tilespmem:s19+$0x14030] =	vst v23;
	v20 =	vsel vm13, v49, v20  }
0x9c: {  	v21 =	vsel vm13, v50, v21;
	[tilespmem:s19+$0xC020] =	vst v20  }
0x9d: {  	s29 =	spop (v2sf);
	[tilespmem:s19+$0xC030] =	vst v21  }
0x9e: {  	s21 =	spop (v2sf);
	v20 =	vld [tilespmem:s29+$0x0]  }
0x9f: {  	v21 =	vld [tilespmem:s21+$0x0]  }
0xa0: {  	(v2sf) =	vpush v10, $0x2;
	v22 =	vld [tilespmem:s29+$0x10]  }
0xa1: {  	v23 =	vld [tilespmem:s21+$0x10];
	s30 =	spop (v2sf);
	(v2sf) =	vpush v11, $0x2  }
0xa2: {  	v51 =	vld [tilespmem:s30+$0x0];
	s31 =	spop (v2sf);
	(v2sf) =	vpush v12, $0x2  }
0xa3: {  	v52 =	vld [tilespmem:s30+$0x10];
	s21 =	spop (v2sf);
	(v2sf) =	vpush v13, $0x2  }
0xa4: {  	v53 =	vld [tilespmem:s31+$0x0];
	s22 =	spop (v2sf);
	(v2sf) =	vpush v14, $0x2  }
0xa5: {  	v54 =	vld [tilespmem:s31+$0x10];
	s23 =	spop (v2sf);
	(v2sf) =	vpush v15, $0x2;
	v21 =	vadd.f32 v21, v20  }
0xa6: {  	v55 =	vld [tilespmem:s21+$0x0];
	v23 =	vadd.f32 v23, v22;
	s24 =	spop (v2sf);
	(v2sf) =	vpush v16, $0x2  }
0xa7: {  	v56 =	vld [tilespmem:s21+$0x10];
	v20 =	vadd.f32 v21, v20;
	v21 =	vadd.f32 v51, v21  }
0xa8: {  	v57 =	vld [tilespmem:s22+$0x0];
	v22 =	vadd.f32 v23, v22;
	v23 =	vadd.f32 v52, v23  }
0xa9: {  	v20 =	vadd.f32 v21, v20;
	v21 =	vadd.f32 v53, v21  }
0xaa: {  	v58 =	vld [tilespmem:s22+$0x10];
	v22 =	vadd.f32 v23, v22;
	v23 =	vadd.f32 v54, v23  }
0xab: {  	v59 =	vld [tilespmem:s23+$0x0];
	v20 =	vadd.f32 v21, v20;
	v21 =	vadd.f32 v55, v21  }
0xac: {  	v60 =	vld [tilespmem:s23+$0x10];
	v22 =	vadd.f32 v23, v22;
	v23 =	vadd.f32 v56, v23  }
0xad: {  	v61 =	vld [tilespmem:s24+$0x0];
	v20 =	vadd.f32 v21, v20;
	v21 =	vadd.f32 v57, v21  }
0xae: {  	v62 =	vld [tilespmem:s24+$0x10];
	v22 =	vadd.f32 v23, v22  }
0xaf: {  	v23 =	vadd.f32 v58, v23;
	s25 =	spop (v2sf);
	v20 =	vadd.f32 v21, v20  }
0xb0: {  	v63 =	vld [tilespmem:s25+$0x0];
	v21 =	vadd.f32 v59, v21;
	s26 =	spop (v2sf);
	(v2sf) =	vpush v18, $0x2  }
0xb1: {  	v32 =	vld [tilespmem:s25+$0x10];
	v22 =	vadd.f32 v23, v22;
	v23 =	vadd.f32 v60, v23  }
0xb2: {  	v33 =	vld [tilespmem:s26+$0x0];
	s28 =	spop (v2sf);
	v20 =	vadd.f32 v21, v20;
	v21 =	vadd.f32 v61, v21  }
0xb3: {  	v34 =	vld [tilespmem:s26+$0x10];
	v22 =	vadd.f32 v23, v22;
	v23 =	vadd.f32 v62, v23;
	s29 =	spop (v2sf)  }
0xb4: {  	(v2sf) =	vpush v3, $0x3;
	v35 =	vld [tilespmem:s28+$0x0];
	s30 =	spop (v2sf);
	v20 =	vadd.f32 v21, v20  }
0xb5: {  	v36 =	vld [tilespmem:s28+$0x10];
	v22 =	vadd.f32 v23, v22;
	s31 =	spop (v2sf);
	v21 =	vadd.f32 v63, v21  }
0xb6: {  	v37 =	vld [tilespmem:s29+$0x0];
	v23 =	vadd.f32 v32, v23;
	s21 =	spop (v2sf);
	(v2sf) =	vpush v2, $0x3  }
0xb7: {  	v38 =	vld [tilespmem:s29+$0x10];
	v20 =	vadd.f32 v21, v20;
	v21 =	vadd.f32 v33, v21  }
0xb8: {  	v39 =	vld [tilespmem:s30+$0x0];
	v22 =	vadd.f32 v23, v22;
	v23 =	vadd.f32 v34, v23  }
0xb9: {  	v40 =	vld [tilespmem:s30+$0x10];
	v20 =	vadd.f32 v21, v20;
	v21 =	vadd.f32 v35, v21  }
0xba: {  	v22 =	vadd.f32 v23, v22;
	v23 =	vadd.f32 v36, v23  }
0xbb: {  	v41 =	vld [tilespmem:s31+$0x0];
	v20 =	vadd.f32 v21, v20;
	v21 =	vadd.f32 v37, v21  }
0xbc: {  	v42 =	vld [tilespmem:s31+$0x10];
	v22 =	vadd.f32 v23, v22;
	v23 =	vadd.f32 v38, v23  }
0xbd: {  	v20 =	vadd.f32 v21, v20;
	v21 =	vadd.f32 v39, v21  }
0xbe: {  	v43 =	vld [tilespmem:s21+$0x0];
	v22 =	vadd.f32 v23, v22;
	v23 =	vadd.f32 v40, v23  }
0xbf: {  	v44 =	vld [tilespmem:s21+$0x10];
	v20 =	vadd.f32 v21, v20  }
0xc0: {  	v21 =	vadd.f32 v41, v21;
	s22 =	spop (v2sf);
	v22 =	vadd.f32 v23, v22  }
0xc1: {  	(v2sf) =	vpush v4, $0x3;
	v23 =	vadd.f32 v42, v23;
	v45 =	vld [tilespmem:s22+$0x0]  }
0xc2: {  	v47 =	vbroadcast v19, $0x2;
	v46 =	vld [tilespmem:s22+$0x10];
	(v2sf) =	vpush v6, $0x3;
	v20 =	vadd.f32 v21, v20  }
0xc3: {  	v21 =	vadd.f32 v43, v21;
	v22 =	vadd.f32 v23, v22  }
0xc4: {  	v24 =	vand.u32 $0x1, v47;
	v23 =	vadd.f32 v44, v23;
	(v2sf) =	vpush v7, $0x3  }
0xc5: {  	v48 =	vbroadcast v17, $0x2;
	(v2sf) =	vpush v5, $0x3;
	v20 =	vadd.f32 v21, v20  }
0xc6: {  	vm14 =	veq.s32 v24, $0x1;
	v22 =	vadd.f32 v23, v22;
	v21 =	vadd.f32 v45, v21  }
0xc7: {  	v23 =	vadd.f32 v46, v23;
	v49 =	vmul.f32 $5.000000000e-01, v45;
	v20 =	vmul.f32 v20, v48  }
0xc8: {  	s23 =	spop (v2sf);
	(v2sf) =	vpush v8, $0x3;
	v25 =	vmul.f32 $5.000000000e-01, v46;
	v22 =	vmul.f32 v22, v48;
	[tilespmem:s19+$0x14040] =	vst v21  }
0xc9: {  	s24 =	spop (v2sf);
	(v2sf) =	vpush v9, $0x3;
	v20 =	vsel vm14, v49, v20;
	[tilespmem:s19+$0x14050] =	vst v23  }
0xca: {  	v50 =	vsel vm14, v25, v22;
	[tilespmem:s19+$0xC040] =	vst v20  }
0xcb: {  	[tilespmem:s19+$0xC050] =	vst v50  }
0xcc: {  	v20 =	vld [tilespmem:s23+$0x0]  }
0xcd: {  	v21 =	vld [tilespmem:s24+$0x0]  }
0xce: {  	v51 =	vld [tilespmem:s23+$0x10]  }
0xcf: {  	(v2sf) =	vpush v10, $0x3;
	v23 =	vld [tilespmem:s24+$0x10];
	_ =	sdelay $0x1  }
0xd0: {  	s25 =	spop (v2sf)  }
0xd1: {  	(v2sf) =	vpush v11, $0x3;
	v52 =	vld [tilespmem:s25+$0x0]  }
0xd2: {  	v21 =	vadd.f32 v21, v20;
	v53 =	vld [tilespmem:s25+$0x10];
	s26 =	spop (v2sf)  }
0xd3: {  	v23 =	vadd.f32 v23, v51;
	(v2sf) =	vpush v12, $0x3;
	v54 =	vld [tilespmem:s26+$0x0]  }
0xd4: {  	v20 =	vadd.f32 v21, v20;
	v55 =	vld [tilespmem:s26+$0x10];
	s28 =	spop (v2sf);
	(v2sf) =	vpush v13, $0x3  }
0xd5: {  	v22 =	vadd.f32 v23, v51;
	v56 =	vld [tilespmem:s28+$0x0];
	s29 =	spop (v2sf);
	(v2sf) =	vpush v14, $0x3  }
0xd6: {  	v57 =	vld [tilespmem:s28+$0x10];
	s30 =	spop (v2sf);
	(v2sf) =	vpush v15, $0x3;
	v21 =	vadd.f32 v52, v21  }
0xd7: {  	v58 =	vld [tilespmem:s29+$0x0];
	s31 =	spop (v2sf);
	(v2sf) =	vpush v16, $0x3;
	v23 =	vadd.f32 v53, v23  }
0xd8: {  	v59 =	vld [tilespmem:s29+$0x10];
	v20 =	vadd.f32 v21, v20;
	v21 =	vadd.f32 v54, v21  }
0xd9: {  	v22 =	vadd.f32 v23, v22;
	v23 =	vadd.f32 v55, v23  }
0xda: {  	v60 =	vld [tilespmem:s30+$0x0];
	v20 =	vadd.f32 v21, v20;
	v21 =	vadd.f32 v56, v21  }
0xdb: {  	v61 =	vld [tilespmem:s30+$0x10];
	v22 =	vadd.f32 v23, v22;
	v23 =	vadd.f32 v57, v23  }
0xdc: {  	v62 =	vld [tilespmem:s31+$0x0];
	v20 =	vadd.f32 v21, v20;
	v21 =	vadd.f32 v58, v21  }
0xdd: {  	v63 =	vld [tilespmem:s31+$0x10];
	s21 =	spop (v2sf);
	v22 =	vadd.f32 v23, v22;
	v23 =	vadd.f32 v59, v23  }
0xde: {  	v32 =	vld [tilespmem:s21+$0x0];
	v20 =	vadd.f32 v21, v20  }
0xdf: {  	v33 =	vld [tilespmem:s21+$0x10];
	v21 =	vadd.f32 v60, v21;
	v22 =	vadd.f32 v23, v22  }
0xe0: {  	v23 =	vadd.f32 v61, v23;
	s22 =	spop (v2sf);
	(v2sf) =	vpush v18, $0x3  }
0xe1: {  	v34 =	vld [tilespmem:s22+$0x0];
	v20 =	vadd.f32 v21, v20;
	v21 =	vadd.f32 v62, v21  }
0xe2: {  	v35 =	vld [tilespmem:s22+$0x10];
	s23 =	spop (v2sf);
	v22 =	vadd.f32 v23, v22;
	v23 =	vadd.f32 v63, v23  }
0xe3: {  	v36 =	vld [tilespmem:s23+$0x0];
	v20 =	vadd.f32 v21, v20;
	v21 =	vadd.f32 v32, v21  }
0xe4: {  	v37 =	vld [tilespmem:s23+$0x10];
	s24 =	spop (v2sf);
	v22 =	vadd.f32 v23, v22;
	v23 =	vadd.f32 v33, v23  }
0xe5: {  	(v2sf) =	vpush v3, $0x4;
	v38 =	vld [tilespmem:s24+$0x0];
	s25 =	spop (v2sf);
	v20 =	vadd.f32 v21, v20  }
0xe6: {  	v39 =	vld [tilespmem:s24+$0x10];
	s26 =	spop (v2sf);
	v22 =	vadd.f32 v23, v22;
	v21 =	vadd.f32 v34, v21  }
0xe7: {  	v40 =	vld [tilespmem:s25+$0x0];
	s28 =	spop (v2sf);
	(v2sf) =	vpush v2, $0x4;
	v23 =	vadd.f32 v35, v23  }
0xe8: {  	v41 =	vld [tilespmem:s25+$0x10];
	v20 =	vadd.f32 v21, v20;
	v21 =	vadd.f32 v36, v21  }
0xe9: {  	v42 =	vld [tilespmem:s26+$0x0];
	v22 =	vadd.f32 v23, v22;
	v23 =	vadd.f32 v37, v23  }
0xea: {  	v43 =	vld [tilespmem:s26+$0x10];
	v20 =	vadd.f32 v21, v20;
	v21 =	vadd.f32 v38, v21  }
0xeb: {  	v22 =	vadd.f32 v23, v22;
	v23 =	vadd.f32 v39, v23  }
0xec: {  	v44 =	vld [tilespmem:s28+$0x0];
	v20 =	vadd.f32 v21, v20;
	v21 =	vadd.f32 v40, v21  }
0xed: {  	v45 =	vld [tilespmem:s28+$0x10];
	v22 =	vadd.f32 v23, v22;
	v23 =	vadd.f32 v41, v23  }
0xee: {  	v20 =	vadd.f32 v21, v20;
	v21 =	vadd.f32 v42, v21  }
0xef: {  	v22 =	vadd.f32 v23, v22;
	v23 =	vadd.f32 v43, v23;
	s29 =	spop (v2sf)  }
0xf0: {  	(v2sf) =	vpush v4, $0x4;
	v46 =	vld [tilespmem:s29+$0x0];
	v20 =	vadd.f32 v21, v20  }
0xf1: {  	v47 =	vld [tilespmem:s29+$0x10];
	v21 =	vadd.f32 v44, v21;
	(v2sf) =	vpush v6, $0x4  }
0xf2: {  	v48 =	vbroadcast v19, $0x3;
	v22 =	vadd.f32 v23, v22;
	v23 =	vadd.f32 v45, v23  }
0xf3: {  	v49 =	vbroadcast v17, $0x3;
	(v2sf) =	vpush v7, $0x4  }
0xf4: {  	v24 =	vand.u32 $0x1, v48;
	v20 =	vadd.f32 v21, v20;
	v22 =	vadd.f32 v23, v22  }
0xf5: {  	vm15 =	veq.s32 v24, $0x1;
	(v2sf) =	vpush v5, $0x4;
	v21 =	vadd.f32 v46, v21  }
0xf6: {  	v20 =	vmul.f32 v20, v49;
	v23 =	vadd.f32 v47, v23;
	v50 =	vmul.f32 $5.000000000e-01, v46  }
0xf7: {  	s30 =	spop (v2sf);
	(v2sf) =	vpush v8, $0x4;
	v22 =	vmul.f32 v22, v49;
	v25 =	vmul.f32 $5.000000000e-01, v47;
	[tilespmem:s19+$0x14060] =	vst v21  }
0xf8: {  	s31 =	spop (v2sf);
	(v2sf) =	vpush v9, $0x4;
	v20 =	vsel vm15, v50, v20;
	[tilespmem:s19+$0x14070] =	vst v23  }
0xf9: {  	v51 =	vsel vm15, v25, v22;
	[tilespmem:s19+$0xC060] =	vst v20  }
0xfa: {  	[tilespmem:s19+$0xC070] =	vst v51  }
0xfb: {  	v20 =	vld [tilespmem:s30+$0x0]  }
0xfc: {  	v21 =	vld [tilespmem:s31+$0x0]  }
0xfd: {  	v52 =	vld [tilespmem:s30+$0x10]  }
0xfe: {  	(v2sf) =	vpush v10, $0x4;
	v23 =	vld [tilespmem:s31+$0x10];
	_ =	sdelay $0x1  }
0xff: {  	s21 =	spop (v2sf)  }
0x100: {  	(v2sf) =	vpush v11, $0x4;
	v53 =	vld [tilespmem:s21+$0x0]  }
0x101: {  	v21 =	vadd.f32 v21, v20;
	v54 =	vld [tilespmem:s21+$0x10];
	s22 =	spop (v2sf)  }
0x102: {  	v23 =	vadd.f32 v23, v52;
	(v2sf) =	vpush v12, $0x4;
	v55 =	vld [tilespmem:s22+$0x0]  }
0x103: {  	v20 =	vadd.f32 v21, v20;
	v56 =	vld [tilespmem:s22+$0x10];
	s23 =	spop (v2sf);
	(v2sf) =	vpush v13, $0x4  }
0x104: {  	v22 =	vadd.f32 v23, v52;
	v57 =	vld [tilespmem:s23+$0x0];
	s24 =	spop (v2sf);
	(v2sf) =	vpush v14, $0x4  }
0x105: {  	v58 =	vld [tilespmem:s23+$0x10];
	s25 =	spop (v2sf);
	(v2sf) =	vpush v15, $0x4;
	v21 =	vadd.f32 v53, v21  }
0x106: {  	v59 =	vld [tilespmem:s24+$0x0];
	s26 =	spop (v2sf);
	(v2sf) =	vpush v16, $0x4;
	v23 =	vadd.f32 v54, v23  }
0x107: {  	v60 =	vld [tilespmem:s24+$0x10];
	v20 =	vadd.f32 v21, v20;
	v21 =	vadd.f32 v55, v21  }
0x108: {  	v22 =	vadd.f32 v23, v22;
	v23 =	vadd.f32 v56, v23  }
0x109: {  	v61 =	vld [tilespmem:s25+$0x0];
	v20 =	vadd.f32 v21, v20;
	v21 =	vadd.f32 v57, v21  }
0x10a: {  	v62 =	vld [tilespmem:s25+$0x10];
	v22 =	vadd.f32 v23, v22;
	v23 =	vadd.f32 v58, v23  }
0x10b: {  	v63 =	vld [tilespmem:s26+$0x0];
	v20 =	vadd.f32 v21, v20;
	v21 =	vadd.f32 v59, v21  }
0x10c: {  	v32 =	vld [tilespmem:s26+$0x10];
	s28 =	spop (v2sf);
	v22 =	vadd.f32 v23, v22;
	v23 =	vadd.f32 v60, v23  }
0x10d: {  	v33 =	vld [tilespmem:s28+$0x0];
	v20 =	vadd.f32 v21, v20  }
0x10e: {  	v34 =	vld [tilespmem:s28+$0x10];
	v21 =	vadd.f32 v61, v21;
	v22 =	vadd.f32 v23, v22  }
0x10f: {  	v23 =	vadd.f32 v62, v23;
	s29 =	spop (v2sf);
	(v2sf) =	vpush v18, $0x4  }
0x110: {  	v35 =	vld [tilespmem:s29+$0x0];
	v20 =	vadd.f32 v21, v20;
	v21 =	vadd.f32 v63, v21  }
0x111: {  	v36 =	vld [tilespmem:s29+$0x10];
	s30 =	spop (v2sf);
	v22 =	vadd.f32 v23, v22;
	v23 =	vadd.f32 v32, v23  }
0x112: {  	v37 =	vld [tilespmem:s30+$0x0];
	v20 =	vadd.f32 v21, v20;
	v21 =	vadd.f32 v33, v21  }
0x113: {  	v38 =	vld [tilespmem:s30+$0x10];
	s31 =	spop (v2sf);
	v22 =	vadd.f32 v23, v22;
	v23 =	vadd.f32 v34, v23  }
0x114: {  	(v2sf) =	vpush v3, $0x5;
	v39 =	vld [tilespmem:s31+$0x0];
	s21 =	spop (v2sf);
	v20 =	vadd.f32 v21, v20  }
0x115: {  	v40 =	vld [tilespmem:s31+$0x10];
	s22 =	spop (v2sf);
	v22 =	vadd.f32 v23, v22;
	v21 =	vadd.f32 v35, v21  }
0x116: {  	v41 =	vld [tilespmem:s21+$0x0];
	s23 =	spop (v2sf);
	(v2sf) =	vpush v2, $0x5;
	v23 =	vadd.f32 v36, v23  }
0x117: {  	v42 =	vld [tilespmem:s21+$0x10];
	v20 =	vadd.f32 v21, v20;
	v21 =	vadd.f32 v37, v21  }
0x118: {  	v43 =	vld [tilespmem:s22+$0x0];
	v22 =	vadd.f32 v23, v22;
	v23 =	vadd.f32 v38, v23  }
0x119: {  	v44 =	vld [tilespmem:s22+$0x10];
	v20 =	vadd.f32 v21, v20;
	v21 =	vadd.f32 v39, v21  }
0x11a: {  	v22 =	vadd.f32 v23, v22;
	v23 =	vadd.f32 v40, v23  }
0x11b: {  	v45 =	vld [tilespmem:s23+$0x0];
	v20 =	vadd.f32 v21, v20;
	v21 =	vadd.f32 v41, v21  }
0x11c: {  	v46 =	vld [tilespmem:s23+$0x10];
	v22 =	vadd.f32 v23, v22;
	v23 =	vadd.f32 v42, v23  }
0x11d: {  	v20 =	vadd.f32 v21, v20;
	v21 =	vadd.f32 v43, v21  }
0x11e: {  	v22 =	vadd.f32 v23, v22;
	v23 =	vadd.f32 v44, v23;
	s24 =	spop (v2sf)  }
0x11f: {  	(v2sf) =	vpush v4, $0x5;
	v47 =	vld [tilespmem:s24+$0x0];
	v20 =	vadd.f32 v21, v20  }
0x120: {  	v49 =	vbroadcast v19, $0x4;
	v48 =	vld [tilespmem:s24+$0x10];
	v21 =	vadd.f32 v45, v21;
	(v2sf) =	vpush v6, $0x5  }
0x121: {  	v22 =	vadd.f32 v23, v22;
	v23 =	vadd.f32 v46, v23  }
0x122: {  	v24 =	vand.u32 $0x1, v49;
	(v2sf) =	vpush v7, $0x5  }
0x123: {  	v50 =	vbroadcast v17, $0x4;
	v20 =	vadd.f32 v21, v20;
	v22 =	vadd.f32 v23, v22  }
0x124: {  	vm4 =	veq.s32 v24, $0x1;
	(v2sf) =	vpush v5, $0x5;
	v21 =	vadd.f32 v47, v21  }
0x125: {  	v20 =	vmul.f32 v20, v50;
	v23 =	vadd.f32 v48, v23;
	v51 =	vmul.f32 $5.000000000e-01, v47  }
0x126: {  	s25 =	spop (v2sf);
	(v2sf) =	vpush v8, $0x5;
	v22 =	vmul.f32 v22, v50;
	v25 =	vmul.f32 $5.000000000e-01, v48;
	[tilespmem:s19+$0x14080] =	vst v21  }
0x127: {  	s26 =	spop (v2sf);
	(v2sf) =	vpush v9, $0x5;
	v20 =	vsel vm4, v51, v20;
	[tilespmem:s19+$0x14090] =	vst v23  }
0x128: {  	v52 =	vsel vm4, v25, v22;
	[tilespmem:s19+$0xC080] =	vst v20  }
0x129: {  	[tilespmem:s19+$0xC090] =	vst v52  }
0x12a: {  	v20 =	vld [tilespmem:s25+$0x0]  }
0x12b: {  	v21 =	vld [tilespmem:s26+$0x0]  }
0x12c: {  	v53 =	vld [tilespmem:s25+$0x10]  }
0x12d: {  	(v2sf) =	vpush v10, $0x5;
	v23 =	vld [tilespmem:s26+$0x10];
	_ =	sdelay $0x1  }
0x12e: {  	s28 =	spop (v2sf)  }
0x12f: {  	(v2sf) =	vpush v11, $0x5;
	v54 =	vld [tilespmem:s28+$0x0]  }
0x130: {  	v21 =	vadd.f32 v21, v20;
	v55 =	vld [tilespmem:s28+$0x10];
	s29 =	spop (v2sf)  }
0x131: {  	v23 =	vadd.f32 v23, v53;
	(v2sf) =	vpush v12, $0x5;
	v56 =	vld [tilespmem:s29+$0x0]  }
0x132: {  	v20 =	vadd.f32 v21, v20;
	v57 =	vld [tilespmem:s29+$0x10];
	s30 =	spop (v2sf);
	(v2sf) =	vpush v13, $0x5  }
0x133: {  	v22 =	vadd.f32 v23, v53;
	v58 =	vld [tilespmem:s30+$0x0];
	s31 =	spop (v2sf);
	(v2sf) =	vpush v14, $0x5  }
0x134: {  	v59 =	vld [tilespmem:s30+$0x10];
	s21 =	spop (v2sf);
	(v2sf) =	vpush v15, $0x5;
	v21 =	vadd.f32 v54, v21  }
0x135: {  	v60 =	vld [tilespmem:s31+$0x0];
	s22 =	spop (v2sf);
	(v2sf) =	vpush v16, $0x5;
	v23 =	vadd.f32 v55, v23  }
0x136: {  	v61 =	vld [tilespmem:s31+$0x10];
	v20 =	vadd.f32 v21, v20;
	v21 =	vadd.f32 v56, v21  }
0x137: {  	v22 =	vadd.f32 v23, v22;
	v23 =	vadd.f32 v57, v23  }
0x138: {  	v62 =	vld [tilespmem:s21+$0x0];
	v20 =	vadd.f32 v21, v20;
	v21 =	vadd.f32 v58, v21  }
0x139: {  	v63 =	vld [tilespmem:s21+$0x10];
	v22 =	vadd.f32 v23, v22;
	v23 =	vadd.f32 v59, v23  }
0x13a: {  	v32 =	vld [tilespmem:s22+$0x0];
	v20 =	vadd.f32 v21, v20;
	v21 =	vadd.f32 v60, v21  }
0x13b: {  	v33 =	vld [tilespmem:s22+$0x10];
	s23 =	spop (v2sf);
	v22 =	vadd.f32 v23, v22;
	v23 =	vadd.f32 v61, v23  }
0x13c: {  	v34 =	vld [tilespmem:s23+$0x0];
	v20 =	vadd.f32 v21, v20  }
0x13d: {  	v35 =	vld [tilespmem:s23+$0x10];
	v21 =	vadd.f32 v62, v21;
	v22 =	vadd.f32 v23, v22  }
0x13e: {  	v23 =	vadd.f32 v63, v23;
	s24 =	spop (v2sf);
	(v2sf) =	vpush v18, $0x5  }
0x13f: {  	v36 =	vld [tilespmem:s24+$0x0];
	v20 =	vadd.f32 v21, v20;
	v21 =	vadd.f32 v32, v21  }
0x140: {  	v37 =	vld [tilespmem:s24+$0x10];
	s25 =	spop (v2sf);
	v22 =	vadd.f32 v23, v22;
	v23 =	vadd.f32 v33, v23  }
0x141: {  	v38 =	vld [tilespmem:s25+$0x0];
	v20 =	vadd.f32 v21, v20;
	v21 =	vadd.f32 v34, v21  }
0x142: {  	v39 =	vld [tilespmem:s25+$0x10];
	s26 =	spop (v2sf);
	v22 =	vadd.f32 v23, v22;
	v23 =	vadd.f32 v35, v23  }
0x143: {  	(v2sf) =	vpush v3, $0x6;
	v40 =	vld [tilespmem:s26+$0x0];
	s28 =	spop (v2sf);
	v20 =	vadd.f32 v21, v20  }
0x144: {  	v41 =	vld [tilespmem:s26+$0x10];
	s29 =	spop (v2sf);
	v22 =	vadd.f32 v23, v22;
	v21 =	vadd.f32 v36, v21  }
0x145: {  	v42 =	vld [tilespmem:s28+$0x0];
	s30 =	spop (v2sf);
	(v2sf) =	vpush v2, $0x6;
	v23 =	vadd.f32 v37, v23  }
0x146: {  	v43 =	vld [tilespmem:s28+$0x10];
	v20 =	vadd.f32 v21, v20;
	v21 =	vadd.f32 v38, v21  }
0x147: {  	v44 =	vld [tilespmem:s29+$0x0];
	v22 =	vadd.f32 v23, v22;
	v23 =	vadd.f32 v39, v23  }
0x148: {  	v45 =	vld [tilespmem:s29+$0x10];
	v20 =	vadd.f32 v21, v20;
	v21 =	vadd.f32 v40, v21  }
0x149: {  	v22 =	vadd.f32 v23, v22;
	v23 =	vadd.f32 v41, v23  }
0x14a: {  	v46 =	vld [tilespmem:s30+$0x0];
	v20 =	vadd.f32 v21, v20;
	v21 =	vadd.f32 v42, v21  }
0x14b: {  	v47 =	vld [tilespmem:s30+$0x10];
	v22 =	vadd.f32 v23, v22;
	v23 =	vadd.f32 v43, v23  }
0x14c: {  	v20 =	vadd.f32 v21, v20;
	v21 =	vadd.f32 v44, v21  }
0x14d: {  	v22 =	vadd.f32 v23, v22;
	v23 =	vadd.f32 v45, v23;
	s31 =	spop (v2sf)  }
0x14e: {  	(v2sf) =	vpush v4, $0x6;
	v48 =	vld [tilespmem:s31+$0x0];
	v20 =	vadd.f32 v21, v20  }
0x14f: {  	v50 =	vbroadcast v19, $0x5;
	v49 =	vld [tilespmem:s31+$0x10];
	v21 =	vadd.f32 v46, v21;
	(v2sf) =	vpush v6, $0x6  }
0x150: {  	v22 =	vadd.f32 v23, v22;
	v23 =	vadd.f32 v47, v23  }
0x151: {  	v24 =	vand.u32 $0x1, v50;
	(v2sf) =	vpush v7, $0x6  }
0x152: {  	v51 =	vbroadcast v17, $0x5;
	v20 =	vadd.f32 v21, v20;
	v22 =	vadd.f32 v23, v22  }
0x153: {  	vm5 =	veq.s32 v24, $0x1;
	(v2sf) =	vpush v5, $0x6;
	v21 =	vadd.f32 v48, v21  }
0x154: {  	v20 =	vmul.f32 v20, v51;
	v23 =	vadd.f32 v49, v23;
	v52 =	vmul.f32 $5.000000000e-01, v48  }
0x155: {  	s21 =	spop (v2sf);
	(v2sf) =	vpush v8, $0x6;
	v22 =	vmul.f32 v22, v51;
	v25 =	vmul.f32 $5.000000000e-01, v49;
	[tilespmem:s19+$0x140A0] =	vst v21  }
0x156: {  	s22 =	spop (v2sf);
	(v2sf) =	vpush v9, $0x6;
	v20 =	vsel vm5, v52, v20;
	[tilespmem:s19+$0x140B0] =	vst v23  }
0x157: {  	v53 =	vsel vm5, v25, v22;
	[tilespmem:s19+$0xC0A0] =	vst v20  }
0x158: {  	[tilespmem:s19+$0xC0B0] =	vst v53  }
0x159: {  	v20 =	vld [tilespmem:s21+$0x0]  }
0x15a: {  	v21 =	vld [tilespmem:s22+$0x0]  }
0x15b: {  	v54 =	vld [tilespmem:s21+$0x10]  }
0x15c: {  	(v2sf) =	vpush v10, $0x6;
	v23 =	vld [tilespmem:s22+$0x10];
	_ =	sdelay $0x1  }
0x15d: {  	s23 =	spop (v2sf)  }
0x15e: {  	(v2sf) =	vpush v11, $0x6;
	v55 =	vld [tilespmem:s23+$0x0]  }
0x15f: {  	v21 =	vadd.f32 v21, v20;
	v56 =	vld [tilespmem:s23+$0x10];
	s24 =	spop (v2sf)  }
0x160: {  	v23 =	vadd.f32 v23, v54;
	(v2sf) =	vpush v12, $0x6;
	v57 =	vld [tilespmem:s24+$0x0]  }
0x161: {  	v20 =	vadd.f32 v21, v20;
	v58 =	vld [tilespmem:s24+$0x10];
	s25 =	spop (v2sf);
	(v2sf) =	vpush v13, $0x6  }
0x162: {  	v22 =	vadd.f32 v23, v54;
	v59 =	vld [tilespmem:s25+$0x0];
	s26 =	spop (v2sf);
	(v2sf) =	vpush v14, $0x6  }
0x163: {  	v60 =	vld [tilespmem:s25+$0x10];
	s28 =	spop (v2sf);
	(v2sf) =	vpush v15, $0x6;
	v21 =	vadd.f32 v55, v21  }
0x164: {  	v61 =	vld [tilespmem:s26+$0x0];
	s29 =	spop (v2sf);
	(v2sf) =	vpush v16, $0x6;
	v23 =	vadd.f32 v56, v23  }
0x165: {  	v62 =	vld [tilespmem:s26+$0x10];
	v20 =	vadd.f32 v21, v20;
	v21 =	vadd.f32 v57, v21  }
0x166: {  	v22 =	vadd.f32 v23, v22;
	v23 =	vadd.f32 v58, v23  }
0x167: {  	v63 =	vld [tilespmem:s28+$0x0];
	v20 =	vadd.f32 v21, v20;
	v21 =	vadd.f32 v59, v21  }
0x168: {  	v32 =	vld [tilespmem:s28+$0x10];
	v22 =	vadd.f32 v23, v22;
	v23 =	vadd.f32 v60, v23  }
0x169: {  	v33 =	vld [tilespmem:s29+$0x0];
	v20 =	vadd.f32 v21, v20;
	v21 =	vadd.f32 v61, v21  }
0x16a: {  	v34 =	vld [tilespmem:s29+$0x10];
	s30 =	spop (v2sf);
	v22 =	vadd.f32 v23, v22;
	v23 =	vadd.f32 v62, v23  }
0x16b: {  	v35 =	vld [tilespmem:s30+$0x0];
	v20 =	vadd.f32 v21, v20  }
0x16c: {  	v36 =	vld [tilespmem:s30+$0x10];
	v21 =	vadd.f32 v63, v21;
	v22 =	vadd.f32 v23, v22  }
0x16d: {  	v23 =	vadd.f32 v32, v23;
	s31 =	spop (v2sf);
	(v2sf) =	vpush v18, $0x6  }
0x16e: {  	v37 =	vld [tilespmem:s31+$0x0];
	v20 =	vadd.f32 v21, v20;
	v21 =	vadd.f32 v33, v21  }
0x16f: {  	v38 =	vld [tilespmem:s31+$0x10];
	s21 =	spop (v2sf);
	v22 =	vadd.f32 v23, v22;
	v23 =	vadd.f32 v34, v23  }
0x170: {  	v39 =	vld [tilespmem:s21+$0x0];
	v20 =	vadd.f32 v21, v20;
	v21 =	vadd.f32 v35, v21  }
0x171: {  	v40 =	vld [tilespmem:s21+$0x10];
	s22 =	spop (v2sf);
	v22 =	vadd.f32 v23, v22;
	v23 =	vadd.f32 v36, v23  }
0x172: {  	(v2sf) =	vpush v3, $0x7;
	v41 =	vld [tilespmem:s22+$0x0];
	s23 =	spop (v2sf);
	v20 =	vadd.f32 v21, v20  }
0x173: {  	v42 =	vld [tilespmem:s22+$0x10];
	s24 =	spop (v2sf);
	v22 =	vadd.f32 v23, v22;
	v21 =	vadd.f32 v37, v21  }
0x174: {  	v43 =	vld [tilespmem:s23+$0x0];
	s25 =	spop (v2sf);
	(v2sf) =	vpush v2, $0x7;
	v23 =	vadd.f32 v38, v23  }
0x175: {  	v44 =	vld [tilespmem:s23+$0x10];
	v20 =	vadd.f32 v21, v20;
	v21 =	vadd.f32 v39, v21  }
0x176: {  	v45 =	vld [tilespmem:s24+$0x0];
	v22 =	vadd.f32 v23, v22;
	v23 =	vadd.f32 v40, v23  }
0x177: {  	v46 =	vld [tilespmem:s24+$0x10];
	v20 =	vadd.f32 v21, v20;
	v21 =	vadd.f32 v41, v21  }
0x178: {  	v22 =	vadd.f32 v23, v22;
	v23 =	vadd.f32 v42, v23  }
0x179: {  	v47 =	vld [tilespmem:s25+$0x0];
	v20 =	vadd.f32 v21, v20;
	v21 =	vadd.f32 v43, v21  }
0x17a: {  	v48 =	vld [tilespmem:s25+$0x10];
	v22 =	vadd.f32 v23, v22;
	v23 =	vadd.f32 v44, v23  }
0x17b: {  	v20 =	vadd.f32 v21, v20;
	v21 =	vadd.f32 v45, v21  }
0x17c: {  	v22 =	vadd.f32 v23, v22;
	v23 =	vadd.f32 v46, v23;
	s26 =	spop (v2sf)  }
0x17d: {  	(v2sf) =	vpush v4, $0x7;
	v49 =	vld [tilespmem:s26+$0x0];
	v20 =	vadd.f32 v21, v20  }
0x17e: {  	v51 =	vbroadcast v19, $0x6;
	v50 =	vld [tilespmem:s26+$0x10];
	v21 =	vadd.f32 v47, v21;
	(v2sf) =	vpush v6, $0x7  }
0x17f: {  	v22 =	vadd.f32 v23, v22;
	v23 =	vadd.f32 v48, v23  }
0x180: {  	v24 =	vand.u32 $0x1, v51;
	(v2sf) =	vpush v7, $0x7  }
0x181: {  	v52 =	vbroadcast v17, $0x6;
	v20 =	vadd.f32 v21, v20;
	v22 =	vadd.f32 v23, v22  }
0x182: {  	vm6 =	veq.s32 v24, $0x1;
	(v2sf) =	vpush v5, $0x7;
	v21 =	vadd.f32 v49, v21  }
0x183: {  	v20 =	vmul.f32 v20, v52;
	v23 =	vadd.f32 v50, v23;
	v53 =	vmul.f32 $5.000000000e-01, v49  }
0x184: {  	s28 =	spop (v2sf);
	(v2sf) =	vpush v8, $0x7;
	v22 =	vmul.f32 v22, v52;
	v25 =	vmul.f32 $5.000000000e-01, v50;
	[tilespmem:s19+$0x140C0] =	vst v21  }
0x185: {  	s29 =	spop (v2sf);
	(v2sf) =	vpush v9, $0x7;
	v20 =	vsel vm6, v53, v20;
	[tilespmem:s19+$0x140D0] =	vst v23  }
0x186: {  	v54 =	vsel vm6, v25, v22;
	[tilespmem:s19+$0xC0C0] =	vst v20  }
0x187: {  	[tilespmem:s19+$0xC0D0] =	vst v54  }
0x188: {  	v20 =	vld [tilespmem:s28+$0x0]  }
0x189: {  	v21 =	vld [tilespmem:s29+$0x0]  }
0x18a: {  	v55 =	vld [tilespmem:s28+$0x10]  }
0x18b: {  	(v2sf) =	vpush v10, $0x7;
	v23 =	vld [tilespmem:s29+$0x10];
	_ =	sdelay $0x1  }
0x18c: {  	s30 =	spop (v2sf)  }
0x18d: {  	(v2sf) =	vpush v11, $0x7;
	v56 =	vld [tilespmem:s30+$0x0]  }
0x18e: {  	v21 =	vadd.f32 v21, v20;
	v57 =	vld [tilespmem:s30+$0x10];
	s31 =	spop (v2sf)  }
0x18f: {  	v23 =	vadd.f32 v23, v55;
	(v2sf) =	vpush v12, $0x7;
	v58 =	vld [tilespmem:s31+$0x0]  }
0x190: {  	v20 =	vadd.f32 v21, v20;
	v59 =	vld [tilespmem:s31+$0x10];
	s21 =	spop (v2sf);
	(v2sf) =	vpush v13, $0x7  }
0x191: {  	v22 =	vadd.f32 v23, v55;
	v60 =	vld [tilespmem:s21+$0x0];
	s22 =	spop (v2sf);
	(v2sf) =	vpush v14, $0x7  }
0x192: {  	v61 =	vld [tilespmem:s21+$0x10];
	s23 =	spop (v2sf);
	(v2sf) =	vpush v15, $0x7;
	v21 =	vadd.f32 v56, v21  }
0x193: {  	v62 =	vld [tilespmem:s22+$0x0];
	s24 =	spop (v2sf);
	(v2sf) =	vpush v16, $0x7;
	v23 =	vadd.f32 v57, v23  }
0x194: {  	v63 =	vld [tilespmem:s22+$0x10];
	v20 =	vadd.f32 v21, v20;
	v21 =	vadd.f32 v58, v21  }
0x195: {  	v22 =	vadd.f32 v23, v22;
	v23 =	vadd.f32 v59, v23  }
0x196: {  	v32 =	vld [tilespmem:s23+$0x0];
	v20 =	vadd.f32 v21, v20;
	v21 =	vadd.f32 v60, v21  }
0x197: {  	v33 =	vld [tilespmem:s23+$0x10];
	v22 =	vadd.f32 v23, v22;
	v23 =	vadd.f32 v61, v23  }
0x198: {  	v34 =	vld [tilespmem:s24+$0x0];
	v20 =	vadd.f32 v21, v20;
	v21 =	vadd.f32 v62, v21  }
0x199: {  	v35 =	vld [tilespmem:s24+$0x10];
	s25 =	spop (v2sf);
	v22 =	vadd.f32 v23, v22;
	v23 =	vadd.f32 v63, v23  }
0x19a: {  	v36 =	vld [tilespmem:s25+$0x0];
	v20 =	vadd.f32 v21, v20  }
0x19b: {  	v37 =	vld [tilespmem:s25+$0x10];
	v21 =	vadd.f32 v32, v21;
	v22 =	vadd.f32 v23, v22  }
0x19c: {  	v23 =	vadd.f32 v33, v23;
	s26 =	spop (v2sf);
	(v2sf) =	vpush v18, $0x7  }
0x19d: {  	v20 =	vadd.f32 v21, v20;
	v21 =	vadd.f32 v34, v21  }
0x19e: {  	v38 =	vld [tilespmem:s26+$0x0];
	s28 =	spop (v2sf);
	v22 =	vadd.f32 v23, v22;
	v23 =	vadd.f32 v35, v23  }
0x19f: {  	v39 =	vld [tilespmem:s26+$0x10];
	s29 =	spop (v2sf);
	v20 =	vadd.f32 v21, v20;
	v21 =	vadd.f32 v36, v21  }
0x1a0: {  	v40 =	vld [tilespmem:s28+$0x0];
	v22 =	vadd.f32 v23, v22;
	v23 =	vadd.f32 v37, v23;
	s30 =	spop (v2sf)  }
0x1a1: {  	v41 =	vld [tilespmem:s28+$0x10];
	s31 =	spop (v2sf);
	(v2sf) =	vpush v3, $0x8  }
0x1a2: {  	v42 =	vld [tilespmem:s29+$0x0];
	v20 =	vadd.f32 v21, v20;
	v22 =	vadd.f32 v23, v22  }
0x1a3: {  	v43 =	vld [tilespmem:s29+$0x10];
	(v2sf) =	vpush v2, $0x8;
	v21 =	vadd.f32 v38, v21  }
0x1a4: {  	v44 =	vld [tilespmem:s30+$0x0];
	v23 =	vadd.f32 v39, v23;
	(v2sf) =	vpush v4, $0x8  }
0x1a5: {  	v45 =	vld [tilespmem:s30+$0x10];
	v20 =	vadd.f32 v21, v20;
	v21 =	vadd.f32 v40, v21  }
0x1a6: {  	v46 =	vld [tilespmem:s31+$0x0];
	v22 =	vadd.f32 v23, v22;
	v23 =	vadd.f32 v41, v23  }
0x1a7: {  	v47 =	vld [tilespmem:s31+$0x10];
	v20 =	vadd.f32 v21, v20;
	v21 =	vadd.f32 v42, v21  }
0x1a8: {  	s21 =	spop (v2sf);
	v22 =	vadd.f32 v23, v22;
	v23 =	vadd.f32 v43, v23  }
0x1a9: {  	v48 =	vld [tilespmem:s21+$0x0];
	v20 =	vadd.f32 v21, v20;
	v21 =	vadd.f32 v44, v21  }
0x1aa: {  	v49 =	vld [tilespmem:s21+$0x10];
	v22 =	vadd.f32 v23, v22;
	v23 =	vadd.f32 v45, v23  }
0x1ab: {  	v20 =	vadd.f32 v21, v20;
	v21 =	vadd.f32 v46, v21;
	s22 =	spop (v2sf)  }
0x1ac: {  	v22 =	vadd.f32 v23, v22;
	v23 =	vadd.f32 v47, v23;
	v50 =	vld [tilespmem:s22+$0x0]  }
0x1ad: {  	v52 =	vbroadcast v19, $0x7;
	(v2sf) =	vpush v6, $0x8;
	v20 =	vadd.f32 v21, v20;
	v51 =	vld [tilespmem:s22+$0x10]  }
0x1ae: {  	v21 =	vadd.f32 v48, v21;
	v22 =	vadd.f32 v23, v22  }
0x1af: {  	v24 =	vand.u32 $0x1, v52;
	v23 =	vadd.f32 v49, v23;
	(v2sf) =	vpush v7, $0x8  }
0x1b0: {  	v53 =	vbroadcast v17, $0x7;
	(v2sf) =	vpush v5, $0x8;
	v20 =	vadd.f32 v21, v20  }
0x1b1: {  	vm7 =	veq.s32 v24, $0x1;
	v22 =	vadd.f32 v23, v22;
	v21 =	vadd.f32 v50, v21  }
0x1b2: {  	v20 =	vmul.f32 v20, v53;
	v23 =	vadd.f32 v51, v23;
	v54 =	vmul.f32 $5.000000000e-01, v50  }
0x1b3: {  	(v2sf) =	vpush v8, $0x8;
	v22 =	vmul.f32 v22, v53;
	v25 =	vmul.f32 $5.000000000e-01, v51;
	[tilespmem:s19+$0x140E0] =	vst v21  }
0x1b4: {  	v20 =	vsel vm7, v54, v20;
	[tilespmem:s19+$0x140F0] =	vst v23  }
0x1b5: {  	(v2sf) =	vpush v9, $0x8;
	v55 =	vsel vm7, v25, v22;
	[tilespmem:s19+$0xC0E0] =	vst v20  }
0x1b6: {  	s23 =	spop (v2sf);
	[tilespmem:s19+$0xC0F0] =	vst v55  }
0x1b7: {  	(v2sf) =	vpush v10, $0x8;
	v20 =	vld [tilespmem:s23+$0x0]  }
0x1b8: {  	s24 =	spop (v2sf);
	v21 =	vld [tilespmem:s23+$0x10]  }
0x1b9: {  	(v2sf) =	vpush v11, $0x8;
	v56 =	vld [tilespmem:s24+$0x0]  }
0x1ba: {  	s25 =	spop (v2sf);
	v23 =	vld [tilespmem:s24+$0x10]  }
0x1bb: {  	(v2sf) =	vpush v12, $0x8;
	v57 =	vld [tilespmem:s25+$0x0]  }
0x1bc: {  	v58 =	vld [tilespmem:s25+$0x10];
	s26 =	spop (v2sf)  }
0x1bd: {  	v59 =	vld [tilespmem:s26+$0x0]  }
0x1be: {  	v60 =	vld [tilespmem:s26+$0x10];
	s28 =	spop (v2sf)  }
0x1bf: {  	v61 =	vld [tilespmem:s28+$0x0]  }
0x1c0: {  	v62 =	vld [tilespmem:s28+$0x10];
	s29 =	spop (v2sf)  }
0x1c1: {  	v30 =	vld [tilespmem:s29+$0x0]  }
0x1c2: {  	v31 =	vld [tilespmem:s29+$0x10];
	s30 =	spop (v2sf)  }
0x1c3: {  	v32 =	vld [tilespmem:s30+$0x0]  }
0x1c4: {  	v33 =	vld [tilespmem:s30+$0x10];
	s31 =	spop (v2sf)  }
0x1c5: {  	v34 =	vld [tilespmem:s31+$0x0]  }
0x1c6: {  	v35 =	vld [tilespmem:s31+$0x10];
	s21 =	spop (v2sf)  }
0x1c7: {  	v22 =	vadd.f32 v56, v20;
	v36 =	vld [tilespmem:s21+$0x0]  }
0x1c8: {  	v23 =	vadd.f32 v23, v21;
	v37 =	vld [tilespmem:s21+$0x10];
	s22 =	spop (v2sf)  }
0x1c9: {  	v20 =	vadd.f32 v22, v20;
	v22 =	vadd.f32 v57, v22;
	v38 =	vld [tilespmem:s22+$0x0]  }
0x1ca: {  	v21 =	vadd.f32 v23, v21;
	v23 =	vadd.f32 v58, v23;
	v39 =	vld [tilespmem:s22+$0x10];
	s23 =	spop (v2sf)  }
0x1cb: {  	v20 =	vadd.f32 v22, v20;
	v22 =	vadd.f32 v59, v22;
	v40 =	vld [tilespmem:s23+$0x0]  }
0x1cc: {  	v21 =	vadd.f32 v23, v21;
	v63 =	vld [tilespmem:s23+$0x10];
	(v2sf) =	vpush v13, $0x8  }
0x1cd: {  	v23 =	vadd.f32 v60, v23;
	v20 =	vadd.f32 v22, v20  }
0x1ce: {  	v22 =	vadd.f32 v61, v22;
	(v2sf) =	vpush v14, $0x8  }
0x1cf: {  	v21 =	vadd.f32 v23, v21;
	(v2sf) =	vpush v15, $0x8  }
0x1d0: {  	v23 =	vadd.f32 v62, v23;
	(v2sf) =	vpush v16, $0x8  }
0x1d1: {  	v20 =	vadd.f32 v22, v20;
	v22 =	vadd.f32 v30, v22  }
0x1d2: {  	v21 =	vadd.f32 v23, v21;
	v23 =	vadd.f32 v31, v23  }
0x1d3: {  	v20 =	vadd.f32 v22, v20;
	(v2sf) =	vpush v18, $0x8  }
0x1d4: {  	v22 =	vadd.f32 v32, v22;
	(v2sf) =	vpush v3, $0x9  }
0x1d5: {  	v21 =	vadd.f32 v23, v21;
	v23 =	vadd.f32 v33, v23  }
0x1d6: {  	v20 =	vadd.f32 v22, v20;
	(v2sf) =	vpush v2, $0x9  }
0x1d7: {  	v22 =	vadd.f32 v34, v22;
	(v2sf) =	vpush v4, $0x9  }
0x1d8: {  	v21 =	vadd.f32 v23, v21;
	v23 =	vadd.f32 v35, v23  }
0x1d9: {  	v20 =	vadd.f32 v22, v20;
	v22 =	vadd.f32 v36, v22  }
0x1da: {  	v21 =	vadd.f32 v23, v21;
	v23 =	vadd.f32 v37, v23  }
0x1db: {  	v20 =	vadd.f32 v22, v20;
	v22 =	vadd.f32 v38, v22;
	s24 =	spop (v2sf)  }
0x1dc: {  	v21 =	vadd.f32 v23, v21;
	v23 =	vadd.f32 v39, v23;
	v37 =	vld [tilespmem:s24+$0x0]  }
0x1dd: {  	v20 =	vadd.f32 v22, v20;
	v22 =	vadd.f32 v40, v22;
	v38 =	vld [tilespmem:s24+$0x10];
	s25 =	spop (v2sf)  }
0x1de: {  	v21 =	vadd.f32 v23, v21;
	v23 =	vadd.f32 v63, v23;
	s26 =	spop (v2sf)  }
0x1df: {  	v20 =	vadd.f32 v22, v20;
	s28 =	spop (v2sf);
	(v2sf) =	vpush v6, $0x9  }
0x1e0: {  	v21 =	vadd.f32 v23, v21;
	v39 =	vld [tilespmem:s25+$0x0];
	(v2sf) =	vpush v7, $0x9  }
0x1e1: {  	v40 =	vld [tilespmem:s25+$0x10];
	(v2sf) =	vpush v5, $0x9;
	v22 =	vadd.f32 v37, v22  }
0x1e2: {  	v41 =	vld [tilespmem:s26+$0x0];
	s29 =	spop (v2sf);
	v23 =	vadd.f32 v38, v23;
	(v2sf) =	vpush v8, $0x9  }
0x1e3: {  	v42 =	vld [tilespmem:s26+$0x10];
	s30 =	spop (v2sf);
	(v2sf) =	vpush v9, $0x9  }
0x1e4: {  	v43 =	vld [tilespmem:s28+$0x0];
	v20 =	vadd.f32 v22, v20;
	v21 =	vadd.f32 v23, v21  }
0x1e5: {  	v44 =	vld [tilespmem:s28+$0x10];
	s31 =	spop (v2sf);
	v22 =	vadd.f32 v39, v22;
	(v2sf) =	vpush v10, $0x9  }
0x1e6: {  	s21 =	spop (v2sf);
	v23 =	vadd.f32 v40, v23;
	(v2sf) =	vpush v11, $0x9  }
0x1e7: {  	v45 =	vld [tilespmem:s29+$0x0];
	v20 =	vadd.f32 v22, v20;
	v22 =	vadd.f32 v41, v22  }
0x1e8: {  	v46 =	vld [tilespmem:s29+$0x10];
	v21 =	vadd.f32 v23, v21;
	v23 =	vadd.f32 v42, v23  }
0x1e9: {  	v20 =	vadd.f32 v22, v20;
	v22 =	vadd.f32 v43, v22  }
0x1ea: {  	v47 =	vbroadcast v19, $0x8;
	v21 =	vadd.f32 v23, v21;
	v23 =	vadd.f32 v44, v23  }
0x1eb: {  	v48 =	vbroadcast v17, $0x8;
	v20 =	vadd.f32 v22, v20  }
0x1ec: {  	v24 =	vand.u32 $0x1, v47;
	v21 =	vadd.f32 v23, v21;
	v22 =	vadd.f32 v45, v22  }
0x1ed: {  	v25 =	vmul.f32 $5.000000000e-01, v45;
	v23 =	vadd.f32 v46, v23;
	v20 =	vmul.f32 v20, v48  }
0x1ee: {  	vm8 =	veq.s32 v24, $0x1;
	v49 =	vmul.f32 $5.000000000e-01, v46;
	v21 =	vmul.f32 v21, v48;
	[tilespmem:s19+$0x14100] =	vst v22  }
0x1ef: {  	[tilespmem:s19+$0x14110] =	vst v23;
	v20 =	vsel vm8, v25, v20  }
0x1f0: {  	v21 =	vsel vm8, v49, v21;
	[tilespmem:s19+$0xC100] =	vst v20  }
0x1f1: {  	[tilespmem:s19+$0xC110] =	vst v21  }
0x1f2: {  	v20 =	vld [tilespmem:s30+$0x0]  }
0x1f3: {  	s22 =	spop (v2sf);
	v21 =	vld [tilespmem:s30+$0x10]  }
0x1f4: {  	(v2sf) =	vpush v12, $0x9;
	s23 =	spop (v2sf);
	v22 =	vld [tilespmem:s31+$0x0]  }
0x1f5: {  	(v2sf) =	vpush v13, $0x9;
	v23 =	vld [tilespmem:s31+$0x10];
	s24 =	spop (v2sf)  }
0x1f6: {  	v50 =	vld [tilespmem:s21+$0x0];
	(v2sf) =	vpush v14, $0x9;
	s25 =	spop (v2sf)  }
0x1f7: {  	v51 =	vld [tilespmem:s21+$0x10];
	(v2sf) =	vpush v15, $0x9;
	s26 =	spop (v2sf)  }
0x1f8: {  	v52 =	vld [tilespmem:s22+$0x0];
	s28 =	spop (v2sf);
	(v2sf) =	vpush v16, $0x9  }
0x1f9: {  	v53 =	vld [tilespmem:s22+$0x10];
	s29 =	spop (v2sf);
	(v2sf) =	vpush v18, $0x9;
	v22 =	vadd.f32 v22, v20  }
0x1fa: {  	v54 =	vld [tilespmem:s23+$0x0];
	v23 =	vadd.f32 v23, v21;
	(v2sf) =	vpush v3, $0xA  }
0x1fb: {  	v55 =	vld [tilespmem:s23+$0x10];
	v20 =	vadd.f32 v22, v20;
	v22 =	vadd.f32 v50, v22  }
0x1fc: {  	v56 =	vld [tilespmem:s24+$0x0];
	v21 =	vadd.f32 v23, v21;
	v23 =	vadd.f32 v51, v23  }
0x1fd: {  	v57 =	vld [tilespmem:s24+$0x10];
	v20 =	vadd.f32 v22, v20;
	v22 =	vadd.f32 v52, v22  }
0x1fe: {  	v58 =	vld [tilespmem:s25+$0x0];
	v21 =	vadd.f32 v23, v21;
	v23 =	vadd.f32 v53, v23  }
0x1ff: {  	v59 =	vld [tilespmem:s25+$0x10];
	v20 =	vadd.f32 v22, v20;
	v22 =	vadd.f32 v54, v22  }
0x200: {  	v60 =	vld [tilespmem:s26+$0x0];
	v21 =	vadd.f32 v23, v21;
	v23 =	vadd.f32 v55, v23  }
0x201: {  	v61 =	vld [tilespmem:s26+$0x10];
	v20 =	vadd.f32 v22, v20;
	v22 =	vadd.f32 v56, v22  }
0x202: {  	v21 =	vadd.f32 v23, v21;
	v23 =	vadd.f32 v57, v23  }
0x203: {  	v62 =	vld [tilespmem:s28+$0x0];
	v20 =	vadd.f32 v22, v20;
	v22 =	vadd.f32 v58, v22  }
0x204: {  	v63 =	vld [tilespmem:s28+$0x10];
	s30 =	spop (v2sf);
	v21 =	vadd.f32 v23, v21;
	v23 =	vadd.f32 v59, v23  }
0x205: {  	s31 =	spop (v2sf);
	v20 =	vadd.f32 v22, v20;
	v22 =	vadd.f32 v60, v22  }
0x206: {  	v32 =	vld [tilespmem:s29+$0x0];
	s21 =	spop (v2sf);
	v21 =	vadd.f32 v23, v21;
	v23 =	vadd.f32 v61, v23  }
0x207: {  	v33 =	vld [tilespmem:s29+$0x10];
	s22 =	spop (v2sf);
	(v2sf) =	vpush v2, $0xA;
	v20 =	vadd.f32 v22, v20  }
0x208: {  	v34 =	vld [tilespmem:s30+$0x0];
	s23 =	spop (v2sf);
	v22 =	vadd.f32 v62, v22;
	v21 =	vadd.f32 v23, v21  }
0x209: {  	v35 =	vld [tilespmem:s30+$0x10];
	v23 =	vadd.f32 v63, v23;
	s24 =	spop (v2sf);
	(v2sf) =	vpush v4, $0xA  }
0x20a: {  	v36 =	vld [tilespmem:s31+$0x0];
	(v2sf) =	vpush v6, $0xA;
	v20 =	vadd.f32 v22, v20  }
0x20b: {  	v37 =	vld [tilespmem:s31+$0x10];
	v22 =	vadd.f32 v32, v22;
	v21 =	vadd.f32 v23, v21  }
0x20c: {  	v38 =	vld [tilespmem:s21+$0x0];
	v23 =	vadd.f32 v33, v23;
	(v2sf) =	vpush v7, $0xA  }
0x20d: {  	v39 =	vld [tilespmem:s21+$0x10];
	v20 =	vadd.f32 v22, v20;
	v22 =	vadd.f32 v34, v22  }
0x20e: {  	v40 =	vld [tilespmem:s22+$0x0];
	v21 =	vadd.f32 v23, v21;
	v23 =	vadd.f32 v35, v23  }
0x20f: {  	v41 =	vld [tilespmem:s22+$0x10];
	v20 =	vadd.f32 v22, v20;
	v22 =	vadd.f32 v36, v22  }
0x210: {  	v42 =	vld [tilespmem:s23+$0x0];
	v21 =	vadd.f32 v23, v21;
	v23 =	vadd.f32 v37, v23  }
0x211: {  	v43 =	vld [tilespmem:s23+$0x10];
	v20 =	vadd.f32 v22, v20;
	v22 =	vadd.f32 v38, v22  }
0x212: {  	v21 =	vadd.f32 v23, v21;
	v23 =	vadd.f32 v39, v23  }
0x213: {  	v44 =	vld [tilespmem:s24+$0x0];
	v20 =	vadd.f32 v22, v20;
	v22 =	vadd.f32 v40, v22  }
0x214: {  	v45 =	vld [tilespmem:s24+$0x10];
	v21 =	vadd.f32 v23, v21;
	v23 =	vadd.f32 v41, v23  }
0x215: {  	v46 =	vbroadcast v19, $0x9;
	v20 =	vadd.f32 v22, v20;
	v22 =	vadd.f32 v42, v22  }
0x216: {  	v47 =	vbroadcast v17, $0x9;
	v21 =	vadd.f32 v23, v21;
	v23 =	vadd.f32 v43, v23  }
0x217: {  	v26 =	vand.u32 $0x1, v46;
	(v2sf) =	vpush v5, $0xA;
	v20 =	vadd.f32 v22, v20  }
0x218: {  	vm9 =	veq.s32 v26, $0x1;
	v21 =	vadd.f32 v23, v21;
	v22 =	vadd.f32 v44, v22  }
0x219: {  	s25 =	spop (v2sf);
	v24 =	vmul.f32 $5.000000000e-01, v44;
	v23 =	vadd.f32 v45, v23;
	v20 =	vmul.f32 v20, v47  }
0x21a: {  	v25 =	vmul.f32 $5.000000000e-01, v45;
	s26 =	spop (v2sf);
	(v2sf) =	vpush v8, $0xA;
	v21 =	vmul.f32 v21, v47;
	[tilespmem:s19+$0x14120] =	vst v22  }
0x21b: {  	(v2sf) =	vpush v9, $0xA;
	[tilespmem:s19+$0x14130] =	vst v23;
	v20 =	vsel vm9, v24, v20  }
0x21c: {  	(v2sf) =	vpush v10, $0xA;
	v21 =	vsel vm9, v25, v21;
	[tilespmem:s19+$0xC120] =	vst v20  }
0x21d: {  	s28 =	spop (v2sf);
	(v2sf) =	vpush v11, $0xA;
	[tilespmem:s19+$0xC130] =	vst v21  }
0x21e: {  	v20 =	vld [tilespmem:s25+$0x0]  }
0x21f: {  	v21 =	vld [tilespmem:s25+$0x10]  }
0x220: {  	v22 =	vld [tilespmem:s26+$0x0]  }
0x221: {  	v23 =	vld [tilespmem:s26+$0x10]  }
0x222: {  	v48 =	vld [tilespmem:s28+$0x0]  }
0x223: {  	v49 =	vld [tilespmem:s28+$0x10]  }
0x224: {  	s29 =	spop (v2sf);
	(v2sf) =	vpush v12, $0xA  }
0x225: {  	s30 =	spop (v2sf);
	(v2sf) =	vpush v13, $0xA;
	v50 =	vld [tilespmem:s29+$0x0];
	v22 =	vadd.f32 v22, v20  }
0x226: {  	s31 =	spop (v2sf);
	(v2sf) =	vpush v14, $0xA;
	v51 =	vld [tilespmem:s29+$0x10];
	v23 =	vadd.f32 v23, v21  }
0x227: {  	v20 =	vadd.f32 v22, v20;
	v22 =	vadd.f32 v48, v22  }
0x228: {  	v52 =	vld [tilespmem:s30+$0x0];
	v21 =	vadd.f32 v23, v21;
	v23 =	vadd.f32 v49, v23  }
0x229: {  	v53 =	vld [tilespmem:s30+$0x10];
	s21 =	spop (v2sf);
	(v2sf) =	vpush v15, $0xA;
	v20 =	vadd.f32 v22, v20  }
0x22a: {  	v54 =	vld [tilespmem:s31+$0x0];
	s22 =	spop (v2sf);
	v21 =	vadd.f32 v23, v21;
	v22 =	vadd.f32 v50, v22  }
0x22b: {  	v55 =	vld [tilespmem:s31+$0x10];
	v23 =	vadd.f32 v51, v23;
	s23 =	spop (v2sf);
	(v2sf) =	vpush v16, $0xA  }
0x22c: {  	v56 =	vld [tilespmem:s21+$0x0];
	s24 =	spop (v2sf);
	(v2sf) =	vpush v18, $0xA;
	v20 =	vadd.f32 v22, v20  }
0x22d: {  	v57 =	vld [tilespmem:s21+$0x10];
	v21 =	vadd.f32 v23, v21;
	v22 =	vadd.f32 v52, v22  }
0x22e: {  	v58 =	vld [tilespmem:s22+$0x0];
	v23 =	vadd.f32 v53, v23;
	(v2sf) =	vpush v3, $0xB  }
0x22f: {  	v59 =	vld [tilespmem:s22+$0x10];
	v20 =	vadd.f32 v22, v20;
	v22 =	vadd.f32 v54, v22  }
0x230: {  	v60 =	vld [tilespmem:s23+$0x0];
	v21 =	vadd.f32 v23, v21;
	v23 =	vadd.f32 v55, v23  }
0x231: {  	v61 =	vld [tilespmem:s23+$0x10];
	v20 =	vadd.f32 v22, v20;
	v22 =	vadd.f32 v56, v22  }
0x232: {  	v62 =	vld [tilespmem:s24+$0x0];
	v21 =	vadd.f32 v23, v21;
	v23 =	vadd.f32 v57, v23  }
0x233: {  	v63 =	vld [tilespmem:s24+$0x10];
	s25 =	spop (v2sf);
	v20 =	vadd.f32 v22, v20;
	v22 =	vadd.f32 v58, v22  }
0x234: {  	v32 =	vld [tilespmem:s25+$0x0];
	v21 =	vadd.f32 v23, v21;
	v23 =	vadd.f32 v59, v23  }
0x235: {  	v33 =	vld [tilespmem:s25+$0x10];
	v20 =	vadd.f32 v22, v20;
	v22 =	vadd.f32 v60, v22  }
0x236: {  	s26 =	spop (v2sf);
	v21 =	vadd.f32 v23, v21;
	v23 =	vadd.f32 v61, v23  }
0x237: {  	v34 =	vld [tilespmem:s26+$0x0];
	v20 =	vadd.f32 v22, v20;
	v22 =	vadd.f32 v62, v22  }
0x238: {  	v35 =	vld [tilespmem:s26+$0x10];
	v21 =	vadd.f32 v23, v21;
	v23 =	vadd.f32 v63, v23  }
0x239: {  	s28 =	spop (v2sf);
	v20 =	vadd.f32 v22, v20;
	v22 =	vadd.f32 v32, v22  }
0x23a: {  	v36 =	vld [tilespmem:s28+$0x0];
	v21 =	vadd.f32 v23, v21;
	v23 =	vadd.f32 v33, v23  }
0x23b: {  	v37 =	vld [tilespmem:s28+$0x10];
	s29 =	spop (v2sf);
	(v2sf) =	vpush v2, $0xB;
	v20 =	vadd.f32 v22, v20  }
0x23c: {  	v38 =	vld [tilespmem:s29+$0x0];
	s30 =	spop (v2sf);
	v22 =	vadd.f32 v34, v22;
	v21 =	vadd.f32 v23, v21  }
0x23d: {  	v39 =	vld [tilespmem:s29+$0x10];
	v23 =	vadd.f32 v35, v23;
	s31 =	spop (v2sf);
	(v2sf) =	vpush v4, $0xB  }
0x23e: {  	v40 =	vld [tilespmem:s30+$0x0];
	(v2sf) =	vpush v6, $0xB;
	v20 =	vadd.f32 v22, v20  }
0x23f: {  	v41 =	vld [tilespmem:s30+$0x10];
	v21 =	vadd.f32 v23, v21;
	v22 =	vadd.f32 v36, v22  }
0x240: {  	v23 =	vadd.f32 v37, v23;
	(v2sf) =	vpush v7, $0xB  }
0x241: {  	v42 =	vld [tilespmem:s31+$0x0];
	v20 =	vadd.f32 v22, v20;
	v22 =	vadd.f32 v38, v22  }
0x242: {  	v43 =	vld [tilespmem:s31+$0x10];
	v21 =	vadd.f32 v23, v21;
	v23 =	vadd.f32 v39, v23  }
0x243: {  	v20 =	vadd.f32 v22, v20;
	v22 =	vadd.f32 v40, v22  }
0x244: {  	v44 =	vbroadcast v19, $0xA;
	v21 =	vadd.f32 v23, v21;
	v23 =	vadd.f32 v41, v23  }
0x245: {  	v45 =	vbroadcast v17, $0xA;
	(v2sf) =	vpush v5, $0xB;
	v20 =	vadd.f32 v22, v20  }
0x246: {  	v26 =	vand.u32 $0x1, v44;
	v21 =	vadd.f32 v23, v21;
	v22 =	vadd.f32 v42, v22  }
0x247: {  	v24 =	vmul.f32 $5.000000000e-01, v42;
	v23 =	vadd.f32 v43, v23;
	v20 =	vmul.f32 v20, v45  }
0x248: {  	vm10 =	veq.s32 v26, $0x1;
	v25 =	vmul.f32 $5.000000000e-01, v43;
	v21 =	vmul.f32 v21, v45;
	[tilespmem:s19+$0x14140] =	vst v22  }
0x249: {  	s21 =	spop (v2sf);
	[tilespmem:s19+$0x14150] =	vst v23;
	v20 =	vsel vm10, v24, v20  }
0x24a: {  	v21 =	vsel vm10, v25, v21;
	s22 =	spop (v2sf);
	(v2sf) =	vpush v8, $0xB;
	[tilespmem:s19+$0xC140] =	vst v20  }
0x24b: {  	[tilespmem:s19+$0xC150] =	vst v21  }
0x24c: {  	(v2sf) =	vpush v9, $0xB;
	v20 =	vld [tilespmem:s21+$0x0]  }
0x24d: {  	v21 =	vld [tilespmem:s21+$0x10]  }
0x24e: {  	v22 =	vld [tilespmem:s22+$0x0];
	(v2sf) =	vpush v10, $0xB  }
0x24f: {  	v23 =	vld [tilespmem:s22+$0x10];
	s23 =	spop (v2sf)  }
0x250: {  	(v2sf) =	vpush v11, $0xB;
	v46 =	vld [tilespmem:s23+$0x0]  }
0x251: {  	v47 =	vld [tilespmem:s23+$0x10];
	s24 =	spop (v2sf)  }
0x252: {  	v48 =	vld [tilespmem:s24+$0x0]  }
0x253: {  	(v2sf) =	vpush v12, $0xB;
	v22 =	vadd.f32 v22, v20  }
0x254: {  	v49 =	vld [tilespmem:s24+$0x10];
	s25 =	spop (v2sf);
	(v2sf) =	vpush v13, $0xB;
	v23 =	vadd.f32 v23, v21  }
0x255: {  	v50 =	vld [tilespmem:s25+$0x0];
	v20 =	vadd.f32 v22, v20;
	v22 =	vadd.f32 v46, v22  }
0x256: {  	v51 =	vld [tilespmem:s25+$0x10];
	s26 =	spop (v2sf);
	v21 =	vadd.f32 v23, v21;
	v23 =	vadd.f32 v47, v23  }
0x257: {  	v52 =	vld [tilespmem:s26+$0x0];
	v20 =	vadd.f32 v22, v20;
	v22 =	vadd.f32 v48, v22  }
0x258: {  	(v2sf) =	vpush v14, $0xB;
	v21 =	vadd.f32 v23, v21  }
0x259: {  	v53 =	vld [tilespmem:s26+$0x10];
	v23 =	vadd.f32 v49, v23;
	v20 =	vadd.f32 v22, v20;
	s28 =	spop (v2sf)  }
0x25a: {  	v22 =	vadd.f32 v50, v22;
	(v2sf) =	vpush v15, $0xB;
	v54 =	vld [tilespmem:s28+$0x0]  }
0x25b: {  	v21 =	vadd.f32 v23, v21;
	v23 =	vadd.f32 v51, v23;
	v55 =	vld [tilespmem:s28+$0x10];
	s29 =	spop (v2sf)  }
0x25c: {  	v20 =	vadd.f32 v22, v20;
	v22 =	vadd.f32 v52, v22;
	v56 =	vld [tilespmem:s29+$0x0]  }
0x25d: {  	v21 =	vadd.f32 v23, v21;
	v57 =	vld [tilespmem:s29+$0x10];
	s30 =	spop (v2sf);
	(v2sf) =	vpush v16, $0xB  }
0x25e: {  	v23 =	vadd.f32 v53, v23;
	v20 =	vadd.f32 v22, v20;
	v58 =	vld [tilespmem:s30+$0x0]  }
0x25f: {  	v59 =	vld [tilespmem:s30+$0x10];
	s31 =	spop (v2sf);
	(v2sf) =	vpush v18, $0xB;
	v22 =	vadd.f32 v54, v22  }
0x260: {  	v21 =	vadd.f32 v23, v21;
	v60 =	vld [tilespmem:s31+$0x0];
	v23 =	vadd.f32 v55, v23  }
0x261: {  	v61 =	vld [tilespmem:s31+$0x10];
	v20 =	vadd.f32 v22, v20;
	v22 =	vadd.f32 v56, v22  }
0x262: {  	s21 =	spop (v2sf);
	v21 =	vadd.f32 v23, v21;
	v23 =	vadd.f32 v57, v23  }
0x263: {  	v62 =	vld [tilespmem:s21+$0x0];
	v20 =	vadd.f32 v22, v20;
	v22 =	vadd.f32 v58, v22  }
0x264: {  	v63 =	vld [tilespmem:s21+$0x10];
	s22 =	spop (v2sf);
	v21 =	vadd.f32 v23, v21;
	v23 =	vadd.f32 v59, v23  }
0x265: {  	v31 =	vld [tilespmem:s22+$0x0];
	v20 =	vadd.f32 v22, v20;
	v22 =	vadd.f32 v60, v22  }
0x266: {  	v32 =	vld [tilespmem:s22+$0x10];
	v21 =	vadd.f32 v23, v21;
	v23 =	vadd.f32 v61, v23  }
0x267: {  	(v2sf) =	vpush v3, $0xC;
	s23 =	spop (v2sf);
	v20 =	vadd.f32 v22, v20  }
0x268: {  	v33 =	vld [tilespmem:s23+$0x0];
	v22 =	vadd.f32 v62, v22;
	v21 =	vadd.f32 v23, v21  }
0x269: {  	v34 =	vld [tilespmem:s23+$0x10];
	v23 =	vadd.f32 v63, v23;
	s24 =	spop (v2sf);
	(v2sf) =	vpush v2, $0xC  }
0x26a: {  	v20 =	vadd.f32 v22, v20;
	v22 =	vadd.f32 v31, v22  }
0x26b: {  	v21 =	vadd.f32 v23, v21;
	v23 =	vadd.f32 v32, v23;
	v35 =	vld [tilespmem:s24+$0x0]  }
0x26c: {  	v36 =	vld [tilespmem:s24+$0x10];
	s25 =	spop (v2sf);
	v20 =	vadd.f32 v22, v20  }
0x26d: {  	v21 =	vadd.f32 v23, v21;
	v22 =	vadd.f32 v33, v22;
	v37 =	vld [tilespmem:s25+$0x0]  }
0x26e: {  	v23 =	vadd.f32 v34, v23;
	v38 =	vld [tilespmem:s25+$0x10];
	s26 =	spop (v2sf);
	(v2sf) =	vpush v4, $0xC  }
0x26f: {  	(v2sf) =	vpush v6, $0xC;
	v20 =	vadd.f32 v22, v20  }
0x270: {  	v39 =	vld [tilespmem:s26+$0x0];
	v21 =	vadd.f32 v23, v21;
	v22 =	vadd.f32 v35, v22  }
0x271: {  	v40 =	vld [tilespmem:s26+$0x10];
	(v2sf) =	vpush v7, $0xC;
	v23 =	vadd.f32 v36, v23  }
0x272: {  	v20 =	vadd.f32 v22, v20;
	v22 =	vadd.f32 v37, v22  }
0x273: {  	v41 =	vbroadcast v19, $0xB;
	v21 =	vadd.f32 v23, v21;
	v23 =	vadd.f32 v38, v23  }
0x274: {  	v42 =	vbroadcast v17, $0xB;
	(v2sf) =	vpush v5, $0xC;
	v20 =	vadd.f32 v22, v20  }
0x275: {  	v26 =	vand.u32 $0x1, v41;
	v21 =	vadd.f32 v23, v21;
	v22 =	vadd.f32 v39, v22  }
0x276: {  	v24 =	vmul.f32 $5.000000000e-01, v39;
	v23 =	vadd.f32 v40, v23;
	v20 =	vmul.f32 v20, v42  }
0x277: {  	vm11 =	veq.s32 v26, $0x1;
	v25 =	vmul.f32 $5.000000000e-01, v40;
	v21 =	vmul.f32 v21, v42;
	[tilespmem:s19+$0x14160] =	vst v22  }
0x278: {  	s28 =	spop (v2sf);
	[tilespmem:s19+$0x14170] =	vst v23;
	v20 =	vsel vm11, v24, v20  }
0x279: {  	v21 =	vsel vm11, v25, v21;
	[tilespmem:s19+$0xC160] =	vst v20;
	s29 =	spop (v2sf);
	(v2sf) =	vpush v8, $0xC  }
0x27a: {  	[tilespmem:s19+$0xC170] =	vst v21  }
0x27b: {  	v20 =	vld [tilespmem:s28+$0x0];
	(v2sf) =	vpush v9, $0xC  }
0x27c: {  	v21 =	vld [tilespmem:s28+$0x10]  }
0x27d: {  	v22 =	vld [tilespmem:s29+$0x0];
	(v2sf) =	vpush v10, $0xC  }
0x27e: {  	v23 =	vld [tilespmem:s29+$0x10];
	s30 =	spop (v2sf)  }
0x27f: {  	(v2sf) =	vpush v11, $0xC;
	v43 =	vld [tilespmem:s30+$0x0]  }
0x280: {  	v44 =	vld [tilespmem:s30+$0x10];
	s31 =	spop (v2sf)  }
0x281: {  	v45 =	vld [tilespmem:s31+$0x0]  }
0x282: {  	(v2sf) =	vpush v12, $0xC;
	v22 =	vadd.f32 v22, v20  }
0x283: {  	v46 =	vld [tilespmem:s31+$0x10];
	s21 =	spop (v2sf);
	(v2sf) =	vpush v13, $0xC;
	v23 =	vadd.f32 v23, v21  }
0x284: {  	v47 =	vld [tilespmem:s21+$0x0];
	v20 =	vadd.f32 v22, v20;
	v22 =	vadd.f32 v43, v22  }
0x285: {  	v48 =	vld [tilespmem:s21+$0x10];
	s22 =	spop (v2sf);
	v21 =	vadd.f32 v23, v21;
	v23 =	vadd.f32 v44, v23  }
0x286: {  	v49 =	vld [tilespmem:s22+$0x0];
	v20 =	vadd.f32 v22, v20;
	v22 =	vadd.f32 v45, v22  }
0x287: {  	(v2sf) =	vpush v14, $0xC;
	v21 =	vadd.f32 v23, v21  }
0x288: {  	v50 =	vld [tilespmem:s22+$0x10];
	v23 =	vadd.f32 v46, v23;
	v20 =	vadd.f32 v22, v20;
	s23 =	spop (v2sf)  }
0x289: {  	v22 =	vadd.f32 v47, v22;
	(v2sf) =	vpush v15, $0xC;
	v51 =	vld [tilespmem:s23+$0x0]  }
0x28a: {  	v21 =	vadd.f32 v23, v21;
	v23 =	vadd.f32 v48, v23;
	v52 =	vld [tilespmem:s23+$0x10];
	s24 =	spop (v2sf)  }
0x28b: {  	v20 =	vadd.f32 v22, v20;
	v22 =	vadd.f32 v49, v22;
	v53 =	vld [tilespmem:s24+$0x0]  }
0x28c: {  	v21 =	vadd.f32 v23, v21;
	v54 =	vld [tilespmem:s24+$0x10];
	s25 =	spop (v2sf);
	(v2sf) =	vpush v16, $0xC  }
0x28d: {  	v23 =	vadd.f32 v50, v23;
	v20 =	vadd.f32 v22, v20;
	v55 =	vld [tilespmem:s25+$0x0]  }
0x28e: {  	v56 =	vld [tilespmem:s25+$0x10];
	s26 =	spop (v2sf);
	(v2sf) =	vpush v18, $0xC;
	v22 =	vadd.f32 v51, v22  }
0x28f: {  	v21 =	vadd.f32 v23, v21;
	v57 =	vld [tilespmem:s26+$0x0];
	v23 =	vadd.f32 v52, v23  }
0x290: {  	v58 =	vld [tilespmem:s26+$0x10];
	v20 =	vadd.f32 v22, v20;
	v22 =	vadd.f32 v53, v22  }
0x291: {  	s28 =	spop (v2sf);
	v21 =	vadd.f32 v23, v21;
	v23 =	vadd.f32 v54, v23  }
0x292: {  	v59 =	vld [tilespmem:s28+$0x0];
	v20 =	vadd.f32 v22, v20;
	v22 =	vadd.f32 v55, v22  }
0x293: {  	v60 =	vld [tilespmem:s28+$0x10];
	s29 =	spop (v2sf);
	v21 =	vadd.f32 v23, v21;
	v23 =	vadd.f32 v56, v23  }
0x294: {  	v61 =	vld [tilespmem:s29+$0x0];
	v20 =	vadd.f32 v22, v20;
	v22 =	vadd.f32 v57, v22  }
0x295: {  	v62 =	vld [tilespmem:s29+$0x10];
	v21 =	vadd.f32 v23, v21;
	v23 =	vadd.f32 v58, v23  }
0x296: {  	s30 =	spop (v2sf);
	v20 =	vadd.f32 v22, v20  }
0x297: {  	v63 =	vld [tilespmem:s30+$0x0];
	v22 =	vadd.f32 v59, v22;
	v21 =	vadd.f32 v23, v21  }
0x298: {  	v30 =	vld [tilespmem:s30+$0x10];
	v23 =	vadd.f32 v60, v23;
	s31 =	spop (v2sf);
	(v2sf) =	vpush v3, $0xD  }
0x299: {  	v20 =	vadd.f32 v22, v20;
	v22 =	vadd.f32 v61, v22  }
0x29a: {  	v21 =	vadd.f32 v23, v21;
	v23 =	vadd.f32 v62, v23;
	v31 =	vld [tilespmem:s31+$0x0]  }
0x29b: {  	v32 =	vld [tilespmem:s31+$0x10];
	(v2sf) =	vpush v2, $0xD;
	s21 =	spop (v2sf);
	v20 =	vadd.f32 v22, v20  }
0x29c: {  	v21 =	vadd.f32 v23, v21;
	v22 =	vadd.f32 v63, v22;
	v33 =	vld [tilespmem:s21+$0x0]  }
0x29d: {  	v23 =	vadd.f32 v30, v23;
	v34 =	vld [tilespmem:s21+$0x10];
	s22 =	spop (v2sf);
	(v2sf) =	vpush v4, $0xD  }
0x29e: {  	(v2sf) =	vpush v6, $0xD;
	v20 =	vadd.f32 v22, v20  }
0x29f: {  	v35 =	vld [tilespmem:s22+$0x0];
	v21 =	vadd.f32 v23, v21;
	v22 =	vadd.f32 v31, v22  }
0x2a0: {  	v36 =	vld [tilespmem:s22+$0x10];
	(v2sf) =	vpush v7, $0xD;
	v23 =	vadd.f32 v32, v23  }
0x2a1: {  	v20 =	vadd.f32 v22, v20;
	v22 =	vadd.f32 v33, v22  }
0x2a2: {  	v37 =	vbroadcast v19, $0xC;
	v21 =	vadd.f32 v23, v21;
	v23 =	vadd.f32 v34, v23  }
0x2a3: {  	v38 =	vbroadcast v17, $0xC;
	(v2sf) =	vpush v5, $0xD;
	v20 =	vadd.f32 v22, v20  }
0x2a4: {  	v26 =	vand.u32 $0x1, v37;
	v21 =	vadd.f32 v23, v21;
	v22 =	vadd.f32 v35, v22  }
0x2a5: {  	v24 =	vmul.f32 $5.000000000e-01, v35;
	v23 =	vadd.f32 v36, v23;
	v20 =	vmul.f32 v20, v38  }
0x2a6: {  	vm12 =	veq.s32 v26, $0x1;
	v25 =	vmul.f32 $5.000000000e-01, v36;
	v21 =	vmul.f32 v21, v38;
	[tilespmem:s19+$0x14180] =	vst v22  }
0x2a7: {  	[tilespmem:s19+$0x14190] =	vst v23;
	v20 =	vsel vm12, v24, v20  }
0x2a8: {  	v21 =	vsel vm12, v25, v21;
	[tilespmem:s19+$0xC180] =	vst v20;
	s23 =	spop (v2sf);
	(v2sf) =	vpush v8, $0xD  }
0x2a9: {  	[tilespmem:s19+$0xC190] =	vst v21  }
0x2aa: {  	v20 =	vld [tilespmem:s23+$0x0];
	s24 =	spop (v2sf);
	(v2sf) =	vpush v9, $0xD  }
0x2ab: {  	v21 =	vld [tilespmem:s23+$0x10]  }
0x2ac: {  	v22 =	vld [tilespmem:s24+$0x0];
	(v2sf) =	vpush v10, $0xD  }
0x2ad: {  	v23 =	vld [tilespmem:s24+$0x10];
	s25 =	spop (v2sf)  }
0x2ae: {  	(v2sf) =	vpush v11, $0xD;
	v39 =	vld [tilespmem:s25+$0x0]  }
0x2af: {  	v40 =	vld [tilespmem:s25+$0x10];
	s26 =	spop (v2sf);
	(v2sf) =	vpush v12, $0xD  }
0x2b0: {  	v41 =	vld [tilespmem:s26+$0x0]  }
0x2b1: {  	v22 =	vadd.f32 v22, v20  }
0x2b2: {  	v42 =	vld [tilespmem:s26+$0x10];
	s28 =	spop (v2sf);
	(v2sf) =	vpush v13, $0xD;
	v23 =	vadd.f32 v23, v21  }
0x2b3: {  	v43 =	vld [tilespmem:s28+$0x0];
	v20 =	vadd.f32 v22, v20;
	v22 =	vadd.f32 v39, v22  }
0x2b4: {  	v44 =	vld [tilespmem:s28+$0x10];
	s29 =	spop (v2sf);
	v21 =	vadd.f32 v23, v21;
	v23 =	vadd.f32 v40, v23  }
0x2b5: {  	v45 =	vld [tilespmem:s29+$0x0];
	v20 =	vadd.f32 v22, v20;
	v22 =	vadd.f32 v41, v22  }
0x2b6: {  	(v2sf) =	vpush v14, $0xD;
	v46 =	vld [tilespmem:s29+$0x10];
	v21 =	vadd.f32 v23, v21  }
0x2b7: {  	v23 =	vadd.f32 v42, v23;
	v20 =	vadd.f32 v22, v20;
	s30 =	spop (v2sf)  }
0x2b8: {  	v22 =	vadd.f32 v43, v22;
	(v2sf) =	vpush v15, $0xD;
	v47 =	vld [tilespmem:s30+$0x0]  }
0x2b9: {  	v21 =	vadd.f32 v23, v21;
	v23 =	vadd.f32 v44, v23;
	v48 =	vld [tilespmem:s30+$0x10];
	s31 =	spop (v2sf)  }
0x2ba: {  	v20 =	vadd.f32 v22, v20;
	v22 =	vadd.f32 v45, v22;
	v49 =	vld [tilespmem:s31+$0x0]  }
0x2bb: {  	v21 =	vadd.f32 v23, v21;
	v23 =	vadd.f32 v46, v23;
	v50 =	vld [tilespmem:s31+$0x10];
	s21 =	spop (v2sf)  }
0x2bc: {  	(v2sf) =	vpush v16, $0xD;
	v20 =	vadd.f32 v22, v20;
	v51 =	vld [tilespmem:s21+$0x0]  }
0x2bd: {  	v21 =	vadd.f32 v23, v21;
	v52 =	vld [tilespmem:s21+$0x10];
	s22 =	spop (v2sf);
	v22 =	vadd.f32 v47, v22  }
0x2be: {  	v53 =	vld [tilespmem:s22+$0x0];
	s23 =	spop (v2sf);
	(v2sf) =	vpush v18, $0xD;
	v23 =	vadd.f32 v48, v23  }
0x2bf: {  	v54 =	vld [tilespmem:s22+$0x10];
	v20 =	vadd.f32 v22, v20;
	v22 =	vadd.f32 v49, v22  }
0x2c0: {  	v21 =	vadd.f32 v23, v21;
	v23 =	vadd.f32 v50, v23  }
0x2c1: {  	v55 =	vld [tilespmem:s23+$0x0];
	v20 =	vadd.f32 v22, v20;
	v22 =	vadd.f32 v51, v22  }
0x2c2: {  	v56 =	vld [tilespmem:s23+$0x10];
	s24 =	spop (v2sf);
	v21 =	vadd.f32 v23, v21;
	v23 =	vadd.f32 v52, v23  }
0x2c3: {  	v57 =	vld [tilespmem:s24+$0x0];
	v20 =	vadd.f32 v22, v20;
	v22 =	vadd.f32 v53, v22  }
0x2c4: {  	v58 =	vld [tilespmem:s24+$0x10];
	v21 =	vadd.f32 v23, v21;
	v23 =	vadd.f32 v54, v23  }
0x2c5: {  	(v2sf) =	vpush v3, $0xE;
	s25 =	spop (v2sf);
	v20 =	vadd.f32 v22, v20  }
0x2c6: {  	v59 =	vld [tilespmem:s25+$0x0];
	v22 =	vadd.f32 v55, v22;
	v21 =	vadd.f32 v23, v21  }
0x2c7: {  	v60 =	vld [tilespmem:s25+$0x10];
	v23 =	vadd.f32 v56, v23;
	s26 =	spop (v2sf);
	(v2sf) =	vpush v2, $0xE  }
0x2c8: {  	v20 =	vadd.f32 v22, v20;
	v22 =	vadd.f32 v57, v22  }
0x2c9: {  	v21 =	vadd.f32 v23, v21;
	v23 =	vadd.f32 v58, v23  }
0x2ca: {  	v61 =	vld [tilespmem:s26+$0x0];
	(v2sf) =	vpush v4, $0xE  }
0x2cb: {  	v62 =	vld [tilespmem:s26+$0x10];
	s28 =	spop (v2sf);
	v20 =	vadd.f32 v22, v20;
	v21 =	vadd.f32 v23, v21  }
0x2cc: {  	v22 =	vadd.f32 v59, v22;
	v23 =	vadd.f32 v60, v23;
	v63 =	vld [tilespmem:s28+$0x0]  }
0x2cd: {  	v30 =	vld [tilespmem:s28+$0x10];
	s29 =	spop (v2sf);
	(v2sf) =	vpush v6, $0xE  }
0x2ce: {  	v20 =	vadd.f32 v22, v20;
	v21 =	vadd.f32 v23, v21  }
0x2cf: {  	v31 =	vld [tilespmem:s29+$0x0];
	(v2sf) =	vpush v7, $0xE;
	v22 =	vadd.f32 v61, v22  }
0x2d0: {  	v32 =	vld [tilespmem:s29+$0x10];
	v23 =	vadd.f32 v62, v23;
	(v2sf) =	vpush v5, $0xE  }
0x2d1: {  	v33 =	vbroadcast v19, $0xD;
	v20 =	vadd.f32 v22, v20;
	v22 =	vadd.f32 v63, v22  }
0x2d2: {  	v34 =	vbroadcast v17, $0xD;
	v21 =	vadd.f32 v23, v21;
	v23 =	vadd.f32 v30, v23  }
0x2d3: {  	v24 =	vand.u32 $0x1, v33;
	(v2sf) =	vpush v8, $0xE;
	v20 =	vadd.f32 v22, v20  }
0x2d4: {  	vm13 =	veq.s32 v24, $0x1;
	v21 =	vadd.f32 v23, v21;
	v22 =	vadd.f32 v31, v22  }
0x2d5: {  	v23 =	vadd.f32 v32, v23;
	v25 =	vmul.f32 $5.000000000e-01, v31;
	v20 =	vmul.f32 v20, v34  }
0x2d6: {  	s30 =	spop (v2sf);
	(v2sf) =	vpush v9, $0xE;
	v35 =	vmul.f32 $5.000000000e-01, v32;
	v21 =	vmul.f32 v21, v34;
	[tilespmem:s19+$0x141A0] =	vst v22  }
0x2d7: {  	[tilespmem:s19+$0x141B0] =	vst v23;
	v20 =	vsel vm13, v25, v20  }
0x2d8: {  	v21 =	vsel vm13, v35, v21;
	[tilespmem:s19+$0xC1A0] =	vst v20  }
0x2d9: {  	[tilespmem:s19+$0xC1B0] =	vst v21  }
0x2da: {  	v20 =	vld [tilespmem:s30+$0x0]  }
0x2db: {  	s31 =	spop (v2sf);
	v21 =	vld [tilespmem:s30+$0x10]  }
0x2dc: {  	(v2sf) =	vpush v10, $0xE;
	v22 =	vld [tilespmem:s31+$0x0]  }
0x2dd: {  	(v2sf) =	vpush v11, $0xE;
	v23 =	vld [tilespmem:s31+$0x10]  }
0x2de: {  	s21 =	spop (v2sf)  }
0x2df: {  	v36 =	vld [tilespmem:s21+$0x0]  }
0x2e0: {  	v37 =	vld [tilespmem:s21+$0x10];
	s22 =	spop (v2sf);
	(v2sf) =	vpush v12, $0xE  }
0x2e1: {  	v38 =	vld [tilespmem:s22+$0x0];
	s23 =	spop (v2sf);
	(v2sf) =	vpush v13, $0xE;
	v22 =	vadd.f32 v22, v20  }
0x2e2: {  	v39 =	vld [tilespmem:s22+$0x10];
	v23 =	vadd.f32 v23, v21;
	s24 =	spop (v2sf);
	(v2sf) =	vpush v14, $0xE  }
0x2e3: {  	v40 =	vld [tilespmem:s23+$0x0];
	s25 =	spop (v2sf);
	(v2sf) =	vpush v15, $0xE;
	v20 =	vadd.f32 v22, v20  }
0x2e4: {  	v41 =	vld [tilespmem:s23+$0x10];
	v22 =	vadd.f32 v36, v22;
	v21 =	vadd.f32 v23, v21  }
0x2e5: {  	v23 =	vadd.f32 v37, v23;
	s26 =	spop (v2sf);
	(v2sf) =	vpush v16, $0xE  }
0x2e6: {  	v42 =	vld [tilespmem:s24+$0x0];
	v20 =	vadd.f32 v22, v20;
	v22 =	vadd.f32 v38, v22  }
0x2e7: {  	v43 =	vld [tilespmem:s24+$0x10];
	v21 =	vadd.f32 v23, v21;
	v23 =	vadd.f32 v39, v23  }
0x2e8: {  	v44 =	vld [tilespmem:s25+$0x0];
	v20 =	vadd.f32 v22, v20;
	v22 =	vadd.f32 v40, v22  }
0x2e9: {  	v45 =	vld [tilespmem:s25+$0x10];
	v21 =	vadd.f32 v23, v21;
	v23 =	vadd.f32 v41, v23  }
0x2ea: {  	v46 =	vld [tilespmem:s26+$0x0];
	v20 =	vadd.f32 v22, v20  }
0x2eb: {  	v47 =	vld [tilespmem:s26+$0x10];
	s28 =	spop (v2sf);
	v22 =	vadd.f32 v42, v22;
	v21 =	vadd.f32 v23, v21  }
0x2ec: {  	v48 =	vld [tilespmem:s28+$0x0];
	v23 =	vadd.f32 v43, v23;
	s29 =	spop (v2sf);
	(v2sf) =	vpush v18, $0xE  }
0x2ed: {  	v49 =	vld [tilespmem:s28+$0x10];
	v20 =	vadd.f32 v22, v20;
	v22 =	vadd.f32 v44, v22  }
0x2ee: {  	v21 =	vadd.f32 v23, v21;
	v23 =	vadd.f32 v45, v23;
	v50 =	vld [tilespmem:s29+$0x0]  }
0x2ef: {  	v51 =	vld [tilespmem:s29+$0x10];
	v20 =	vadd.f32 v22, v20;
	v22 =	vadd.f32 v46, v22  }
0x2f0: {  	v21 =	vadd.f32 v23, v21;
	v23 =	vadd.f32 v47, v23  }
0x2f1: {  	s30 =	spop (v2sf);
	v20 =	vadd.f32 v22, v20;
	v22 =	vadd.f32 v48, v22  }
0x2f2: {  	v52 =	vld [tilespmem:s30+$0x0];
	s31 =	spop (v2sf);
	v21 =	vadd.f32 v23, v21;
	v23 =	vadd.f32 v49, v23  }
0x2f3: {  	v53 =	vld [tilespmem:s30+$0x10];
	s21 =	spop (v2sf);
	v20 =	vadd.f32 v22, v20;
	v22 =	vadd.f32 v50, v22  }
0x2f4: {  	v54 =	vld [tilespmem:s31+$0x0];
	v21 =	vadd.f32 v23, v21;
	v23 =	vadd.f32 v51, v23;
	s22 =	spop (v2sf)  }
0x2f5: {  	v55 =	vld [tilespmem:s31+$0x10];
	s23 =	spop (v2sf);
	(v2sf) =	vpush v3, $0xF  }
0x2f6: {  	v20 =	vadd.f32 v22, v20;
	v21 =	vadd.f32 v23, v21  }
0x2f7: {  	v56 =	vld [tilespmem:s21+$0x0];
	(v2sf) =	vpush v2, $0xF;
	v22 =	vadd.f32 v52, v22  }
0x2f8: {  	v57 =	vld [tilespmem:s21+$0x10];
	v23 =	vadd.f32 v53, v23;
	(v2sf) =	vpush v4, $0xF  }
0x2f9: {  	v58 =	vld [tilespmem:s22+$0x0];
	v20 =	vadd.f32 v22, v20;
	v22 =	vadd.f32 v54, v22  }
0x2fa: {  	v59 =	vld [tilespmem:s22+$0x10];
	v21 =	vadd.f32 v23, v21;
	v23 =	vadd.f32 v55, v23  }
0x2fb: {  	v3 =	vld [tilespmem:s23+$0x0];
	(v2sf) =	vpush v6, $0xF;
	v20 =	vadd.f32 v22, v20  }
0x2fc: {  	v60 =	vld [tilespmem:s23+$0x10];
	v22 =	vadd.f32 v56, v22;
	v21 =	vadd.f32 v23, v21  }
0x2fd: {  	v23 =	vadd.f32 v57, v23;
	s24 =	spop (v2sf);
	(v2sf) =	vpush v7, $0xF  }
0x2fe: {  	v20 =	vadd.f32 v22, v20;
	v22 =	vadd.f32 v58, v22;
	v62 =	vld [tilespmem:s24+$0x0]  }
0x2ff: {  	v2 =	vadd.f32 v23, v21;
	v61 =	vadd.f32 v59, v23;
	v63 =	vld [tilespmem:s24+$0x10]  }
0x300: {  	v20 =	vadd.f32 v22, v20;
	v3 =	vadd.f32 v3, v22  }
0x301: {  	v27 =	vbroadcast v19, $0xE;
	v2 =	vadd.f32 v61, v2;
	v24 =	vadd.f32 v60, v61  }
0x302: {  	v28 =	vbroadcast v17, $0xE;
	(v2sf) =	vpush v5, $0xF;
	v26 =	vadd.f32 v3, v20  }
0x303: {  	v29 =	vand.u32 $0x1, v27;
	v2 =	vadd.f32 v24, v2;
	v3 =	vadd.f32 v62, v3  }
0x304: {  	v4 =	vadd.f32 v63, v24;
	v30 =	vmul.f32 $5.000000000e-01, v62;
	v6 =	vmul.f32 v26, v28  }
0x305: {  	vm14 =	veq.s32 v29, $0x1;
	v31 =	vmul.f32 $5.000000000e-01, v63;
	v2 =	vmul.f32 v2, v28;
	[tilespmem:s19+$0x141C0] =	vst v3  }
0x306: {  	(v2sf) =	vpush v8, $0xF;
	[tilespmem:s19+$0x141D0] =	vst v4;
	v3 =	vsel vm14, v30, v6  }
0x307: {  	v2 =	vsel vm14, v31, v2;
	[tilespmem:s19+$0xC1C0] =	vst v3  }
0x308: {  	s25 =	spop (v2sf);
	(v2sf) =	vpush v9, $0xF;
	[tilespmem:s19+$0xC1D0] =	vst v2  }
0x309: {  	v2 =	vld [tilespmem:s25+$0x0]  }
0x30a: {  	s26 =	spop (v2sf);
	(v2sf) =	vpush v10, $0xF;
	v3 =	vld [tilespmem:s25+$0x10]  }
0x30b: {  	v4 =	vld [tilespmem:s26+$0x0]  }
0x30c: {  	s28 =	spop (v2sf);
	(v2sf) =	vpush v11, $0xF;
	v32 =	vld [tilespmem:s26+$0x10]  }
0x30d: {  	v33 =	vld [tilespmem:s28+$0x0]  }
0x30e: {  	v34 =	vld [tilespmem:s28+$0x10];
	s29 =	spop (v2sf);
	(v2sf) =	vpush v12, $0xF  }
0x30f: {  	v35 =	vld [tilespmem:s29+$0x0];
	(v2sf) =	vpush v13, $0xF  }
0x310: {  	v36 =	vld [tilespmem:s29+$0x10];
	s30 =	spop (v2sf);
	(v2sf) =	vpush v14, $0xF;
	v4 =	vadd.f32 v4, v2  }
0x311: {  	v5 =	vadd.f32 v32, v3;
	s31 =	spop (v2sf);
	(v2sf) =	vpush v15, $0xF  }
0x312: {  	v37 =	vld [tilespmem:s30+$0x0];
	v2 =	vadd.f32 v4, v2;
	v4 =	vadd.f32 v33, v4  }
0x313: {  	v38 =	vld [tilespmem:s30+$0x10];
	v3 =	vadd.f32 v5, v3;
	v5 =	vadd.f32 v34, v5  }
0x314: {  	v39 =	vld [tilespmem:s31+$0x0];
	v2 =	vadd.f32 v4, v2;
	v4 =	vadd.f32 v35, v4  }
0x315: {  	v40 =	vld [tilespmem:s31+$0x10];
	s21 =	spop (v2sf);
	v3 =	vadd.f32 v5, v3;
	v5 =	vadd.f32 v36, v5  }
0x316: {  	(v2sf) =	vpush v16, $0xF;
	v41 =	vld [tilespmem:s21+$0x0];
	v2 =	vadd.f32 v4, v2  }
0x317: {  	v42 =	vld [tilespmem:s21+$0x10];
	v4 =	vadd.f32 v37, v4;
	v3 =	vadd.f32 v5, v3;
	s22 =	spop (v2sf)  }
0x318: {  	v5 =	vadd.f32 v38, v5;
	(v2sf) =	vpush v18, $0xF;
	v43 =	vld [tilespmem:s22+$0x0]  }
0x319: {  	v2 =	vadd.f32 v4, v2;
	v4 =	vadd.f32 v39, v4;
	v44 =	vld [tilespmem:s22+$0x10];
	s23 =	spop (v2sf)  }
0x31a: {  	v3 =	vadd.f32 v5, v3;
	v5 =	vadd.f32 v40, v5;
	v45 =	vld [tilespmem:s23+$0x0]  }
0x31b: {  	v46 =	vld [tilespmem:s23+$0x10];
	s24 =	spop (v2sf);
	v2 =	vadd.f32 v4, v2;
	v4 =	vadd.f32 v41, v4  }
0x31c: {  	v3 =	vadd.f32 v5, v3;
	v5 =	vadd.f32 v42, v5;
	v47 =	vld [tilespmem:s24+$0x0]  }
0x31d: {  	v48 =	vld [tilespmem:s24+$0x10];
	s25 =	spop (v2sf);
	v2 =	vadd.f32 v4, v2;
	v4 =	vadd.f32 v43, v4  }
0x31e: {  	v49 =	vld [tilespmem:s25+$0x0];
	v3 =	vadd.f32 v5, v3;
	v5 =	vadd.f32 v44, v5  }
0x31f: {  	v50 =	vld [tilespmem:s25+$0x10];
	s26 =	spop (v2sf);
	v2 =	vadd.f32 v4, v2;
	v4 =	vadd.f32 v45, v4  }
0x320: {  	v51 =	vld [tilespmem:s26+$0x0];
	v3 =	vadd.f32 v5, v3;
	v5 =	vadd.f32 v46, v5  }
0x321: {  	v52 =	vld [tilespmem:s26+$0x10];
	s28 =	spop (v2sf);
	v2 =	vadd.f32 v4, v2;
	v4 =	vadd.f32 v47, v4  }
0x322: {  	v53 =	vld [tilespmem:s28+$0x0];
	v3 =	vadd.f32 v5, v3;
	v5 =	vadd.f32 v48, v5  }
0x323: {  	v54 =	vld [tilespmem:s28+$0x10];
	s29 =	spop (v2sf);
	v2 =	vadd.f32 v4, v2;
	v4 =	vadd.f32 v49, v4  }
0x324: {  	v55 =	vld [tilespmem:s29+$0x0];
	v3 =	vadd.f32 v5, v3;
	v5 =	vadd.f32 v50, v5  }
0x325: {  	v56 =	vld [tilespmem:s29+$0x10];
	s30 =	spop (v2sf);
	v2 =	vadd.f32 v4, v2;
	v4 =	vadd.f32 v51, v4  }
0x326: {  	v57 =	vld [tilespmem:s30+$0x0];
	v3 =	vadd.f32 v5, v3;
	v5 =	vadd.f32 v52, v5  }
0x327: {  	v58 =	vld [tilespmem:s30+$0x10];
	v2 =	vadd.f32 v4, v2;
	v4 =	vadd.f32 v53, v4  }
0x328: {  	s31 =	spop (v2sf);
	v3 =	vadd.f32 v5, v3;
	v5 =	vadd.f32 v54, v5  }
0x329: {  	v59 =	vld [tilespmem:s31+$0x0];
	v2 =	vadd.f32 v4, v2;
	v4 =	vadd.f32 v55, v4  }
0x32a: {  	v60 =	vld [tilespmem:s31+$0x10];
	v3 =	vadd.f32 v5, v3;
	v5 =	vadd.f32 v56, v5  }
0x32b: {  	v2 =	vadd.f32 v4, v2;
	v4 =	vadd.f32 v57, v4  }
0x32c: {  	v61 =	vbroadcast v19, $0xF;
	v3 =	vadd.f32 v5, v3;
	v5 =	vadd.f32 v58, v5  }
0x32d: {  	v62 =	vbroadcast v17, $0xF;
	v2 =	vadd.f32 v4, v2  }
0x32e: {  	p0 =	sne.s32 s18, $0x1F800;
	v6 =	vand.u32 $0x1, v61;
	v3 =	vadd.f32 v5, v3;
	v4 =	vadd.f32 v59, v4  }
.Ltmp0:
0x32f: {  	v7 =	vmul.f32 $5.000000000e-01, v59;
	v5 =	vadd.f32 v60, v5;
	v2 =	vmul.f32 v2, v62;
	(pc) =	sbr.rel @p0 .LBB2_2-.Ltmp0, $4  }
0x330: {  	vm15 =	veq.s32 v6, $0x1;
	v63 =	vmul.f32 $5.000000000e-01, v60;
	v3 =	vmul.f32 v3, v62;
	[tilespmem:s19+$0x141E0] =	vst v4  }
0x331: {  	[tilespmem:s19+$0x141F0] =	vst v5;
	v2 =	vsel vm15, v7, v2  }
0x332: {  	v3 =	vsel vm15, v63, v3;
	[tilespmem:s19+$0xC1E0] =	vst v2  }
0x333: {  	s17 =	sadd.s32 $0x10, s17;
	s18 =	sadd.s32 $0x800, s18;
	[tilespmem:s19+$0xC1F0] =	vst v3  }
0x334: {  	[hbm4b:s5+s8] =	stream.strided.scatter [tilespmem:s14], [sflag:$0x1], $0x8000, s9, s8, $0x38;
	[tilespmem:$0x1C000] =	vst v63  }
0x335: {  	s16 =	sadd.s32 $0x1, s16;
	_ =	swait.ge [sflag:s10], $0x8000  }
0x336: {  	p0 =	sne.s32 s16, s7;
	[sflag:s10] =	ssyncset.done $0x0  }
.Ltmp1:
0x337: {  	[sflag:s10] =	ssyncadd.s32 $0xFFFF8000;
	(pc) =	sbr.rel @p0 .LBB2_1-.Ltmp1, $4  }
0x338: {  	[hbm4b:s6+s8] =	stream.strided.scatter [tilespmem:s15], [sflag:$0x1], $0x8000, s9, s8, $0x38;
	[tilespmem:$0x1C000] =	vst v63  }
0x339: {  	_ =	swait.ge [sflag:s10], $0x8000  }
0x33a: {  	[sflag:s10] =	ssyncset.done $0x0  }
0x33b: {  	[sflag:s10] =	ssyncadd.s32 $0xFFFF8000  }
0x33c: {  	_ =	sfence.sel $0x180000  }
0x33d: {  	[bflag:$0x0] =	sbarrier.arrive $0xFFFF  }
0x33e: {  	p0 =	sne.s32 s1, $0x0;
	_ =	strace $0x90000047  }
0x33f: {  	s0 =	sadd.s32 @!p0 $0x100000, s0;
	[bflag:$0x2] =	sbarrier.arrive $0xFFFF  }
0x340: {  	[sflag:s0] =	ssyncadd.tile.s32 @!p0 $0x1;
	_ =	shalt  }
.Lfunc_end2:
_tile_overlayer_lowered:
.L_overlay_start_2:
0x341: {  	(tag) =	ssettag $0x2  }
0x342: {  	s0 =	rddreg [dreg:$0x0];
	s2 =	stileid.u32  }
0x343: {  	s1 =	rddreg [dreg:$0x1];
	p0 =	sne.s32 s2, $0x0  }
0x344: {  	s3 =	rddreg [dreg:$0x2];
	[bflag:$0x3] =	sbarrier.arrive $0xFFFF;
	s2 =	simm.s32 @!p0 $0x1C01  }
0x345: {  	[timem:s3], [sflag:s2] =	dma.local @!p0 [hbm:s0], s1  }
0x346: {  	s0 =	simm.s32 @!p0 $0x1  }
0x347: {  	_ =	swait.ge @!p0 [sflag:s0], s1  }
0x348: {  	s1 =	ssub.s32 @!p0 $0x0, s1;
	[sflag:s0] =	ssyncset.done @!p0 $0x0  }
0x349: {  	[sflag:s0] =	ssyncadd.s32 @!p0 s1  }
0x34a: {  	[bflag:$0x3] =	sbarrier.arrive $0xFFFF  }
0x34b: {  	_ =	shalt  }

</sc_bundles>
